<compile_context>
chip_gen: v7x
topology: tpu7x:2x2x1
jax: 0.10.2.dev20260603
libtpu: 0.0.44.dev20260713+nightly
codegen_flags: <defaults>
</compile_context>

<pallas_src>
import functools

import jax
import jax.numpy as jnp
from jax import lax
from jax.experimental import pallas as pl
from jax.experimental.pallas import tpu as pltpu
from jax.experimental.pallas import tpu_sc as plsc

_B, _L = 4096, 200
_EMB = 64
_ND = 10
_PAD = 0
_NC, _NS, _LANES = 2, 16, 16
_NW = _NC * _NS
_RPW = _B // _NW
_IPW = _RPW * _L
_SPLIT = 120
_NBUF = 4


def _sc_pool_sums(emb, flat_tok):
    mesh = plsc.VectorSubcoreMesh(core_axis_name="c", subcore_axis_name="s")

    @functools.partial(
        pl.kernel,
        mesh=mesh,
        out_type=jax.ShapeDtypeStruct((_B, _EMB), jnp.float32),
        compiler_params=pltpu.CompilerParams(use_tc_tiling_on_sc=False),
        scratch_types=[
            pltpu.VMEM((_IPW,), jnp.int32),
            pltpu.VMEM((_NBUF, _L, _EMB), jnp.float32),
            pltpu.VMEM((_RPW, _EMB), jnp.float32),
        ] + [pltpu.SemaphoreType.DMA] * _NBUF,
    )
    def k(emb_hbm, tok_hbm, out_hbm, idx_v, bufs, acc, *sems):
        wid = lax.axis_index("s") * _NC + lax.axis_index("c")
        base = wid * _RPW
        pltpu.sync_copy(tok_hbm.at[pl.ds(base * _L, _IPW)], idx_v)

        zero = jnp.zeros((_LANES,), jnp.float32)

        @pl.loop(0, _RPW)
        def _(i):
            for c in range(_EMB // _LANES):
                acc[i, pl.ds(c * _LANES, _LANES)] = zero

        def fire(row, b):
            off = row * _L
            pltpu.async_copy(
                emb_hbm.at[idx_v.at[pl.ds(off, _SPLIT)]],
                bufs.at[b, pl.ds(0, _SPLIT)], sems[b])
            pltpu.async_copy(
                emb_hbm.at[idx_v.at[pl.ds(off + _SPLIT, _L - _SPLIT)]],
                bufs.at[b, pl.ds(_SPLIT, _L - _SPLIT)], sems[b])

        def drain(b):
            pltpu.make_async_copy(
                out_hbm.at[pl.ds(0, _L)], bufs.at[b], sems[b]).wait()

        for b in range(_NBUF):
            fire(b, b)

        @pl.loop(0, _RPW, step=_NBUF)
        def _(g):
            for b in range(_NBUF):
                row = g + b
                drain(b)

                @pl.loop(0, _L, step=25)
                def _(t):
                    for c in range(_EMB // _LANES):
                        sl = pl.ds(c * _LANES, _LANES)
                        s0 = bufs[b, t, sl]
                        s1 = bufs[b, t + 1, sl]
                        for u in range(2, 25, 2):
                            s0 = s0 + bufs[b, t + u, sl]
                        for u in range(3, 25, 2):
                            s1 = s1 + bufs[b, t + u, sl]
                        acc[row, sl] += s0 + s1

                nxt = row + _NBUF

                @pl.when(nxt < _RPW)
                def _():
                    fire(nxt, b)

        pltpu.sync_copy(acc, out_hbm.at[pl.ds(base, _RPW)])

    return k(emb, flat_tok)


_TCOL = 32768


def _tc_repack(embT):

    def body(in_ref, out_ref):
        x = in_ref[...]
        half = _TCOL // 2
        stacked = jnp.concatenate([x[:, 0:half], x[:, half:_TCOL]], axis=0)
        out_ref[...] = stacked.T

    vocab = embT.shape[1]
    nblk = pl.cdiv(vocab, _TCOL)
    return pl.pallas_call(
        body,
        grid=(nblk,),
        in_specs=[pl.BlockSpec((_EMB, _TCOL), lambda j: (0, j))],
        out_specs=pl.BlockSpec((_TCOL // 2, 2 * _EMB), lambda j: (j, 0)),
        out_shape=jax.ShapeDtypeStruct((nblk * _TCOL // 2, 2 * _EMB),
                                       jnp.float32),
    )(embT)


def _tc_head(tokens, sums, emb0, W1, b1, W2, b2):

    def body(tok_ref, sums_ref, emb0_ref, W1_ref, b1_ref, W2_ref, b2_ref,
             out_ref):
        cnt = jnp.sum((tok_ref[...] != _PAD).astype(jnp.float32), axis=1,
                      keepdims=True)
        npad = jnp.float32(_L) - cnt
        avg = (sums_ref[...] - npad * emb0_ref[...]) / cnt
        h = jnp.maximum(
            jnp.dot(avg, W1_ref[...], preferred_element_type=jnp.float32)
            + b1_ref[...], 0.0)
        out_ref[...] = (
            jnp.dot(h, W2_ref[...], preferred_element_type=jnp.float32)
            + b2_ref[...])

    return pl.pallas_call(
        body,
        out_shape=jax.ShapeDtypeStruct((_B, W2.shape[1]), jnp.float32),
    )(tokens, sums, emb0, W1, b1, W2, b2)


def kernel(tokens, emb, W1, b1, W2, b2):
    half = _TCOL // 2
    remapped = ((tokens & ~(_TCOL - 1)) + ((tokens & (half - 1)) << 1)
                + ((tokens // half) & 1))
    flat_tok = remapped.reshape(-1)
    packed = _tc_repack(emb.T)
    emb_lin = packed.reshape(packed.shape[0] * 2, _EMB)
    sums = _sc_pool_sums(emb_lin, flat_tok)
    out = _tc_head(tokens, sums, emb[0:1], W1, b1.reshape(1, -1), W2,
                   b2.reshape(1, -1))
    return out.reshape(_B, -1, _ND)

# --- scband reference (transcript-rebuilt; emitter-appended) ---
"""Pipeline reference for scband-discrete-personality-classifier-46694884442533 (READ-ONLY COPY).

The authoritative reference and input builder live on the scoring server;
editing this copy changes nothing except your own understanding.
"""

import jax, jax.numpy as jnp
import numpy as np

B, L = 4096, 200
VOCAB, EMB, HDIM = 1000000, 64, 256
N_DISCRETE = 10
PAD = 0

def setup_inputs(seed: int = 0):
    key = jax.random.key(seed)
    ks = jax.random.split(key, 6)
    tokens = jax.random.randint(ks[0], (B, L), 0, VOCAB, dtype=jnp.int32)
    emb = jax.random.normal(ks[1], (VOCAB, EMB), dtype=jnp.float32) * 0.02
    W1 = jax.random.normal(ks[2], (EMB, HDIM), dtype=jnp.float32) * (1.0 / np.sqrt(EMB))
    b1 = jnp.zeros((HDIM,), dtype=jnp.float32)
    W2 = jax.random.normal(ks[3], (HDIM, 5 * N_DISCRETE), dtype=jnp.float32) * (1.0 / np.sqrt(HDIM))
    b2 = jnp.zeros((5 * N_DISCRETE,), dtype=jnp.float32)
    return {"tokens": tokens, "emb": emb, "W1": W1, "b1": b1, "W2": W2, "b2": b2}

def reference(tokens, emb, W1, b1, W2, b2):
    # mask = tokens != pad_token
    mask = (tokens != PAD)
    # avg_emb = (self.emb(tokens) * mask.unsqueeze(2)).sum(dim=1) / mask.sum(dim=1).unsqueeze(1)
    g = jnp.take(emb, tokens, axis=0)  # [B, L, EMB] gather
    mf = mask[..., None].astype(g.dtype)
    avg_emb = (g * mf).sum(axis=1) / mask.sum(axis=1, keepdims=True).astype(g.dtype)
    # logit_mlp: Linear -> ReLU -> Linear
    h = jnp.maximum(avg_emb @ W1 + b1, 0.0)
    logits = (h @ W2 + b2).reshape(tokens.shape[0], -1, N_DISCRETE)
    # Categorical(logits=...) -> return the logits tensor defining the distribution
    return logits

if __name__ == "__main__":
    import jax
    _d = setup_inputs()
    print(jax.jit(kernel)(*tuple(_d.values())))

</pallas_src>

<mosaic_0001>
#map = affine_map<(d0, d1) -> (0, 0)>
#map1 = affine_map<(d0, d1) -> (0)>
module attributes {stable_mosaic.version = 14 : i64} {
  func.func @k(%arg0: i32, %arg1: i32, %arg2: memref<1015808x64xf32, #tpu.memory_space<hbm>>, %arg3: memref<819200xi32, #tpu.memory_space<hbm>>, %arg4: memref<4096x64xf32, #tpu.memory_space<hbm>>, %arg5: memref<25600xi32, #tpu.memory_space<vmem>>, %arg6: memref<4x200x64xf32, #tpu.memory_space<vmem>>, %arg7: memref<128x64xf32, #tpu.memory_space<vmem>>, %arg8: memref<!tpu.dma_semaphore, #tpu.memory_space<semaphore_mem>>, %arg9: memref<!tpu.dma_semaphore, #tpu.memory_space<semaphore_mem>>, %arg10: memref<!tpu.dma_semaphore, #tpu.memory_space<semaphore_mem>>, %arg11: memref<!tpu.dma_semaphore, #tpu.memory_space<semaphore_mem>>) attributes {dimension_semantics = [#tpu.dimension_semantics<core_parallel>, #tpu.dimension_semantics<subcore_parallel>], iteration_bounds = array<i64: 2, 16>, scalar_prefetch = 0 : i64, scratch_operands = 7 : i64, tpu.core_type = #tpu.core_type<sc_vector_subcore>, window_params = [{transform_indices = #map}, {transform_indices = #map1}, {transform_indices = #map}]} {
    %mul3A = arith.constant 2 : i32
    %mul3A_0 = arith.muli %arg1, %mul3A : i32
    %add3A = arith.addi %mul3A_0, %arg0 : i32
    %mul3A_1 = arith.constant 128 : i32
    %mul3A_2 = arith.muli %add3A, %mul3A_1 : i32
    %mul3A_3 = arith.constant 200 : i32
    %mul3A_4 = arith.muli %mul3A_2, %mul3A_3 : i32
    "tpu.region"() ({
      %run_scoped3A = tpu.sem_alloc : memref<!tpu.dma_semaphore, #tpu.memory_space<semaphore_mem>>
      %dma_start3A_94 = tpu.memref_slice %arg3[%mul3A_4] : memref<819200xi32, #tpu.memory_space<hbm>> -> memref<25600xi32, #tpu.memory_space<hbm>>
      %dma_start3A_95 = tpu.memref_slice %arg3[%mul3A_4] : memref<819200xi32, #tpu.memory_space<hbm>> -> memref<25600xi32, #tpu.memory_space<hbm>>
      tpu.enqueue_dma source(%dma_start3A_95 : memref<25600xi32, #tpu.memory_space<hbm>>) target(%arg5 : memref<25600xi32, #tpu.memory_space<vmem>>) target_semaphore(%run_scoped3A : memref<!tpu.dma_semaphore, #tpu.memory_space<semaphore_mem>>)
      %dma_wait3A = tpu.memref_slice %arg3[%mul3A_4] : memref<819200xi32, #tpu.memory_space<hbm>> -> memref<25600xi32, #tpu.memory_space<hbm>>
      %dma_wait3A_96 = tpu.memref_slice %arg3[%mul3A_4] : memref<819200xi32, #tpu.memory_space<hbm>> -> memref<25600xi32, #tpu.memory_space<hbm>>
      tpu.wait_dma2 semaphore(%run_scoped3A : memref<!tpu.dma_semaphore, #tpu.memory_space<semaphore_mem>>) src(%dma_wait3A_96 : memref<25600xi32, #tpu.memory_space<hbm>>) dst(%arg5 : memref<25600xi32, #tpu.memory_space<vmem>>)
      tpu.yield
    }) : () -> ()
    %broadcast_in_dim3A = arith.constant 0.000000e+00 : f32
    %broadcast_in_dim3A_5 = vector.broadcast %broadcast_in_dim3A : f32 to vector<16xf32>
    %scan3A = arith.constant 0 : i32
    %scan3A_6 = arith.constant 128 : i32
    %scan3A_7 = arith.addi %scan3A, %scan3A_6 : i32
    %scan3A_8 = arith.constant 1 : i32
    scf.for %scan3A_94 = %scan3A to %scan3A_7 step %scan3A_8  : i32 {
      %mul3A_95 = arith.constant 1 : i32
      %mul3A_96 = arith.muli %scan3A_94, %mul3A_95 : i32
      %add3A_97 = arith.constant 0 : i32
      %add3A_98 = arith.addi %add3A_97, %mul3A_96 : i32
      %swap3A = arith.index_cast %add3A_98 : i32 to index
      %swap3A_99 = arith.constant 0 : index
      %swap3A_100 = tpu.vector_load %arg7[%swap3A, %swap3A_99] {strides = array<i32>} : memref<128x64xf32, #tpu.memory_space<vmem>>, vector<1x16xf32>,
      %swap3A_101 = vector.shape_cast %swap3A_100 : vector<1x16xf32> to vector<16xf32>
      %swap3A_102 = vector.shape_cast %broadcast_in_dim3A_5 : vector<16xf32> to vector<1x16xf32>
      tpu.vector_store %arg7[%swap3A, %swap3A_99], %swap3A_102 {strides = array<i32>} : memref<128x64xf32, #tpu.memory_space<vmem>>, vector<1x16xf32>,
      %swap3A_103 = arith.index_cast %add3A_98 : i32 to index
      %swap3A_104 = arith.constant 16 : index
      %swap3A_105 = tpu.vector_load %arg7[%swap3A_103, %swap3A_104] {strides = array<i32>} : memref<128x64xf32, #tpu.memory_space<vmem>>, vector<1x16xf32>,
      %swap3A_106 = vector.shape_cast %swap3A_105 : vector<1x16xf32> to vector<16xf32>
      %swap3A_107 = vector.shape_cast %broadcast_in_dim3A_5 : vector<16xf32> to vector<1x16xf32>
      tpu.vector_store %arg7[%swap3A_103, %swap3A_104], %swap3A_107 {strides = array<i32>} : memref<128x64xf32, #tpu.memory_space<vmem>>, vector<1x16xf32>,
      %swap3A_108 = arith.index_cast %add3A_98 : i32 to index
      %swap3A_109 = arith.constant 32 : index
      %swap3A_110 = tpu.vector_load %arg7[%swap3A_108, %swap3A_109] {strides = array<i32>} : memref<128x64xf32, #tpu.memory_space<vmem>>, vector<1x16xf32>,
      %swap3A_111 = vector.shape_cast %swap3A_110 : vector<1x16xf32> to vector<16xf32>
      %swap3A_112 = vector.shape_cast %broadcast_in_dim3A_5 : vector<16xf32> to vector<1x16xf32>
      tpu.vector_store %arg7[%swap3A_108, %swap3A_109], %swap3A_112 {strides = array<i32>} : memref<128x64xf32, #tpu.memory_space<vmem>>, vector<1x16xf32>,
      %swap3A_113 = arith.index_cast %add3A_98 : i32 to index
      %swap3A_114 = arith.constant 48 : index
      %swap3A_115 = tpu.vector_load %arg7[%swap3A_113, %swap3A_114] {strides = array<i32>} : memref<128x64xf32, #tpu.memory_space<vmem>>, vector<1x16xf32>,
      %swap3A_116 = vector.shape_cast %swap3A_115 : vector<1x16xf32> to vector<16xf32>
      %swap3A_117 = vector.shape_cast %broadcast_in_dim3A_5 : vector<16xf32> to vector<1x16xf32>
      tpu.vector_store %arg7[%swap3A_113, %swap3A_114], %swap3A_117 {strides = array<i32>} : memref<128x64xf32, #tpu.memory_space<vmem>>, vector<1x16xf32>,
    }
    %scan3A_9 = arith.constant 128 : i32
    %dma_start3A = arith.constant 0 : i32
    %dma_start3A_10 = arith.constant 0 : i32
    %dma_start3A_11 = arith.constant 0 : i32
    %dma_start3A_12 = tpu.memref_slice %arg6[%dma_start3A, %dma_start3A_10, %dma_start3A_11] : memref<4x200x64xf32, #tpu.memory_space<vmem>> -> memref<1x120x64xf32, #tpu.memory_space<vmem>>
    %dma_start3A_13 = tpu.memref_squeeze %dma_start3A_12 : memref<1x120x64xf32, #tpu.memory_space<vmem>> -> memref<120x64xf32, #tpu.memory_space<vmem>>
    %dma_start3A_14 = arith.constant 0 : i32
    %dma_start3A_15 = tpu.memref_slice %arg5[%dma_start3A_14] : memref<25600xi32, #tpu.memory_space<vmem>> -> memref<120xi32, #tpu.memory_space<vmem>>
    %dma_start3A_16 = arith.constant 0 : i32
    %dma_start3A_17 = arith.constant 0 : i32
    %dma_start3A_18 = tpu.memref_slice %arg2[%dma_start3A_16, %dma_start3A_17] : memref<1015808x64xf32, #tpu.memory_space<hbm>> -> memref<1015808x64xf32, #tpu.memory_space<hbm>>
    tpu.enqueue_indirect_dma source(%dma_start3A_18 : memref<1015808x64xf32, #tpu.memory_space<hbm>>) target(%dma_start3A_13 : memref<120x64xf32, #tpu.memory_space<vmem>>) offsets(%dma_start3A_15 : memref<120xi32, #tpu.memory_space<vmem>>) semaphore(%arg8 : memref<!tpu.dma_semaphore, #tpu.memory_space<semaphore_mem>>)
    %dma_start3A_19 = arith.constant 0 : i32
    %dma_start3A_20 = arith.constant 120 : i32
    %dma_start3A_21 = arith.constant 0 : i32
    %dma_start3A_22 = tpu.memref_slice %arg6[%dma_start3A_19, %dma_start3A_20, %dma_start3A_21] : memref<4x200x64xf32, #tpu.memory_space<vmem>> -> memref<1x80x64xf32, #tpu.memory_space<vmem>>
    %dma_start3A_23 = tpu.memref_squeeze %dma_start3A_22 : memref<1x80x64xf32, #tpu.memory_space<vmem>> -> memref<80x64xf32, #tpu.memory_space<vmem>>
    %dma_start3A_24 = arith.constant 120 : i32
    %dma_start3A_25 = tpu.memref_slice %arg5[%dma_start3A_24] : memref<25600xi32, #tpu.memory_space<vmem>> -> memref<80xi32, #tpu.memory_space<vmem>>
    %dma_start3A_26 = arith.constant 0 : i32
    %dma_start3A_27 = arith.constant 0 : i32
    %dma_start3A_28 = tpu.memref_slice %arg2[%dma_start3A_26, %dma_start3A_27] : memref<1015808x64xf32, #tpu.memory_space<hbm>> -> memref<1015808x64xf32, #tpu.memory_space<hbm>>
    tpu.enqueue_indirect_dma source(%dma_start3A_28 : memref<1015808x64xf32, #tpu.memory_space<hbm>>) target(%dma_start3A_23 : memref<80x64xf32, #tpu.memory_space<vmem>>) offsets(%dma_start3A_25 : memref<80xi32, #tpu.memory_space<vmem>>) semaphore(%arg8 : memref<!tpu.dma_semaphore, #tpu.memory_space<semaphore_mem>>)
    %dma_start3A_29 = arith.constant 1 : i32
    %dma_start3A_30 = arith.constant 0 : i32
    %dma_start3A_31 = arith.constant 0 : i32
    %dma_start3A_32 = tpu.memref_slice %arg6[%dma_start3A_29, %dma_start3A_30, %dma_start3A_31] : memref<4x200x64xf32, #tpu.memory_space<vmem>> -> memref<1x120x64xf32, #tpu.memory_space<vmem>>
    %dma_start3A_33 = tpu.memref_squeeze %dma_start3A_32 : memref<1x120x64xf32, #tpu.memory_space<vmem>> -> memref<120x64xf32, #tpu.memory_space<vmem>>
    %dma_start3A_34 = arith.constant 200 : i32
    %dma_start3A_35 = tpu.memref_slice %arg5[%dma_start3A_34] : memref<25600xi32, #tpu.memory_space<vmem>> -> memref<120xi32, #tpu.memory_space<vmem>>
    %dma_start3A_36 = arith.constant 0 : i32
    %dma_start3A_37 = arith.constant 0 : i32
    %dma_start3A_38 = tpu.memref_slice %arg2[%dma_start3A_36, %dma_start3A_37] : memref<1015808x64xf32, #tpu.memory_space<hbm>> -> memref<1015808x64xf32, #tpu.memory_space<hbm>>
    tpu.enqueue_indirect_dma source(%dma_start3A_38 : memref<1015808x64xf32, #tpu.memory_space<hbm>>) target(%dma_start3A_33 : memref<120x64xf32, #tpu.memory_space<vmem>>) offsets(%dma_start3A_35 : memref<120xi32, #tpu.memory_space<vmem>>) semaphore(%arg9 : memref<!tpu.dma_semaphore, #tpu.memory_space<semaphore_mem>>)
    %dma_start3A_39 = arith.constant 1 : i32
    %dma_start3A_40 = arith.constant 120 : i32
    %dma_start3A_41 = arith.constant 0 : i32
    %dma_start3A_42 = tpu.memref_slice %arg6[%dma_start3A_39, %dma_start3A_40, %dma_start3A_41] : memref<4x200x64xf32, #tpu.memory_space<vmem>> -> memref<1x80x64xf32, #tpu.memory_space<vmem>>
    %dma_start3A_43 = tpu.memref_squeeze %dma_start3A_42 : memref<1x80x64xf32, #tpu.memory_space<vmem>> -> memref<80x64xf32, #tpu.memory_space<vmem>>
    %dma_start3A_44 = arith.constant 320 : i32
    %dma_start3A_45 = tpu.memref_slice %arg5[%dma_start3A_44] : memref<25600xi32, #tpu.memory_space<vmem>> -> memref<80xi32, #tpu.memory_space<vmem>>
    %dma_start3A_46 = arith.constant 0 : i32
    %dma_start3A_47 = arith.constant 0 : i32
    %dma_start3A_48 = tpu.memref_slice %arg2[%dma_start3A_46, %dma_start3A_47] : memref<1015808x64xf32, #tpu.memory_space<hbm>> -> memref<1015808x64xf32, #tpu.memory_space<hbm>>
    tpu.enqueue_indirect_dma source(%dma_start3A_48 : memref<1015808x64xf32, #tpu.memory_space<hbm>>) target(%dma_start3A_43 : memref<80x64xf32, #tpu.memory_space<vmem>>) offsets(%dma_start3A_45 : memref<80xi32, #tpu.memory_space<vmem>>) semaphore(%arg9 : memref<!tpu.dma_semaphore, #tpu.memory_space<semaphore_mem>>)
    %dma_start3A_49 = arith.constant 2 : i32
    %dma_start3A_50 = arith.constant 0 : i32
    %dma_start3A_51 = arith.constant 0 : i32
    %dma_start3A_52 = tpu.memref_slice %arg6[%dma_start3A_49, %dma_start3A_50, %dma_start3A_51] : memref<4x200x64xf32, #tpu.memory_space<vmem>> -> memref<1x120x64xf32, #tpu.memory_space<vmem>>
    %dma_start3A_53 = tpu.memref_squeeze %dma_start3A_52 : memref<1x120x64xf32, #tpu.memory_space<vmem>> -> memref<120x64xf32, #tpu.memory_space<vmem>>
    %dma_start3A_54 = arith.constant 400 : i32
    %dma_start3A_55 = tpu.memref_slice %arg5[%dma_start3A_54] : memref<25600xi32, #tpu.memory_space<vmem>> -> memref<120xi32, #tpu.memory_space<vmem>>
    %dma_start3A_56 = arith.constant 0 : i32
    %dma_start3A_57 = arith.constant 0 : i32
    %dma_start3A_58 = tpu.memref_slice %arg2[%dma_start3A_56, %dma_start3A_57] : memref<1015808x64xf32, #tpu.memory_space<hbm>> -> memref<1015808x64xf32, #tpu.memory_space<hbm>>
    tpu.enqueue_indirect_dma source(%dma_start3A_58 : memref<1015808x64xf32, #tpu.memory_space<hbm>>) target(%dma_start3A_53 : memref<120x64xf32, #tpu.memory_space<vmem>>) offsets(%dma_start3A_55 : memref<120xi32, #tpu.memory_space<vmem>>) semaphore(%arg10 : memref<!tpu.dma_semaphore, #tpu.memory_space<semaphore_mem>>)
    %dma_start3A_59 = arith.constant 2 : i32
    %dma_start3A_60 = arith.constant 120 : i32
    %dma_start3A_61 = arith.constant 0 : i32
    %dma_start3A_62 = tpu.memref_slice %arg6[%dma_start3A_59, %dma_start3A_60, %dma_start3A_61] : memref<4x200x64xf32, #tpu.memory_space<vmem>> -> memref<1x80x64xf32, #tpu.memory_space<vmem>>
    %dma_start3A_63 = tpu.memref_squeeze %dma_start3A_62 : memref<1x80x64xf32, #tpu.memory_space<vmem>> -> memref<80x64xf32, #tpu.memory_space<vmem>>
    %dma_start3A_64 = arith.constant 520 : i32
    %dma_start3A_65 = tpu.memref_slice %arg5[%dma_start3A_64] : memref<25600xi32, #tpu.memory_space<vmem>> -> memref<80xi32, #tpu.memory_space<vmem>>
    %dma_start3A_66 = arith.constant 0 : i32
    %dma_start3A_67 = arith.constant 0 : i32
    %dma_start3A_68 = tpu.memref_slice %arg2[%dma_start3A_66, %dma_start3A_67] : memref<1015808x64xf32, #tpu.memory_space<hbm>> -> memref<1015808x64xf32, #tpu.memory_space<hbm>>
    tpu.enqueue_indirect_dma source(%dma_start3A_68 : memref<1015808x64xf32, #tpu.memory_space<hbm>>) target(%dma_start3A_63 : memref<80x64xf32, #tpu.memory_space<vmem>>) offsets(%dma_start3A_65 : memref<80xi32, #tpu.memory_space<vmem>>) semaphore(%arg10 : memref<!tpu.dma_semaphore, #tpu.memory_space<semaphore_mem>>)
    %dma_start3A_69 = arith.constant 3 : i32
    %dma_start3A_70 = arith.constant 0 : i32
    %dma_start3A_71 = arith.constant 0 : i32
    %dma_start3A_72 = tpu.memref_slice %arg6[%dma_start3A_69, %dma_start3A_70, %dma_start3A_71] : memref<4x200x64xf32, #tpu.memory_space<vmem>> -> memref<1x120x64xf32, #tpu.memory_space<vmem>>
    %dma_start3A_73 = tpu.memref_squeeze %dma_start3A_72 : memref<1x120x64xf32, #tpu.memory_space<vmem>> -> memref<120x64xf32, #tpu.memory_space<vmem>>
    %dma_start3A_74 = arith.constant 600 : i32
    %dma_start3A_75 = tpu.memref_slice %arg5[%dma_start3A_74] : memref<25600xi32, #tpu.memory_space<vmem>> -> memref<120xi32, #tpu.memory_space<vmem>>
    %dma_start3A_76 = arith.constant 0 : i32
    %dma_start3A_77 = arith.constant 0 : i32
    %dma_start3A_78 = tpu.memref_slice %arg2[%dma_start3A_76, %dma_start3A_77] : memref<1015808x64xf32, #tpu.memory_space<hbm>> -> memref<1015808x64xf32, #tpu.memory_space<hbm>>
    tpu.enqueue_indirect_dma source(%dma_start3A_78 : memref<1015808x64xf32, #tpu.memory_space<hbm>>) target(%dma_start3A_73 : memref<120x64xf32, #tpu.memory_space<vmem>>) offsets(%dma_start3A_75 : memref<120xi32, #tpu.memory_space<vmem>>) semaphore(%arg11 : memref<!tpu.dma_semaphore, #tpu.memory_space<semaphore_mem>>)
    %dma_start3A_79 = arith.constant 3 : i32
    %dma_start3A_80 = arith.constant 120 : i32
    %dma_start3A_81 = arith.constant 0 : i32
    %dma_start3A_82 = tpu.memref_slice %arg6[%dma_start3A_79, %dma_start3A_80, %dma_start3A_81] : memref<4x200x64xf32, #tpu.memory_space<vmem>> -> memref<1x80x64xf32, #tpu.memory_space<vmem>>
    %dma_start3A_83 = tpu.memref_squeeze %dma_start3A_82 : memref<1x80x64xf32, #tpu.memory_space<vmem>> -> memref<80x64xf32, #tpu.memory_space<vmem>>
    %dma_start3A_84 = arith.constant 720 : i32
    %dma_start3A_85 = tpu.memref_slice %arg5[%dma_start3A_84] : memref<25600xi32, #tpu.memory_space<vmem>> -> memref<80xi32, #tpu.memory_space<vmem>>
    %dma_start3A_86 = arith.constant 0 : i32
    %dma_start3A_87 = arith.constant 0 : i32
    %dma_start3A_88 = tpu.memref_slice %arg2[%dma_start3A_86, %dma_start3A_87] : memref<1015808x64xf32, #tpu.memory_space<hbm>> -> memref<1015808x64xf32, #tpu.memory_space<hbm>>
    tpu.enqueue_indirect_dma source(%dma_start3A_88 : memref<1015808x64xf32, #tpu.memory_space<hbm>>) target(%dma_start3A_83 : memref<80x64xf32, #tpu.memory_space<vmem>>) offsets(%dma_start3A_85 : memref<80xi32, #tpu.memory_space<vmem>>) semaphore(%arg11 : memref<!tpu.dma_semaphore, #tpu.memory_space<semaphore_mem>>)
    %scan3A_89 = arith.constant 0 : i32
    %scan3A_90 = arith.constant 32 : i32
    %scan3A_91 = arith.addi %scan3A_89, %scan3A_90 : i32
    %scan3A_92 = arith.constant 1 : i32
    scf.for %scan3A_94 = %scan3A_89 to %scan3A_91 step %scan3A_92  : i32 {
      %mul3A_95 = arith.constant 4 : i32
      %mul3A_96 = arith.muli %scan3A_94, %mul3A_95 : i32
      %add3A_97 = arith.constant 0 : i32
      %add3A_98 = arith.addi %add3A_97, %mul3A_96 : i32
      %add3A_99 = arith.constant 0 : i32
      %add3A_100 = arith.addi %add3A_98, %add3A_99 : i32
      %dma_wait3A = arith.constant 0 : i32
      %dma_wait3A_101 = arith.constant 0 : i32
      %dma_wait3A_102 = arith.constant 0 : i32
      %dma_wait3A_103 = tpu.memref_slice %arg6[%dma_wait3A, %dma_wait3A_101, %dma_wait3A_102] : memref<4x200x64xf32, #tpu.memory_space<vmem>> -> memref<1x200x64xf32, #tpu.memory_space<vmem>>
      %dma_wait3A_104 = tpu.memref_squeeze %dma_wait3A_103 : memref<1x200x64xf32, #tpu.memory_space<vmem>> -> memref<200x64xf32, #tpu.memory_space<vmem>>
      %dma_wait3A_105 = arith.constant 0 : i32
      %dma_wait3A_106 = arith.constant 0 : i32
      %dma_wait3A_107 = tpu.memref_slice %arg4[%dma_wait3A_105, %dma_wait3A_106] : memref<4096x64xf32, #tpu.memory_space<hbm>> -> memref<200x64xf32, #tpu.memory_space<hbm>>
      %dma_wait3A_108 = arith.constant 0 : i32
      %dma_wait3A_109 = arith.constant 0 : i32
      %dma_wait3A_110 = tpu.memref_slice %arg6[%dma_wait3A, %dma_wait3A_108, %dma_wait3A_109] : memref<4x200x64xf32, #tpu.memory_space<vmem>> -> memref<1x200x64xf32, #tpu.memory_space<vmem>>
      %dma_wait3A_111 = tpu.memref_squeeze %dma_wait3A_110 : memref<1x200x64xf32, #tpu.memory_space<vmem>> -> memref<200x64xf32, #tpu.memory_space<vmem>>
      %dma_wait3A_112 = arith.constant 0 : i32
      %dma_wait3A_113 = arith.constant 0 : i32
      %dma_wait3A_114 = tpu.memref_slice %arg4[%dma_wait3A_112, %dma_wait3A_113] : memref<4096x64xf32, #tpu.memory_space<hbm>> -> memref<200x64xf32, #tpu.memory_space<hbm>>
      tpu.wait_dma2 semaphore(%arg8 : memref<!tpu.dma_semaphore, #tpu.memory_space<semaphore_mem>>) src(%dma_wait3A_114 : memref<200x64xf32, #tpu.memory_space<hbm>>) dst(%dma_wait3A_111 : memref<200x64xf32, #tpu.memory_space<vmem>>)
      %scan3A_115 = arith.constant 0 : i32
      %scan3A_116 = arith.constant 8 : i32
      %scan3A_117 = arith.addi %scan3A_115, %scan3A_116 : i32
      %scan3A_118 = arith.constant 1 : i32
      scf.for %scan3A_211 = %scan3A_115 to %scan3A_117 step %scan3A_118  : i32 {
        %mul3A_212 = arith.constant 25 : i32
        %mul3A_213 = arith.muli %scan3A_211, %mul3A_212 : i32
        %add3A_214 = arith.constant 0 : i32
        %add3A_215 = arith.addi %add3A_214, %mul3A_213 : i32
        %get3A = arith.constant 0 : i32
        %get3A_216 = arith.index_cast %get3A : i32 to index
        %get3A_217 = arith.index_cast %add3A_215 : i32 to index
        %get3A_218 = arith.constant 0 : index
        %get3A_219 = tpu.vector_load %arg6[%get3A_216, %get3A_217, %get3A_218] {strides = array<i32>} : memref<4x200x64xf32, #tpu.memory_space<vmem>>, vector<1x1x16xf32>,
        %get3A_220 = vector.shape_cast %get3A_219 : vector<1x1x16xf32> to vector<16xf32>
        %add3A_221 = arith.constant 1 : i32
        %add3A_222 = arith.addi %add3A_215, %add3A_221 : i32
        %get3A_223 = arith.constant 0 : i32
        %get3A_224 = arith.index_cast %get3A_223 : i32 to index
        %get3A_225 = arith.index_cast %add3A_222 : i32 to index
        %get3A_226 = arith.constant 0 : index
        %get3A_227 = tpu.vector_load %arg6[%get3A_224, %get3A_225, %get3A_226] {strides = array<i32>} : memref<4x200x64xf32, #tpu.memory_space<vmem>>, vector<1x1x16xf32>,
        %get3A_228 = vector.shape_cast %get3A_227 : vector<1x1x16xf32> to vector<16xf32>
        %add3A_229 = arith.constant 2 : i32
        %add3A_230 = arith.addi %add3A_215, %add3A_229 : i32
        %get3A_231 = arith.constant 0 : i32
        %get3A_232 = arith.index_cast %get3A_231 : i32 to index
        %get3A_233 = arith.index_cast %add3A_230 : i32 to index
        %get3A_234 = arith.constant 0 : index
        %get3A_235 = tpu.vector_load %arg6[%get3A_232, %get3A_233, %get3A_234] {strides = array<i32>} : memref<4x200x64xf32, #tpu.memory_space<vmem>>, vector<1x1x16xf32>,
        %get3A_236 = vector.shape_cast %get3A_235 : vector<1x1x16xf32> to vector<16xf32>
        %add3A_237 = arith.addf %get3A_220, %get3A_236 : vector<16xf32>
        %add3A_238 = arith.constant 4 : i32
        %add3A_239 = arith.addi %add3A_215, %add3A_238 : i32
        %get3A_240 = arith.constant 0 : i32
        %get3A_241 = arith.index_cast %get3A_240 : i32 to index
        %get3A_242 = arith.index_cast %add3A_239 : i32 to index
        %get3A_243 = arith.constant 0 : index
        %get3A_244 = tpu.vector_load %arg6[%get3A_241, %get3A_242, %get3A_243] {strides = array<i32>} : memref<4x200x64xf32, #tpu.memory_space<vmem>>, vector<1x1x16xf32>,
        %get3A_245 = vector.shape_cast %get3A_244 : vector<1x1x16xf32> to vector<16xf32>
        %add3A_246 = arith.addf %add3A_237, %get3A_245 : vector<16xf32>
        %add3A_247 = arith.constant 6 : i32
        %add3A_248 = arith.addi %add3A_215, %add3A_247 : i32
        %get3A_249 = arith.constant 0 : i32
        %get3A_250 = arith.index_cast %get3A_249 : i32 to index
        %get3A_251 = arith.index_cast %add3A_248 : i32 to index
        %get3A_252 = arith.constant 0 : index
        %get3A_253 = tpu.vector_load %arg6[%get3A_250, %get3A_251, %get3A_252] {strides = array<i32>} : memref<4x200x64xf32, #tpu.memory_space<vmem>>, vector<1x1x16xf32>,
        %get3A_254 = vector.shape_cast %get3A_253 : vector<1x1x16xf32> to vector<16xf32>
        %add3A_255 = arith.addf %add3A_246, %get3A_254 : vector<16xf32>
        %add3A_256 = arith.constant 8 : i32
        %add3A_257 = arith.addi %add3A_215, %add3A_256 : i32
        %get3A_258 = arith.constant 0 : i32
        %get3A_259 = arith.index_cast %get3A_258 : i32 to index
        %get3A_260 = arith.index_cast %add3A_257 : i32 to index
        %get3A_261 = arith.constant 0 : index
        %get3A_262 = tpu.vector_load %arg6[%get3A_259, %get3A_260, %get3A_261] {strides = array<i32>} : memref<4x200x64xf32, #tpu.memory_space<vmem>>, vector<1x1x16xf32>,
        %get3A_263 = vector.shape_cast %get3A_262 : vector<1x1x16xf32> to vector<16xf32>
        %add3A_264 = arith.addf %add3A_255, %get3A_263 : vector<16xf32>
        %add3A_265 = arith.constant 10 : i32
        %add3A_266 = arith.addi %add3A_215, %add3A_265 : i32
        %get3A_267 = arith.constant 0 : i32
        %get3A_268 = arith.index_cast %get3A_267 : i32 to index
        %get3A_269 = arith.index_cast %add3A_266 : i32 to index
        %get3A_270 = arith.constant 0 : index
        %get3A_271 = tpu.vector_load %arg6[%get3A_268, %get3A_269, %get3A_270] {strides = array<i32>} : memref<4x200x64xf32, #tpu.memory_space<vmem>>, vector<1x1x16xf32>,
        %get3A_272 = vector.shape_cast %get3A_271 : vector<1x1x16xf32> to vector<16xf32>
        %add3A_273 = arith.addf %add3A_264, %get3A_272 : vector<16xf32>
        %add3A_274 = arith.constant 12 : i32
        %add3A_275 = arith.addi %add3A_215, %add3A_274 : i32
        %get3A_276 = arith.constant 0 : i32
        %get3A_277 = arith.index_cast %get3A_276 : i32 to index
        %get3A_278 = arith.index_cast %add3A_275 : i32 to index
        %get3A_279 = arith.constant 0 : index
        %get3A_280 = tpu.vector_load %arg6[%get3A_277, %get3A_278, %get3A_279] {strides = array<i32>} : memref<4x200x64xf32, #tpu.memory_space<vmem>>, vector<1x1x16xf32>,
        %get3A_281 = vector.shape_cast %get3A_280 : vector<1x1x16xf32> to vector<16xf32>
        %add3A_282 = arith.addf %add3A_273, %get3A_281 : vector<16xf32>
        %add3A_283 = arith.constant 14 : i32
        %add3A_284 = arith.addi %add3A_215, %add3A_283 : i32
        %get3A_285 = arith.constant 0 : i32
        %get3A_286 = arith.index_cast %get3A_285 : i32 to index
        %get3A_287 = arith.index_cast %add3A_284 : i32 to index
        %get3A_288 = arith.constant 0 : index
        %get3A_289 = tpu.vector_load %arg6[%get3A_286, %get3A_287, %get3A_288] {strides = array<i32>} : memref<4x200x64xf32, #tpu.memory_space<vmem>>, vector<1x1x16xf32>,
        %get3A_290 = vector.shape_cast %get3A_289 : vector<1x1x16xf32> to vector<16xf32>
        %add3A_291 = arith.addf %add3A_282, %get3A_290 : vector<16xf32>
        %add3A_292 = arith.constant 16 : i32
        %add3A_293 = arith.addi %add3A_215, %add3A_292 : i32
        %get3A_294 = arith.constant 0 : i32
        %get3A_295 = arith.index_cast %get3A_294 : i32 to index
        %get3A_296 = arith.index_cast %add3A_293 : i32 to index
        %get3A_297 = arith.constant 0 : index
        %get3A_298 = tpu.vector_load %arg6[%get3A_295, %get3A_296, %get3A_297] {strides = array<i32>} : memref<4x200x64xf32, #tpu.memory_space<vmem>>, vector<1x1x16xf32>,
        %get3A_299 = vector.shape_cast %get3A_298 : vector<1x1x16xf32> to vector<16xf32>
        %add3A_300 = arith.addf %add3A_291, %get3A_299 : vector<16xf32>
        %add3A_301 = arith.constant 18 : i32
        %add3A_302 = arith.addi %add3A_215, %add3A_301 : i32
        %get3A_303 = arith.constant 0 : i32
        %get3A_304 = arith.index_cast %get3A_303 : i32 to index
        %get3A_305 = arith.index_cast %add3A_302 : i32 to index
        %get3A_306 = arith.constant 0 : index
        %get3A_307 = tpu.vector_load %arg6[%get3A_304, %get3A_305, %get3A_306] {strides = array<i32>} : memref<4x200x64xf32, #tpu.memory_space<vmem>>, vector<1x1x16xf32>,
        %get3A_308 = vector.shape_cast %get3A_307 : vector<1x1x16xf32> to vector<16xf32>
        %add3A_309 = arith.addf %add3A_300, %get3A_308 : vector<16xf32>
        %add3A_310 = arith.constant 20 : i32
        %add3A_311 = arith.addi %add3A_215, %add3A_310 : i32
        %get3A_312 = arith.constant 0 : i32
        %get3A_313 = arith.index_cast %get3A_312 : i32 to index
        %get3A_314 = arith.index_cast %add3A_311 : i32 to index
        %get3A_315 = arith.constant 0 : index
        %get3A_316 = tpu.vector_load %arg6[%get3A_313, %get3A_314, %get3A_315] {strides = array<i32>} : memref<4x200x64xf32, #tpu.memory_space<vmem>>, vector<1x1x16xf32>,
        %get3A_317 = vector.shape_cast %get3A_316 : vector<1x1x16xf32> to vector<16xf32>
        %add3A_318 = arith.addf %add3A_309, %get3A_317 : vector<16xf32>
        %add3A_319 = arith.constant 22 : i32
        %add3A_320 = arith.addi %add3A_215, %add3A_319 : i32
        %get3A_321 = arith.constant 0 : i32
        %get3A_322 = arith.index_cast %get3A_321 : i32 to index
        %get3A_323 = arith.index_cast %add3A_320 : i32 to index
        %get3A_324 = arith.constant 0 : index
        %get3A_325 = tpu.vector_load %arg6[%get3A_322, %get3A_323, %get3A_324] {strides = array<i32>} : memref<4x200x64xf32, #tpu.memory_space<vmem>>, vector<1x1x16xf32>,
        %get3A_326 = vector.shape_cast %get3A_325 : vector<1x1x16xf32> to vector<16xf32>
        %add3A_327 = arith.addf %add3A_318, %get3A_326 : vector<16xf32>
        %add3A_328 = arith.constant 24 : i32
        %add3A_329 = arith.addi %add3A_215, %add3A_328 : i32
        %get3A_330 = arith.constant 0 : i32
        %get3A_331 = arith.index_cast %get3A_330 : i32 to index
        %get3A_332 = arith.index_cast %add3A_329 : i32 to index
        %get3A_333 = arith.constant 0 : index
        %get3A_334 = tpu.vector_load %arg6[%get3A_331, %get3A_332, %get3A_333] {strides = array<i32>} : memref<4x200x64xf32, #tpu.memory_space<vmem>>, vector<1x1x16xf32>,
        %get3A_335 = vector.shape_cast %get3A_334 : vector<1x1x16xf32> to vector<16xf32>
        %add3A_336 = arith.addf %add3A_327, %get3A_335 : vector<16xf32>
        %add3A_337 = arith.constant 3 : i32
        %add3A_338 = arith.addi %add3A_215, %add3A_337 : i32
        %get3A_339 = arith.constant 0 : i32
        %get3A_340 = arith.index_cast %get3A_339 : i32 to index
        %get3A_341 = arith.index_cast %add3A_338 : i32 to index
        %get3A_342 = arith.constant 0 : index
        %get3A_343 = tpu.vector_load %arg6[%get3A_340, %get3A_341, %get3A_342] {strides = array<i32>} : memref<4x200x64xf32, #tpu.memory_space<vmem>>, vector<1x1x16xf32>,
        %get3A_344 = vector.shape_cast %get3A_343 : vector<1x1x16xf32> to vector<16xf32>
        %add3A_345 = arith.addf %get3A_228, %get3A_344 : vector<16xf32>
        %add3A_346 = arith.constant 5 : i32
        %add3A_347 = arith.addi %add3A_215, %add3A_346 : i32
        %get3A_348 = arith.constant 0 : i32
        %get3A_349 = arith.index_cast %get3A_348 : i32 to index
        %get3A_350 = arith.index_cast %add3A_347 : i32 to index
        %get3A_351 = arith.constant 0 : index
        %get3A_352 = tpu.vector_load %arg6[%get3A_349, %get3A_350, %get3A_351] {strides = array<i32>} : memref<4x200x64xf32, #tpu.memory_space<vmem>>, vector<1x1x16xf32>,
        %get3A_353 = vector.shape_cast %get3A_352 : vector<1x1x16xf32> to vector<16xf32>
        %add3A_354 = arith.addf %add3A_345, %get3A_353 : vector<16xf32>
        %add3A_355 = arith.constant 7 : i32
        %add3A_356 = arith.addi %add3A_215, %add3A_355 : i32
        %get3A_357 = arith.constant 0 : i32
        %get3A_358 = arith.index_cast %get3A_357 : i32 to index
        %get3A_359 = arith.index_cast %add3A_356 : i32 to index
        %get3A_360 = arith.constant 0 : index
        %get3A_361 = tpu.vector_load %arg6[%get3A_358, %get3A_359, %get3A_360] {strides = array<i32>} : memref<4x200x64xf32, #tpu.memory_space<vmem>>, vector<1x1x16xf32>,
        %get3A_362 = vector.shape_cast %get3A_361 : vector<1x1x16xf32> to vector<16xf32>
        %add3A_363 = arith.addf %add3A_354, %get3A_362 : vector<16xf32>
        %add3A_364 = arith.constant 9 : i32
        %add3A_365 = arith.addi %add3A_215, %add3A_364 : i32
        %get3A_366 = arith.constant 0 : i32
        %get3A_367 = arith.index_cast %get3A_366 : i32 to index
        %get3A_368 = arith.index_cast %add3A_365 : i32 to index
        %get3A_369 = arith.constant 0 : index
        %get3A_370 = tpu.vector_load %arg6[%get3A_367, %get3A_368, %get3A_369] {strides = array<i32>} : memref<4x200x64xf32, #tpu.memory_space<vmem>>, vector<1x1x16xf32>,
        %get3A_371 = vector.shape_cast %get3A_370 : vector<1x1x16xf32> to vector<16xf32>
        %add3A_372 = arith.addf %add3A_363, %get3A_371 : vector<16xf32>
        %add3A_373 = arith.constant 11 : i32
        %add3A_374 = arith.addi %add3A_215, %add3A_373 : i32
        %get3A_375 = arith.constant 0 : i32
        %get3A_376 = arith.index_cast %get3A_375 : i32 to index
        %get3A_377 = arith.index_cast %add3A_374 : i32 to index
        %get3A_378 = arith.constant 0 : index
        %get3A_379 = tpu.vector_load %arg6[%get3A_376, %get3A_377, %get3A_378] {strides = array<i32>} : memref<4x200x64xf32, #tpu.memory_space<vmem>>, vector<1x1x16xf32>,
        %get3A_380 = vector.shape_cast %get3A_379 : vector<1x1x16xf32> to vector<16xf32>
        %add3A_381 = arith.addf %add3A_372, %get3A_380 : vector<16xf32>
        %add3A_382 = arith.constant 13 : i32
        %add3A_383 = arith.addi %add3A_215, %add3A_382 : i32
        %get3A_384 = arith.constant 0 : i32
        %get3A_385 = arith.index_cast %get3A_384 : i32 to index
        %get3A_386 = arith.index_cast %add3A_383 : i32 to index
        %get3A_387 = arith.constant 0 : index
        %get3A_388 = tpu.vector_load %arg6[%get3A_385, %get3A_386, %get3A_387] {strides = array<i32>} : memref<4x200x64xf32, #tpu.memory_space<vmem>>, vector<1x1x16xf32>,
        %get3A_389 = vector.shape_cast %get3A_388 : vector<1x1x16xf32> to vector<16xf32>
        %add3A_390 = arith.addf %add3A_381, %get3A_389 : vector<16xf32>
        %add3A_391 = arith.constant 15 : i32
        %add3A_392 = arith.addi %add3A_215, %add3A_391 : i32
        %get3A_393 = arith.constant 0 : i32
        %get3A_394 = arith.index_cast %get3A_393 : i32 to index
        %get3A_395 = arith.index_cast %add3A_392 : i32 to index
        %get3A_396 = arith.constant 0 : index
        %get3A_397 = tpu.vector_load %arg6[%get3A_394, %get3A_395, %get3A_396] {strides = array<i32>} : memref<4x200x64xf32, #tpu.memory_space<vmem>>, vector<1x1x16xf32>,
        %get3A_398 = vector.shape_cast %get3A_397 : vector<1x1x16xf32> to vector<16xf32>
        %add3A_399 = arith.addf %add3A_390, %get3A_398 : vector<16xf32>
        %add3A_400 = arith.constant 17 : i32
        %add3A_401 = arith.addi %add3A_215, %add3A_400 : i32
        %get3A_402 = arith.constant 0 : i32
        %get3A_403 = arith.index_cast %get3A_402 : i32 to index
        %get3A_404 = arith.index_cast %add3A_401 : i32 to index
        %get3A_405 = arith.constant 0 : index
        %get3A_406 = tpu.vector_load %arg6[%get3A_403, %get3A_404, %get3A_405] {strides = array<i32>} : memref<4x200x64xf32, #tpu.memory_space<vmem>>, vector<1x1x16xf32>,
        %get3A_407 = vector.shape_cast %get3A_406 : vector<1x1x16xf32> to vector<16xf32>
        %add3A_408 = arith.addf %add3A_399, %get3A_407 : vector<16xf32>
        %add3A_409 = arith.constant 19 : i32
        %add3A_410 = arith.addi %add3A_215, %add3A_409 : i32
        %get3A_411 = arith.constant 0 : i32
        %get3A_412 = arith.index_cast %get3A_411 : i32 to index
        %get3A_413 = arith.index_cast %add3A_410 : i32 to index
        %get3A_414 = arith.constant 0 : index
        %get3A_415 = tpu.vector_load %arg6[%get3A_412, %get3A_413, %get3A_414] {strides = array<i32>} : memref<4x200x64xf32, #tpu.memory_space<vmem>>, vector<1x1x16xf32>,
        %get3A_416 = vector.shape_cast %get3A_415 : vector<1x1x16xf32> to vector<16xf32>
        %add3A_417 = arith.addf %add3A_408, %get3A_416 : vector<16xf32>
        %add3A_418 = arith.constant 21 : i32
        %add3A_419 = arith.addi %add3A_215, %add3A_418 : i32
        %get3A_420 = arith.constant 0 : i32
        %get3A_421 = arith.index_cast %get3A_420 : i32 to index
        %get3A_422 = arith.index_cast %add3A_419 : i32 to index
        %get3A_423 = arith.constant 0 : index
        %get3A_424 = tpu.vector_load %arg6[%get3A_421, %get3A_422, %get3A_423] {strides = array<i32>} : memref<4x200x64xf32, #tpu.memory_space<vmem>>, vector<1x1x16xf32>,
        %get3A_425 = vector.shape_cast %get3A_424 : vector<1x1x16xf32> to vector<16xf32>
        %add3A_426 = arith.addf %add3A_417, %get3A_425 : vector<16xf32>
        %add3A_427 = arith.constant 23 : i32
        %add3A_428 = arith.addi %add3A_215, %add3A_427 : i32
        %get3A_429 = arith.constant 0 : i32
        %get3A_430 = arith.index_cast %get3A_429 : i32 to index
        %get3A_431 = arith.index_cast %add3A_428 : i32 to index
        %get3A_432 = arith.constant 0 : index
        %get3A_433 = tpu.vector_load %arg6[%get3A_430, %get3A_431, %get3A_432] {strides = array<i32>} : memref<4x200x64xf32, #tpu.memory_space<vmem>>, vector<1x1x16xf32>,
        %get3A_434 = vector.shape_cast %get3A_433 : vector<1x1x16xf32> to vector<16xf32>
        %add3A_435 = arith.addf %add3A_426, %get3A_434 : vector<16xf32>
        %get3A_436 = arith.index_cast %add3A_100 : i32 to index
        %get3A_437 = arith.constant 0 : index
        %get3A_438 = tpu.vector_load %arg7[%get3A_436, %get3A_437] {strides = array<i32>} : memref<128x64xf32, #tpu.memory_space<vmem>>, vector<1x16xf32>,
        %get3A_439 = vector.shape_cast %get3A_438 : vector<1x16xf32> to vector<16xf32>
        %add3A_440 = arith.addf %add3A_336, %add3A_435 : vector<16xf32>
        %add3A_441 = arith.addf %get3A_439, %add3A_440 : vector<16xf32>
        %swap3A = arith.index_cast %add3A_100 : i32 to index
        %swap3A_442 = arith.constant 0 : index
        %swap3A_443 = tpu.vector_load %arg7[%swap3A, %swap3A_442] {strides = array<i32>} : memref<128x64xf32, #tpu.memory_space<vmem>>, vector<1x16xf32>,
        %swap3A_444 = vector.shape_cast %swap3A_443 : vector<1x16xf32> to vector<16xf32>
        %swap3A_445 = vector.shape_cast %add3A_441 : vector<16xf32> to vector<1x16xf32>
        tpu.vector_store %arg7[%swap3A, %swap3A_442], %swap3A_445 {strides = array<i32>} : memref<128x64xf32, #tpu.memory_space<vmem>>, vector<1x16xf32>,
        %get3A_446 = arith.constant 0 : i32
        %get3A_447 = arith.index_cast %get3A_446 : i32 to index
        %get3A_448 = arith.index_cast %add3A_215 : i32 to index
        %get3A_449 = arith.constant 16 : index
        %get3A_450 = tpu.vector_load %arg6[%get3A_447, %get3A_448, %get3A_449] {strides = array<i32>} : memref<4x200x64xf32, #tpu.memory_space<vmem>>, vector<1x1x16xf32>,
        %get3A_451 = vector.shape_cast %get3A_450 : vector<1x1x16xf32> to vector<16xf32>
        %add3A_452 = arith.constant 1 : i32
        %add3A_453 = arith.addi %add3A_215, %add3A_452 : i32
        %get3A_454 = arith.constant 0 : i32
        %get3A_455 = arith.index_cast %get3A_454 : i32 to index
        %get3A_456 = arith.index_cast %add3A_453 : i32 to index
        %get3A_457 = arith.constant 16 : index
        %get3A_458 = tpu.vector_load %arg6[%get3A_455, %get3A_456, %get3A_457] {strides = array<i32>} : memref<4x200x64xf32, #tpu.memory_space<vmem>>, vector<1x1x16xf32>,
        %get3A_459 = vector.shape_cast %get3A_458 : vector<1x1x16xf32> to vector<16xf32>
        %add3A_460 = arith.constant 2 : i32
        %add3A_461 = arith.addi %add3A_215, %add3A_460 : i32
        %get3A_462 = arith.constant 0 : i32
        %get3A_463 = arith.index_cast %get3A_462 : i32 to index
        %get3A_464 = arith.index_cast %add3A_461 : i32 to index
        %get3A_465 = arith.constant 16 : index
        %get3A_466 = tpu.vector_load %arg6[%get3A_463, %get3A_464, %get3A_465] {strides = array<i32>} : memref<4x200x64xf32, #tpu.memory_space<vmem>>, vector<1x1x16xf32>,
        %get3A_467 = vector.shape_cast %get3A_466 : vector<1x1x16xf32> to vector<16xf32>
        %add3A_468 = arith.addf %get3A_451, %get3A_467 : vector<16xf32>
        %add3A_469 = arith.constant 4 : i32
        %add3A_470 = arith.addi %add3A_215, %add3A_469 : i32
        %get3A_471 = arith.constant 0 : i32
        %get3A_472 = arith.index_cast %get3A_471 : i32 to index
        %get3A_473 = arith.index_cast %add3A_470 : i32 to index
        %get3A_474 = arith.constant 16 : index
        %get3A_475 = tpu.vector_load %arg6[%get3A_472, %get3A_473, %get3A_474] {strides = array<i32>} : memref<4x200x64xf32, #tpu.memory_space<vmem>>, vector<1x1x16xf32>,
        %get3A_476 = vector.shape_cast %get3A_475 : vector<1x1x16xf32> to vector<16xf32>
        %add3A_477 = arith.addf %add3A_468, %get3A_476 : vector<16xf32>
        %add3A_478 = arith.constant 6 : i32
        %add3A_479 = arith.addi %add3A_215, %add3A_478 : i32
        %get3A_480 = arith.constant 0 : i32
        %get3A_481 = arith.index_cast %get3A_480 : i32 to index
        %get3A_482 = arith.index_cast %add3A_479 : i32 to index
        %get3A_483 = arith.constant 16 : index
        %get3A_484 = tpu.vector_load %arg6[%get3A_481, %get3A_482, %get3A_483] {strides = array<i32>} : memref<4x200x64xf32, #tpu.memory_space<vmem>>, vector<1x1x16xf32>,
        %get3A_485 = vector.shape_cast %get3A_484 : vector<1x1x16xf32> to vector<16xf32>
        %add3A_486 = arith.addf %add3A_477, %get3A_485 : vector<16xf32>
        %add3A_487 = arith.constant 8 : i32
        %add3A_488 = arith.addi %add3A_215, %add3A_487 : i32
        %get3A_489 = arith.constant 0 : i32
        %get3A_490 = arith.index_cast %get3A_489 : i32 to index
        %get3A_491 = arith.index_cast %add3A_488 : i32 to index
        %get3A_492 = arith.constant 16 : index
        %get3A_493 = tpu.vector_load %arg6[%get3A_490, %get3A_491, %get3A_492] {strides = array<i32>} : memref<4x200x64xf32, #tpu.memory_space<vmem>>, vector<1x1x16xf32>,
        %get3A_494 = vector.shape_cast %get3A_493 : vector<1x1x16xf32> to vector<16xf32>
        %add3A_495 = arith.addf %add3A_486, %get3A_494 : vector<16xf32>
        %add3A_496 = arith.constant 10 : i32
        %add3A_497 = arith.addi %add3A_215, %add3A_496 : i32
        %get3A_498 = arith.constant 0 : i32
        %get3A_499 = arith.index_cast %get3A_498 : i32 to index
        %get3A_500 = arith.index_cast %add3A_497 : i32 to index
        %get3A_501 = arith.constant 16 : index
        %get3A_502 = tpu.vector_load %arg6[%get3A_499, %get3A_500, %get3A_501] {strides = array<i32>} : memref<4x200x64xf32, #tpu.memory_space<vmem>>, vector<1x1x16xf32>,
        %get3A_503 = vector.shape_cast %get3A_502 : vector<1x1x16xf32> to vector<16xf32>
        %add3A_504 = arith.addf %add3A_495, %get3A_503 : vector<16xf32>
        %add3A_505 = arith.constant 12 : i32
        %add3A_506 = arith.addi %add3A_215, %add3A_505 : i32
        %get3A_507 = arith.constant 0 : i32
        %get3A_508 = arith.index_cast %get3A_507 : i32 to index
        %get3A_509 = arith.index_cast %add3A_506 : i32 to index
        %get3A_510 = arith.constant 16 : index
        %get3A_511 = tpu.vector_load %arg6[%get3A_508, %get3A_509, %get3A_510] {strides = array<i32>} : memref<4x200x64xf32, #tpu.memory_space<vmem>>, vector<1x1x16xf32>,
        %get3A_512 = vector.shape_cast %get3A_511 : vector<1x1x16xf32> to vector<16xf32>
        %add3A_513 = arith.addf %add3A_504, %get3A_512 : vector<16xf32>
        %add3A_514 = arith.constant 14 : i32
        %add3A_515 = arith.addi %add3A_215, %add3A_514 : i32
        %get3A_516 = arith.constant 0 : i32
        %get3A_517 = arith.index_cast %get3A_516 : i32 to index
        %get3A_518 = arith.index_cast %add3A_515 : i32 to index
        %get3A_519 = arith.constant 16 : index
        %get3A_520 = tpu.vector_load %arg6[%get3A_517, %get3A_518, %get3A_519] {strides = array<i32>} : memref<4x200x64xf32, #tpu.memory_space<vmem>>, vector<1x1x16xf32>,
        %get3A_521 = vector.shape_cast %get3A_520 : vector<1x1x16xf32> to vector<16xf32>
        %add3A_522 = arith.addf %add3A_513, %get3A_521 : vector<16xf32>
        %add3A_523 = arith.constant 16 : i32
        %add3A_524 = arith.addi %add3A_215, %add3A_523 : i32
        %get3A_525 = arith.constant 0 : i32
        %get3A_526 = arith.index_cast %get3A_525 : i32 to index
        %get3A_527 = arith.index_cast %add3A_524 : i32 to index
        %get3A_528 = arith.constant 16 : index
        %get3A_529 = tpu.vector_load %arg6[%get3A_526, %get3A_527, %get3A_528] {strides = array<i32>} : memref<4x200x64xf32, #tpu.memory_space<vmem>>, vector<1x1x16xf32>,
        %get3A_530 = vector.shape_cast %get3A_529 : vector<1x1x16xf32> to vector<16xf32>
        %add3A_531 = arith.addf %add3A_522, %get3A_530 : vector<16xf32>
        %add3A_532 = arith.constant 18 : i32
        %add3A_533 = arith.addi %add3A_215, %add3A_532 : i32
        %get3A_534 = arith.constant 0 : i32
        %get3A_535 = arith.index_cast %get3A_534 : i32 to index
        %get3A_536 = arith.index_cast %add3A_533 : i32 to index
        %get3A_537 = arith.constant 16 : index
        %get3A_538 = tpu.vector_load %arg6[%get3A_535, %get3A_536, %get3A_537] {strides = array<i32>} : memref<4x200x64xf32, #tpu.memory_space<vmem>>, vector<1x1x16xf32>,
        %get3A_539 = vector.shape_cast %get3A_538 : vector<1x1x16xf32> to vector<16xf32>
        %add3A_540 = arith.addf %add3A_531, %get3A_539 : vector<16xf32>
        %add3A_541 = arith.constant 20 : i32
        %add3A_542 = arith.addi %add3A_215, %add3A_541 : i32
        %get3A_543 = arith.constant 0 : i32
        %get3A_544 = arith.index_cast %get3A_543 : i32 to index
        %get3A_545 = arith.index_cast %add3A_542 : i32 to index
        %get3A_546 = arith.constant 16 : index
        %get3A_547 = tpu.vector_load %arg6[%get3A_544, %get3A_545, %get3A_546] {strides = array<i32>} : memref<4x200x64xf32, #tpu.memory_space<vmem>>, vector<1x1x16xf32>,
        %get3A_548 = vector.shape_cast %get3A_547 : vector<1x1x16xf32> to vector<16xf32>
        %add3A_549 = arith.addf %add3A_540, %get3A_548 : vector<16xf32>
        %add3A_550 = arith.constant 22 : i32
        %add3A_551 = arith.addi %add3A_215, %add3A_550 : i32
        %get3A_552 = arith.constant 0 : i32
        %get3A_553 = arith.index_cast %get3A_552 : i32 to index
        %get3A_554 = arith.index_cast %add3A_551 : i32 to index
        %get3A_555 = arith.constant 16 : index
        %get3A_556 = tpu.vector_load %arg6[%get3A_553, %get3A_554, %get3A_555] {strides = array<i32>} : memref<4x200x64xf32, #tpu.memory_space<vmem>>, vector<1x1x16xf32>,
        %get3A_557 = vector.shape_cast %get3A_556 : vector<1x1x16xf32> to vector<16xf32>
        %add3A_558 = arith.addf %add3A_549, %get3A_557 : vector<16xf32>
        %add3A_559 = arith.constant 24 : i32
        %add3A_560 = arith.addi %add3A_215, %add3A_559 : i32
        %get3A_561 = arith.constant 0 : i32
        %get3A_562 = arith.index_cast %get3A_561 : i32 to index
        %get3A_563 = arith.index_cast %add3A_560 : i32 to index
        %get3A_564 = arith.constant 16 : index
        %get3A_565 = tpu.vector_load %arg6[%get3A_562, %get3A_563, %get3A_564] {strides = array<i32>} : memref<4x200x64xf32, #tpu.memory_space<vmem>>, vector<1x1x16xf32>,
        %get3A_566 = vector.shape_cast %get3A_565 : vector<1x1x16xf32> to vector<16xf32>
        %add3A_567 = arith.addf %add3A_558, %get3A_566 : vector<16xf32>
        %add3A_568 = arith.constant 3 : i32
        %add3A_569 = arith.addi %add3A_215, %add3A_568 : i32
        %get3A_570 = arith.constant 0 : i32
        %get3A_571 = arith.index_cast %get3A_570 : i32 to index
        %get3A_572 = arith.index_cast %add3A_569 : i32 to index
        %get3A_573 = arith.constant 16 : index
        %get3A_574 = tpu.vector_load %arg6[%get3A_571, %get3A_572, %get3A_573] {strides = array<i32>} : memref<4x200x64xf32, #tpu.memory_space<vmem>>, vector<1x1x16xf32>,
        %get3A_575 = vector.shape_cast %get3A_574 : vector<1x1x16xf32> to vector<16xf32>
        %add3A_576 = arith.addf %get3A_459, %get3A_575 : vector<16xf32>
        %add3A_577 = arith.constant 5 : i32
        %add3A_578 = arith.addi %add3A_215, %add3A_577 : i32
        %get3A_579 = arith.constant 0 : i32
        %get3A_580 = arith.index_cast %get3A_579 : i32 to index
        %get3A_581 = arith.index_cast %add3A_578 : i32 to index
        %get3A_582 = arith.constant 16 : index
        %get3A_583 = tpu.vector_load %arg6[%get3A_580, %get3A_581, %get3A_582] {strides = array<i32>} : memref<4x200x64xf32, #tpu.memory_space<vmem>>, vector<1x1x16xf32>,
        %get3A_584 = vector.shape_cast %get3A_583 : vector<1x1x16xf32> to vector<16xf32>
        %add3A_585 = arith.addf %add3A_576, %get3A_584 : vector<16xf32>
        %add3A_586 = arith.constant 7 : i32
        %add3A_587 = arith.addi %add3A_215, %add3A_586 : i32
        %get3A_588 = arith.constant 0 : i32
        %get3A_589 = arith.index_cast %get3A_588 : i32 to index
        %get3A_590 = arith.index_cast %add3A_587 : i32 to index
        %get3A_591 = arith.constant 16 : index
        %get3A_592 = tpu.vector_load %arg6[%get3A_589, %get3A_590, %get3A_591] {strides = array<i32>} : memref<4x200x64xf32, #tpu.memory_space<vmem>>, vector<1x1x16xf32>,
        %get3A_593 = vector.shape_cast %get3A_592 : vector<1x1x16xf32> to vector<16xf32>
        %add3A_594 = arith.addf %add3A_585, %get3A_593 : vector<16xf32>
        %add3A_595 = arith.constant 9 : i32
        %add3A_596 = arith.addi %add3A_215, %add3A_595 : i32
        %get3A_597 = arith.constant 0 : i32
        %get3A_598 = arith.index_cast %get3A_597 : i32 to index
        %get3A_599 = arith.index_cast %add3A_596 : i32 to index
        %get3A_600 = arith.constant 16 : index
        %get3A_601 = tpu.vector_load %arg6[%get3A_598, %get3A_599, %get3A_600] {strides = array<i32>} : memref<4x200x64xf32, #tpu.memory_space<vmem>>, vector<1x1x16xf32>,
        %get3A_602 = vector.shape_cast %get3A_601 : vector<1x1x16xf32> to vector<16xf32>
        %add3A_603 = arith.addf %add3A_594, %get3A_602 : vector<16xf32>
        %add3A_604 = arith.constant 11 : i32
        %add3A_605 = arith.addi %add3A_215, %add3A_604 : i32
        %get3A_606 = arith.constant 0 : i32
        %get3A_607 = arith.index_cast %get3A_606 : i32 to index
        %get3A_608 = arith.index_cast %add3A_605 : i32 to index
        %get3A_609 = arith.constant 16 : index
        %get3A_610 = tpu.vector_load %arg6[%get3A_607, %get3A_608, %get3A_609] {strides = array<i32>} : memref<4x200x64xf32, #tpu.memory_space<vmem>>, vector<1x1x16xf32>,
        %get3A_611 = vector.shape_cast %get3A_610 : vector<1x1x16xf32> to vector<16xf32>
        %add3A_612 = arith.addf %add3A_603, %get3A_611 : vector<16xf32>
        %add3A_613 = arith.constant 13 : i32
        %add3A_614 = arith.addi %add3A_215, %add3A_613 : i32
        %get3A_615 = arith.constant 0 : i32
        %get3A_616 = arith.index_cast %get3A_615 : i32 to index
        %get3A_617 = arith.index_cast %add3A_614 : i32 to index
        %get3A_618 = arith.constant 16 : index
        %get3A_619 = tpu.vector_load %arg6[%get3A_616, %get3A_617, %get3A_618] {strides = array<i32>} : memref<4x200x64xf32, #tpu.memory_space<vmem>>, vector<1x1x16xf32>,
        %get3A_620 = vector.shape_cast %get3A_619 : vector<1x1x16xf32> to vector<16xf32>
        %add3A_621 = arith.addf %add3A_612, %get3A_620 : vector<16xf32>
        %add3A_622 = arith.constant 15 : i32
        %add3A_623 = arith.addi %add3A_215, %add3A_622 : i32
        %get3A_624 = arith.constant 0 : i32
        %get3A_625 = arith.index_cast %get3A_624 : i32 to index
        %get3A_626 = arith.index_cast %add3A_623 : i32 to index
        %get3A_627 = arith.constant 16 : index
        %get3A_628 = tpu.vector_load %arg6[%get3A_625, %get3A_626, %get3A_627] {strides = array<i32>} : memref<4x200x64xf32, #tpu.memory_space<vmem>>, vector<1x1x16xf32>,
        %get3A_629 = vector.shape_cast %get3A_628 : vector<1x1x16xf32> to vector<16xf32>
        %add3A_630 = arith.addf %add3A_621, %get3A_629 : vector<16xf32>
        %add3A_631 = arith.constant 17 : i32
        %add3A_632 = arith.addi %add3A_215, %add3A_631 : i32
        %get3A_633 = arith.constant 0 : i32
        %get3A_634 = arith.index_cast %get3A_633 : i32 to index
        %get3A_635 = arith.index_cast %add3A_632 : i32 to index
        %get3A_636 = arith.constant 16 : index
        %get3A_637 = tpu.vector_load %arg6[%get3A_634, %get3A_635, %get3A_636] {strides = array<i32>} : memref<4x200x64xf32, #tpu.memory_space<vmem>>, vector<1x1x16xf32>,
        %get3A_638 = vector.shape_cast %get3A_637 : vector<1x1x16xf32> to vector<16xf32>
        %add3A_639 = arith.addf %add3A_630, %get3A_638 : vector<16xf32>
        %add3A_640 = arith.constant 19 : i32
        %add3A_641 = arith.addi %add3A_215, %add3A_640 : i32
        %get3A_642 = arith.constant 0 : i32
        %get3A_643 = arith.index_cast %get3A_642 : i32 to index
        %get3A_644 = arith.index_cast %add3A_641 : i32 to index
        %get3A_645 = arith.constant 16 : index
        %get3A_646 = tpu.vector_load %arg6[%get3A_643, %get3A_644, %get3A_645] {strides = array<i32>} : memref<4x200x64xf32, #tpu.memory_space<vmem>>, vector<1x1x16xf32>,
        %get3A_647 = vector.shape_cast %get3A_646 : vector<1x1x16xf32> to vector<16xf32>
        %add3A_648 = arith.addf %add3A_639, %get3A_647 : vector<16xf32>
        %add3A_649 = arith.constant 21 : i32
        %add3A_650 = arith.addi %add3A_215, %add3A_649 : i32
        %get3A_651 = arith.constant 0 : i32
        %get3A_652 = arith.index_cast %get3A_651 : i32 to index
        %get3A_653 = arith.index_cast %add3A_650 : i32 to index
        %get3A_654 = arith.constant 16 : index
        %get3A_655 = tpu.vector_load %arg6[%get3A_652, %get3A_653, %get3A_654] {strides = array<i32>} : memref<4x200x64xf32, #tpu.memory_space<vmem>>, vector<1x1x16xf32>,
        %get3A_656 = vector.shape_cast %get3A_655 : vector<1x1x16xf32> to vector<16xf32>
        %add3A_657 = arith.addf %add3A_648, %get3A_656 : vector<16xf32>
        %add3A_658 = arith.constant 23 : i32
        %add3A_659 = arith.addi %add3A_215, %add3A_658 : i32
        %get3A_660 = arith.constant 0 : i32
        %get3A_661 = arith.index_cast %get3A_660 : i32 to index
        %get3A_662 = arith.index_cast %add3A_659 : i32 to index
        %get3A_663 = arith.constant 16 : index
        %get3A_664 = tpu.vector_load %arg6[%get3A_661, %get3A_662, %get3A_663] {strides = array<i32>} : memref<4x200x64xf32, #tpu.memory_space<vmem>>, vector<1x1x16xf32>,
        %get3A_665 = vector.shape_cast %get3A_664 : vector<1x1x16xf32> to vector<16xf32>
        %add3A_666 = arith.addf %add3A_657, %get3A_665 : vector<16xf32>
        %get3A_667 = arith.index_cast %add3A_100 : i32 to index
        %get3A_668 = arith.constant 16 : index
        %get3A_669 = tpu.vector_load %arg7[%get3A_667, %get3A_668] {strides = array<i32>} : memref<128x64xf32, #tpu.memory_space<vmem>>, vector<1x16xf32>,
        %get3A_670 = vector.shape_cast %get3A_669 : vector<1x16xf32> to vector<16xf32>
        %add3A_671 = arith.addf %add3A_567, %add3A_666 : vector<16xf32>
        %add3A_672 = arith.addf %get3A_670, %add3A_671 : vector<16xf32>
        %swap3A_673 = arith.index_cast %add3A_100 : i32 to index
        %swap3A_674 = arith.constant 16 : index
        %swap3A_675 = tpu.vector_load %arg7[%swap3A_673, %swap3A_674] {strides = array<i32>} : memref<128x64xf32, #tpu.memory_space<vmem>>, vector<1x16xf32>,
        %swap3A_676 = vector.shape_cast %swap3A_675 : vector<1x16xf32> to vector<16xf32>
        %swap3A_677 = vector.shape_cast %add3A_672 : vector<16xf32> to vector<1x16xf32>
        tpu.vector_store %arg7[%swap3A_673, %swap3A_674], %swap3A_677 {strides = array<i32>} : memref<128x64xf32, #tpu.memory_space<vmem>>, vector<1x16xf32>,
        %get3A_678 = arith.constant 0 : i32
        %get3A_679 = arith.index_cast %get3A_678 : i32 to index
        %get3A_680 = arith.index_cast %add3A_215 : i32 to index
        %get3A_681 = arith.constant 32 : index
        %get3A_682 = tpu.vector_load %arg6[%get3A_679, %get3A_680, %get3A_681] {strides = array<i32>} : memref<4x200x64xf32, #tpu.memory_space<vmem>>, vector<1x1x16xf32>,
        %get3A_683 = vector.shape_cast %get3A_682 : vector<1x1x16xf32> to vector<16xf32>
        %add3A_684 = arith.constant 1 : i32
        %add3A_685 = arith.addi %add3A_215, %add3A_684 : i32
        %get3A_686 = arith.constant 0 : i32
        %get3A_687 = arith.index_cast %get3A_686 : i32 to index
        %get3A_688 = arith.index_cast %add3A_685 : i32 to index
        %get3A_689 = arith.constant 32 : index
        %get3A_690 = tpu.vector_load %arg6[%get3A_687, %get3A_688, %get3A_689] {strides = array<i32>} : memref<4x200x64xf32, #tpu.memory_space<vmem>>, vector<1x1x16xf32>,
        %get3A_691 = vector.shape_cast %get3A_690 : vector<1x1x16xf32> to vector<16xf32>
        %add3A_692 = arith.constant 2 : i32
        %add3A_693 = arith.addi %add3A_215, %add3A_692 : i32
        %get3A_694 = arith.constant 0 : i32
        %get3A_695 = arith.index_cast %get3A_694 : i32 to index
        %get3A_696 = arith.index_cast %add3A_693 : i32 to index
        %get3A_697 = arith.constant 32 : index
        %get3A_698 = tpu.vector_load %arg6[%get3A_695, %get3A_696, %get3A_697] {strides = array<i32>} : memref<4x200x64xf32, #tpu.memory_space<vmem>>, vector<1x1x16xf32>,
        %get3A_699 = vector.shape_cast %get3A_698 : vector<1x1x16xf32> to vector<16xf32>
        %add3A_700 = arith.addf %get3A_683, %get3A_699 : vector<16xf32>
        %add3A_701 = arith.constant 4 : i32
        %add3A_702 = arith.addi %add3A_215, %add3A_701 : i32
        %get3A_703 = arith.constant 0 : i32
        %get3A_704 = arith.index_cast %get3A_703 : i32 to index
        %get3A_705 = arith.index_cast %add3A_702 : i32 to index
        %get3A_706 = arith.constant 32 : index
        %get3A_707 = tpu.vector_load %arg6[%get3A_704, %get3A_705, %get3A_706] {strides = array<i32>} : memref<4x200x64xf32, #tpu.memory_space<vmem>>, vector<1x1x16xf32>,
        %get3A_708 = vector.shape_cast %get3A_707 : vector<1x1x16xf32> to vector<16xf32>
        %add3A_709 = arith.addf %add3A_700, %get3A_708 : vector<16xf32>
        %add3A_710 = arith.constant 6 : i32
        %add3A_711 = arith.addi %add3A_215, %add3A_710 : i32
        %get3A_712 = arith.constant 0 : i32
        %get3A_713 = arith.index_cast %get3A_712 : i32 to index
        %get3A_714 = arith.index_cast %add3A_711 : i32 to index
        %get3A_715 = arith.constant 32 : index
        %get3A_716 = tpu.vector_load %arg6[%get3A_713, %get3A_714, %get3A_715] {strides = array<i32>} : memref<4x200x64xf32, #tpu.memory_space<vmem>>, vector<1x1x16xf32>,
        %get3A_717 = vector.shape_cast %get3A_716 : vector<1x1x16xf32> to vector<16xf32>
        %add3A_718 = arith.addf %add3A_709, %get3A_717 : vector<16xf32>
        %add3A_719 = arith.constant 8 : i32
        %add3A_720 = arith.addi %add3A_215, %add3A_719 : i32
        %get3A_721 = arith.constant 0 : i32
        %get3A_722 = arith.index_cast %get3A_721 : i32 to index
        %get3A_723 = arith.index_cast %add3A_720 : i32 to index
        %get3A_724 = arith.constant 32 : index
        %get3A_725 = tpu.vector_load %arg6[%get3A_722, %get3A_723, %get3A_724] {strides = array<i32>} : memref<4x200x64xf32, #tpu.memory_space<vmem>>, vector<1x1x16xf32>,
        %get3A_726 = vector.shape_cast %get3A_725 : vector<1x1x16xf32> to vector<16xf32>
        %add3A_727 = arith.addf %add3A_718, %get3A_726 : vector<16xf32>
        %add3A_728 = arith.constant 10 : i32
        %add3A_729 = arith.addi %add3A_215, %add3A_728 : i32
        %get3A_730 = arith.constant 0 : i32
        %get3A_731 = arith.index_cast %get3A_730 : i32 to index
        %get3A_732 = arith.index_cast %add3A_729 : i32 to index
        %get3A_733 = arith.constant 32 : index
        %get3A_734 = tpu.vector_load %arg6[%get3A_731, %get3A_732, %get3A_733] {strides = array<i32>} : memref<4x200x64xf32, #tpu.memory_space<vmem>>, vector<1x1x16xf32>,
        %get3A_735 = vector.shape_cast %get3A_734 : vector<1x1x16xf32> to vector<16xf32>
        %add3A_736 = arith.addf %add3A_727, %get3A_735 : vector<16xf32>
        %add3A_737 = arith.constant 12 : i32
        %add3A_738 = arith.addi %add3A_215, %add3A_737 : i32
        %get3A_739 = arith.constant 0 : i32
        %get3A_740 = arith.index_cast %get3A_739 : i32 to index
        %get3A_741 = arith.index_cast %add3A_738 : i32 to index
        %get3A_742 = arith.constant 32 : index
        %get3A_743 = tpu.vector_load %arg6[%get3A_740, %get3A_741, %get3A_742] {strides = array<i32>} : memref<4x200x64xf32, #tpu.memory_space<vmem>>, vector<1x1x16xf32>,
        %get3A_744 = vector.shape_cast %get3A_743 : vector<1x1x16xf32> to vector<16xf32>
        %add3A_745 = arith.addf %add3A_736, %get3A_744 : vector<16xf32>
        %add3A_746 = arith.constant 14 : i32
        %add3A_747 = arith.addi %add3A_215, %add3A_746 : i32
        %get3A_748 = arith.constant 0 : i32
        %get3A_749 = arith.index_cast %get3A_748 : i32 to index
        %get3A_750 = arith.index_cast %add3A_747 : i32 to index
        %get3A_751 = arith.constant 32 : index
        %get3A_752 = tpu.vector_load %arg6[%get3A_749, %get3A_750, %get3A_751] {strides = array<i32>} : memref<4x200x64xf32, #tpu.memory_space<vmem>>, vector<1x1x16xf32>,
        %get3A_753 = vector.shape_cast %get3A_752 : vector<1x1x16xf32> to vector<16xf32>
        %add3A_754 = arith.addf %add3A_745, %get3A_753 : vector<16xf32>
        %add3A_755 = arith.constant 16 : i32
        %add3A_756 = arith.addi %add3A_215, %add3A_755 : i32
        %get3A_757 = arith.constant 0 : i32
        %get3A_758 = arith.index_cast %get3A_757 : i32 to index
        %get3A_759 = arith.index_cast %add3A_756 : i32 to index
        %get3A_760 = arith.constant 32 : index
        %get3A_761 = tpu.vector_load %arg6[%get3A_758, %get3A_759, %get3A_760] {strides = array<i32>} : memref<4x200x64xf32, #tpu.memory_space<vmem>>, vector<1x1x16xf32>,
        %get3A_762 = vector.shape_cast %get3A_761 : vector<1x1x16xf32> to vector<16xf32>
        %add3A_763 = arith.addf %add3A_754, %get3A_762 : vector<16xf32>
        %add3A_764 = arith.constant 18 : i32
        %add3A_765 = arith.addi %add3A_215, %add3A_764 : i32
        %get3A_766 = arith.constant 0 : i32
        %get3A_767 = arith.index_cast %get3A_766 : i32 to index
        %get3A_768 = arith.index_cast %add3A_765 : i32 to index
        %get3A_769 = arith.constant 32 : index
        %get3A_770 = tpu.vector_load %arg6[%get3A_767, %get3A_768, %get3A_769] {strides = array<i32>} : memref<4x200x64xf32, #tpu.memory_space<vmem>>, vector<1x1x16xf32>,
        %get3A_771 = vector.shape_cast %get3A_770 : vector<1x1x16xf32> to vector<16xf32>
        %add3A_772 = arith.addf %add3A_763, %get3A_771 : vector<16xf32>
        %add3A_773 = arith.constant 20 : i32
        %add3A_774 = arith.addi %add3A_215, %add3A_773 : i32
        %get3A_775 = arith.constant 0 : i32
        %get3A_776 = arith.index_cast %get3A_775 : i32 to index
        %get3A_777 = arith.index_cast %add3A_774 : i32 to index
        %get3A_778 = arith.constant 32 : index
        %get3A_779 = tpu.vector_load %arg6[%get3A_776, %get3A_777, %get3A_778] {strides = array<i32>} : memref<4x200x64xf32, #tpu.memory_space<vmem>>, vector<1x1x16xf32>,
        %get3A_780 = vector.shape_cast %get3A_779 : vector<1x1x16xf32> to vector<16xf32>
        %add3A_781 = arith.addf %add3A_772, %get3A_780 : vector<16xf32>
        %add3A_782 = arith.constant 22 : i32
        %add3A_783 = arith.addi %add3A_215, %add3A_782 : i32
        %get3A_784 = arith.constant 0 : i32
        %get3A_785 = arith.index_cast %get3A_784 : i32 to index
        %get3A_786 = arith.index_cast %add3A_783 : i32 to index
        %get3A_787 = arith.constant 32 : index
        %get3A_788 = tpu.vector_load %arg6[%get3A_785, %get3A_786, %get3A_787] {strides = array<i32>} : memref<4x200x64xf32, #tpu.memory_space<vmem>>, vector<1x1x16xf32>,
        %get3A_789 = vector.shape_cast %get3A_788 : vector<1x1x16xf32> to vector<16xf32>
        %add3A_790 = arith.addf %add3A_781, %get3A_789 : vector<16xf32>
        %add3A_791 = arith.constant 24 : i32
        %add3A_792 = arith.addi %add3A_215, %add3A_791 : i32
        %get3A_793 = arith.constant 0 : i32
        %get3A_794 = arith.index_cast %get3A_793 : i32 to index
        %get3A_795 = arith.index_cast %add3A_792 : i32 to index
        %get3A_796 = arith.constant 32 : index
        %get3A_797 = tpu.vector_load %arg6[%get3A_794, %get3A_795, %get3A_796] {strides = array<i32>} : memref<4x200x64xf32, #tpu.memory_space<vmem>>, vector<1x1x16xf32>,
        %get3A_798 = vector.shape_cast %get3A_797 : vector<1x1x16xf32> to vector<16xf32>
        %add3A_799 = arith.addf %add3A_790, %get3A_798 : vector<16xf32>
        %add3A_800 = arith.constant 3 : i32
        %add3A_801 = arith.addi %add3A_215, %add3A_800 : i32
        %get3A_802 = arith.constant 0 : i32
        %get3A_803 = arith.index_cast %get3A_802 : i32 to index
        %get3A_804 = arith.index_cast %add3A_801 : i32 to index
        %get3A_805 = arith.constant 32 : index
        %get3A_806 = tpu.vector_load %arg6[%get3A_803, %get3A_804, %get3A_805] {strides = array<i32>} : memref<4x200x64xf32, #tpu.memory_space<vmem>>, vector<1x1x16xf32>,
        %get3A_807 = vector.shape_cast %get3A_806 : vector<1x1x16xf32> to vector<16xf32>
        %add3A_808 = arith.addf %get3A_691, %get3A_807 : vector<16xf32>
        %add3A_809 = arith.constant 5 : i32
        %add3A_810 = arith.addi %add3A_215, %add3A_809 : i32
        %get3A_811 = arith.constant 0 : i32
        %get3A_812 = arith.index_cast %get3A_811 : i32 to index
        %get3A_813 = arith.index_cast %add3A_810 : i32 to index
        %get3A_814 = arith.constant 32 : index
        %get3A_815 = tpu.vector_load %arg6[%get3A_812, %get3A_813, %get3A_814] {strides = array<i32>} : memref<4x200x64xf32, #tpu.memory_space<vmem>>, vector<1x1x16xf32>,
        %get3A_816 = vector.shape_cast %get3A_815 : vector<1x1x16xf32> to vector<16xf32>
        %add3A_817 = arith.addf %add3A_808, %get3A_816 : vector<16xf32>
        %add3A_818 = arith.constant 7 : i32
        %add3A_819 = arith.addi %add3A_215, %add3A_818 : i32
        %get3A_820 = arith.constant 0 : i32
        %get3A_821 = arith.index_cast %get3A_820 : i32 to index
        %get3A_822 = arith.index_cast %add3A_819 : i32 to index
        %get3A_823 = arith.constant 32 : index
        %get3A_824 = tpu.vector_load %arg6[%get3A_821, %get3A_822, %get3A_823] {strides = array<i32>} : memref<4x200x64xf32, #tpu.memory_space<vmem>>, vector<1x1x16xf32>,
        %get3A_825 = vector.shape_cast %get3A_824 : vector<1x1x16xf32> to vector<16xf32>
        %add3A_826 = arith.addf %add3A_817, %get3A_825 : vector<16xf32>
        %add3A_827 = arith.constant 9 : i32
        %add3A_828 = arith.addi %add3A_215, %add3A_827 : i32
        %get3A_829 = arith.constant 0 : i32
        %get3A_830 = arith.index_cast %get3A_829 : i32 to index
        %get3A_831 = arith.index_cast %add3A_828 : i32 to index
        %get3A_832 = arith.constant 32 : index
        %get3A_833 = tpu.vector_load %arg6[%get3A_830, %get3A_831, %get3A_832] {strides = array<i32>} : memref<4x200x64xf32, #tpu.memory_space<vmem>>, vector<1x1x16xf32>,
        %get3A_834 = vector.shape_cast %get3A_833 : vector<1x1x16xf32> to vector<16xf32>
        %add3A_835 = arith.addf %add3A_826, %get3A_834 : vector<16xf32>
        %add3A_836 = arith.constant 11 : i32
        %add3A_837 = arith.addi %add3A_215, %add3A_836 : i32
        %get3A_838 = arith.constant 0 : i32
        %get3A_839 = arith.index_cast %get3A_838 : i32 to index
        %get3A_840 = arith.index_cast %add3A_837 : i32 to index
        %get3A_841 = arith.constant 32 : index
        %get3A_842 = tpu.vector_load %arg6[%get3A_839, %get3A_840, %get3A_841] {strides = array<i32>} : memref<4x200x64xf32, #tpu.memory_space<vmem>>, vector<1x1x16xf32>,
        %get3A_843 = vector.shape_cast %get3A_842 : vector<1x1x16xf32> to vector<16xf32>
        %add3A_844 = arith.addf %add3A_835, %get3A_843 : vector<16xf32>
        %add3A_845 = arith.constant 13 : i32
        %add3A_846 = arith.addi %add3A_215, %add3A_845 : i32
        %get3A_847 = arith.constant 0 : i32
        %get3A_848 = arith.index_cast %get3A_847 : i32 to index
        %get3A_849 = arith.index_cast %add3A_846 : i32 to index
        %get3A_850 = arith.constant 32 : index
        %get3A_851 = tpu.vector_load %arg6[%get3A_848, %get3A_849, %get3A_850] {strides = array<i32>} : memref<4x200x64xf32, #tpu.memory_space<vmem>>, vector<1x1x16xf32>,
        %get3A_852 = vector.shape_cast %get3A_851 : vector<1x1x16xf32> to vector<16xf32>
        %add3A_853 = arith.addf %add3A_844, %get3A_852 : vector<16xf32>
        %add3A_854 = arith.constant 15 : i32
        %add3A_855 = arith.addi %add3A_215, %add3A_854 : i32
        %get3A_856 = arith.constant 0 : i32
        %get3A_857 = arith.index_cast %get3A_856 : i32 to index
        %get3A_858 = arith.index_cast %add3A_855 : i32 to index
        %get3A_859 = arith.constant 32 : index
        %get3A_860 = tpu.vector_load %arg6[%get3A_857, %get3A_858, %get3A_859] {strides = array<i32>} : memref<4x200x64xf32, #tpu.memory_space<vmem>>, vector<1x1x16xf32>,
        %get3A_861 = vector.shape_cast %get3A_860 : vector<1x1x16xf32> to vector<16xf32>
        %add3A_862 = arith.addf %add3A_853, %get3A_861 : vector<16xf32>
        %add3A_863 = arith.constant 17 : i32
        %add3A_864 = arith.addi %add3A_215, %add3A_863 : i32
        %get3A_865 = arith.constant 0 : i32
        %get3A_866 = arith.index_cast %get3A_865 : i32 to index
        %get3A_867 = arith.index_cast %add3A_864 : i32 to index
        %get3A_868 = arith.constant 32 : index
        %get3A_869 = tpu.vector_load %arg6[%get3A_866, %get3A_867, %get3A_868] {strides = array<i32>} : memref<4x200x64xf32, #tpu.memory_space<vmem>>, vector<1x1x16xf32>,
        %get3A_870 = vector.shape_cast %get3A_869 : vector<1x1x16xf32> to vector<16xf32>
        %add3A_871 = arith.addf %add3A_862, %get3A_870 : vector<16xf32>
        %add3A_872 = arith.constant 19 : i32
        %add3A_873 = arith.addi %add3A_215, %add3A_872 : i32
        %get3A_874 = arith.constant 0 : i32
        %get3A_875 = arith.index_cast %get3A_874 : i32 to index
        %get3A_876 = arith.index_cast %add3A_873 : i32 to index
        %get3A_877 = arith.constant 32 : index
        %get3A_878 = tpu.vector_load %arg6[%get3A_875, %get3A_876, %get3A_877] {strides = array<i32>} : memref<4x200x64xf32, #tpu.memory_space<vmem>>, vector<1x1x16xf32>,
        %get3A_879 = vector.shape_cast %get3A_878 : vector<1x1x16xf32> to vector<16xf32>
        %add3A_880 = arith.addf %add3A_871, %get3A_879 : vector<16xf32>
        %add3A_881 = arith.constant 21 : i32
        %add3A_882 = arith.addi %add3A_215, %add3A_881 : i32
        %get3A_883 = arith.constant 0 : i32
        %get3A_884 = arith.index_cast %get3A_883 : i32 to index
        %get3A_885 = arith.index_cast %add3A_882 : i32 to index
        %get3A_886 = arith.constant 32 : index
        %get3A_887 = tpu.vector_load %arg6[%get3A_884, %get3A_885, %get3A_886] {strides = array<i32>} : memref<4x200x64xf32, #tpu.memory_space<vmem>>, vector<1x1x16xf32>,
        %get3A_888 = vector.shape_cast %get3A_887 : vector<1x1x16xf32> to vector<16xf32>
        %add3A_889 = arith.addf %add3A_880, %get3A_888 : vector<16xf32>
        %add3A_890 = arith.constant 23 : i32
        %add3A_891 = arith.addi %add3A_215, %add3A_890 : i32
        %get3A_892 = arith.constant 0 : i32
        %get3A_893 = arith.index_cast %get3A_892 : i32 to index
        %get3A_894 = arith.index_cast %add3A_891 : i32 to index
        %get3A_895 = arith.constant 32 : index
        %get3A_896 = tpu.vector_load %arg6[%get3A_893, %get3A_894, %get3A_895] {strides = array<i32>} : memref<4x200x64xf32, #tpu.memory_space<vmem>>, vector<1x1x16xf32>,
        %get3A_897 = vector.shape_cast %get3A_896 : vector<1x1x16xf32> to vector<16xf32>
        %add3A_898 = arith.addf %add3A_889, %get3A_897 : vector<16xf32>
        %get3A_899 = arith.index_cast %add3A_100 : i32 to index
        %get3A_900 = arith.constant 32 : index
        %get3A_901 = tpu.vector_load %arg7[%get3A_899, %get3A_900] {strides = array<i32>} : memref<128x64xf32, #tpu.memory_space<vmem>>, vector<1x16xf32>,
        %get3A_902 = vector.shape_cast %get3A_901 : vector<1x16xf32> to vector<16xf32>
        %add3A_903 = arith.addf %add3A_799, %add3A_898 : vector<16xf32>
        %add3A_904 = arith.addf %get3A_902, %add3A_903 : vector<16xf32>
        %swap3A_905 = arith.index_cast %add3A_100 : i32 to index
        %swap3A_906 = arith.constant 32 : index
        %swap3A_907 = tpu.vector_load %arg7[%swap3A_905, %swap3A_906] {strides = array<i32>} : memref<128x64xf32, #tpu.memory_space<vmem>>, vector<1x16xf32>,
        %swap3A_908 = vector.shape_cast %swap3A_907 : vector<1x16xf32> to vector<16xf32>
        %swap3A_909 = vector.shape_cast %add3A_904 : vector<16xf32> to vector<1x16xf32>
        tpu.vector_store %arg7[%swap3A_905, %swap3A_906], %swap3A_909 {strides = array<i32>} : memref<128x64xf32, #tpu.memory_space<vmem>>, vector<1x16xf32>,
        %get3A_910 = arith.constant 0 : i32
        %get3A_911 = arith.index_cast %get3A_910 : i32 to index
        %get3A_912 = arith.index_cast %add3A_215 : i32 to index
        %get3A_913 = arith.constant 48 : index
        %get3A_914 = tpu.vector_load %arg6[%get3A_911, %get3A_912, %get3A_913] {strides = array<i32>} : memref<4x200x64xf32, #tpu.memory_space<vmem>>, vector<1x1x16xf32>,
        %get3A_915 = vector.shape_cast %get3A_914 : vector<1x1x16xf32> to vector<16xf32>
        %add3A_916 = arith.constant 1 : i32
        %add3A_917 = arith.addi %add3A_215, %add3A_916 : i32
        %get3A_918 = arith.constant 0 : i32
        %get3A_919 = arith.index_cast %get3A_918 : i32 to index
        %get3A_920 = arith.index_cast %add3A_917 : i32 to index
        %get3A_921 = arith.constant 48 : index
        %get3A_922 = tpu.vector_load %arg6[%get3A_919, %get3A_920, %get3A_921] {strides = array<i32>} : memref<4x200x64xf32, #tpu.memory_space<vmem>>, vector<1x1x16xf32>,
        %get3A_923 = vector.shape_cast %get3A_922 : vector<1x1x16xf32> to vector<16xf32>
        %add3A_924 = arith.constant 2 : i32
        %add3A_925 = arith.addi %add3A_215, %add3A_924 : i32
        %get3A_926 = arith.constant 0 : i32
        %get3A_927 = arith.index_cast %get3A_926 : i32 to index
        %get3A_928 = arith.index_cast %add3A_925 : i32 to index
        %get3A_929 = arith.constant 48 : index
        %get3A_930 = tpu.vector_load %arg6[%get3A_927, %get3A_928, %get3A_929] {strides = array<i32>} : memref<4x200x64xf32, #tpu.memory_space<vmem>>, vector<1x1x16xf32>,
        %get3A_931 = vector.shape_cast %get3A_930 : vector<1x1x16xf32> to vector<16xf32>
        %add3A_932 = arith.addf %get3A_915, %get3A_931 : vector<16xf32>
        %add3A_933 = arith.constant 4 : i32
        %add3A_934 = arith.addi %add3A_215, %add3A_933 : i32
        %get3A_935 = arith.constant 0 : i32
        %get3A_936 = arith.index_cast %get3A_935 : i32 to index
        %get3A_937 = arith.index_cast %add3A_934 : i32 to index
        %get3A_938 = arith.constant 48 : index
        %get3A_939 = tpu.vector_load %arg6[%get3A_936, %get3A_937, %get3A_938] {strides = array<i32>} : memref<4x200x64xf32, #tpu.memory_space<vmem>>, vector<1x1x16xf32>,
        %get3A_940 = vector.shape_cast %get3A_939 : vector<1x1x16xf32> to vector<16xf32>
        %add3A_941 = arith.addf %add3A_932, %get3A_940 : vector<16xf32>
        %add3A_942 = arith.constant 6 : i32
        %add3A_943 = arith.addi %add3A_215, %add3A_942 : i32
        %get3A_944 = arith.constant 0 : i32
        %get3A_945 = arith.index_cast %get3A_944 : i32 to index
        %get3A_946 = arith.index_cast %add3A_943 : i32 to index
        %get3A_947 = arith.constant 48 : index
        %get3A_948 = tpu.vector_load %arg6[%get3A_945, %get3A_946, %get3A_947] {strides = array<i32>} : memref<4x200x64xf32, #tpu.memory_space<vmem>>, vector<1x1x16xf32>,
        %get3A_949 = vector.shape_cast %get3A_948 : vector<1x1x16xf32> to vector<16xf32>
        %add3A_950 = arith.addf %add3A_941, %get3A_949 : vector<16xf32>
        %add3A_951 = arith.constant 8 : i32
        %add3A_952 = arith.addi %add3A_215, %add3A_951 : i32
        %get3A_953 = arith.constant 0 : i32
        %get3A_954 = arith.index_cast %get3A_953 : i32 to index
        %get3A_955 = arith.index_cast %add3A_952 : i32 to index
        %get3A_956 = arith.constant 48 : index
        %get3A_957 = tpu.vector_load %arg6[%get3A_954, %get3A_955, %get3A_956] {strides = array<i32>} : memref<4x200x64xf32, #tpu.memory_space<vmem>>, vector<1x1x16xf32>,
        %get3A_958 = vector.shape_cast %get3A_957 : vector<1x1x16xf32> to vector<16xf32>
        %add3A_959 = arith.addf %add3A_950, %get3A_958 : vector<16xf32>
        %add3A_960 = arith.constant 10 : i32
        %add3A_961 = arith.addi %add3A_215, %add3A_960 : i32
        %get3A_962 = arith.constant 0 : i32
        %get3A_963 = arith.index_cast %get3A_962 : i32 to index
        %get3A_964 = arith.index_cast %add3A_961 : i32 to index
        %get3A_965 = arith.constant 48 : index
        %get3A_966 = tpu.vector_load %arg6[%get3A_963, %get3A_964, %get3A_965] {strides = array<i32>} : memref<4x200x64xf32, #tpu.memory_space<vmem>>, vector<1x1x16xf32>,
        %get3A_967 = vector.shape_cast %get3A_966 : vector<1x1x16xf32> to vector<16xf32>
        %add3A_968 = arith.addf %add3A_959, %get3A_967 : vector<16xf32>
        %add3A_969 = arith.constant 12 : i32
        %add3A_970 = arith.addi %add3A_215, %add3A_969 : i32
        %get3A_971 = arith.constant 0 : i32
        %get3A_972 = arith.index_cast %get3A_971 : i32 to index
        %get3A_973 = arith.index_cast %add3A_970 : i32 to index
        %get3A_974 = arith.constant 48 : index
        %get3A_975 = tpu.vector_load %arg6[%get3A_972, %get3A_973, %get3A_974] {strides = array<i32>} : memref<4x200x64xf32, #tpu.memory_space<vmem>>, vector<1x1x16xf32>,
        %get3A_976 = vector.shape_cast %get3A_975 : vector<1x1x16xf32> to vector<16xf32>
        %add3A_977 = arith.addf %add3A_968, %get3A_976 : vector<16xf32>
        %add3A_978 = arith.constant 14 : i32
        %add3A_979 = arith.addi %add3A_215, %add3A_978 : i32
        %get3A_980 = arith.constant 0 : i32
        %get3A_981 = arith.index_cast %get3A_980 : i32 to index
        %get3A_982 = arith.index_cast %add3A_979 : i32 to index
        %get3A_983 = arith.constant 48 : index
        %get3A_984 = tpu.vector_load %arg6[%get3A_981, %get3A_982, %get3A_983] {strides = array<i32>} : memref<4x200x64xf32, #tpu.memory_space<vmem>>, vector<1x1x16xf32>,
        %get3A_985 = vector.shape_cast %get3A_984 : vector<1x1x16xf32> to vector<16xf32>
        %add3A_986 = arith.addf %add3A_977, %get3A_985 : vector<16xf32>
        %add3A_987 = arith.constant 16 : i32
        %add3A_988 = arith.addi %add3A_215, %add3A_987 : i32
        %get3A_989 = arith.constant 0 : i32
        %get3A_990 = arith.index_cast %get3A_989 : i32 to index
        %get3A_991 = arith.index_cast %add3A_988 : i32 to index
        %get3A_992 = arith.constant 48 : index
        %get3A_993 = tpu.vector_load %arg6[%get3A_990, %get3A_991, %get3A_992] {strides = array<i32>} : memref<4x200x64xf32, #tpu.memory_space<vmem>>, vector<1x1x16xf32>,
        %get3A_994 = vector.shape_cast %get3A_993 : vector<1x1x16xf32> to vector<16xf32>
        %add3A_995 = arith.addf %add3A_986, %get3A_994 : vector<16xf32>
        %add3A_996 = arith.constant 18 : i32
        %add3A_997 = arith.addi %add3A_215, %add3A_996 : i32
        %get3A_998 = arith.constant 0 : i32
        %get3A_999 = arith.index_cast %get3A_998 : i32 to index
        %get3A_1000 = arith.index_cast %add3A_997 : i32 to index
        %get3A_1001 = arith.constant 48 : index
        %get3A_1002 = tpu.vector_load %arg6[%get3A_999, %get3A_1000, %get3A_1001] {strides = array<i32>} : memref<4x200x64xf32, #tpu.memory_space<vmem>>, vector<1x1x16xf32>,
        %get3A_1003 = vector.shape_cast %get3A_1002 : vector<1x1x16xf32> to vector<16xf32>
        %add3A_1004 = arith.addf %add3A_995, %get3A_1003 : vector<16xf32>
        %add3A_1005 = arith.constant 20 : i32
        %add3A_1006 = arith.addi %add3A_215, %add3A_1005 : i32
        %get3A_1007 = arith.constant 0 : i32
        %get3A_1008 = arith.index_cast %get3A_1007 : i32 to index
        %get3A_1009 = arith.index_cast %add3A_1006 : i32 to index
        %get3A_1010 = arith.constant 48 : index
        %get3A_1011 = tpu.vector_load %arg6[%get3A_1008, %get3A_1009, %get3A_1010] {strides = array<i32>} : memref<4x200x64xf32, #tpu.memory_space<vmem>>, vector<1x1x16xf32>,
        %get3A_1012 = vector.shape_cast %get3A_1011 : vector<1x1x16xf32> to vector<16xf32>
        %add3A_1013 = arith.addf %add3A_1004, %get3A_1012 : vector<16xf32>
        %add3A_1014 = arith.constant 22 : i32
        %add3A_1015 = arith.addi %add3A_215, %add3A_1014 : i32
        %get3A_1016 = arith.constant 0 : i32
        %get3A_1017 = arith.index_cast %get3A_1016 : i32 to index
        %get3A_1018 = arith.index_cast %add3A_1015 : i32 to index
        %get3A_1019 = arith.constant 48 : index
        %get3A_1020 = tpu.vector_load %arg6[%get3A_1017, %get3A_1018, %get3A_1019] {strides = array<i32>} : memref<4x200x64xf32, #tpu.memory_space<vmem>>, vector<1x1x16xf32>,
        %get3A_1021 = vector.shape_cast %get3A_1020 : vector<1x1x16xf32> to vector<16xf32>
        %add3A_1022 = arith.addf %add3A_1013, %get3A_1021 : vector<16xf32>
        %add3A_1023 = arith.constant 24 : i32
        %add3A_1024 = arith.addi %add3A_215, %add3A_1023 : i32
        %get3A_1025 = arith.constant 0 : i32
        %get3A_1026 = arith.index_cast %get3A_1025 : i32 to index
        %get3A_1027 = arith.index_cast %add3A_1024 : i32 to index
        %get3A_1028 = arith.constant 48 : index
        %get3A_1029 = tpu.vector_load %arg6[%get3A_1026, %get3A_1027, %get3A_1028] {strides = array<i32>} : memref<4x200x64xf32, #tpu.memory_space<vmem>>, vector<1x1x16xf32>,
        %get3A_1030 = vector.shape_cast %get3A_1029 : vector<1x1x16xf32> to vector<16xf32>
        %add3A_1031 = arith.addf %add3A_1022, %get3A_1030 : vector<16xf32>
        %add3A_1032 = arith.constant 3 : i32
        %add3A_1033 = arith.addi %add3A_215, %add3A_1032 : i32
        %get3A_1034 = arith.constant 0 : i32
        %get3A_1035 = arith.index_cast %get3A_1034 : i32 to index
        %get3A_1036 = arith.index_cast %add3A_1033 : i32 to index
        %get3A_1037 = arith.constant 48 : index
        %get3A_1038 = tpu.vector_load %arg6[%get3A_1035, %get3A_1036, %get3A_1037] {strides = array<i32>} : memref<4x200x64xf32, #tpu.memory_space<vmem>>, vector<1x1x16xf32>,
        %get3A_1039 = vector.shape_cast %get3A_1038 : vector<1x1x16xf32> to vector<16xf32>
        %add3A_1040 = arith.addf %get3A_923, %get3A_1039 : vector<16xf32>
        %add3A_1041 = arith.constant 5 : i32
        %add3A_1042 = arith.addi %add3A_215, %add3A_1041 : i32
        %get3A_1043 = arith.constant 0 : i32
        %get3A_1044 = arith.index_cast %get3A_1043 : i32 to index
        %get3A_1045 = arith.index_cast %add3A_1042 : i32 to index
        %get3A_1046 = arith.constant 48 : index
        %get3A_1047 = tpu.vector_load %arg6[%get3A_1044, %get3A_1045, %get3A_1046] {strides = array<i32>} : memref<4x200x64xf32, #tpu.memory_space<vmem>>, vector<1x1x16xf32>,
        %get3A_1048 = vector.shape_cast %get3A_1047 : vector<1x1x16xf32> to vector<16xf32>
        %add3A_1049 = arith.addf %add3A_1040, %get3A_1048 : vector<16xf32>
        %add3A_1050 = arith.constant 7 : i32
        %add3A_1051 = arith.addi %add3A_215, %add3A_1050 : i32
        %get3A_1052 = arith.constant 0 : i32
        %get3A_1053 = arith.index_cast %get3A_1052 : i32 to index
        %get3A_1054 = arith.index_cast %add3A_1051 : i32 to index
        %get3A_1055 = arith.constant 48 : index
        %get3A_1056 = tpu.vector_load %arg6[%get3A_1053, %get3A_1054, %get3A_1055] {strides = array<i32>} : memref<4x200x64xf32, #tpu.memory_space<vmem>>, vector<1x1x16xf32>,
        %get3A_1057 = vector.shape_cast %get3A_1056 : vector<1x1x16xf32> to vector<16xf32>
        %add3A_1058 = arith.addf %add3A_1049, %get3A_1057 : vector<16xf32>
        %add3A_1059 = arith.constant 9 : i32
        %add3A_1060 = arith.addi %add3A_215, %add3A_1059 : i32
        %get3A_1061 = arith.constant 0 : i32
        %get3A_1062 = arith.index_cast %get3A_1061 : i32 to index
        %get3A_1063 = arith.index_cast %add3A_1060 : i32 to index
        %get3A_1064 = arith.constant 48 : index
        %get3A_1065 = tpu.vector_load %arg6[%get3A_1062, %get3A_1063, %get3A_1064] {strides = array<i32>} : memref<4x200x64xf32, #tpu.memory_space<vmem>>, vector<1x1x16xf32>,
        %get3A_1066 = vector.shape_cast %get3A_1065 : vector<1x1x16xf32> to vector<16xf32>
        %add3A_1067 = arith.addf %add3A_1058, %get3A_1066 : vector<16xf32>
        %add3A_1068 = arith.constant 11 : i32
        %add3A_1069 = arith.addi %add3A_215, %add3A_1068 : i32
        %get3A_1070 = arith.constant 0 : i32
        %get3A_1071 = arith.index_cast %get3A_1070 : i32 to index
        %get3A_1072 = arith.index_cast %add3A_1069 : i32 to index
        %get3A_1073 = arith.constant 48 : index
        %get3A_1074 = tpu.vector_load %arg6[%get3A_1071, %get3A_1072, %get3A_1073] {strides = array<i32>} : memref<4x200x64xf32, #tpu.memory_space<vmem>>, vector<1x1x16xf32>,
        %get3A_1075 = vector.shape_cast %get3A_1074 : vector<1x1x16xf32> to vector<16xf32>
        %add3A_1076 = arith.addf %add3A_1067, %get3A_1075 : vector<16xf32>
        %add3A_1077 = arith.constant 13 : i32
        %add3A_1078 = arith.addi %add3A_215, %add3A_1077 : i32
        %get3A_1079 = arith.constant 0 : i32
        %get3A_1080 = arith.index_cast %get3A_1079 : i32 to index
        %get3A_1081 = arith.index_cast %add3A_1078 : i32 to index
        %get3A_1082 = arith.constant 48 : index
        %get3A_1083 = tpu.vector_load %arg6[%get3A_1080, %get3A_1081, %get3A_1082] {strides = array<i32>} : memref<4x200x64xf32, #tpu.memory_space<vmem>>, vector<1x1x16xf32>,
        %get3A_1084 = vector.shape_cast %get3A_1083 : vector<1x1x16xf32> to vector<16xf32>
        %add3A_1085 = arith.addf %add3A_1076, %get3A_1084 : vector<16xf32>
        %add3A_1086 = arith.constant 15 : i32
        %add3A_1087 = arith.addi %add3A_215, %add3A_1086 : i32
        %get3A_1088 = arith.constant 0 : i32
        %get3A_1089 = arith.index_cast %get3A_1088 : i32 to index
        %get3A_1090 = arith.index_cast %add3A_1087 : i32 to index
        %get3A_1091 = arith.constant 48 : index
        %get3A_1092 = tpu.vector_load %arg6[%get3A_1089, %get3A_1090, %get3A_1091] {strides = array<i32>} : memref<4x200x64xf32, #tpu.memory_space<vmem>>, vector<1x1x16xf32>,
        %get3A_1093 = vector.shape_cast %get3A_1092 : vector<1x1x16xf32> to vector<16xf32>
        %add3A_1094 = arith.addf %add3A_1085, %get3A_1093 : vector<16xf32>
        %add3A_1095 = arith.constant 17 : i32
        %add3A_1096 = arith.addi %add3A_215, %add3A_1095 : i32
        %get3A_1097 = arith.constant 0 : i32
        %get3A_1098 = arith.index_cast %get3A_1097 : i32 to index
        %get3A_1099 = arith.index_cast %add3A_1096 : i32 to index
        %get3A_1100 = arith.constant 48 : index
        %get3A_1101 = tpu.vector_load %arg6[%get3A_1098, %get3A_1099, %get3A_1100] {strides = array<i32>} : memref<4x200x64xf32, #tpu.memory_space<vmem>>, vector<1x1x16xf32>,
        %get3A_1102 = vector.shape_cast %get3A_1101 : vector<1x1x16xf32> to vector<16xf32>
        %add3A_1103 = arith.addf %add3A_1094, %get3A_1102 : vector<16xf32>
        %add3A_1104 = arith.constant 19 : i32
        %add3A_1105 = arith.addi %add3A_215, %add3A_1104 : i32
        %get3A_1106 = arith.constant 0 : i32
        %get3A_1107 = arith.index_cast %get3A_1106 : i32 to index
        %get3A_1108 = arith.index_cast %add3A_1105 : i32 to index
        %get3A_1109 = arith.constant 48 : index
        %get3A_1110 = tpu.vector_load %arg6[%get3A_1107, %get3A_1108, %get3A_1109] {strides = array<i32>} : memref<4x200x64xf32, #tpu.memory_space<vmem>>, vector<1x1x16xf32>,
        %get3A_1111 = vector.shape_cast %get3A_1110 : vector<1x1x16xf32> to vector<16xf32>
        %add3A_1112 = arith.addf %add3A_1103, %get3A_1111 : vector<16xf32>
        %add3A_1113 = arith.constant 21 : i32
        %add3A_1114 = arith.addi %add3A_215, %add3A_1113 : i32
        %get3A_1115 = arith.constant 0 : i32
        %get3A_1116 = arith.index_cast %get3A_1115 : i32 to index
        %get3A_1117 = arith.index_cast %add3A_1114 : i32 to index
        %get3A_1118 = arith.constant 48 : index
        %get3A_1119 = tpu.vector_load %arg6[%get3A_1116, %get3A_1117, %get3A_1118] {strides = array<i32>} : memref<4x200x64xf32, #tpu.memory_space<vmem>>, vector<1x1x16xf32>,
        %get3A_1120 = vector.shape_cast %get3A_1119 : vector<1x1x16xf32> to vector<16xf32>
        %add3A_1121 = arith.addf %add3A_1112, %get3A_1120 : vector<16xf32>
        %add3A_1122 = arith.constant 23 : i32
        %add3A_1123 = arith.addi %add3A_215, %add3A_1122 : i32
        %get3A_1124 = arith.constant 0 : i32
        %get3A_1125 = arith.index_cast %get3A_1124 : i32 to index
        %get3A_1126 = arith.index_cast %add3A_1123 : i32 to index
        %get3A_1127 = arith.constant 48 : index
        %get3A_1128 = tpu.vector_load %arg6[%get3A_1125, %get3A_1126, %get3A_1127] {strides = array<i32>} : memref<4x200x64xf32, #tpu.memory_space<vmem>>, vector<1x1x16xf32>,
        %get3A_1129 = vector.shape_cast %get3A_1128 : vector<1x1x16xf32> to vector<16xf32>
        %add3A_1130 = arith.addf %add3A_1121, %get3A_1129 : vector<16xf32>
        %get3A_1131 = arith.index_cast %add3A_100 : i32 to index
        %get3A_1132 = arith.constant 48 : index
        %get3A_1133 = tpu.vector_load %arg7[%get3A_1131, %get3A_1132] {strides = array<i32>} : memref<128x64xf32, #tpu.memory_space<vmem>>, vector<1x16xf32>,
        %get3A_1134 = vector.shape_cast %get3A_1133 : vector<1x16xf32> to vector<16xf32>
        %add3A_1135 = arith.addf %add3A_1031, %add3A_1130 : vector<16xf32>
        %add3A_1136 = arith.addf %get3A_1134, %add3A_1135 : vector<16xf32>
        %swap3A_1137 = arith.index_cast %add3A_100 : i32 to index
        %swap3A_1138 = arith.constant 48 : index
        %swap3A_1139 = tpu.vector_load %arg7[%swap3A_1137, %swap3A_1138] {strides = array<i32>} : memref<128x64xf32, #tpu.memory_space<vmem>>, vector<1x16xf32>,
        %swap3A_1140 = vector.shape_cast %swap3A_1139 : vector<1x16xf32> to vector<16xf32>
        %swap3A_1141 = vector.shape_cast %add3A_1136 : vector<16xf32> to vector<1x16xf32>
        tpu.vector_store %arg7[%swap3A_1137, %swap3A_1138], %swap3A_1141 {strides = array<i32>} : memref<128x64xf32, #tpu.memory_space<vmem>>, vector<1x16xf32>,
      }
      %scan3A_119 = arith.constant 8 : i32
      %add3A_120 = arith.constant 4 : i32
      %add3A_121 = arith.addi %add3A_100, %add3A_120 : i32
      %lt3A = arith.constant 128 : i32
      %lt3A_122 = arith.cmpi slt, %add3A_121, %lt3A : i32
      %convert_element_type3A = arith.extui %lt3A_122 : i1 to i32
      %cond3A = arith.constant 0 : i32
      %cond3A_123 = arith.cmpi ne, %convert_element_type3A, %cond3A : i32
      scf.if %cond3A_123 {
        %mul3A_211 = arith.constant 200 : i32
        %mul3A_212 = arith.muli %add3A_121, %mul3A_211 : i32
        %dma_start3A_213 = arith.constant 0 : i32
        %dma_start3A_214 = arith.constant 0 : i32
        %dma_start3A_215 = arith.constant 0 : i32
        %dma_start3A_216 = tpu.memref_slice %arg6[%dma_start3A_213, %dma_start3A_214, %dma_start3A_215] : memref<4x200x64xf32, #tpu.memory_space<vmem>> -> memref<1x120x64xf32, #tpu.memory_space<vmem>>
        %dma_start3A_217 = tpu.memref_squeeze %dma_start3A_216 : memref<1x120x64xf32, #tpu.memory_space<vmem>> -> memref<120x64xf32, #tpu.memory_space<vmem>>
        %dma_start3A_218 = tpu.memref_slice %arg5[%mul3A_212] : memref<25600xi32, #tpu.memory_space<vmem>> -> memref<120xi32, #tpu.memory_space<vmem>>
        %dma_start3A_219 = arith.constant 0 : i32
        %dma_start3A_220 = arith.constant 0 : i32
        %dma_start3A_221 = tpu.memref_slice %arg2[%dma_start3A_219, %dma_start3A_220] : memref<1015808x64xf32, #tpu.memory_space<hbm>> -> memref<1015808x64xf32, #tpu.memory_space<hbm>>
        tpu.enqueue_indirect_dma source(%dma_start3A_221 : memref<1015808x64xf32, #tpu.memory_space<hbm>>) target(%dma_start3A_217 : memref<120x64xf32, #tpu.memory_space<vmem>>) offsets(%dma_start3A_218 : memref<120xi32, #tpu.memory_space<vmem>>) semaphore(%arg8 : memref<!tpu.dma_semaphore, #tpu.memory_space<semaphore_mem>>)
        %add3A_222 = arith.constant 120 : i32
        %add3A_223 = arith.addi %mul3A_212, %add3A_222 : i32
        %dma_start3A_224 = arith.constant 0 : i32
        %dma_start3A_225 = arith.constant 120 : i32
        %dma_start3A_226 = arith.constant 0 : i32
        %dma_start3A_227 = tpu.memref_slice %arg6[%dma_start3A_224, %dma_start3A_225, %dma_start3A_226] : memref<4x200x64xf32, #tpu.memory_space<vmem>> -> memref<1x80x64xf32, #tpu.memory_space<vmem>>
        %dma_start3A_228 = tpu.memref_squeeze %dma_start3A_227 : memref<1x80x64xf32, #tpu.memory_space<vmem>> -> memref<80x64xf32, #tpu.memory_space<vmem>>
        %dma_start3A_229 = tpu.memref_slice %arg5[%add3A_223] : memref<25600xi32, #tpu.memory_space<vmem>> -> memref<80xi32, #tpu.memory_space<vmem>>
        %dma_start3A_230 = arith.constant 0 : i32
        %dma_start3A_231 = arith.constant 0 : i32
        %dma_start3A_232 = tpu.memref_slice %arg2[%dma_start3A_230, %dma_start3A_231] : memref<1015808x64xf32, #tpu.memory_space<hbm>> -> memref<1015808x64xf32, #tpu.memory_space<hbm>>
        tpu.enqueue_indirect_dma source(%dma_start3A_232 : memref<1015808x64xf32, #tpu.memory_space<hbm>>) target(%dma_start3A_228 : memref<80x64xf32, #tpu.memory_space<vmem>>) offsets(%dma_start3A_229 : memref<80xi32, #tpu.memory_space<vmem>>) semaphore(%arg8 : memref<!tpu.dma_semaphore, #tpu.memory_space<semaphore_mem>>)
      } else {
      }
      %add3A_124 = arith.constant 1 : i32
      %add3A_125 = arith.addi %add3A_98, %add3A_124 : i32
      %dma_wait3A_126 = arith.constant 1 : i32
      %dma_wait3A_127 = arith.constant 0 : i32
      %dma_wait3A_128 = arith.constant 0 : i32
      %dma_wait3A_129 = tpu.memref_slice %arg6[%dma_wait3A_126, %dma_wait3A_127, %dma_wait3A_128] : memref<4x200x64xf32, #tpu.memory_space<vmem>> -> memref<1x200x64xf32, #tpu.memory_space<vmem>>
      %dma_wait3A_130 = tpu.memref_squeeze %dma_wait3A_129 : memref<1x200x64xf32, #tpu.memory_space<vmem>> -> memref<200x64xf32, #tpu.memory_space<vmem>>
      %dma_wait3A_131 = arith.constant 0 : i32
      %dma_wait3A_132 = arith.constant 0 : i32
      %dma_wait3A_133 = tpu.memref_slice %arg4[%dma_wait3A_131, %dma_wait3A_132] : memref<4096x64xf32, #tpu.memory_space<hbm>> -> memref<200x64xf32, #tpu.memory_space<hbm>>
      %dma_wait3A_134 = arith.constant 0 : i32
      %dma_wait3A_135 = arith.constant 0 : i32
      %dma_wait3A_136 = tpu.memref_slice %arg6[%dma_wait3A_126, %dma_wait3A_134, %dma_wait3A_135] : memref<4x200x64xf32, #tpu.memory_space<vmem>> -> memref<1x200x64xf32, #tpu.memory_space<vmem>>
      %dma_wait3A_137 = tpu.memref_squeeze %dma_wait3A_136 : memref<1x200x64xf32, #tpu.memory_space<vmem>> -> memref<200x64xf32, #tpu.memory_space<vmem>>
      %dma_wait3A_138 = arith.constant 0 : i32
      %dma_wait3A_139 = arith.constant 0 : i32
      %dma_wait3A_140 = tpu.memref_slice %arg4[%dma_wait3A_138, %dma_wait3A_139] : memref<4096x64xf32, #tpu.memory_space<hbm>> -> memref<200x64xf32, #tpu.memory_space<hbm>>
      tpu.wait_dma2 semaphore(%arg9 : memref<!tpu.dma_semaphore, #tpu.memory_space<semaphore_mem>>) src(%dma_wait3A_140 : memref<200x64xf32, #tpu.memory_space<hbm>>) dst(%dma_wait3A_137 : memref<200x64xf32, #tpu.memory_space<vmem>>)
      %scan3A_141 = arith.constant 0 : i32
      %scan3A_142 = arith.constant 8 : i32
      %scan3A_143 = arith.addi %scan3A_141, %scan3A_142 : i32
      %scan3A_144 = arith.constant 1 : i32
      scf.for %scan3A_211 = %scan3A_141 to %scan3A_143 step %scan3A_144  : i32 {
        %mul3A_212 = arith.constant 25 : i32
        %mul3A_213 = arith.muli %scan3A_211, %mul3A_212 : i32
        %add3A_214 = arith.constant 0 : i32
        %add3A_215 = arith.addi %add3A_214, %mul3A_213 : i32
        %get3A = arith.constant 1 : i32
        %get3A_216 = arith.index_cast %get3A : i32 to index
        %get3A_217 = arith.index_cast %add3A_215 : i32 to index
        %get3A_218 = arith.constant 0 : index
        %get3A_219 = tpu.vector_load %arg6[%get3A_216, %get3A_217, %get3A_218] {strides = array<i32>} : memref<4x200x64xf32, #tpu.memory_space<vmem>>, vector<1x1x16xf32>,
        %get3A_220 = vector.shape_cast %get3A_219 : vector<1x1x16xf32> to vector<16xf32>
        %add3A_221 = arith.constant 1 : i32
        %add3A_222 = arith.addi %add3A_215, %add3A_221 : i32
        %get3A_223 = arith.constant 1 : i32
        %get3A_224 = arith.index_cast %get3A_223 : i32 to index
        %get3A_225 = arith.index_cast %add3A_222 : i32 to index
        %get3A_226 = arith.constant 0 : index
        %get3A_227 = tpu.vector_load %arg6[%get3A_224, %get3A_225, %get3A_226] {strides = array<i32>} : memref<4x200x64xf32, #tpu.memory_space<vmem>>, vector<1x1x16xf32>,
        %get3A_228 = vector.shape_cast %get3A_227 : vector<1x1x16xf32> to vector<16xf32>
        %add3A_229 = arith.constant 2 : i32
        %add3A_230 = arith.addi %add3A_215, %add3A_229 : i32
        %get3A_231 = arith.constant 1 : i32
        %get3A_232 = arith.index_cast %get3A_231 : i32 to index
        %get3A_233 = arith.index_cast %add3A_230 : i32 to index
        %get3A_234 = arith.constant 0 : index
        %get3A_235 = tpu.vector_load %arg6[%get3A_232, %get3A_233, %get3A_234] {strides = array<i32>} : memref<4x200x64xf32, #tpu.memory_space<vmem>>, vector<1x1x16xf32>,
        %get3A_236 = vector.shape_cast %get3A_235 : vector<1x1x16xf32> to vector<16xf32>
        %add3A_237 = arith.addf %get3A_220, %get3A_236 : vector<16xf32>
        %add3A_238 = arith.constant 4 : i32
        %add3A_239 = arith.addi %add3A_215, %add3A_238 : i32
        %get3A_240 = arith.constant 1 : i32
        %get3A_241 = arith.index_cast %get3A_240 : i32 to index
        %get3A_242 = arith.index_cast %add3A_239 : i32 to index
        %get3A_243 = arith.constant 0 : index
        %get3A_244 = tpu.vector_load %arg6[%get3A_241, %get3A_242, %get3A_243] {strides = array<i32>} : memref<4x200x64xf32, #tpu.memory_space<vmem>>, vector<1x1x16xf32>,
        %get3A_245 = vector.shape_cast %get3A_244 : vector<1x1x16xf32> to vector<16xf32>
        %add3A_246 = arith.addf %add3A_237, %get3A_245 : vector<16xf32>
        %add3A_247 = arith.constant 6 : i32
        %add3A_248 = arith.addi %add3A_215, %add3A_247 : i32
        %get3A_249 = arith.constant 1 : i32
        %get3A_250 = arith.index_cast %get3A_249 : i32 to index
        %get3A_251 = arith.index_cast %add3A_248 : i32 to index
        %get3A_252 = arith.constant 0 : index
        %get3A_253 = tpu.vector_load %arg6[%get3A_250, %get3A_251, %get3A_252] {strides = array<i32>} : memref<4x200x64xf32, #tpu.memory_space<vmem>>, vector<1x1x16xf32>,
        %get3A_254 = vector.shape_cast %get3A_253 : vector<1x1x16xf32> to vector<16xf32>
        %add3A_255 = arith.addf %add3A_246, %get3A_254 : vector<16xf32>
        %add3A_256 = arith.constant 8 : i32
        %add3A_257 = arith.addi %add3A_215, %add3A_256 : i32
        %get3A_258 = arith.constant 1 : i32
        %get3A_259 = arith.index_cast %get3A_258 : i32 to index
        %get3A_260 = arith.index_cast %add3A_257 : i32 to index
        %get3A_261 = arith.constant 0 : index
        %get3A_262 = tpu.vector_load %arg6[%get3A_259, %get3A_260, %get3A_261] {strides = array<i32>} : memref<4x200x64xf32, #tpu.memory_space<vmem>>, vector<1x1x16xf32>,
        %get3A_263 = vector.shape_cast %get3A_262 : vector<1x1x16xf32> to vector<16xf32>
        %add3A_264 = arith.addf %add3A_255, %get3A_263 : vector<16xf32>
        %add3A_265 = arith.constant 10 : i32
        %add3A_266 = arith.addi %add3A_215, %add3A_265 : i32
        %get3A_267 = arith.constant 1 : i32
        %get3A_268 = arith.index_cast %get3A_267 : i32 to index
        %get3A_269 = arith.index_cast %add3A_266 : i32 to index
        %get3A_270 = arith.constant 0 : index
        %get3A_271 = tpu.vector_load %arg6[%get3A_268, %get3A_269, %get3A_270] {strides = array<i32>} : memref<4x200x64xf32, #tpu.memory_space<vmem>>, vector<1x1x16xf32>,
        %get3A_272 = vector.shape_cast %get3A_271 : vector<1x1x16xf32> to vector<16xf32>
        %add3A_273 = arith.addf %add3A_264, %get3A_272 : vector<16xf32>
        %add3A_274 = arith.constant 12 : i32
        %add3A_275 = arith.addi %add3A_215, %add3A_274 : i32
        %get3A_276 = arith.constant 1 : i32
        %get3A_277 = arith.index_cast %get3A_276 : i32 to index
        %get3A_278 = arith.index_cast %add3A_275 : i32 to index
        %get3A_279 = arith.constant 0 : index
        %get3A_280 = tpu.vector_load %arg6[%get3A_277, %get3A_278, %get3A_279] {strides = array<i32>} : memref<4x200x64xf32, #tpu.memory_space<vmem>>, vector<1x1x16xf32>,
        %get3A_281 = vector.shape_cast %get3A_280 : vector<1x1x16xf32> to vector<16xf32>
        %add3A_282 = arith.addf %add3A_273, %get3A_281 : vector<16xf32>
        %add3A_283 = arith.constant 14 : i32
        %add3A_284 = arith.addi %add3A_215, %add3A_283 : i32
        %get3A_285 = arith.constant 1 : i32
        %get3A_286 = arith.index_cast %get3A_285 : i32 to index
        %get3A_287 = arith.index_cast %add3A_284 : i32 to index
        %get3A_288 = arith.constant 0 : index
        %get3A_289 = tpu.vector_load %arg6[%get3A_286, %get3A_287, %get3A_288] {strides = array<i32>} : memref<4x200x64xf32, #tpu.memory_space<vmem>>, vector<1x1x16xf32>,
        %get3A_290 = vector.shape_cast %get3A_289 : vector<1x1x16xf32> to vector<16xf32>
        %add3A_291 = arith.addf %add3A_282, %get3A_290 : vector<16xf32>
        %add3A_292 = arith.constant 16 : i32
        %add3A_293 = arith.addi %add3A_215, %add3A_292 : i32
        %get3A_294 = arith.constant 1 : i32
        %get3A_295 = arith.index_cast %get3A_294 : i32 to index
        %get3A_296 = arith.index_cast %add3A_293 : i32 to index
        %get3A_297 = arith.constant 0 : index
        %get3A_298 = tpu.vector_load %arg6[%get3A_295, %get3A_296, %get3A_297] {strides = array<i32>} : memref<4x200x64xf32, #tpu.memory_space<vmem>>, vector<1x1x16xf32>,
        %get3A_299 = vector.shape_cast %get3A_298 : vector<1x1x16xf32> to vector<16xf32>
        %add3A_300 = arith.addf %add3A_291, %get3A_299 : vector<16xf32>
        %add3A_301 = arith.constant 18 : i32
        %add3A_302 = arith.addi %add3A_215, %add3A_301 : i32
        %get3A_303 = arith.constant 1 : i32
        %get3A_304 = arith.index_cast %get3A_303 : i32 to index
        %get3A_305 = arith.index_cast %add3A_302 : i32 to index
        %get3A_306 = arith.constant 0 : index
        %get3A_307 = tpu.vector_load %arg6[%get3A_304, %get3A_305, %get3A_306] {strides = array<i32>} : memref<4x200x64xf32, #tpu.memory_space<vmem>>, vector<1x1x16xf32>,
        %get3A_308 = vector.shape_cast %get3A_307 : vector<1x1x16xf32> to vector<16xf32>
        %add3A_309 = arith.addf %add3A_300, %get3A_308 : vector<16xf32>
        %add3A_310 = arith.constant 20 : i32
        %add3A_311 = arith.addi %add3A_215, %add3A_310 : i32
        %get3A_312 = arith.constant 1 : i32
        %get3A_313 = arith.index_cast %get3A_312 : i32 to index
        %get3A_314 = arith.index_cast %add3A_311 : i32 to index
        %get3A_315 = arith.constant 0 : index
        %get3A_316 = tpu.vector_load %arg6[%get3A_313, %get3A_314, %get3A_315] {strides = array<i32>} : memref<4x200x64xf32, #tpu.memory_space<vmem>>, vector<1x1x16xf32>,
        %get3A_317 = vector.shape_cast %get3A_316 : vector<1x1x16xf32> to vector<16xf32>
        %add3A_318 = arith.addf %add3A_309, %get3A_317 : vector<16xf32>
        %add3A_319 = arith.constant 22 : i32
        %add3A_320 = arith.addi %add3A_215, %add3A_319 : i32
        %get3A_321 = arith.constant 1 : i32
        %get3A_322 = arith.index_cast %get3A_321 : i32 to index
        %get3A_323 = arith.index_cast %add3A_320 : i32 to index
        %get3A_324 = arith.constant 0 : index
        %get3A_325 = tpu.vector_load %arg6[%get3A_322, %get3A_323, %get3A_324] {strides = array<i32>} : memref<4x200x64xf32, #tpu.memory_space<vmem>>, vector<1x1x16xf32>,
        %get3A_326 = vector.shape_cast %get3A_325 : vector<1x1x16xf32> to vector<16xf32>
        %add3A_327 = arith.addf %add3A_318, %get3A_326 : vector<16xf32>
        %add3A_328 = arith.constant 24 : i32
        %add3A_329 = arith.addi %add3A_215, %add3A_328 : i32
        %get3A_330 = arith.constant 1 : i32
        %get3A_331 = arith.index_cast %get3A_330 : i32 to index
        %get3A_332 = arith.index_cast %add3A_329 : i32 to index
        %get3A_333 = arith.constant 0 : index
        %get3A_334 = tpu.vector_load %arg6[%get3A_331, %get3A_332, %get3A_333] {strides = array<i32>} : memref<4x200x64xf32, #tpu.memory_space<vmem>>, vector<1x1x16xf32>,
        %get3A_335 = vector.shape_cast %get3A_334 : vector<1x1x16xf32> to vector<16xf32>
        %add3A_336 = arith.addf %add3A_327, %get3A_335 : vector<16xf32>
        %add3A_337 = arith.constant 3 : i32
        %add3A_338 = arith.addi %add3A_215, %add3A_337 : i32
        %get3A_339 = arith.constant 1 : i32
        %get3A_340 = arith.index_cast %get3A_339 : i32 to index
        %get3A_341 = arith.index_cast %add3A_338 : i32 to index
        %get3A_342 = arith.constant 0 : index
        %get3A_343 = tpu.vector_load %arg6[%get3A_340, %get3A_341, %get3A_342] {strides = array<i32>} : memref<4x200x64xf32, #tpu.memory_space<vmem>>, vector<1x1x16xf32>,
        %get3A_344 = vector.shape_cast %get3A_343 : vector<1x1x16xf32> to vector<16xf32>
        %add3A_345 = arith.addf %get3A_228, %get3A_344 : vector<16xf32>
        %add3A_346 = arith.constant 5 : i32
        %add3A_347 = arith.addi %add3A_215, %add3A_346 : i32
        %get3A_348 = arith.constant 1 : i32
        %get3A_349 = arith.index_cast %get3A_348 : i32 to index
        %get3A_350 = arith.index_cast %add3A_347 : i32 to index
        %get3A_351 = arith.constant 0 : index
        %get3A_352 = tpu.vector_load %arg6[%get3A_349, %get3A_350, %get3A_351] {strides = array<i32>} : memref<4x200x64xf32, #tpu.memory_space<vmem>>, vector<1x1x16xf32>,
        %get3A_353 = vector.shape_cast %get3A_352 : vector<1x1x16xf32> to vector<16xf32>
        %add3A_354 = arith.addf %add3A_345, %get3A_353 : vector<16xf32>
        %add3A_355 = arith.constant 7 : i32
        %add3A_356 = arith.addi %add3A_215, %add3A_355 : i32
        %get3A_357 = arith.constant 1 : i32
        %get3A_358 = arith.index_cast %get3A_357 : i32 to index
        %get3A_359 = arith.index_cast %add3A_356 : i32 to index
        %get3A_360 = arith.constant 0 : index
        %get3A_361 = tpu.vector_load %arg6[%get3A_358, %get3A_359, %get3A_360] {strides = array<i32>} : memref<4x200x64xf32, #tpu.memory_space<vmem>>, vector<1x1x16xf32>,
        %get3A_362 = vector.shape_cast %get3A_361 : vector<1x1x16xf32> to vector<16xf32>
        %add3A_363 = arith.addf %add3A_354, %get3A_362 : vector<16xf32>
        %add3A_364 = arith.constant 9 : i32
        %add3A_365 = arith.addi %add3A_215, %add3A_364 : i32
        %get3A_366 = arith.constant 1 : i32
        %get3A_367 = arith.index_cast %get3A_366 : i32 to index
        %get3A_368 = arith.index_cast %add3A_365 : i32 to index
        %get3A_369 = arith.constant 0 : index
        %get3A_370 = tpu.vector_load %arg6[%get3A_367, %get3A_368, %get3A_369] {strides = array<i32>} : memref<4x200x64xf32, #tpu.memory_space<vmem>>, vector<1x1x16xf32>,
        %get3A_371 = vector.shape_cast %get3A_370 : vector<1x1x16xf32> to vector<16xf32>
        %add3A_372 = arith.addf %add3A_363, %get3A_371 : vector<16xf32>
        %add3A_373 = arith.constant 11 : i32
        %add3A_374 = arith.addi %add3A_215, %add3A_373 : i32
        %get3A_375 = arith.constant 1 : i32
        %get3A_376 = arith.index_cast %get3A_375 : i32 to index
        %get3A_377 = arith.index_cast %add3A_374 : i32 to index
        %get3A_378 = arith.constant 0 : index
        %get3A_379 = tpu.vector_load %arg6[%get3A_376, %get3A_377, %get3A_378] {strides = array<i32>} : memref<4x200x64xf32, #tpu.memory_space<vmem>>, vector<1x1x16xf32>,
        %get3A_380 = vector.shape_cast %get3A_379 : vector<1x1x16xf32> to vector<16xf32>
        %add3A_381 = arith.addf %add3A_372, %get3A_380 : vector<16xf32>
        %add3A_382 = arith.constant 13 : i32
        %add3A_383 = arith.addi %add3A_215, %add3A_382 : i32
        %get3A_384 = arith.constant 1 : i32
        %get3A_385 = arith.index_cast %get3A_384 : i32 to index
        %get3A_386 = arith.index_cast %add3A_383 : i32 to index
        %get3A_387 = arith.constant 0 : index
        %get3A_388 = tpu.vector_load %arg6[%get3A_385, %get3A_386, %get3A_387] {strides = array<i32>} : memref<4x200x64xf32, #tpu.memory_space<vmem>>, vector<1x1x16xf32>,
        %get3A_389 = vector.shape_cast %get3A_388 : vector<1x1x16xf32> to vector<16xf32>
        %add3A_390 = arith.addf %add3A_381, %get3A_389 : vector<16xf32>
        %add3A_391 = arith.constant 15 : i32
        %add3A_392 = arith.addi %add3A_215, %add3A_391 : i32
        %get3A_393 = arith.constant 1 : i32
        %get3A_394 = arith.index_cast %get3A_393 : i32 to index
        %get3A_395 = arith.index_cast %add3A_392 : i32 to index
        %get3A_396 = arith.constant 0 : index
        %get3A_397 = tpu.vector_load %arg6[%get3A_394, %get3A_395, %get3A_396] {strides = array<i32>} : memref<4x200x64xf32, #tpu.memory_space<vmem>>, vector<1x1x16xf32>,
        %get3A_398 = vector.shape_cast %get3A_397 : vector<1x1x16xf32> to vector<16xf32>
        %add3A_399 = arith.addf %add3A_390, %get3A_398 : vector<16xf32>
        %add3A_400 = arith.constant 17 : i32
        %add3A_401 = arith.addi %add3A_215, %add3A_400 : i32
        %get3A_402 = arith.constant 1 : i32
        %get3A_403 = arith.index_cast %get3A_402 : i32 to index
        %get3A_404 = arith.index_cast %add3A_401 : i32 to index
        %get3A_405 = arith.constant 0 : index
        %get3A_406 = tpu.vector_load %arg6[%get3A_403, %get3A_404, %get3A_405] {strides = array<i32>} : memref<4x200x64xf32, #tpu.memory_space<vmem>>, vector<1x1x16xf32>,
        %get3A_407 = vector.shape_cast %get3A_406 : vector<1x1x16xf32> to vector<16xf32>
        %add3A_408 = arith.addf %add3A_399, %get3A_407 : vector<16xf32>
        %add3A_409 = arith.constant 19 : i32
        %add3A_410 = arith.addi %add3A_215, %add3A_409 : i32
        %get3A_411 = arith.constant 1 : i32
        %get3A_412 = arith.index_cast %get3A_411 : i32 to index
        %get3A_413 = arith.index_cast %add3A_410 : i32 to index
        %get3A_414 = arith.constant 0 : index
        %get3A_415 = tpu.vector_load %arg6[%get3A_412, %get3A_413, %get3A_414] {strides = array<i32>} : memref<4x200x64xf32, #tpu.memory_space<vmem>>, vector<1x1x16xf32>,
        %get3A_416 = vector.shape_cast %get3A_415 : vector<1x1x16xf32> to vector<16xf32>
        %add3A_417 = arith.addf %add3A_408, %get3A_416 : vector<16xf32>
        %add3A_418 = arith.constant 21 : i32
        %add3A_419 = arith.addi %add3A_215, %add3A_418 : i32
        %get3A_420 = arith.constant 1 : i32
        %get3A_421 = arith.index_cast %get3A_420 : i32 to index
        %get3A_422 = arith.index_cast %add3A_419 : i32 to index
        %get3A_423 = arith.constant 0 : index
        %get3A_424 = tpu.vector_load %arg6[%get3A_421, %get3A_422, %get3A_423] {strides = array<i32>} : memref<4x200x64xf32, #tpu.memory_space<vmem>>, vector<1x1x16xf32>,
        %get3A_425 = vector.shape_cast %get3A_424 : vector<1x1x16xf32> to vector<16xf32>
        %add3A_426 = arith.addf %add3A_417, %get3A_425 : vector<16xf32>
        %add3A_427 = arith.constant 23 : i32
        %add3A_428 = arith.addi %add3A_215, %add3A_427 : i32
        %get3A_429 = arith.constant 1 : i32
        %get3A_430 = arith.index_cast %get3A_429 : i32 to index
        %get3A_431 = arith.index_cast %add3A_428 : i32 to index
        %get3A_432 = arith.constant 0 : index
        %get3A_433 = tpu.vector_load %arg6[%get3A_430, %get3A_431, %get3A_432] {strides = array<i32>} : memref<4x200x64xf32, #tpu.memory_space<vmem>>, vector<1x1x16xf32>,
        %get3A_434 = vector.shape_cast %get3A_433 : vector<1x1x16xf32> to vector<16xf32>
        %add3A_435 = arith.addf %add3A_426, %get3A_434 : vector<16xf32>
        %get3A_436 = arith.index_cast %add3A_125 : i32 to index
        %get3A_437 = arith.constant 0 : index
        %get3A_438 = tpu.vector_load %arg7[%get3A_436, %get3A_437] {strides = array<i32>} : memref<128x64xf32, #tpu.memory_space<vmem>>, vector<1x16xf32>,
        %get3A_439 = vector.shape_cast %get3A_438 : vector<1x16xf32> to vector<16xf32>
        %add3A_440 = arith.addf %add3A_336, %add3A_435 : vector<16xf32>
        %add3A_441 = arith.addf %get3A_439, %add3A_440 : vector<16xf32>
        %swap3A = arith.index_cast %add3A_125 : i32 to index
        %swap3A_442 = arith.constant 0 : index
        %swap3A_443 = tpu.vector_load %arg7[%swap3A, %swap3A_442] {strides = array<i32>} : memref<128x64xf32, #tpu.memory_space<vmem>>, vector<1x16xf32>,
        %swap3A_444 = vector.shape_cast %swap3A_443 : vector<1x16xf32> to vector<16xf32>
        %swap3A_445 = vector.shape_cast %add3A_441 : vector<16xf32> to vector<1x16xf32>
        tpu.vector_store %arg7[%swap3A, %swap3A_442], %swap3A_445 {strides = array<i32>} : memref<128x64xf32, #tpu.memory_space<vmem>>, vector<1x16xf32>,
        %get3A_446 = arith.constant 1 : i32
        %get3A_447 = arith.index_cast %get3A_446 : i32 to index
        %get3A_448 = arith.index_cast %add3A_215 : i32 to index
        %get3A_449 = arith.constant 16 : index
        %get3A_450 = tpu.vector_load %arg6[%get3A_447, %get3A_448, %get3A_449] {strides = array<i32>} : memref<4x200x64xf32, #tpu.memory_space<vmem>>, vector<1x1x16xf32>,
        %get3A_451 = vector.shape_cast %get3A_450 : vector<1x1x16xf32> to vector<16xf32>
        %add3A_452 = arith.constant 1 : i32
        %add3A_453 = arith.addi %add3A_215, %add3A_452 : i32
        %get3A_454 = arith.constant 1 : i32
        %get3A_455 = arith.index_cast %get3A_454 : i32 to index
        %get3A_456 = arith.index_cast %add3A_453 : i32 to index
        %get3A_457 = arith.constant 16 : index
        %get3A_458 = tpu.vector_load %arg6[%get3A_455, %get3A_456, %get3A_457] {strides = array<i32>} : memref<4x200x64xf32, #tpu.memory_space<vmem>>, vector<1x1x16xf32>,
        %get3A_459 = vector.shape_cast %get3A_458 : vector<1x1x16xf32> to vector<16xf32>
        %add3A_460 = arith.constant 2 : i32
        %add3A_461 = arith.addi %add3A_215, %add3A_460 : i32
        %get3A_462 = arith.constant 1 : i32
        %get3A_463 = arith.index_cast %get3A_462 : i32 to index
        %get3A_464 = arith.index_cast %add3A_461 : i32 to index
        %get3A_465 = arith.constant 16 : index
        %get3A_466 = tpu.vector_load %arg6[%get3A_463, %get3A_464, %get3A_465] {strides = array<i32>} : memref<4x200x64xf32, #tpu.memory_space<vmem>>, vector<1x1x16xf32>,
        %get3A_467 = vector.shape_cast %get3A_466 : vector<1x1x16xf32> to vector<16xf32>
        %add3A_468 = arith.addf %get3A_451, %get3A_467 : vector<16xf32>
        %add3A_469 = arith.constant 4 : i32
        %add3A_470 = arith.addi %add3A_215, %add3A_469 : i32
        %get3A_471 = arith.constant 1 : i32
        %get3A_472 = arith.index_cast %get3A_471 : i32 to index
        %get3A_473 = arith.index_cast %add3A_470 : i32 to index
        %get3A_474 = arith.constant 16 : index
        %get3A_475 = tpu.vector_load %arg6[%get3A_472, %get3A_473, %get3A_474] {strides = array<i32>} : memref<4x200x64xf32, #tpu.memory_space<vmem>>, vector<1x1x16xf32>,
        %get3A_476 = vector.shape_cast %get3A_475 : vector<1x1x16xf32> to vector<16xf32>
        %add3A_477 = arith.addf %add3A_468, %get3A_476 : vector<16xf32>
        %add3A_478 = arith.constant 6 : i32
        %add3A_479 = arith.addi %add3A_215, %add3A_478 : i32
        %get3A_480 = arith.constant 1 : i32
        %get3A_481 = arith.index_cast %get3A_480 : i32 to index
        %get3A_482 = arith.index_cast %add3A_479 : i32 to index
        %get3A_483 = arith.constant 16 : index
        %get3A_484 = tpu.vector_load %arg6[%get3A_481, %get3A_482, %get3A_483] {strides = array<i32>} : memref<4x200x64xf32, #tpu.memory_space<vmem>>, vector<1x1x16xf32>,
        %get3A_485 = vector.shape_cast %get3A_484 : vector<1x1x16xf32> to vector<16xf32>
        %add3A_486 = arith.addf %add3A_477, %get3A_485 : vector<16xf32>
        %add3A_487 = arith.constant 8 : i32
        %add3A_488 = arith.addi %add3A_215, %add3A_487 : i32
        %get3A_489 = arith.constant 1 : i32
        %get3A_490 = arith.index_cast %get3A_489 : i32 to index
        %get3A_491 = arith.index_cast %add3A_488 : i32 to index
        %get3A_492 = arith.constant 16 : index
        %get3A_493 = tpu.vector_load %arg6[%get3A_490, %get3A_491, %get3A_492] {strides = array<i32>} : memref<4x200x64xf32, #tpu.memory_space<vmem>>, vector<1x1x16xf32>,
        %get3A_494 = vector.shape_cast %get3A_493 : vector<1x1x16xf32> to vector<16xf32>
        %add3A_495 = arith.addf %add3A_486, %get3A_494 : vector<16xf32>
        %add3A_496 = arith.constant 10 : i32
        %add3A_497 = arith.addi %add3A_215, %add3A_496 : i32
        %get3A_498 = arith.constant 1 : i32
        %get3A_499 = arith.index_cast %get3A_498 : i32 to index
        %get3A_500 = arith.index_cast %add3A_497 : i32 to index
        %get3A_501 = arith.constant 16 : index
        %get3A_502 = tpu.vector_load %arg6[%get3A_499, %get3A_500, %get3A_501] {strides = array<i32>} : memref<4x200x64xf32, #tpu.memory_space<vmem>>, vector<1x1x16xf32>,
        %get3A_503 = vector.shape_cast %get3A_502 : vector<1x1x16xf32> to vector<16xf32>
        %add3A_504 = arith.addf %add3A_495, %get3A_503 : vector<16xf32>
        %add3A_505 = arith.constant 12 : i32
        %add3A_506 = arith.addi %add3A_215, %add3A_505 : i32
        %get3A_507 = arith.constant 1 : i32
        %get3A_508 = arith.index_cast %get3A_507 : i32 to index
        %get3A_509 = arith.index_cast %add3A_506 : i32 to index
        %get3A_510 = arith.constant 16 : index
        %get3A_511 = tpu.vector_load %arg6[%get3A_508, %get3A_509, %get3A_510] {strides = array<i32>} : memref<4x200x64xf32, #tpu.memory_space<vmem>>, vector<1x1x16xf32>,
        %get3A_512 = vector.shape_cast %get3A_511 : vector<1x1x16xf32> to vector<16xf32>
        %add3A_513 = arith.addf %add3A_504, %get3A_512 : vector<16xf32>
        %add3A_514 = arith.constant 14 : i32
        %add3A_515 = arith.addi %add3A_215, %add3A_514 : i32
        %get3A_516 = arith.constant 1 : i32
        %get3A_517 = arith.index_cast %get3A_516 : i32 to index
        %get3A_518 = arith.index_cast %add3A_515 : i32 to index
        %get3A_519 = arith.constant 16 : index
        %get3A_520 = tpu.vector_load %arg6[%get3A_517, %get3A_518, %get3A_519] {strides = array<i32>} : memref<4x200x64xf32, #tpu.memory_space<vmem>>, vector<1x1x16xf32>,
        %get3A_521 = vector.shape_cast %get3A_520 : vector<1x1x16xf32> to vector<16xf32>
        %add3A_522 = arith.addf %add3A_513, %get3A_521 : vector<16xf32>
        %add3A_523 = arith.constant 16 : i32
        %add3A_524 = arith.addi %add3A_215, %add3A_523 : i32
        %get3A_525 = arith.constant 1 : i32
        %get3A_526 = arith.index_cast %get3A_525 : i32 to index
        %get3A_527 = arith.index_cast %add3A_524 : i32 to index
        %get3A_528 = arith.constant 16 : index
        %get3A_529 = tpu.vector_load %arg6[%get3A_526, %get3A_527, %get3A_528] {strides = array<i32>} : memref<4x200x64xf32, #tpu.memory_space<vmem>>, vector<1x1x16xf32>,
        %get3A_530 = vector.shape_cast %get3A_529 : vector<1x1x16xf32> to vector<16xf32>
        %add3A_531 = arith.addf %add3A_522, %get3A_530 : vector<16xf32>
        %add3A_532 = arith.constant 18 : i32
        %add3A_533 = arith.addi %add3A_215, %add3A_532 : i32
        %get3A_534 = arith.constant 1 : i32
        %get3A_535 = arith.index_cast %get3A_534 : i32 to index
        %get3A_536 = arith.index_cast %add3A_533 : i32 to index
        %get3A_537 = arith.constant 16 : index
        %get3A_538 = tpu.vector_load %arg6[%get3A_535, %get3A_536, %get3A_537] {strides = array<i32>} : memref<4x200x64xf32, #tpu.memory_space<vmem>>, vector<1x1x16xf32>,
        %get3A_539 = vector.shape_cast %get3A_538 : vector<1x1x16xf32> to vector<16xf32>
        %add3A_540 = arith.addf %add3A_531, %get3A_539 : vector<16xf32>
        %add3A_541 = arith.constant 20 : i32
        %add3A_542 = arith.addi %add3A_215, %add3A_541 : i32
        %get3A_543 = arith.constant 1 : i32
        %get3A_544 = arith.index_cast %get3A_543 : i32 to index
        %get3A_545 = arith.index_cast %add3A_542 : i32 to index
        %get3A_546 = arith.constant 16 : index
        %get3A_547 = tpu.vector_load %arg6[%get3A_544, %get3A_545, %get3A_546] {strides = array<i32>} : memref<4x200x64xf32, #tpu.memory_space<vmem>>, vector<1x1x16xf32>,
        %get3A_548 = vector.shape_cast %get3A_547 : vector<1x1x16xf32> to vector<16xf32>
        %add3A_549 = arith.addf %add3A_540, %get3A_548 : vector<16xf32>
        %add3A_550 = arith.constant 22 : i32
        %add3A_551 = arith.addi %add3A_215, %add3A_550 : i32
        %get3A_552 = arith.constant 1 : i32
        %get3A_553 = arith.index_cast %get3A_552 : i32 to index
        %get3A_554 = arith.index_cast %add3A_551 : i32 to index
        %get3A_555 = arith.constant 16 : index
        %get3A_556 = tpu.vector_load %arg6[%get3A_553, %get3A_554, %get3A_555] {strides = array<i32>} : memref<4x200x64xf32, #tpu.memory_space<vmem>>, vector<1x1x16xf32>,
        %get3A_557 = vector.shape_cast %get3A_556 : vector<1x1x16xf32> to vector<16xf32>
        %add3A_558 = arith.addf %add3A_549, %get3A_557 : vector<16xf32>
        %add3A_559 = arith.constant 24 : i32
        %add3A_560 = arith.addi %add3A_215, %add3A_559 : i32
        %get3A_561 = arith.constant 1 : i32
        %get3A_562 = arith.index_cast %get3A_561 : i32 to index
        %get3A_563 = arith.index_cast %add3A_560 : i32 to index
        %get3A_564 = arith.constant 16 : index
        %get3A_565 = tpu.vector_load %arg6[%get3A_562, %get3A_563, %get3A_564] {strides = array<i32>} : memref<4x200x64xf32, #tpu.memory_space<vmem>>, vector<1x1x16xf32>,
        %get3A_566 = vector.shape_cast %get3A_565 : vector<1x1x16xf32> to vector<16xf32>
        %add3A_567 = arith.addf %add3A_558, %get3A_566 : vector<16xf32>
        %add3A_568 = arith.constant 3 : i32
        %add3A_569 = arith.addi %add3A_215, %add3A_568 : i32
        %get3A_570 = arith.constant 1 : i32
        %get3A_571 = arith.index_cast %get3A_570 : i32 to index
        %get3A_572 = arith.index_cast %add3A_569 : i32 to index
        %get3A_573 = arith.constant 16 : index
        %get3A_574 = tpu.vector_load %arg6[%get3A_571, %get3A_572, %get3A_573] {strides = array<i32>} : memref<4x200x64xf32, #tpu.memory_space<vmem>>, vector<1x1x16xf32>,
        %get3A_575 = vector.shape_cast %get3A_574 : vector<1x1x16xf32> to vector<16xf32>
        %add3A_576 = arith.addf %get3A_459, %get3A_575 : vector<16xf32>
        %add3A_577 = arith.constant 5 : i32
        %add3A_578 = arith.addi %add3A_215, %add3A_577 : i32
        %get3A_579 = arith.constant 1 : i32
        %get3A_580 = arith.index_cast %get3A_579 : i32 to index
        %get3A_581 = arith.index_cast %add3A_578 : i32 to index
        %get3A_582 = arith.constant 16 : index
        %get3A_583 = tpu.vector_load %arg6[%get3A_580, %get3A_581, %get3A_582] {strides = array<i32>} : memref<4x200x64xf32, #tpu.memory_space<vmem>>, vector<1x1x16xf32>,
        %get3A_584 = vector.shape_cast %get3A_583 : vector<1x1x16xf32> to vector<16xf32>
        %add3A_585 = arith.addf %add3A_576, %get3A_584 : vector<16xf32>
        %add3A_586 = arith.constant 7 : i32
        %add3A_587 = arith.addi %add3A_215, %add3A_586 : i32
        %get3A_588 = arith.constant 1 : i32
        %get3A_589 = arith.index_cast %get3A_588 : i32 to index
        %get3A_590 = arith.index_cast %add3A_587 : i32 to index
        %get3A_591 = arith.constant 16 : index
        %get3A_592 = tpu.vector_load %arg6[%get3A_589, %get3A_590, %get3A_591] {strides = array<i32>} : memref<4x200x64xf32, #tpu.memory_space<vmem>>, vector<1x1x16xf32>,
        %get3A_593 = vector.shape_cast %get3A_592 : vector<1x1x16xf32> to vector<16xf32>
        %add3A_594 = arith.addf %add3A_585, %get3A_593 : vector<16xf32>
        %add3A_595 = arith.constant 9 : i32
        %add3A_596 = arith.addi %add3A_215, %add3A_595 : i32
        %get3A_597 = arith.constant 1 : i32
        %get3A_598 = arith.index_cast %get3A_597 : i32 to index
        %get3A_599 = arith.index_cast %add3A_596 : i32 to index
        %get3A_600 = arith.constant 16 : index
        %get3A_601 = tpu.vector_load %arg6[%get3A_598, %get3A_599, %get3A_600] {strides = array<i32>} : memref<4x200x64xf32, #tpu.memory_space<vmem>>, vector<1x1x16xf32>,
        %get3A_602 = vector.shape_cast %get3A_601 : vector<1x1x16xf32> to vector<16xf32>
        %add3A_603 = arith.addf %add3A_594, %get3A_602 : vector<16xf32>
        %add3A_604 = arith.constant 11 : i32
        %add3A_605 = arith.addi %add3A_215, %add3A_604 : i32
        %get3A_606 = arith.constant 1 : i32
        %get3A_607 = arith.index_cast %get3A_606 : i32 to index
        %get3A_608 = arith.index_cast %add3A_605 : i32 to index
        %get3A_609 = arith.constant 16 : index
        %get3A_610 = tpu.vector_load %arg6[%get3A_607, %get3A_608, %get3A_609] {strides = array<i32>} : memref<4x200x64xf32, #tpu.memory_space<vmem>>, vector<1x1x16xf32>,
        %get3A_611 = vector.shape_cast %get3A_610 : vector<1x1x16xf32> to vector<16xf32>
        %add3A_612 = arith.addf %add3A_603, %get3A_611 : vector<16xf32>
        %add3A_613 = arith.constant 13 : i32
        %add3A_614 = arith.addi %add3A_215, %add3A_613 : i32
        %get3A_615 = arith.constant 1 : i32
        %get3A_616 = arith.index_cast %get3A_615 : i32 to index
        %get3A_617 = arith.index_cast %add3A_614 : i32 to index
        %get3A_618 = arith.constant 16 : index
        %get3A_619 = tpu.vector_load %arg6[%get3A_616, %get3A_617, %get3A_618] {strides = array<i32>} : memref<4x200x64xf32, #tpu.memory_space<vmem>>, vector<1x1x16xf32>,
        %get3A_620 = vector.shape_cast %get3A_619 : vector<1x1x16xf32> to vector<16xf32>
        %add3A_621 = arith.addf %add3A_612, %get3A_620 : vector<16xf32>
        %add3A_622 = arith.constant 15 : i32
        %add3A_623 = arith.addi %add3A_215, %add3A_622 : i32
        %get3A_624 = arith.constant 1 : i32
        %get3A_625 = arith.index_cast %get3A_624 : i32 to index
        %get3A_626 = arith.index_cast %add3A_623 : i32 to index
        %get3A_627 = arith.constant 16 : index
        %get3A_628 = tpu.vector_load %arg6[%get3A_625, %get3A_626, %get3A_627] {strides = array<i32>} : memref<4x200x64xf32, #tpu.memory_space<vmem>>, vector<1x1x16xf32>,
        %get3A_629 = vector.shape_cast %get3A_628 : vector<1x1x16xf32> to vector<16xf32>
        %add3A_630 = arith.addf %add3A_621, %get3A_629 : vector<16xf32>
        %add3A_631 = arith.constant 17 : i32
        %add3A_632 = arith.addi %add3A_215, %add3A_631 : i32
        %get3A_633 = arith.constant 1 : i32
        %get3A_634 = arith.index_cast %get3A_633 : i32 to index
        %get3A_635 = arith.index_cast %add3A_632 : i32 to index
        %get3A_636 = arith.constant 16 : index
        %get3A_637 = tpu.vector_load %arg6[%get3A_634, %get3A_635, %get3A_636] {strides = array<i32>} : memref<4x200x64xf32, #tpu.memory_space<vmem>>, vector<1x1x16xf32>,
        %get3A_638 = vector.shape_cast %get3A_637 : vector<1x1x16xf32> to vector<16xf32>
        %add3A_639 = arith.addf %add3A_630, %get3A_638 : vector<16xf32>
        %add3A_640 = arith.constant 19 : i32
        %add3A_641 = arith.addi %add3A_215, %add3A_640 : i32
        %get3A_642 = arith.constant 1 : i32
        %get3A_643 = arith.index_cast %get3A_642 : i32 to index
        %get3A_644 = arith.index_cast %add3A_641 : i32 to index
        %get3A_645 = arith.constant 16 : index
        %get3A_646 = tpu.vector_load %arg6[%get3A_643, %get3A_644, %get3A_645] {strides = array<i32>} : memref<4x200x64xf32, #tpu.memory_space<vmem>>, vector<1x1x16xf32>,
        %get3A_647 = vector.shape_cast %get3A_646 : vector<1x1x16xf32> to vector<16xf32>
        %add3A_648 = arith.addf %add3A_639, %get3A_647 : vector<16xf32>
        %add3A_649 = arith.constant 21 : i32
        %add3A_650 = arith.addi %add3A_215, %add3A_649 : i32
        %get3A_651 = arith.constant 1 : i32
        %get3A_652 = arith.index_cast %get3A_651 : i32 to index
        %get3A_653 = arith.index_cast %add3A_650 : i32 to index
        %get3A_654 = arith.constant 16 : index
        %get3A_655 = tpu.vector_load %arg6[%get3A_652, %get3A_653, %get3A_654] {strides = array<i32>} : memref<4x200x64xf32, #tpu.memory_space<vmem>>, vector<1x1x16xf32>,
        %get3A_656 = vector.shape_cast %get3A_655 : vector<1x1x16xf32> to vector<16xf32>
        %add3A_657 = arith.addf %add3A_648, %get3A_656 : vector<16xf32>
        %add3A_658 = arith.constant 23 : i32
        %add3A_659 = arith.addi %add3A_215, %add3A_658 : i32
        %get3A_660 = arith.constant 1 : i32
        %get3A_661 = arith.index_cast %get3A_660 : i32 to index
        %get3A_662 = arith.index_cast %add3A_659 : i32 to index
        %get3A_663 = arith.constant 16 : index
        %get3A_664 = tpu.vector_load %arg6[%get3A_661, %get3A_662, %get3A_663] {strides = array<i32>} : memref<4x200x64xf32, #tpu.memory_space<vmem>>, vector<1x1x16xf32>,
        %get3A_665 = vector.shape_cast %get3A_664 : vector<1x1x16xf32> to vector<16xf32>
        %add3A_666 = arith.addf %add3A_657, %get3A_665 : vector<16xf32>
        %get3A_667 = arith.index_cast %add3A_125 : i32 to index
        %get3A_668 = arith.constant 16 : index
        %get3A_669 = tpu.vector_load %arg7[%get3A_667, %get3A_668] {strides = array<i32>} : memref<128x64xf32, #tpu.memory_space<vmem>>, vector<1x16xf32>,
        %get3A_670 = vector.shape_cast %get3A_669 : vector<1x16xf32> to vector<16xf32>
        %add3A_671 = arith.addf %add3A_567, %add3A_666 : vector<16xf32>
        %add3A_672 = arith.addf %get3A_670, %add3A_671 : vector<16xf32>
        %swap3A_673 = arith.index_cast %add3A_125 : i32 to index
        %swap3A_674 = arith.constant 16 : index
        %swap3A_675 = tpu.vector_load %arg7[%swap3A_673, %swap3A_674] {strides = array<i32>} : memref<128x64xf32, #tpu.memory_space<vmem>>, vector<1x16xf32>,
        %swap3A_676 = vector.shape_cast %swap3A_675 : vector<1x16xf32> to vector<16xf32>
        %swap3A_677 = vector.shape_cast %add3A_672 : vector<16xf32> to vector<1x16xf32>
        tpu.vector_store %arg7[%swap3A_673, %swap3A_674], %swap3A_677 {strides = array<i32>} : memref<128x64xf32, #tpu.memory_space<vmem>>, vector<1x16xf32>,
        %get3A_678 = arith.constant 1 : i32
        %get3A_679 = arith.index_cast %get3A_678 : i32 to index
        %get3A_680 = arith.index_cast %add3A_215 : i32 to index
        %get3A_681 = arith.constant 32 : index
        %get3A_682 = tpu.vector_load %arg6[%get3A_679, %get3A_680, %get3A_681] {strides = array<i32>} : memref<4x200x64xf32, #tpu.memory_space<vmem>>, vector<1x1x16xf32>,
        %get3A_683 = vector.shape_cast %get3A_682 : vector<1x1x16xf32> to vector<16xf32>
        %add3A_684 = arith.constant 1 : i32
        %add3A_685 = arith.addi %add3A_215, %add3A_684 : i32
        %get3A_686 = arith.constant 1 : i32
        %get3A_687 = arith.index_cast %get3A_686 : i32 to index
        %get3A_688 = arith.index_cast %add3A_685 : i32 to index
        %get3A_689 = arith.constant 32 : index
        %get3A_690 = tpu.vector_load %arg6[%get3A_687, %get3A_688, %get3A_689] {strides = array<i32>} : memref<4x200x64xf32, #tpu.memory_space<vmem>>, vector<1x1x16xf32>,
        %get3A_691 = vector.shape_cast %get3A_690 : vector<1x1x16xf32> to vector<16xf32>
        %add3A_692 = arith.constant 2 : i32
        %add3A_693 = arith.addi %add3A_215, %add3A_692 : i32
        %get3A_694 = arith.constant 1 : i32
        %get3A_695 = arith.index_cast %get3A_694 : i32 to index
        %get3A_696 = arith.index_cast %add3A_693 : i32 to index
        %get3A_697 = arith.constant 32 : index
        %get3A_698 = tpu.vector_load %arg6[%get3A_695, %get3A_696, %get3A_697] {strides = array<i32>} : memref<4x200x64xf32, #tpu.memory_space<vmem>>, vector<1x1x16xf32>,
        %get3A_699 = vector.shape_cast %get3A_698 : vector<1x1x16xf32> to vector<16xf32>
        %add3A_700 = arith.addf %get3A_683, %get3A_699 : vector<16xf32>
        %add3A_701 = arith.constant 4 : i32
        %add3A_702 = arith.addi %add3A_215, %add3A_701 : i32
        %get3A_703 = arith.constant 1 : i32
        %get3A_704 = arith.index_cast %get3A_703 : i32 to index
        %get3A_705 = arith.index_cast %add3A_702 : i32 to index
        %get3A_706 = arith.constant 32 : index
        %get3A_707 = tpu.vector_load %arg6[%get3A_704, %get3A_705, %get3A_706] {strides = array<i32>} : memref<4x200x64xf32, #tpu.memory_space<vmem>>, vector<1x1x16xf32>,
        %get3A_708 = vector.shape_cast %get3A_707 : vector<1x1x16xf32> to vector<16xf32>
        %add3A_709 = arith.addf %add3A_700, %get3A_708 : vector<16xf32>
        %add3A_710 = arith.constant 6 : i32
        %add3A_711 = arith.addi %add3A_215, %add3A_710 : i32
        %get3A_712 = arith.constant 1 : i32
        %get3A_713 = arith.index_cast %get3A_712 : i32 to index
        %get3A_714 = arith.index_cast %add3A_711 : i32 to index
        %get3A_715 = arith.constant 32 : index
        %get3A_716 = tpu.vector_load %arg6[%get3A_713, %get3A_714, %get3A_715] {strides = array<i32>} : memref<4x200x64xf32, #tpu.memory_space<vmem>>, vector<1x1x16xf32>,
        %get3A_717 = vector.shape_cast %get3A_716 : vector<1x1x16xf32> to vector<16xf32>
        %add3A_718 = arith.addf %add3A_709, %get3A_717 : vector<16xf32>
        %add3A_719 = arith.constant 8 : i32
        %add3A_720 = arith.addi %add3A_215, %add3A_719 : i32
        %get3A_721 = arith.constant 1 : i32
        %get3A_722 = arith.index_cast %get3A_721 : i32 to index
        %get3A_723 = arith.index_cast %add3A_720 : i32 to index
        %get3A_724 = arith.constant 32 : index
        %get3A_725 = tpu.vector_load %arg6[%get3A_722, %get3A_723, %get3A_724] {strides = array<i32>} : memref<4x200x64xf32, #tpu.memory_space<vmem>>, vector<1x1x16xf32>,
        %get3A_726 = vector.shape_cast %get3A_725 : vector<1x1x16xf32> to vector<16xf32>
        %add3A_727 = arith.addf %add3A_718, %get3A_726 : vector<16xf32>
        %add3A_728 = arith.constant 10 : i32
        %add3A_729 = arith.addi %add3A_215, %add3A_728 : i32
        %get3A_730 = arith.constant 1 : i32
        %get3A_731 = arith.index_cast %get3A_730 : i32 to index
        %get3A_732 = arith.index_cast %add3A_729 : i32 to index
        %get3A_733 = arith.constant 32 : index
        %get3A_734 = tpu.vector_load %arg6[%get3A_731, %get3A_732, %get3A_733] {strides = array<i32>} : memref<4x200x64xf32, #tpu.memory_space<vmem>>, vector<1x1x16xf32>,
        %get3A_735 = vector.shape_cast %get3A_734 : vector<1x1x16xf32> to vector<16xf32>
        %add3A_736 = arith.addf %add3A_727, %get3A_735 : vector<16xf32>
        %add3A_737 = arith.constant 12 : i32
        %add3A_738 = arith.addi %add3A_215, %add3A_737 : i32
        %get3A_739 = arith.constant 1 : i32
        %get3A_740 = arith.index_cast %get3A_739 : i32 to index
        %get3A_741 = arith.index_cast %add3A_738 : i32 to index
        %get3A_742 = arith.constant 32 : index
        %get3A_743 = tpu.vector_load %arg6[%get3A_740, %get3A_741, %get3A_742] {strides = array<i32>} : memref<4x200x64xf32, #tpu.memory_space<vmem>>, vector<1x1x16xf32>,
        %get3A_744 = vector.shape_cast %get3A_743 : vector<1x1x16xf32> to vector<16xf32>
        %add3A_745 = arith.addf %add3A_736, %get3A_744 : vector<16xf32>
        %add3A_746 = arith.constant 14 : i32
        %add3A_747 = arith.addi %add3A_215, %add3A_746 : i32
        %get3A_748 = arith.constant 1 : i32
        %get3A_749 = arith.index_cast %get3A_748 : i32 to index
        %get3A_750 = arith.index_cast %add3A_747 : i32 to index
        %get3A_751 = arith.constant 32 : index
        %get3A_752 = tpu.vector_load %arg6[%get3A_749, %get3A_750, %get3A_751] {strides = array<i32>} : memref<4x200x64xf32, #tpu.memory_space<vmem>>, vector<1x1x16xf32>,
        %get3A_753 = vector.shape_cast %get3A_752 : vector<1x1x16xf32> to vector<16xf32>
        %add3A_754 = arith.addf %add3A_745, %get3A_753 : vector<16xf32>
        %add3A_755 = arith.constant 16 : i32
        %add3A_756 = arith.addi %add3A_215, %add3A_755 : i32
        %get3A_757 = arith.constant 1 : i32
        %get3A_758 = arith.index_cast %get3A_757 : i32 to index
        %get3A_759 = arith.index_cast %add3A_756 : i32 to index
        %get3A_760 = arith.constant 32 : index
        %get3A_761 = tpu.vector_load %arg6[%get3A_758, %get3A_759, %get3A_760] {strides = array<i32>} : memref<4x200x64xf32, #tpu.memory_space<vmem>>, vector<1x1x16xf32>,
        %get3A_762 = vector.shape_cast %get3A_761 : vector<1x1x16xf32> to vector<16xf32>
        %add3A_763 = arith.addf %add3A_754, %get3A_762 : vector<16xf32>
        %add3A_764 = arith.constant 18 : i32
        %add3A_765 = arith.addi %add3A_215, %add3A_764 : i32
        %get3A_766 = arith.constant 1 : i32
        %get3A_767 = arith.index_cast %get3A_766 : i32 to index
        %get3A_768 = arith.index_cast %add3A_765 : i32 to index
        %get3A_769 = arith.constant 32 : index
        %get3A_770 = tpu.vector_load %arg6[%get3A_767, %get3A_768, %get3A_769] {strides = array<i32>} : memref<4x200x64xf32, #tpu.memory_space<vmem>>, vector<1x1x16xf32>,
        %get3A_771 = vector.shape_cast %get3A_770 : vector<1x1x16xf32> to vector<16xf32>
        %add3A_772 = arith.addf %add3A_763, %get3A_771 : vector<16xf32>
        %add3A_773 = arith.constant 20 : i32
        %add3A_774 = arith.addi %add3A_215, %add3A_773 : i32
        %get3A_775 = arith.constant 1 : i32
        %get3A_776 = arith.index_cast %get3A_775 : i32 to index
        %get3A_777 = arith.index_cast %add3A_774 : i32 to index
        %get3A_778 = arith.constant 32 : index
        %get3A_779 = tpu.vector_load %arg6[%get3A_776, %get3A_777, %get3A_778] {strides = array<i32>} : memref<4x200x64xf32, #tpu.memory_space<vmem>>, vector<1x1x16xf32>,
        %get3A_780 = vector.shape_cast %get3A_779 : vector<1x1x16xf32> to vector<16xf32>
        %add3A_781 = arith.addf %add3A_772, %get3A_780 : vector<16xf32>
        %add3A_782 = arith.constant 22 : i32
        %add3A_783 = arith.addi %add3A_215, %add3A_782 : i32
        %get3A_784 = arith.constant 1 : i32
        %get3A_785 = arith.index_cast %get3A_784 : i32 to index
        %get3A_786 = arith.index_cast %add3A_783 : i32 to index
        %get3A_787 = arith.constant 32 : index
        %get3A_788 = tpu.vector_load %arg6[%get3A_785, %get3A_786, %get3A_787] {strides = array<i32>} : memref<4x200x64xf32, #tpu.memory_space<vmem>>, vector<1x1x16xf32>,
        %get3A_789 = vector.shape_cast %get3A_788 : vector<1x1x16xf32> to vector<16xf32>
        %add3A_790 = arith.addf %add3A_781, %get3A_789 : vector<16xf32>
        %add3A_791 = arith.constant 24 : i32
        %add3A_792 = arith.addi %add3A_215, %add3A_791 : i32
        %get3A_793 = arith.constant 1 : i32
        %get3A_794 = arith.index_cast %get3A_793 : i32 to index
        %get3A_795 = arith.index_cast %add3A_792 : i32 to index
        %get3A_796 = arith.constant 32 : index
        %get3A_797 = tpu.vector_load %arg6[%get3A_794, %get3A_795, %get3A_796] {strides = array<i32>} : memref<4x200x64xf32, #tpu.memory_space<vmem>>, vector<1x1x16xf32>,
        %get3A_798 = vector.shape_cast %get3A_797 : vector<1x1x16xf32> to vector<16xf32>
        %add3A_799 = arith.addf %add3A_790, %get3A_798 : vector<16xf32>
        %add3A_800 = arith.constant 3 : i32
        %add3A_801 = arith.addi %add3A_215, %add3A_800 : i32
        %get3A_802 = arith.constant 1 : i32
        %get3A_803 = arith.index_cast %get3A_802 : i32 to index
        %get3A_804 = arith.index_cast %add3A_801 : i32 to index
        %get3A_805 = arith.constant 32 : index
        %get3A_806 = tpu.vector_load %arg6[%get3A_803, %get3A_804, %get3A_805] {strides = array<i32>} : memref<4x200x64xf32, #tpu.memory_space<vmem>>, vector<1x1x16xf32>,
        %get3A_807 = vector.shape_cast %get3A_806 : vector<1x1x16xf32> to vector<16xf32>
        %add3A_808 = arith.addf %get3A_691, %get3A_807 : vector<16xf32>
        %add3A_809 = arith.constant 5 : i32
        %add3A_810 = arith.addi %add3A_215, %add3A_809 : i32
        %get3A_811 = arith.constant 1 : i32
        %get3A_812 = arith.index_cast %get3A_811 : i32 to index
        %get3A_813 = arith.index_cast %add3A_810 : i32 to index
        %get3A_814 = arith.constant 32 : index
        %get3A_815 = tpu.vector_load %arg6[%get3A_812, %get3A_813, %get3A_814] {strides = array<i32>} : memref<4x200x64xf32, #tpu.memory_space<vmem>>, vector<1x1x16xf32>,
        %get3A_816 = vector.shape_cast %get3A_815 : vector<1x1x16xf32> to vector<16xf32>
        %add3A_817 = arith.addf %add3A_808, %get3A_816 : vector<16xf32>
        %add3A_818 = arith.constant 7 : i32
        %add3A_819 = arith.addi %add3A_215, %add3A_818 : i32
        %get3A_820 = arith.constant 1 : i32
        %get3A_821 = arith.index_cast %get3A_820 : i32 to index
        %get3A_822 = arith.index_cast %add3A_819 : i32 to index
        %get3A_823 = arith.constant 32 : index
        %get3A_824 = tpu.vector_load %arg6[%get3A_821, %get3A_822, %get3A_823] {strides = array<i32>} : memref<4x200x64xf32, #tpu.memory_space<vmem>>, vector<1x1x16xf32>,
        %get3A_825 = vector.shape_cast %get3A_824 : vector<1x1x16xf32> to vector<16xf32>
        %add3A_826 = arith.addf %add3A_817, %get3A_825 : vector<16xf32>
        %add3A_827 = arith.constant 9 : i32
        %add3A_828 = arith.addi %add3A_215, %add3A_827 : i32
        %get3A_829 = arith.constant 1 : i32
        %get3A_830 = arith.index_cast %get3A_829 : i32 to index
        %get3A_831 = arith.index_cast %add3A_828 : i32 to index
        %get3A_832 = arith.constant 32 : index
        %get3A_833 = tpu.vector_load %arg6[%get3A_830, %get3A_831, %get3A_832] {strides = array<i32>} : memref<4x200x64xf32, #tpu.memory_space<vmem>>, vector<1x1x16xf32>,
        %get3A_834 = vector.shape_cast %get3A_833 : vector<1x1x16xf32> to vector<16xf32>
        %add3A_835 = arith.addf %add3A_826, %get3A_834 : vector<16xf32>
        %add3A_836 = arith.constant 11 : i32
        %add3A_837 = arith.addi %add3A_215, %add3A_836 : i32
        %get3A_838 = arith.constant 1 : i32
        %get3A_839 = arith.index_cast %get3A_838 : i32 to index
        %get3A_840 = arith.index_cast %add3A_837 : i32 to index
        %get3A_841 = arith.constant 32 : index
        %get3A_842 = tpu.vector_load %arg6[%get3A_839, %get3A_840, %get3A_841] {strides = array<i32>} : memref<4x200x64xf32, #tpu.memory_space<vmem>>, vector<1x1x16xf32>,
        %get3A_843 = vector.shape_cast %get3A_842 : vector<1x1x16xf32> to vector<16xf32>
        %add3A_844 = arith.addf %add3A_835, %get3A_843 : vector<16xf32>
        %add3A_845 = arith.constant 13 : i32
        %add3A_846 = arith.addi %add3A_215, %add3A_845 : i32
        %get3A_847 = arith.constant 1 : i32
        %get3A_848 = arith.index_cast %get3A_847 : i32 to index
        %get3A_849 = arith.index_cast %add3A_846 : i32 to index
        %get3A_850 = arith.constant 32 : index
        %get3A_851 = tpu.vector_load %arg6[%get3A_848, %get3A_849, %get3A_850] {strides = array<i32>} : memref<4x200x64xf32, #tpu.memory_space<vmem>>, vector<1x1x16xf32>,
        %get3A_852 = vector.shape_cast %get3A_851 : vector<1x1x16xf32> to vector<16xf32>
        %add3A_853 = arith.addf %add3A_844, %get3A_852 : vector<16xf32>
        %add3A_854 = arith.constant 15 : i32
        %add3A_855 = arith.addi %add3A_215, %add3A_854 : i32
        %get3A_856 = arith.constant 1 : i32
        %get3A_857 = arith.index_cast %get3A_856 : i32 to index
        %get3A_858 = arith.index_cast %add3A_855 : i32 to index
        %get3A_859 = arith.constant 32 : index
        %get3A_860 = tpu.vector_load %arg6[%get3A_857, %get3A_858, %get3A_859] {strides = array<i32>} : memref<4x200x64xf32, #tpu.memory_space<vmem>>, vector<1x1x16xf32>,
        %get3A_861 = vector.shape_cast %get3A_860 : vector<1x1x16xf32> to vector<16xf32>
        %add3A_862 = arith.addf %add3A_853, %get3A_861 : vector<16xf32>
        %add3A_863 = arith.constant 17 : i32
        %add3A_864 = arith.addi %add3A_215, %add3A_863 : i32
        %get3A_865 = arith.constant 1 : i32
        %get3A_866 = arith.index_cast %get3A_865 : i32 to index
        %get3A_867 = arith.index_cast %add3A_864 : i32 to index
        %get3A_868 = arith.constant 32 : index
        %get3A_869 = tpu.vector_load %arg6[%get3A_866, %get3A_867, %get3A_868] {strides = array<i32>} : memref<4x200x64xf32, #tpu.memory_space<vmem>>, vector<1x1x16xf32>,
        %get3A_870 = vector.shape_cast %get3A_869 : vector<1x1x16xf32> to vector<16xf32>
        %add3A_871 = arith.addf %add3A_862, %get3A_870 : vector<16xf32>
        %add3A_872 = arith.constant 19 : i32
        %add3A_873 = arith.addi %add3A_215, %add3A_872 : i32
        %get3A_874 = arith.constant 1 : i32
        %get3A_875 = arith.index_cast %get3A_874 : i32 to index
        %get3A_876 = arith.index_cast %add3A_873 : i32 to index
        %get3A_877 = arith.constant 32 : index
        %get3A_878 = tpu.vector_load %arg6[%get3A_875, %get3A_876, %get3A_877] {strides = array<i32>} : memref<4x200x64xf32, #tpu.memory_space<vmem>>, vector<1x1x16xf32>,
        %get3A_879 = vector.shape_cast %get3A_878 : vector<1x1x16xf32> to vector<16xf32>
        %add3A_880 = arith.addf %add3A_871, %get3A_879 : vector<16xf32>
        %add3A_881 = arith.constant 21 : i32
        %add3A_882 = arith.addi %add3A_215, %add3A_881 : i32
        %get3A_883 = arith.constant 1 : i32
        %get3A_884 = arith.index_cast %get3A_883 : i32 to index
        %get3A_885 = arith.index_cast %add3A_882 : i32 to index
        %get3A_886 = arith.constant 32 : index
        %get3A_887 = tpu.vector_load %arg6[%get3A_884, %get3A_885, %get3A_886] {strides = array<i32>} : memref<4x200x64xf32, #tpu.memory_space<vmem>>, vector<1x1x16xf32>,
        %get3A_888 = vector.shape_cast %get3A_887 : vector<1x1x16xf32> to vector<16xf32>
        %add3A_889 = arith.addf %add3A_880, %get3A_888 : vector<16xf32>
        %add3A_890 = arith.constant 23 : i32
        %add3A_891 = arith.addi %add3A_215, %add3A_890 : i32
        %get3A_892 = arith.constant 1 : i32
        %get3A_893 = arith.index_cast %get3A_892 : i32 to index
        %get3A_894 = arith.index_cast %add3A_891 : i32 to index
        %get3A_895 = arith.constant 32 : index
        %get3A_896 = tpu.vector_load %arg6[%get3A_893, %get3A_894, %get3A_895] {strides = array<i32>} : memref<4x200x64xf32, #tpu.memory_space<vmem>>, vector<1x1x16xf32>,
        %get3A_897 = vector.shape_cast %get3A_896 : vector<1x1x16xf32> to vector<16xf32>
        %add3A_898 = arith.addf %add3A_889, %get3A_897 : vector<16xf32>
        %get3A_899 = arith.index_cast %add3A_125 : i32 to index
        %get3A_900 = arith.constant 32 : index
        %get3A_901 = tpu.vector_load %arg7[%get3A_899, %get3A_900] {strides = array<i32>} : memref<128x64xf32, #tpu.memory_space<vmem>>, vector<1x16xf32>,
        %get3A_902 = vector.shape_cast %get3A_901 : vector<1x16xf32> to vector<16xf32>
        %add3A_903 = arith.addf %add3A_799, %add3A_898 : vector<16xf32>
        %add3A_904 = arith.addf %get3A_902, %add3A_903 : vector<16xf32>
        %swap3A_905 = arith.index_cast %add3A_125 : i32 to index
        %swap3A_906 = arith.constant 32 : index
        %swap3A_907 = tpu.vector_load %arg7[%swap3A_905, %swap3A_906] {strides = array<i32>} : memref<128x64xf32, #tpu.memory_space<vmem>>, vector<1x16xf32>,
        %swap3A_908 = vector.shape_cast %swap3A_907 : vector<1x16xf32> to vector<16xf32>
        %swap3A_909 = vector.shape_cast %add3A_904 : vector<16xf32> to vector<1x16xf32>
        tpu.vector_store %arg7[%swap3A_905, %swap3A_906], %swap3A_909 {strides = array<i32>} : memref<128x64xf32, #tpu.memory_space<vmem>>, vector<1x16xf32>,
        %get3A_910 = arith.constant 1 : i32
        %get3A_911 = arith.index_cast %get3A_910 : i32 to index
        %get3A_912 = arith.index_cast %add3A_215 : i32 to index
        %get3A_913 = arith.constant 48 : index
        %get3A_914 = tpu.vector_load %arg6[%get3A_911, %get3A_912, %get3A_913] {strides = array<i32>} : memref<4x200x64xf32, #tpu.memory_space<vmem>>, vector<1x1x16xf32>,
        %get3A_915 = vector.shape_cast %get3A_914 : vector<1x1x16xf32> to vector<16xf32>
        %add3A_916 = arith.constant 1 : i32
        %add3A_917 = arith.addi %add3A_215, %add3A_916 : i32
        %get3A_918 = arith.constant 1 : i32
        %get3A_919 = arith.index_cast %get3A_918 : i32 to index
        %get3A_920 = arith.index_cast %add3A_917 : i32 to index
        %get3A_921 = arith.constant 48 : index
        %get3A_922 = tpu.vector_load %arg6[%get3A_919, %get3A_920, %get3A_921] {strides = array<i32>} : memref<4x200x64xf32, #tpu.memory_space<vmem>>, vector<1x1x16xf32>,
        %get3A_923 = vector.shape_cast %get3A_922 : vector<1x1x16xf32> to vector<16xf32>
        %add3A_924 = arith.constant 2 : i32
        %add3A_925 = arith.addi %add3A_215, %add3A_924 : i32
        %get3A_926 = arith.constant 1 : i32
        %get3A_927 = arith.index_cast %get3A_926 : i32 to index
        %get3A_928 = arith.index_cast %add3A_925 : i32 to index
        %get3A_929 = arith.constant 48 : index
        %get3A_930 = tpu.vector_load %arg6[%get3A_927, %get3A_928, %get3A_929] {strides = array<i32>} : memref<4x200x64xf32, #tpu.memory_space<vmem>>, vector<1x1x16xf32>,
        %get3A_931 = vector.shape_cast %get3A_930 : vector<1x1x16xf32> to vector<16xf32>
        %add3A_932 = arith.addf %get3A_915, %get3A_931 : vector<16xf32>
        %add3A_933 = arith.constant 4 : i32
        %add3A_934 = arith.addi %add3A_215, %add3A_933 : i32
        %get3A_935 = arith.constant 1 : i32
        %get3A_936 = arith.index_cast %get3A_935 : i32 to index
        %get3A_937 = arith.index_cast %add3A_934 : i32 to index
        %get3A_938 = arith.constant 48 : index
        %get3A_939 = tpu.vector_load %arg6[%get3A_936, %get3A_937, %get3A_938] {strides = array<i32>} : memref<4x200x64xf32, #tpu.memory_space<vmem>>, vector<1x1x16xf32>,
        %get3A_940 = vector.shape_cast %get3A_939 : vector<1x1x16xf32> to vector<16xf32>
        %add3A_941 = arith.addf %add3A_932, %get3A_940 : vector<16xf32>
        %add3A_942 = arith.constant 6 : i32
        %add3A_943 = arith.addi %add3A_215, %add3A_942 : i32
        %get3A_944 = arith.constant 1 : i32
        %get3A_945 = arith.index_cast %get3A_944 : i32 to index
        %get3A_946 = arith.index_cast %add3A_943 : i32 to index
        %get3A_947 = arith.constant 48 : index
        %get3A_948 = tpu.vector_load %arg6[%get3A_945, %get3A_946, %get3A_947] {strides = array<i32>} : memref<4x200x64xf32, #tpu.memory_space<vmem>>, vector<1x1x16xf32>,
        %get3A_949 = vector.shape_cast %get3A_948 : vector<1x1x16xf32> to vector<16xf32>
        %add3A_950 = arith.addf %add3A_941, %get3A_949 : vector<16xf32>
        %add3A_951 = arith.constant 8 : i32
        %add3A_952 = arith.addi %add3A_215, %add3A_951 : i32
        %get3A_953 = arith.constant 1 : i32
        %get3A_954 = arith.index_cast %get3A_953 : i32 to index
        %get3A_955 = arith.index_cast %add3A_952 : i32 to index
        %get3A_956 = arith.constant 48 : index
        %get3A_957 = tpu.vector_load %arg6[%get3A_954, %get3A_955, %get3A_956] {strides = array<i32>} : memref<4x200x64xf32, #tpu.memory_space<vmem>>, vector<1x1x16xf32>,
        %get3A_958 = vector.shape_cast %get3A_957 : vector<1x1x16xf32> to vector<16xf32>
        %add3A_959 = arith.addf %add3A_950, %get3A_958 : vector<16xf32>
        %add3A_960 = arith.constant 10 : i32
        %add3A_961 = arith.addi %add3A_215, %add3A_960 : i32
        %get3A_962 = arith.constant 1 : i32
        %get3A_963 = arith.index_cast %get3A_962 : i32 to index
        %get3A_964 = arith.index_cast %add3A_961 : i32 to index
        %get3A_965 = arith.constant 48 : index
        %get3A_966 = tpu.vector_load %arg6[%get3A_963, %get3A_964, %get3A_965] {strides = array<i32>} : memref<4x200x64xf32, #tpu.memory_space<vmem>>, vector<1x1x16xf32>,
        %get3A_967 = vector.shape_cast %get3A_966 : vector<1x1x16xf32> to vector<16xf32>
        %add3A_968 = arith.addf %add3A_959, %get3A_967 : vector<16xf32>
        %add3A_969 = arith.constant 12 : i32
        %add3A_970 = arith.addi %add3A_215, %add3A_969 : i32
        %get3A_971 = arith.constant 1 : i32
        %get3A_972 = arith.index_cast %get3A_971 : i32 to index
        %get3A_973 = arith.index_cast %add3A_970 : i32 to index
        %get3A_974 = arith.constant 48 : index
        %get3A_975 = tpu.vector_load %arg6[%get3A_972, %get3A_973, %get3A_974] {strides = array<i32>} : memref<4x200x64xf32, #tpu.memory_space<vmem>>, vector<1x1x16xf32>,
        %get3A_976 = vector.shape_cast %get3A_975 : vector<1x1x16xf32> to vector<16xf32>
        %add3A_977 = arith.addf %add3A_968, %get3A_976 : vector<16xf32>
        %add3A_978 = arith.constant 14 : i32
        %add3A_979 = arith.addi %add3A_215, %add3A_978 : i32
        %get3A_980 = arith.constant 1 : i32
        %get3A_981 = arith.index_cast %get3A_980 : i32 to index
        %get3A_982 = arith.index_cast %add3A_979 : i32 to index
        %get3A_983 = arith.constant 48 : index
        %get3A_984 = tpu.vector_load %arg6[%get3A_981, %get3A_982, %get3A_983] {strides = array<i32>} : memref<4x200x64xf32, #tpu.memory_space<vmem>>, vector<1x1x16xf32>,
        %get3A_985 = vector.shape_cast %get3A_984 : vector<1x1x16xf32> to vector<16xf32>
        %add3A_986 = arith.addf %add3A_977, %get3A_985 : vector<16xf32>
        %add3A_987 = arith.constant 16 : i32
        %add3A_988 = arith.addi %add3A_215, %add3A_987 : i32
        %get3A_989 = arith.constant 1 : i32
        %get3A_990 = arith.index_cast %get3A_989 : i32 to index
        %get3A_991 = arith.index_cast %add3A_988 : i32 to index
        %get3A_992 = arith.constant 48 : index
        %get3A_993 = tpu.vector_load %arg6[%get3A_990, %get3A_991, %get3A_992] {strides = array<i32>} : memref<4x200x64xf32, #tpu.memory_space<vmem>>, vector<1x1x16xf32>,
        %get3A_994 = vector.shape_cast %get3A_993 : vector<1x1x16xf32> to vector<16xf32>
        %add3A_995 = arith.addf %add3A_986, %get3A_994 : vector<16xf32>
        %add3A_996 = arith.constant 18 : i32
        %add3A_997 = arith.addi %add3A_215, %add3A_996 : i32
        %get3A_998 = arith.constant 1 : i32
        %get3A_999 = arith.index_cast %get3A_998 : i32 to index
        %get3A_1000 = arith.index_cast %add3A_997 : i32 to index
        %get3A_1001 = arith.constant 48 : index
        %get3A_1002 = tpu.vector_load %arg6[%get3A_999, %get3A_1000, %get3A_1001] {strides = array<i32>} : memref<4x200x64xf32, #tpu.memory_space<vmem>>, vector<1x1x16xf32>,
        %get3A_1003 = vector.shape_cast %get3A_1002 : vector<1x1x16xf32> to vector<16xf32>
        %add3A_1004 = arith.addf %add3A_995, %get3A_1003 : vector<16xf32>
        %add3A_1005 = arith.constant 20 : i32
        %add3A_1006 = arith.addi %add3A_215, %add3A_1005 : i32
        %get3A_1007 = arith.constant 1 : i32
        %get3A_1008 = arith.index_cast %get3A_1007 : i32 to index
        %get3A_1009 = arith.index_cast %add3A_1006 : i32 to index
        %get3A_1010 = arith.constant 48 : index
        %get3A_1011 = tpu.vector_load %arg6[%get3A_1008, %get3A_1009, %get3A_1010] {strides = array<i32>} : memref<4x200x64xf32, #tpu.memory_space<vmem>>, vector<1x1x16xf32>,
        %get3A_1012 = vector.shape_cast %get3A_1011 : vector<1x1x16xf32> to vector<16xf32>
        %add3A_1013 = arith.addf %add3A_1004, %get3A_1012 : vector<16xf32>
        %add3A_1014 = arith.constant 22 : i32
        %add3A_1015 = arith.addi %add3A_215, %add3A_1014 : i32
        %get3A_1016 = arith.constant 1 : i32
        %get3A_1017 = arith.index_cast %get3A_1016 : i32 to index
        %get3A_1018 = arith.index_cast %add3A_1015 : i32 to index
        %get3A_1019 = arith.constant 48 : index
        %get3A_1020 = tpu.vector_load %arg6[%get3A_1017, %get3A_1018, %get3A_1019] {strides = array<i32>} : memref<4x200x64xf32, #tpu.memory_space<vmem>>, vector<1x1x16xf32>,
        %get3A_1021 = vector.shape_cast %get3A_1020 : vector<1x1x16xf32> to vector<16xf32>
        %add3A_1022 = arith.addf %add3A_1013, %get3A_1021 : vector<16xf32>
        %add3A_1023 = arith.constant 24 : i32
        %add3A_1024 = arith.addi %add3A_215, %add3A_1023 : i32
        %get3A_1025 = arith.constant 1 : i32
        %get3A_1026 = arith.index_cast %get3A_1025 : i32 to index
        %get3A_1027 = arith.index_cast %add3A_1024 : i32 to index
        %get3A_1028 = arith.constant 48 : index
        %get3A_1029 = tpu.vector_load %arg6[%get3A_1026, %get3A_1027, %get3A_1028] {strides = array<i32>} : memref<4x200x64xf32, #tpu.memory_space<vmem>>, vector<1x1x16xf32>,
        %get3A_1030 = vector.shape_cast %get3A_1029 : vector<1x1x16xf32> to vector<16xf32>
        %add3A_1031 = arith.addf %add3A_1022, %get3A_1030 : vector<16xf32>
        %add3A_1032 = arith.constant 3 : i32
        %add3A_1033 = arith.addi %add3A_215, %add3A_1032 : i32
        %get3A_1034 = arith.constant 1 : i32
        %get3A_1035 = arith.index_cast %get3A_1034 : i32 to index
        %get3A_1036 = arith.index_cast %add3A_1033 : i32 to index
        %get3A_1037 = arith.constant 48 : index
        %get3A_1038 = tpu.vector_load %arg6[%get3A_1035, %get3A_1036, %get3A_1037] {strides = array<i32>} : memref<4x200x64xf32, #tpu.memory_space<vmem>>, vector<1x1x16xf32>,
        %get3A_1039 = vector.shape_cast %get3A_1038 : vector<1x1x16xf32> to vector<16xf32>
        %add3A_1040 = arith.addf %get3A_923, %get3A_1039 : vector<16xf32>
        %add3A_1041 = arith.constant 5 : i32
        %add3A_1042 = arith.addi %add3A_215, %add3A_1041 : i32
        %get3A_1043 = arith.constant 1 : i32
        %get3A_1044 = arith.index_cast %get3A_1043 : i32 to index
        %get3A_1045 = arith.index_cast %add3A_1042 : i32 to index
        %get3A_1046 = arith.constant 48 : index
        %get3A_1047 = tpu.vector_load %arg6[%get3A_1044, %get3A_1045, %get3A_1046] {strides = array<i32>} : memref<4x200x64xf32, #tpu.memory_space<vmem>>, vector<1x1x16xf32>,
        %get3A_1048 = vector.shape_cast %get3A_1047 : vector<1x1x16xf32> to vector<16xf32>
        %add3A_1049 = arith.addf %add3A_1040, %get3A_1048 : vector<16xf32>
        %add3A_1050 = arith.constant 7 : i32
        %add3A_1051 = arith.addi %add3A_215, %add3A_1050 : i32
        %get3A_1052 = arith.constant 1 : i32
        %get3A_1053 = arith.index_cast %get3A_1052 : i32 to index
        %get3A_1054 = arith.index_cast %add3A_1051 : i32 to index
        %get3A_1055 = arith.constant 48 : index
        %get3A_1056 = tpu.vector_load %arg6[%get3A_1053, %get3A_1054, %get3A_1055] {strides = array<i32>} : memref<4x200x64xf32, #tpu.memory_space<vmem>>, vector<1x1x16xf32>,
        %get3A_1057 = vector.shape_cast %get3A_1056 : vector<1x1x16xf32> to vector<16xf32>
        %add3A_1058 = arith.addf %add3A_1049, %get3A_1057 : vector<16xf32>
        %add3A_1059 = arith.constant 9 : i32
        %add3A_1060 = arith.addi %add3A_215, %add3A_1059 : i32
        %get3A_1061 = arith.constant 1 : i32
        %get3A_1062 = arith.index_cast %get3A_1061 : i32 to index
        %get3A_1063 = arith.index_cast %add3A_1060 : i32 to index
        %get3A_1064 = arith.constant 48 : index
        %get3A_1065 = tpu.vector_load %arg6[%get3A_1062, %get3A_1063, %get3A_1064] {strides = array<i32>} : memref<4x200x64xf32, #tpu.memory_space<vmem>>, vector<1x1x16xf32>,
        %get3A_1066 = vector.shape_cast %get3A_1065 : vector<1x1x16xf32> to vector<16xf32>
        %add3A_1067 = arith.addf %add3A_1058, %get3A_1066 : vector<16xf32>
        %add3A_1068 = arith.constant 11 : i32
        %add3A_1069 = arith.addi %add3A_215, %add3A_1068 : i32
        %get3A_1070 = arith.constant 1 : i32
        %get3A_1071 = arith.index_cast %get3A_1070 : i32 to index
        %get3A_1072 = arith.index_cast %add3A_1069 : i32 to index
        %get3A_1073 = arith.constant 48 : index
        %get3A_1074 = tpu.vector_load %arg6[%get3A_1071, %get3A_1072, %get3A_1073] {strides = array<i32>} : memref<4x200x64xf32, #tpu.memory_space<vmem>>, vector<1x1x16xf32>,
        %get3A_1075 = vector.shape_cast %get3A_1074 : vector<1x1x16xf32> to vector<16xf32>
        %add3A_1076 = arith.addf %add3A_1067, %get3A_1075 : vector<16xf32>
        %add3A_1077 = arith.constant 13 : i32
        %add3A_1078 = arith.addi %add3A_215, %add3A_1077 : i32
        %get3A_1079 = arith.constant 1 : i32
        %get3A_1080 = arith.index_cast %get3A_1079 : i32 to index
        %get3A_1081 = arith.index_cast %add3A_1078 : i32 to index
        %get3A_1082 = arith.constant 48 : index
        %get3A_1083 = tpu.vector_load %arg6[%get3A_1080, %get3A_1081, %get3A_1082] {strides = array<i32>} : memref<4x200x64xf32, #tpu.memory_space<vmem>>, vector<1x1x16xf32>,
        %get3A_1084 = vector.shape_cast %get3A_1083 : vector<1x1x16xf32> to vector<16xf32>
        %add3A_1085 = arith.addf %add3A_1076, %get3A_1084 : vector<16xf32>
        %add3A_1086 = arith.constant 15 : i32
        %add3A_1087 = arith.addi %add3A_215, %add3A_1086 : i32
        %get3A_1088 = arith.constant 1 : i32
        %get3A_1089 = arith.index_cast %get3A_1088 : i32 to index
        %get3A_1090 = arith.index_cast %add3A_1087 : i32 to index
        %get3A_1091 = arith.constant 48 : index
        %get3A_1092 = tpu.vector_load %arg6[%get3A_1089, %get3A_1090, %get3A_1091] {strides = array<i32>} : memref<4x200x64xf32, #tpu.memory_space<vmem>>, vector<1x1x16xf32>,
        %get3A_1093 = vector.shape_cast %get3A_1092 : vector<1x1x16xf32> to vector<16xf32>
        %add3A_1094 = arith.addf %add3A_1085, %get3A_1093 : vector<16xf32>
        %add3A_1095 = arith.constant 17 : i32
        %add3A_1096 = arith.addi %add3A_215, %add3A_1095 : i32
        %get3A_1097 = arith.constant 1 : i32
        %get3A_1098 = arith.index_cast %get3A_1097 : i32 to index
        %get3A_1099 = arith.index_cast %add3A_1096 : i32 to index
        %get3A_1100 = arith.constant 48 : index
        %get3A_1101 = tpu.vector_load %arg6[%get3A_1098, %get3A_1099, %get3A_1100] {strides = array<i32>} : memref<4x200x64xf32, #tpu.memory_space<vmem>>, vector<1x1x16xf32>,
        %get3A_1102 = vector.shape_cast %get3A_1101 : vector<1x1x16xf32> to vector<16xf32>
        %add3A_1103 = arith.addf %add3A_1094, %get3A_1102 : vector<16xf32>
        %add3A_1104 = arith.constant 19 : i32
        %add3A_1105 = arith.addi %add3A_215, %add3A_1104 : i32
        %get3A_1106 = arith.constant 1 : i32
        %get3A_1107 = arith.index_cast %get3A_1106 : i32 to index
        %get3A_1108 = arith.index_cast %add3A_1105 : i32 to index
        %get3A_1109 = arith.constant 48 : index
        %get3A_1110 = tpu.vector_load %arg6[%get3A_1107, %get3A_1108, %get3A_1109] {strides = array<i32>} : memref<4x200x64xf32, #tpu.memory_space<vmem>>, vector<1x1x16xf32>,
        %get3A_1111 = vector.shape_cast %get3A_1110 : vector<1x1x16xf32> to vector<16xf32>
        %add3A_1112 = arith.addf %add3A_1103, %get3A_1111 : vector<16xf32>
        %add3A_1113 = arith.constant 21 : i32
        %add3A_1114 = arith.addi %add3A_215, %add3A_1113 : i32
        %get3A_1115 = arith.constant 1 : i32
        %get3A_1116 = arith.index_cast %get3A_1115 : i32 to index
        %get3A_1117 = arith.index_cast %add3A_1114 : i32 to index
        %get3A_1118 = arith.constant 48 : index
        %get3A_1119 = tpu.vector_load %arg6[%get3A_1116, %get3A_1117, %get3A_1118] {strides = array<i32>} : memref<4x200x64xf32, #tpu.memory_space<vmem>>, vector<1x1x16xf32>,
        %get3A_1120 = vector.shape_cast %get3A_1119 : vector<1x1x16xf32> to vector<16xf32>
        %add3A_1121 = arith.addf %add3A_1112, %get3A_1120 : vector<16xf32>
        %add3A_1122 = arith.constant 23 : i32
        %add3A_1123 = arith.addi %add3A_215, %add3A_1122 : i32
        %get3A_1124 = arith.constant 1 : i32
        %get3A_1125 = arith.index_cast %get3A_1124 : i32 to index
        %get3A_1126 = arith.index_cast %add3A_1123 : i32 to index
        %get3A_1127 = arith.constant 48 : index
        %get3A_1128 = tpu.vector_load %arg6[%get3A_1125, %get3A_1126, %get3A_1127] {strides = array<i32>} : memref<4x200x64xf32, #tpu.memory_space<vmem>>, vector<1x1x16xf32>,
        %get3A_1129 = vector.shape_cast %get3A_1128 : vector<1x1x16xf32> to vector<16xf32>
        %add3A_1130 = arith.addf %add3A_1121, %get3A_1129 : vector<16xf32>
        %get3A_1131 = arith.index_cast %add3A_125 : i32 to index
        %get3A_1132 = arith.constant 48 : index
        %get3A_1133 = tpu.vector_load %arg7[%get3A_1131, %get3A_1132] {strides = array<i32>} : memref<128x64xf32, #tpu.memory_space<vmem>>, vector<1x16xf32>,
        %get3A_1134 = vector.shape_cast %get3A_1133 : vector<1x16xf32> to vector<16xf32>
        %add3A_1135 = arith.addf %add3A_1031, %add3A_1130 : vector<16xf32>
        %add3A_1136 = arith.addf %get3A_1134, %add3A_1135 : vector<16xf32>
        %swap3A_1137 = arith.index_cast %add3A_125 : i32 to index
        %swap3A_1138 = arith.constant 48 : index
        %swap3A_1139 = tpu.vector_load %arg7[%swap3A_1137, %swap3A_1138] {strides = array<i32>} : memref<128x64xf32, #tpu.memory_space<vmem>>, vector<1x16xf32>,
        %swap3A_1140 = vector.shape_cast %swap3A_1139 : vector<1x16xf32> to vector<16xf32>
        %swap3A_1141 = vector.shape_cast %add3A_1136 : vector<16xf32> to vector<1x16xf32>
        tpu.vector_store %arg7[%swap3A_1137, %swap3A_1138], %swap3A_1141 {strides = array<i32>} : memref<128x64xf32, #tpu.memory_space<vmem>>, vector<1x16xf32>,
      }
      %scan3A_145 = arith.constant 8 : i32
      %add3A_146 = arith.constant 4 : i32
      %add3A_147 = arith.addi %add3A_125, %add3A_146 : i32
      %lt3A_148 = arith.constant 128 : i32
      %lt3A_149 = arith.cmpi slt, %add3A_147, %lt3A_148 : i32
      %convert_element_type3A_150 = arith.extui %lt3A_149 : i1 to i32
      %cond3A_151 = arith.constant 0 : i32
      %cond3A_152 = arith.cmpi ne, %convert_element_type3A_150, %cond3A_151 : i32
      scf.if %cond3A_152 {
        %mul3A_211 = arith.constant 200 : i32
        %mul3A_212 = arith.muli %add3A_147, %mul3A_211 : i32
        %dma_start3A_213 = arith.constant 1 : i32
        %dma_start3A_214 = arith.constant 0 : i32
        %dma_start3A_215 = arith.constant 0 : i32
        %dma_start3A_216 = tpu.memref_slice %arg6[%dma_start3A_213, %dma_start3A_214, %dma_start3A_215] : memref<4x200x64xf32, #tpu.memory_space<vmem>> -> memref<1x120x64xf32, #tpu.memory_space<vmem>>
        %dma_start3A_217 = tpu.memref_squeeze %dma_start3A_216 : memref<1x120x64xf32, #tpu.memory_space<vmem>> -> memref<120x64xf32, #tpu.memory_space<vmem>>
        %dma_start3A_218 = tpu.memref_slice %arg5[%mul3A_212] : memref<25600xi32, #tpu.memory_space<vmem>> -> memref<120xi32, #tpu.memory_space<vmem>>
        %dma_start3A_219 = arith.constant 0 : i32
        %dma_start3A_220 = arith.constant 0 : i32
        %dma_start3A_221 = tpu.memref_slice %arg2[%dma_start3A_219, %dma_start3A_220] : memref<1015808x64xf32, #tpu.memory_space<hbm>> -> memref<1015808x64xf32, #tpu.memory_space<hbm>>
        tpu.enqueue_indirect_dma source(%dma_start3A_221 : memref<1015808x64xf32, #tpu.memory_space<hbm>>) target(%dma_start3A_217 : memref<120x64xf32, #tpu.memory_space<vmem>>) offsets(%dma_start3A_218 : memref<120xi32, #tpu.memory_space<vmem>>) semaphore(%arg9 : memref<!tpu.dma_semaphore, #tpu.memory_space<semaphore_mem>>)
        %add3A_222 = arith.constant 120 : i32
        %add3A_223 = arith.addi %mul3A_212, %add3A_222 : i32
        %dma_start3A_224 = arith.constant 1 : i32
        %dma_start3A_225 = arith.constant 120 : i32
        %dma_start3A_226 = arith.constant 0 : i32
        %dma_start3A_227 = tpu.memref_slice %arg6[%dma_start3A_224, %dma_start3A_225, %dma_start3A_226] : memref<4x200x64xf32, #tpu.memory_space<vmem>> -> memref<1x80x64xf32, #tpu.memory_space<vmem>>
        %dma_start3A_228 = tpu.memref_squeeze %dma_start3A_227 : memref<1x80x64xf32, #tpu.memory_space<vmem>> -> memref<80x64xf32, #tpu.memory_space<vmem>>
        %dma_start3A_229 = tpu.memref_slice %arg5[%add3A_223] : memref<25600xi32, #tpu.memory_space<vmem>> -> memref<80xi32, #tpu.memory_space<vmem>>
        %dma_start3A_230 = arith.constant 0 : i32
        %dma_start3A_231 = arith.constant 0 : i32
        %dma_start3A_232 = tpu.memref_slice %arg2[%dma_start3A_230, %dma_start3A_231] : memref<1015808x64xf32, #tpu.memory_space<hbm>> -> memref<1015808x64xf32, #tpu.memory_space<hbm>>
        tpu.enqueue_indirect_dma source(%dma_start3A_232 : memref<1015808x64xf32, #tpu.memory_space<hbm>>) target(%dma_start3A_228 : memref<80x64xf32, #tpu.memory_space<vmem>>) offsets(%dma_start3A_229 : memref<80xi32, #tpu.memory_space<vmem>>) semaphore(%arg9 : memref<!tpu.dma_semaphore, #tpu.memory_space<semaphore_mem>>)
      } else {
      }
      %add3A_153 = arith.constant 2 : i32
      %add3A_154 = arith.addi %add3A_98, %add3A_153 : i32
      %dma_wait3A_155 = arith.constant 2 : i32
      %dma_wait3A_156 = arith.constant 0 : i32
      %dma_wait3A_157 = arith.constant 0 : i32
      %dma_wait3A_158 = tpu.memref_slice %arg6[%dma_wait3A_155, %dma_wait3A_156, %dma_wait3A_157] : memref<4x200x64xf32, #tpu.memory_space<vmem>> -> memref<1x200x64xf32, #tpu.memory_space<vmem>>
      %dma_wait3A_159 = tpu.memref_squeeze %dma_wait3A_158 : memref<1x200x64xf32, #tpu.memory_space<vmem>> -> memref<200x64xf32, #tpu.memory_space<vmem>>
      %dma_wait3A_160 = arith.constant 0 : i32
      %dma_wait3A_161 = arith.constant 0 : i32
      %dma_wait3A_162 = tpu.memref_slice %arg4[%dma_wait3A_160, %dma_wait3A_161] : memref<4096x64xf32, #tpu.memory_space<hbm>> -> memref<200x64xf32, #tpu.memory_space<hbm>>
      %dma_wait3A_163 = arith.constant 0 : i32
      %dma_wait3A_164 = arith.constant 0 : i32
      %dma_wait3A_165 = tpu.memref_slice %arg6[%dma_wait3A_155, %dma_wait3A_163, %dma_wait3A_164] : memref<4x200x64xf32, #tpu.memory_space<vmem>> -> memref<1x200x64xf32, #tpu.memory_space<vmem>>
      %dma_wait3A_166 = tpu.memref_squeeze %dma_wait3A_165 : memref<1x200x64xf32, #tpu.memory_space<vmem>> -> memref<200x64xf32, #tpu.memory_space<vmem>>
      %dma_wait3A_167 = arith.constant 0 : i32
      %dma_wait3A_168 = arith.constant 0 : i32
      %dma_wait3A_169 = tpu.memref_slice %arg4[%dma_wait3A_167, %dma_wait3A_168] : memref<4096x64xf32, #tpu.memory_space<hbm>> -> memref<200x64xf32, #tpu.memory_space<hbm>>
      tpu.wait_dma2 semaphore(%arg10 : memref<!tpu.dma_semaphore, #tpu.memory_space<semaphore_mem>>) src(%dma_wait3A_169 : memref<200x64xf32, #tpu.memory_space<hbm>>) dst(%dma_wait3A_166 : memref<200x64xf32, #tpu.memory_space<vmem>>)
      %scan3A_170 = arith.constant 0 : i32
      %scan3A_171 = arith.constant 8 : i32
      %scan3A_172 = arith.addi %scan3A_170, %scan3A_171 : i32
      %scan3A_173 = arith.constant 1 : i32
      scf.for %scan3A_211 = %scan3A_170 to %scan3A_172 step %scan3A_173  : i32 {
        %mul3A_212 = arith.constant 25 : i32
        %mul3A_213 = arith.muli %scan3A_211, %mul3A_212 : i32
        %add3A_214 = arith.constant 0 : i32
        %add3A_215 = arith.addi %add3A_214, %mul3A_213 : i32
        %get3A = arith.constant 2 : i32
        %get3A_216 = arith.index_cast %get3A : i32 to index
        %get3A_217 = arith.index_cast %add3A_215 : i32 to index
        %get3A_218 = arith.constant 0 : index
        %get3A_219 = tpu.vector_load %arg6[%get3A_216, %get3A_217, %get3A_218] {strides = array<i32>} : memref<4x200x64xf32, #tpu.memory_space<vmem>>, vector<1x1x16xf32>,
        %get3A_220 = vector.shape_cast %get3A_219 : vector<1x1x16xf32> to vector<16xf32>
        %add3A_221 = arith.constant 1 : i32
        %add3A_222 = arith.addi %add3A_215, %add3A_221 : i32
        %get3A_223 = arith.constant 2 : i32
        %get3A_224 = arith.index_cast %get3A_223 : i32 to index
        %get3A_225 = arith.index_cast %add3A_222 : i32 to index
        %get3A_226 = arith.constant 0 : index
        %get3A_227 = tpu.vector_load %arg6[%get3A_224, %get3A_225, %get3A_226] {strides = array<i32>} : memref<4x200x64xf32, #tpu.memory_space<vmem>>, vector<1x1x16xf32>,
        %get3A_228 = vector.shape_cast %get3A_227 : vector<1x1x16xf32> to vector<16xf32>
        %add3A_229 = arith.constant 2 : i32
        %add3A_230 = arith.addi %add3A_215, %add3A_229 : i32
        %get3A_231 = arith.constant 2 : i32
        %get3A_232 = arith.index_cast %get3A_231 : i32 to index
        %get3A_233 = arith.index_cast %add3A_230 : i32 to index
        %get3A_234 = arith.constant 0 : index
        %get3A_235 = tpu.vector_load %arg6[%get3A_232, %get3A_233, %get3A_234] {strides = array<i32>} : memref<4x200x64xf32, #tpu.memory_space<vmem>>, vector<1x1x16xf32>,
        %get3A_236 = vector.shape_cast %get3A_235 : vector<1x1x16xf32> to vector<16xf32>
        %add3A_237 = arith.addf %get3A_220, %get3A_236 : vector<16xf32>
        %add3A_238 = arith.constant 4 : i32
        %add3A_239 = arith.addi %add3A_215, %add3A_238 : i32
        %get3A_240 = arith.constant 2 : i32
        %get3A_241 = arith.index_cast %get3A_240 : i32 to index
        %get3A_242 = arith.index_cast %add3A_239 : i32 to index
        %get3A_243 = arith.constant 0 : index
        %get3A_244 = tpu.vector_load %arg6[%get3A_241, %get3A_242, %get3A_243] {strides = array<i32>} : memref<4x200x64xf32, #tpu.memory_space<vmem>>, vector<1x1x16xf32>,
        %get3A_245 = vector.shape_cast %get3A_244 : vector<1x1x16xf32> to vector<16xf32>
        %add3A_246 = arith.addf %add3A_237, %get3A_245 : vector<16xf32>
        %add3A_247 = arith.constant 6 : i32
        %add3A_248 = arith.addi %add3A_215, %add3A_247 : i32
        %get3A_249 = arith.constant 2 : i32
        %get3A_250 = arith.index_cast %get3A_249 : i32 to index
        %get3A_251 = arith.index_cast %add3A_248 : i32 to index
        %get3A_252 = arith.constant 0 : index
        %get3A_253 = tpu.vector_load %arg6[%get3A_250, %get3A_251, %get3A_252] {strides = array<i32>} : memref<4x200x64xf32, #tpu.memory_space<vmem>>, vector<1x1x16xf32>,
        %get3A_254 = vector.shape_cast %get3A_253 : vector<1x1x16xf32> to vector<16xf32>
        %add3A_255 = arith.addf %add3A_246, %get3A_254 : vector<16xf32>
        %add3A_256 = arith.constant 8 : i32
        %add3A_257 = arith.addi %add3A_215, %add3A_256 : i32
        %get3A_258 = arith.constant 2 : i32
        %get3A_259 = arith.index_cast %get3A_258 : i32 to index
        %get3A_260 = arith.index_cast %add3A_257 : i32 to index
        %get3A_261 = arith.constant 0 : index
        %get3A_262 = tpu.vector_load %arg6[%get3A_259, %get3A_260, %get3A_261] {strides = array<i32>} : memref<4x200x64xf32, #tpu.memory_space<vmem>>, vector<1x1x16xf32>,
        %get3A_263 = vector.shape_cast %get3A_262 : vector<1x1x16xf32> to vector<16xf32>
        %add3A_264 = arith.addf %add3A_255, %get3A_263 : vector<16xf32>
        %add3A_265 = arith.constant 10 : i32
        %add3A_266 = arith.addi %add3A_215, %add3A_265 : i32
        %get3A_267 = arith.constant 2 : i32
        %get3A_268 = arith.index_cast %get3A_267 : i32 to index
        %get3A_269 = arith.index_cast %add3A_266 : i32 to index
        %get3A_270 = arith.constant 0 : index
        %get3A_271 = tpu.vector_load %arg6[%get3A_268, %get3A_269, %get3A_270] {strides = array<i32>} : memref<4x200x64xf32, #tpu.memory_space<vmem>>, vector<1x1x16xf32>,
        %get3A_272 = vector.shape_cast %get3A_271 : vector<1x1x16xf32> to vector<16xf32>
        %add3A_273 = arith.addf %add3A_264, %get3A_272 : vector<16xf32>
        %add3A_274 = arith.constant 12 : i32
        %add3A_275 = arith.addi %add3A_215, %add3A_274 : i32
        %get3A_276 = arith.constant 2 : i32
        %get3A_277 = arith.index_cast %get3A_276 : i32 to index
        %get3A_278 = arith.index_cast %add3A_275 : i32 to index
        %get3A_279 = arith.constant 0 : index
        %get3A_280 = tpu.vector_load %arg6[%get3A_277, %get3A_278, %get3A_279] {strides = array<i32>} : memref<4x200x64xf32, #tpu.memory_space<vmem>>, vector<1x1x16xf32>,
        %get3A_281 = vector.shape_cast %get3A_280 : vector<1x1x16xf32> to vector<16xf32>
        %add3A_282 = arith.addf %add3A_273, %get3A_281 : vector<16xf32>
        %add3A_283 = arith.constant 14 : i32
        %add3A_284 = arith.addi %add3A_215, %add3A_283 : i32
        %get3A_285 = arith.constant 2 : i32
        %get3A_286 = arith.index_cast %get3A_285 : i32 to index
        %get3A_287 = arith.index_cast %add3A_284 : i32 to index
        %get3A_288 = arith.constant 0 : index
        %get3A_289 = tpu.vector_load %arg6[%get3A_286, %get3A_287, %get3A_288] {strides = array<i32>} : memref<4x200x64xf32, #tpu.memory_space<vmem>>, vector<1x1x16xf32>,
        %get3A_290 = vector.shape_cast %get3A_289 : vector<1x1x16xf32> to vector<16xf32>
        %add3A_291 = arith.addf %add3A_282, %get3A_290 : vector<16xf32>
        %add3A_292 = arith.constant 16 : i32
        %add3A_293 = arith.addi %add3A_215, %add3A_292 : i32
        %get3A_294 = arith.constant 2 : i32
        %get3A_295 = arith.index_cast %get3A_294 : i32 to index
        %get3A_296 = arith.index_cast %add3A_293 : i32 to index
        %get3A_297 = arith.constant 0 : index
        %get3A_298 = tpu.vector_load %arg6[%get3A_295, %get3A_296, %get3A_297] {strides = array<i32>} : memref<4x200x64xf32, #tpu.memory_space<vmem>>, vector<1x1x16xf32>,
        %get3A_299 = vector.shape_cast %get3A_298 : vector<1x1x16xf32> to vector<16xf32>
        %add3A_300 = arith.addf %add3A_291, %get3A_299 : vector<16xf32>
        %add3A_301 = arith.constant 18 : i32
        %add3A_302 = arith.addi %add3A_215, %add3A_301 : i32
        %get3A_303 = arith.constant 2 : i32
        %get3A_304 = arith.index_cast %get3A_303 : i32 to index
        %get3A_305 = arith.index_cast %add3A_302 : i32 to index
        %get3A_306 = arith.constant 0 : index
        %get3A_307 = tpu.vector_load %arg6[%get3A_304, %get3A_305, %get3A_306] {strides = array<i32>} : memref<4x200x64xf32, #tpu.memory_space<vmem>>, vector<1x1x16xf32>,
        %get3A_308 = vector.shape_cast %get3A_307 : vector<1x1x16xf32> to vector<16xf32>
        %add3A_309 = arith.addf %add3A_300, %get3A_308 : vector<16xf32>
        %add3A_310 = arith.constant 20 : i32
        %add3A_311 = arith.addi %add3A_215, %add3A_310 : i32
        %get3A_312 = arith.constant 2 : i32
        %get3A_313 = arith.index_cast %get3A_312 : i32 to index
        %get3A_314 = arith.index_cast %add3A_311 : i32 to index
        %get3A_315 = arith.constant 0 : index
        %get3A_316 = tpu.vector_load %arg6[%get3A_313, %get3A_314, %get3A_315] {strides = array<i32>} : memref<4x200x64xf32, #tpu.memory_space<vmem>>, vector<1x1x16xf32>,
        %get3A_317 = vector.shape_cast %get3A_316 : vector<1x1x16xf32> to vector<16xf32>
        %add3A_318 = arith.addf %add3A_309, %get3A_317 : vector<16xf32>
        %add3A_319 = arith.constant 22 : i32
        %add3A_320 = arith.addi %add3A_215, %add3A_319 : i32
        %get3A_321 = arith.constant 2 : i32
        %get3A_322 = arith.index_cast %get3A_321 : i32 to index
        %get3A_323 = arith.index_cast %add3A_320 : i32 to index
        %get3A_324 = arith.constant 0 : index
        %get3A_325 = tpu.vector_load %arg6[%get3A_322, %get3A_323, %get3A_324] {strides = array<i32>} : memref<4x200x64xf32, #tpu.memory_space<vmem>>, vector<1x1x16xf32>,
        %get3A_326 = vector.shape_cast %get3A_325 : vector<1x1x16xf32> to vector<16xf32>
        %add3A_327 = arith.addf %add3A_318, %get3A_326 : vector<16xf32>
        %add3A_328 = arith.constant 24 : i32
        %add3A_329 = arith.addi %add3A_215, %add3A_328 : i32
        %get3A_330 = arith.constant 2 : i32
        %get3A_331 = arith.index_cast %get3A_330 : i32 to index
        %get3A_332 = arith.index_cast %add3A_329 : i32 to index
        %get3A_333 = arith.constant 0 : index
        %get3A_334 = tpu.vector_load %arg6[%get3A_331, %get3A_332, %get3A_333] {strides = array<i32>} : memref<4x200x64xf32, #tpu.memory_space<vmem>>, vector<1x1x16xf32>,
        %get3A_335 = vector.shape_cast %get3A_334 : vector<1x1x16xf32> to vector<16xf32>
        %add3A_336 = arith.addf %add3A_327, %get3A_335 : vector<16xf32>
        %add3A_337 = arith.constant 3 : i32
        %add3A_338 = arith.addi %add3A_215, %add3A_337 : i32
        %get3A_339 = arith.constant 2 : i32
        %get3A_340 = arith.index_cast %get3A_339 : i32 to index
        %get3A_341 = arith.index_cast %add3A_338 : i32 to index
        %get3A_342 = arith.constant 0 : index
        %get3A_343 = tpu.vector_load %arg6[%get3A_340, %get3A_341, %get3A_342] {strides = array<i32>} : memref<4x200x64xf32, #tpu.memory_space<vmem>>, vector<1x1x16xf32>,
        %get3A_344 = vector.shape_cast %get3A_343 : vector<1x1x16xf32> to vector<16xf32>
        %add3A_345 = arith.addf %get3A_228, %get3A_344 : vector<16xf32>
        %add3A_346 = arith.constant 5 : i32
        %add3A_347 = arith.addi %add3A_215, %add3A_346 : i32
        %get3A_348 = arith.constant 2 : i32
        %get3A_349 = arith.index_cast %get3A_348 : i32 to index
        %get3A_350 = arith.index_cast %add3A_347 : i32 to index
        %get3A_351 = arith.constant 0 : index
        %get3A_352 = tpu.vector_load %arg6[%get3A_349, %get3A_350, %get3A_351] {strides = array<i32>} : memref<4x200x64xf32, #tpu.memory_space<vmem>>, vector<1x1x16xf32>,
        %get3A_353 = vector.shape_cast %get3A_352 : vector<1x1x16xf32> to vector<16xf32>
        %add3A_354 = arith.addf %add3A_345, %get3A_353 : vector<16xf32>
        %add3A_355 = arith.constant 7 : i32
        %add3A_356 = arith.addi %add3A_215, %add3A_355 : i32
        %get3A_357 = arith.constant 2 : i32
        %get3A_358 = arith.index_cast %get3A_357 : i32 to index
        %get3A_359 = arith.index_cast %add3A_356 : i32 to index
        %get3A_360 = arith.constant 0 : index
        %get3A_361 = tpu.vector_load %arg6[%get3A_358, %get3A_359, %get3A_360] {strides = array<i32>} : memref<4x200x64xf32, #tpu.memory_space<vmem>>, vector<1x1x16xf32>,
        %get3A_362 = vector.shape_cast %get3A_361 : vector<1x1x16xf32> to vector<16xf32>
        %add3A_363 = arith.addf %add3A_354, %get3A_362 : vector<16xf32>
        %add3A_364 = arith.constant 9 : i32
        %add3A_365 = arith.addi %add3A_215, %add3A_364 : i32
        %get3A_366 = arith.constant 2 : i32
        %get3A_367 = arith.index_cast %get3A_366 : i32 to index
        %get3A_368 = arith.index_cast %add3A_365 : i32 to index
        %get3A_369 = arith.constant 0 : index
        %get3A_370 = tpu.vector_load %arg6[%get3A_367, %get3A_368, %get3A_369] {strides = array<i32>} : memref<4x200x64xf32, #tpu.memory_space<vmem>>, vector<1x1x16xf32>,
        %get3A_371 = vector.shape_cast %get3A_370 : vector<1x1x16xf32> to vector<16xf32>
        %add3A_372 = arith.addf %add3A_363, %get3A_371 : vector<16xf32>
        %add3A_373 = arith.constant 11 : i32
        %add3A_374 = arith.addi %add3A_215, %add3A_373 : i32
        %get3A_375 = arith.constant 2 : i32
        %get3A_376 = arith.index_cast %get3A_375 : i32 to index
        %get3A_377 = arith.index_cast %add3A_374 : i32 to index
        %get3A_378 = arith.constant 0 : index
        %get3A_379 = tpu.vector_load %arg6[%get3A_376, %get3A_377, %get3A_378] {strides = array<i32>} : memref<4x200x64xf32, #tpu.memory_space<vmem>>, vector<1x1x16xf32>,
        %get3A_380 = vector.shape_cast %get3A_379 : vector<1x1x16xf32> to vector<16xf32>
        %add3A_381 = arith.addf %add3A_372, %get3A_380 : vector<16xf32>
        %add3A_382 = arith.constant 13 : i32
        %add3A_383 = arith.addi %add3A_215, %add3A_382 : i32
        %get3A_384 = arith.constant 2 : i32
        %get3A_385 = arith.index_cast %get3A_384 : i32 to index
        %get3A_386 = arith.index_cast %add3A_383 : i32 to index
        %get3A_387 = arith.constant 0 : index
        %get3A_388 = tpu.vector_load %arg6[%get3A_385, %get3A_386, %get3A_387] {strides = array<i32>} : memref<4x200x64xf32, #tpu.memory_space<vmem>>, vector<1x1x16xf32>,
        %get3A_389 = vector.shape_cast %get3A_388 : vector<1x1x16xf32> to vector<16xf32>
        %add3A_390 = arith.addf %add3A_381, %get3A_389 : vector<16xf32>
        %add3A_391 = arith.constant 15 : i32
        %add3A_392 = arith.addi %add3A_215, %add3A_391 : i32
        %get3A_393 = arith.constant 2 : i32
        %get3A_394 = arith.index_cast %get3A_393 : i32 to index
        %get3A_395 = arith.index_cast %add3A_392 : i32 to index
        %get3A_396 = arith.constant 0 : index
        %get3A_397 = tpu.vector_load %arg6[%get3A_394, %get3A_395, %get3A_396] {strides = array<i32>} : memref<4x200x64xf32, #tpu.memory_space<vmem>>, vector<1x1x16xf32>,
        %get3A_398 = vector.shape_cast %get3A_397 : vector<1x1x16xf32> to vector<16xf32>
        %add3A_399 = arith.addf %add3A_390, %get3A_398 : vector<16xf32>
        %add3A_400 = arith.constant 17 : i32
        %add3A_401 = arith.addi %add3A_215, %add3A_400 : i32
        %get3A_402 = arith.constant 2 : i32
        %get3A_403 = arith.index_cast %get3A_402 : i32 to index
        %get3A_404 = arith.index_cast %add3A_401 : i32 to index
        %get3A_405 = arith.constant 0 : index
        %get3A_406 = tpu.vector_load %arg6[%get3A_403, %get3A_404, %get3A_405] {strides = array<i32>} : memref<4x200x64xf32, #tpu.memory_space<vmem>>, vector<1x1x16xf32>,
        %get3A_407 = vector.shape_cast %get3A_406 : vector<1x1x16xf32> to vector<16xf32>
        %add3A_408 = arith.addf %add3A_399, %get3A_407 : vector<16xf32>
        %add3A_409 = arith.constant 19 : i32
        %add3A_410 = arith.addi %add3A_215, %add3A_409 : i32
        %get3A_411 = arith.constant 2 : i32
        %get3A_412 = arith.index_cast %get3A_411 : i32 to index
        %get3A_413 = arith.index_cast %add3A_410 : i32 to index
        %get3A_414 = arith.constant 0 : index
        %get3A_415 = tpu.vector_load %arg6[%get3A_412, %get3A_413, %get3A_414] {strides = array<i32>} : memref<4x200x64xf32, #tpu.memory_space<vmem>>, vector<1x1x16xf32>,
        %get3A_416 = vector.shape_cast %get3A_415 : vector<1x1x16xf32> to vector<16xf32>
        %add3A_417 = arith.addf %add3A_408, %get3A_416 : vector<16xf32>
        %add3A_418 = arith.constant 21 : i32
        %add3A_419 = arith.addi %add3A_215, %add3A_418 : i32
        %get3A_420 = arith.constant 2 : i32
        %get3A_421 = arith.index_cast %get3A_420 : i32 to index
        %get3A_422 = arith.index_cast %add3A_419 : i32 to index
        %get3A_423 = arith.constant 0 : index
        %get3A_424 = tpu.vector_load %arg6[%get3A_421, %get3A_422, %get3A_423] {strides = array<i32>} : memref<4x200x64xf32, #tpu.memory_space<vmem>>, vector<1x1x16xf32>,
        %get3A_425 = vector.shape_cast %get3A_424 : vector<1x1x16xf32> to vector<16xf32>
        %add3A_426 = arith.addf %add3A_417, %get3A_425 : vector<16xf32>
        %add3A_427 = arith.constant 23 : i32
        %add3A_428 = arith.addi %add3A_215, %add3A_427 : i32
        %get3A_429 = arith.constant 2 : i32
        %get3A_430 = arith.index_cast %get3A_429 : i32 to index
        %get3A_431 = arith.index_cast %add3A_428 : i32 to index
        %get3A_432 = arith.constant 0 : index
        %get3A_433 = tpu.vector_load %arg6[%get3A_430, %get3A_431, %get3A_432] {strides = array<i32>} : memref<4x200x64xf32, #tpu.memory_space<vmem>>, vector<1x1x16xf32>,
        %get3A_434 = vector.shape_cast %get3A_433 : vector<1x1x16xf32> to vector<16xf32>
        %add3A_435 = arith.addf %add3A_426, %get3A_434 : vector<16xf32>
        %get3A_436 = arith.index_cast %add3A_154 : i32 to index
        %get3A_437 = arith.constant 0 : index
        %get3A_438 = tpu.vector_load %arg7[%get3A_436, %get3A_437] {strides = array<i32>} : memref<128x64xf32, #tpu.memory_space<vmem>>, vector<1x16xf32>,
        %get3A_439 = vector.shape_cast %get3A_438 : vector<1x16xf32> to vector<16xf32>
        %add3A_440 = arith.addf %add3A_336, %add3A_435 : vector<16xf32>
        %add3A_441 = arith.addf %get3A_439, %add3A_440 : vector<16xf32>
        %swap3A = arith.index_cast %add3A_154 : i32 to index
        %swap3A_442 = arith.constant 0 : index
        %swap3A_443 = tpu.vector_load %arg7[%swap3A, %swap3A_442] {strides = array<i32>} : memref<128x64xf32, #tpu.memory_space<vmem>>, vector<1x16xf32>,
        %swap3A_444 = vector.shape_cast %swap3A_443 : vector<1x16xf32> to vector<16xf32>
        %swap3A_445 = vector.shape_cast %add3A_441 : vector<16xf32> to vector<1x16xf32>
        tpu.vector_store %arg7[%swap3A, %swap3A_442], %swap3A_445 {strides = array<i32>} : memref<128x64xf32, #tpu.memory_space<vmem>>, vector<1x16xf32>,
        %get3A_446 = arith.constant 2 : i32
        %get3A_447 = arith.index_cast %get3A_446 : i32 to index
        %get3A_448 = arith.index_cast %add3A_215 : i32 to index
        %get3A_449 = arith.constant 16 : index
        %get3A_450 = tpu.vector_load %arg6[%get3A_447, %get3A_448, %get3A_449] {strides = array<i32>} : memref<4x200x64xf32, #tpu.memory_space<vmem>>, vector<1x1x16xf32>,
        %get3A_451 = vector.shape_cast %get3A_450 : vector<1x1x16xf32> to vector<16xf32>
        %add3A_452 = arith.constant 1 : i32
        %add3A_453 = arith.addi %add3A_215, %add3A_452 : i32
        %get3A_454 = arith.constant 2 : i32
        %get3A_455 = arith.index_cast %get3A_454 : i32 to index
        %get3A_456 = arith.index_cast %add3A_453 : i32 to index
        %get3A_457 = arith.constant 16 : index
        %get3A_458 = tpu.vector_load %arg6[%get3A_455, %get3A_456, %get3A_457] {strides = array<i32>} : memref<4x200x64xf32, #tpu.memory_space<vmem>>, vector<1x1x16xf32>,
        %get3A_459 = vector.shape_cast %get3A_458 : vector<1x1x16xf32> to vector<16xf32>
        %add3A_460 = arith.constant 2 : i32
        %add3A_461 = arith.addi %add3A_215, %add3A_460 : i32
        %get3A_462 = arith.constant 2 : i32
        %get3A_463 = arith.index_cast %get3A_462 : i32 to index
        %get3A_464 = arith.index_cast %add3A_461 : i32 to index
        %get3A_465 = arith.constant 16 : index
        %get3A_466 = tpu.vector_load %arg6[%get3A_463, %get3A_464, %get3A_465] {strides = array<i32>} : memref<4x200x64xf32, #tpu.memory_space<vmem>>, vector<1x1x16xf32>,
        %get3A_467 = vector.shape_cast %get3A_466 : vector<1x1x16xf32> to vector<16xf32>
        %add3A_468 = arith.addf %get3A_451, %get3A_467 : vector<16xf32>
        %add3A_469 = arith.constant 4 : i32
        %add3A_470 = arith.addi %add3A_215, %add3A_469 : i32
        %get3A_471 = arith.constant 2 : i32
        %get3A_472 = arith.index_cast %get3A_471 : i32 to index
        %get3A_473 = arith.index_cast %add3A_470 : i32 to index
        %get3A_474 = arith.constant 16 : index
        %get3A_475 = tpu.vector_load %arg6[%get3A_472, %get3A_473, %get3A_474] {strides = array<i32>} : memref<4x200x64xf32, #tpu.memory_space<vmem>>, vector<1x1x16xf32>,
        %get3A_476 = vector.shape_cast %get3A_475 : vector<1x1x16xf32> to vector<16xf32>
        %add3A_477 = arith.addf %add3A_468, %get3A_476 : vector<16xf32>
        %add3A_478 = arith.constant 6 : i32
        %add3A_479 = arith.addi %add3A_215, %add3A_478 : i32
        %get3A_480 = arith.constant 2 : i32
        %get3A_481 = arith.index_cast %get3A_480 : i32 to index
        %get3A_482 = arith.index_cast %add3A_479 : i32 to index
        %get3A_483 = arith.constant 16 : index
        %get3A_484 = tpu.vector_load %arg6[%get3A_481, %get3A_482, %get3A_483] {strides = array<i32>} : memref<4x200x64xf32, #tpu.memory_space<vmem>>, vector<1x1x16xf32>,
        %get3A_485 = vector.shape_cast %get3A_484 : vector<1x1x16xf32> to vector<16xf32>
        %add3A_486 = arith.addf %add3A_477, %get3A_485 : vector<16xf32>
        %add3A_487 = arith.constant 8 : i32
        %add3A_488 = arith.addi %add3A_215, %add3A_487 : i32
        %get3A_489 = arith.constant 2 : i32
        %get3A_490 = arith.index_cast %get3A_489 : i32 to index
        %get3A_491 = arith.index_cast %add3A_488 : i32 to index
        %get3A_492 = arith.constant 16 : index
        %get3A_493 = tpu.vector_load %arg6[%get3A_490, %get3A_491, %get3A_492] {strides = array<i32>} : memref<4x200x64xf32, #tpu.memory_space<vmem>>, vector<1x1x16xf32>,
        %get3A_494 = vector.shape_cast %get3A_493 : vector<1x1x16xf32> to vector<16xf32>
        %add3A_495 = arith.addf %add3A_486, %get3A_494 : vector<16xf32>
        %add3A_496 = arith.constant 10 : i32
        %add3A_497 = arith.addi %add3A_215, %add3A_496 : i32
        %get3A_498 = arith.constant 2 : i32
        %get3A_499 = arith.index_cast %get3A_498 : i32 to index
        %get3A_500 = arith.index_cast %add3A_497 : i32 to index
        %get3A_501 = arith.constant 16 : index
        %get3A_502 = tpu.vector_load %arg6[%get3A_499, %get3A_500, %get3A_501] {strides = array<i32>} : memref<4x200x64xf32, #tpu.memory_space<vmem>>, vector<1x1x16xf32>,
        %get3A_503 = vector.shape_cast %get3A_502 : vector<1x1x16xf32> to vector<16xf32>
        %add3A_504 = arith.addf %add3A_495, %get3A_503 : vector<16xf32>
        %add3A_505 = arith.constant 12 : i32
        %add3A_506 = arith.addi %add3A_215, %add3A_505 : i32
        %get3A_507 = arith.constant 2 : i32
        %get3A_508 = arith.index_cast %get3A_507 : i32 to index
        %get3A_509 = arith.index_cast %add3A_506 : i32 to index
        %get3A_510 = arith.constant 16 : index
        %get3A_511 = tpu.vector_load %arg6[%get3A_508, %get3A_509, %get3A_510] {strides = array<i32>} : memref<4x200x64xf32, #tpu.memory_space<vmem>>, vector<1x1x16xf32>,
        %get3A_512 = vector.shape_cast %get3A_511 : vector<1x1x16xf32> to vector<16xf32>
        %add3A_513 = arith.addf %add3A_504, %get3A_512 : vector<16xf32>
        %add3A_514 = arith.constant 14 : i32
        %add3A_515 = arith.addi %add3A_215, %add3A_514 : i32
        %get3A_516 = arith.constant 2 : i32
        %get3A_517 = arith.index_cast %get3A_516 : i32 to index
        %get3A_518 = arith.index_cast %add3A_515 : i32 to index
        %get3A_519 = arith.constant 16 : index
        %get3A_520 = tpu.vector_load %arg6[%get3A_517, %get3A_518, %get3A_519] {strides = array<i32>} : memref<4x200x64xf32, #tpu.memory_space<vmem>>, vector<1x1x16xf32>,
        %get3A_521 = vector.shape_cast %get3A_520 : vector<1x1x16xf32> to vector<16xf32>
        %add3A_522 = arith.addf %add3A_513, %get3A_521 : vector<16xf32>
        %add3A_523 = arith.constant 16 : i32
        %add3A_524 = arith.addi %add3A_215, %add3A_523 : i32
        %get3A_525 = arith.constant 2 : i32
        %get3A_526 = arith.index_cast %get3A_525 : i32 to index
        %get3A_527 = arith.index_cast %add3A_524 : i32 to index
        %get3A_528 = arith.constant 16 : index
        %get3A_529 = tpu.vector_load %arg6[%get3A_526, %get3A_527, %get3A_528] {strides = array<i32>} : memref<4x200x64xf32, #tpu.memory_space<vmem>>, vector<1x1x16xf32>,
        %get3A_530 = vector.shape_cast %get3A_529 : vector<1x1x16xf32> to vector<16xf32>
        %add3A_531 = arith.addf %add3A_522, %get3A_530 : vector<16xf32>
        %add3A_532 = arith.constant 18 : i32
        %add3A_533 = arith.addi %add3A_215, %add3A_532 : i32
        %get3A_534 = arith.constant 2 : i32
        %get3A_535 = arith.index_cast %get3A_534 : i32 to index
        %get3A_536 = arith.index_cast %add3A_533 : i32 to index
        %get3A_537 = arith.constant 16 : index
        %get3A_538 = tpu.vector_load %arg6[%get3A_535, %get3A_536, %get3A_537] {strides = array<i32>} : memref<4x200x64xf32, #tpu.memory_space<vmem>>, vector<1x1x16xf32>,
        %get3A_539 = vector.shape_cast %get3A_538 : vector<1x1x16xf32> to vector<16xf32>
        %add3A_540 = arith.addf %add3A_531, %get3A_539 : vector<16xf32>
        %add3A_541 = arith.constant 20 : i32
        %add3A_542 = arith.addi %add3A_215, %add3A_541 : i32
        %get3A_543 = arith.constant 2 : i32
        %get3A_544 = arith.index_cast %get3A_543 : i32 to index
        %get3A_545 = arith.index_cast %add3A_542 : i32 to index
        %get3A_546 = arith.constant 16 : index
        %get3A_547 = tpu.vector_load %arg6[%get3A_544, %get3A_545, %get3A_546] {strides = array<i32>} : memref<4x200x64xf32, #tpu.memory_space<vmem>>, vector<1x1x16xf32>,
        %get3A_548 = vector.shape_cast %get3A_547 : vector<1x1x16xf32> to vector<16xf32>
        %add3A_549 = arith.addf %add3A_540, %get3A_548 : vector<16xf32>
        %add3A_550 = arith.constant 22 : i32
        %add3A_551 = arith.addi %add3A_215, %add3A_550 : i32
        %get3A_552 = arith.constant 2 : i32
        %get3A_553 = arith.index_cast %get3A_552 : i32 to index
        %get3A_554 = arith.index_cast %add3A_551 : i32 to index
        %get3A_555 = arith.constant 16 : index
        %get3A_556 = tpu.vector_load %arg6[%get3A_553, %get3A_554, %get3A_555] {strides = array<i32>} : memref<4x200x64xf32, #tpu.memory_space<vmem>>, vector<1x1x16xf32>,
        %get3A_557 = vector.shape_cast %get3A_556 : vector<1x1x16xf32> to vector<16xf32>
        %add3A_558 = arith.addf %add3A_549, %get3A_557 : vector<16xf32>
        %add3A_559 = arith.constant 24 : i32
        %add3A_560 = arith.addi %add3A_215, %add3A_559 : i32
        %get3A_561 = arith.constant 2 : i32
        %get3A_562 = arith.index_cast %get3A_561 : i32 to index
        %get3A_563 = arith.index_cast %add3A_560 : i32 to index
        %get3A_564 = arith.constant 16 : index
        %get3A_565 = tpu.vector_load %arg6[%get3A_562, %get3A_563, %get3A_564] {strides = array<i32>} : memref<4x200x64xf32, #tpu.memory_space<vmem>>, vector<1x1x16xf32>,
        %get3A_566 = vector.shape_cast %get3A_565 : vector<1x1x16xf32> to vector<16xf32>
        %add3A_567 = arith.addf %add3A_558, %get3A_566 : vector<16xf32>
        %add3A_568 = arith.constant 3 : i32
        %add3A_569 = arith.addi %add3A_215, %add3A_568 : i32
        %get3A_570 = arith.constant 2 : i32
        %get3A_571 = arith.index_cast %get3A_570 : i32 to index
        %get3A_572 = arith.index_cast %add3A_569 : i32 to index
        %get3A_573 = arith.constant 16 : index
        %get3A_574 = tpu.vector_load %arg6[%get3A_571, %get3A_572, %get3A_573] {strides = array<i32>} : memref<4x200x64xf32, #tpu.memory_space<vmem>>, vector<1x1x16xf32>,
        %get3A_575 = vector.shape_cast %get3A_574 : vector<1x1x16xf32> to vector<16xf32>
        %add3A_576 = arith.addf %get3A_459, %get3A_575 : vector<16xf32>
        %add3A_577 = arith.constant 5 : i32
        %add3A_578 = arith.addi %add3A_215, %add3A_577 : i32
        %get3A_579 = arith.constant 2 : i32
        %get3A_580 = arith.index_cast %get3A_579 : i32 to index
        %get3A_581 = arith.index_cast %add3A_578 : i32 to index
        %get3A_582 = arith.constant 16 : index
        %get3A_583 = tpu.vector_load %arg6[%get3A_580, %get3A_581, %get3A_582] {strides = array<i32>} : memref<4x200x64xf32, #tpu.memory_space<vmem>>, vector<1x1x16xf32>,
        %get3A_584 = vector.shape_cast %get3A_583 : vector<1x1x16xf32> to vector<16xf32>
        %add3A_585 = arith.addf %add3A_576, %get3A_584 : vector<16xf32>
        %add3A_586 = arith.constant 7 : i32
        %add3A_587 = arith.addi %add3A_215, %add3A_586 : i32
        %get3A_588 = arith.constant 2 : i32
        %get3A_589 = arith.index_cast %get3A_588 : i32 to index
        %get3A_590 = arith.index_cast %add3A_587 : i32 to index
        %get3A_591 = arith.constant 16 : index
        %get3A_592 = tpu.vector_load %arg6[%get3A_589, %get3A_590, %get3A_591] {strides = array<i32>} : memref<4x200x64xf32, #tpu.memory_space<vmem>>, vector<1x1x16xf32>,
        %get3A_593 = vector.shape_cast %get3A_592 : vector<1x1x16xf32> to vector<16xf32>
        %add3A_594 = arith.addf %add3A_585, %get3A_593 : vector<16xf32>
        %add3A_595 = arith.constant 9 : i32
        %add3A_596 = arith.addi %add3A_215, %add3A_595 : i32
        %get3A_597 = arith.constant 2 : i32
        %get3A_598 = arith.index_cast %get3A_597 : i32 to index
        %get3A_599 = arith.index_cast %add3A_596 : i32 to index
        %get3A_600 = arith.constant 16 : index
        %get3A_601 = tpu.vector_load %arg6[%get3A_598, %get3A_599, %get3A_600] {strides = array<i32>} : memref<4x200x64xf32, #tpu.memory_space<vmem>>, vector<1x1x16xf32>,
        %get3A_602 = vector.shape_cast %get3A_601 : vector<1x1x16xf32> to vector<16xf32>
        %add3A_603 = arith.addf %add3A_594, %get3A_602 : vector<16xf32>
        %add3A_604 = arith.constant 11 : i32
        %add3A_605 = arith.addi %add3A_215, %add3A_604 : i32
        %get3A_606 = arith.constant 2 : i32
        %get3A_607 = arith.index_cast %get3A_606 : i32 to index
        %get3A_608 = arith.index_cast %add3A_605 : i32 to index
        %get3A_609 = arith.constant 16 : index
        %get3A_610 = tpu.vector_load %arg6[%get3A_607, %get3A_608, %get3A_609] {strides = array<i32>} : memref<4x200x64xf32, #tpu.memory_space<vmem>>, vector<1x1x16xf32>,
        %get3A_611 = vector.shape_cast %get3A_610 : vector<1x1x16xf32> to vector<16xf32>
        %add3A_612 = arith.addf %add3A_603, %get3A_611 : vector<16xf32>
        %add3A_613 = arith.constant 13 : i32
        %add3A_614 = arith.addi %add3A_215, %add3A_613 : i32
        %get3A_615 = arith.constant 2 : i32
        %get3A_616 = arith.index_cast %get3A_615 : i32 to index
        %get3A_617 = arith.index_cast %add3A_614 : i32 to index
        %get3A_618 = arith.constant 16 : index
        %get3A_619 = tpu.vector_load %arg6[%get3A_616, %get3A_617, %get3A_618] {strides = array<i32>} : memref<4x200x64xf32, #tpu.memory_space<vmem>>, vector<1x1x16xf32>,
        %get3A_620 = vector.shape_cast %get3A_619 : vector<1x1x16xf32> to vector<16xf32>
        %add3A_621 = arith.addf %add3A_612, %get3A_620 : vector<16xf32>
        %add3A_622 = arith.constant 15 : i32
        %add3A_623 = arith.addi %add3A_215, %add3A_622 : i32
        %get3A_624 = arith.constant 2 : i32
        %get3A_625 = arith.index_cast %get3A_624 : i32 to index
        %get3A_626 = arith.index_cast %add3A_623 : i32 to index
        %get3A_627 = arith.constant 16 : index
        %get3A_628 = tpu.vector_load %arg6[%get3A_625, %get3A_626, %get3A_627] {strides = array<i32>} : memref<4x200x64xf32, #tpu.memory_space<vmem>>, vector<1x1x16xf32>,
        %get3A_629 = vector.shape_cast %get3A_628 : vector<1x1x16xf32> to vector<16xf32>
        %add3A_630 = arith.addf %add3A_621, %get3A_629 : vector<16xf32>
        %add3A_631 = arith.constant 17 : i32
        %add3A_632 = arith.addi %add3A_215, %add3A_631 : i32
        %get3A_633 = arith.constant 2 : i32
        %get3A_634 = arith.index_cast %get3A_633 : i32 to index
        %get3A_635 = arith.index_cast %add3A_632 : i32 to index
        %get3A_636 = arith.constant 16 : index
        %get3A_637 = tpu.vector_load %arg6[%get3A_634, %get3A_635, %get3A_636] {strides = array<i32>} : memref<4x200x64xf32, #tpu.memory_space<vmem>>, vector<1x1x16xf32>,
        %get3A_638 = vector.shape_cast %get3A_637 : vector<1x1x16xf32> to vector<16xf32>
        %add3A_639 = arith.addf %add3A_630, %get3A_638 : vector<16xf32>
        %add3A_640 = arith.constant 19 : i32
        %add3A_641 = arith.addi %add3A_215, %add3A_640 : i32
        %get3A_642 = arith.constant 2 : i32
        %get3A_643 = arith.index_cast %get3A_642 : i32 to index
        %get3A_644 = arith.index_cast %add3A_641 : i32 to index
        %get3A_645 = arith.constant 16 : index
        %get3A_646 = tpu.vector_load %arg6[%get3A_643, %get3A_644, %get3A_645] {strides = array<i32>} : memref<4x200x64xf32, #tpu.memory_space<vmem>>, vector<1x1x16xf32>,
        %get3A_647 = vector.shape_cast %get3A_646 : vector<1x1x16xf32> to vector<16xf32>
        %add3A_648 = arith.addf %add3A_639, %get3A_647 : vector<16xf32>
        %add3A_649 = arith.constant 21 : i32
        %add3A_650 = arith.addi %add3A_215, %add3A_649 : i32
        %get3A_651 = arith.constant 2 : i32
        %get3A_652 = arith.index_cast %get3A_651 : i32 to index
        %get3A_653 = arith.index_cast %add3A_650 : i32 to index
        %get3A_654 = arith.constant 16 : index
        %get3A_655 = tpu.vector_load %arg6[%get3A_652, %get3A_653, %get3A_654] {strides = array<i32>} : memref<4x200x64xf32, #tpu.memory_space<vmem>>, vector<1x1x16xf32>,
        %get3A_656 = vector.shape_cast %get3A_655 : vector<1x1x16xf32> to vector<16xf32>
        %add3A_657 = arith.addf %add3A_648, %get3A_656 : vector<16xf32>
        %add3A_658 = arith.constant 23 : i32
        %add3A_659 = arith.addi %add3A_215, %add3A_658 : i32
        %get3A_660 = arith.constant 2 : i32
        %get3A_661 = arith.index_cast %get3A_660 : i32 to index
        %get3A_662 = arith.index_cast %add3A_659 : i32 to index
        %get3A_663 = arith.constant 16 : index
        %get3A_664 = tpu.vector_load %arg6[%get3A_661, %get3A_662, %get3A_663] {strides = array<i32>} : memref<4x200x64xf32, #tpu.memory_space<vmem>>, vector<1x1x16xf32>,
        %get3A_665 = vector.shape_cast %get3A_664 : vector<1x1x16xf32> to vector<16xf32>
        %add3A_666 = arith.addf %add3A_657, %get3A_665 : vector<16xf32>
        %get3A_667 = arith.index_cast %add3A_154 : i32 to index
        %get3A_668 = arith.constant 16 : index
        %get3A_669 = tpu.vector_load %arg7[%get3A_667, %get3A_668] {strides = array<i32>} : memref<128x64xf32, #tpu.memory_space<vmem>>, vector<1x16xf32>,
        %get3A_670 = vector.shape_cast %get3A_669 : vector<1x16xf32> to vector<16xf32>
        %add3A_671 = arith.addf %add3A_567, %add3A_666 : vector<16xf32>
        %add3A_672 = arith.addf %get3A_670, %add3A_671 : vector<16xf32>
        %swap3A_673 = arith.index_cast %add3A_154 : i32 to index
        %swap3A_674 = arith.constant 16 : index
        %swap3A_675 = tpu.vector_load %arg7[%swap3A_673, %swap3A_674] {strides = array<i32>} : memref<128x64xf32, #tpu.memory_space<vmem>>, vector<1x16xf32>,
        %swap3A_676 = vector.shape_cast %swap3A_675 : vector<1x16xf32> to vector<16xf32>
        %swap3A_677 = vector.shape_cast %add3A_672 : vector<16xf32> to vector<1x16xf32>
        tpu.vector_store %arg7[%swap3A_673, %swap3A_674], %swap3A_677 {strides = array<i32>} : memref<128x64xf32, #tpu.memory_space<vmem>>, vector<1x16xf32>,
        %get3A_678 = arith.constant 2 : i32
        %get3A_679 = arith.index_cast %get3A_678 : i32 to index
        %get3A_680 = arith.index_cast %add3A_215 : i32 to index
        %get3A_681 = arith.constant 32 : index
        %get3A_682 = tpu.vector_load %arg6[%get3A_679, %get3A_680, %get3A_681] {strides = array<i32>} : memref<4x200x64xf32, #tpu.memory_space<vmem>>, vector<1x1x16xf32>,
        %get3A_683 = vector.shape_cast %get3A_682 : vector<1x1x16xf32> to vector<16xf32>
        %add3A_684 = arith.constant 1 : i32
        %add3A_685 = arith.addi %add3A_215, %add3A_684 : i32
        %get3A_686 = arith.constant 2 : i32
        %get3A_687 = arith.index_cast %get3A_686 : i32 to index
        %get3A_688 = arith.index_cast %add3A_685 : i32 to index
        %get3A_689 = arith.constant 32 : index
        %get3A_690 = tpu.vector_load %arg6[%get3A_687, %get3A_688, %get3A_689] {strides = array<i32>} : memref<4x200x64xf32, #tpu.memory_space<vmem>>, vector<1x1x16xf32>,
        %get3A_691 = vector.shape_cast %get3A_690 : vector<1x1x16xf32> to vector<16xf32>
        %add3A_692 = arith.constant 2 : i32
        %add3A_693 = arith.addi %add3A_215, %add3A_692 : i32
        %get3A_694 = arith.constant 2 : i32
        %get3A_695 = arith.index_cast %get3A_694 : i32 to index
        %get3A_696 = arith.index_cast %add3A_693 : i32 to index
        %get3A_697 = arith.constant 32 : index
        %get3A_698 = tpu.vector_load %arg6[%get3A_695, %get3A_696, %get3A_697] {strides = array<i32>} : memref<4x200x64xf32, #tpu.memory_space<vmem>>, vector<1x1x16xf32>,
        %get3A_699 = vector.shape_cast %get3A_698 : vector<1x1x16xf32> to vector<16xf32>
        %add3A_700 = arith.addf %get3A_683, %get3A_699 : vector<16xf32>
        %add3A_701 = arith.constant 4 : i32
        %add3A_702 = arith.addi %add3A_215, %add3A_701 : i32
        %get3A_703 = arith.constant 2 : i32
        %get3A_704 = arith.index_cast %get3A_703 : i32 to index
        %get3A_705 = arith.index_cast %add3A_702 : i32 to index
        %get3A_706 = arith.constant 32 : index
        %get3A_707 = tpu.vector_load %arg6[%get3A_704, %get3A_705, %get3A_706] {strides = array<i32>} : memref<4x200x64xf32, #tpu.memory_space<vmem>>, vector<1x1x16xf32>,
        %get3A_708 = vector.shape_cast %get3A_707 : vector<1x1x16xf32> to vector<16xf32>
        %add3A_709 = arith.addf %add3A_700, %get3A_708 : vector<16xf32>
        %add3A_710 = arith.constant 6 : i32
        %add3A_711 = arith.addi %add3A_215, %add3A_710 : i32
        %get3A_712 = arith.constant 2 : i32
        %get3A_713 = arith.index_cast %get3A_712 : i32 to index
        %get3A_714 = arith.index_cast %add3A_711 : i32 to index
        %get3A_715 = arith.constant 32 : index
        %get3A_716 = tpu.vector_load %arg6[%get3A_713, %get3A_714, %get3A_715] {strides = array<i32>} : memref<4x200x64xf32, #tpu.memory_space<vmem>>, vector<1x1x16xf32>,
        %get3A_717 = vector.shape_cast %get3A_716 : vector<1x1x16xf32> to vector<16xf32>
        %add3A_718 = arith.addf %add3A_709, %get3A_717 : vector<16xf32>
        %add3A_719 = arith.constant 8 : i32
        %add3A_720 = arith.addi %add3A_215, %add3A_719 : i32
        %get3A_721 = arith.constant 2 : i32
        %get3A_722 = arith.index_cast %get3A_721 : i32 to index
        %get3A_723 = arith.index_cast %add3A_720 : i32 to index
        %get3A_724 = arith.constant 32 : index
        %get3A_725 = tpu.vector_load %arg6[%get3A_722, %get3A_723, %get3A_724] {strides = array<i32>} : memref<4x200x64xf32, #tpu.memory_space<vmem>>, vector<1x1x16xf32>,
        %get3A_726 = vector.shape_cast %get3A_725 : vector<1x1x16xf32> to vector<16xf32>
        %add3A_727 = arith.addf %add3A_718, %get3A_726 : vector<16xf32>
        %add3A_728 = arith.constant 10 : i32
        %add3A_729 = arith.addi %add3A_215, %add3A_728 : i32
        %get3A_730 = arith.constant 2 : i32
        %get3A_731 = arith.index_cast %get3A_730 : i32 to index
        %get3A_732 = arith.index_cast %add3A_729 : i32 to index
        %get3A_733 = arith.constant 32 : index
        %get3A_734 = tpu.vector_load %arg6[%get3A_731, %get3A_732, %get3A_733] {strides = array<i32>} : memref<4x200x64xf32, #tpu.memory_space<vmem>>, vector<1x1x16xf32>,
        %get3A_735 = vector.shape_cast %get3A_734 : vector<1x1x16xf32> to vector<16xf32>
        %add3A_736 = arith.addf %add3A_727, %get3A_735 : vector<16xf32>
        %add3A_737 = arith.constant 12 : i32
        %add3A_738 = arith.addi %add3A_215, %add3A_737 : i32
        %get3A_739 = arith.constant 2 : i32
        %get3A_740 = arith.index_cast %get3A_739 : i32 to index
        %get3A_741 = arith.index_cast %add3A_738 : i32 to index
        %get3A_742 = arith.constant 32 : index
        %get3A_743 = tpu.vector_load %arg6[%get3A_740, %get3A_741, %get3A_742] {strides = array<i32>} : memref<4x200x64xf32, #tpu.memory_space<vmem>>, vector<1x1x16xf32>,
        %get3A_744 = vector.shape_cast %get3A_743 : vector<1x1x16xf32> to vector<16xf32>
        %add3A_745 = arith.addf %add3A_736, %get3A_744 : vector<16xf32>
        %add3A_746 = arith.constant 14 : i32
        %add3A_747 = arith.addi %add3A_215, %add3A_746 : i32
        %get3A_748 = arith.constant 2 : i32
        %get3A_749 = arith.index_cast %get3A_748 : i32 to index
        %get3A_750 = arith.index_cast %add3A_747 : i32 to index
        %get3A_751 = arith.constant 32 : index
        %get3A_752 = tpu.vector_load %arg6[%get3A_749, %get3A_750, %get3A_751] {strides = array<i32>} : memref<4x200x64xf32, #tpu.memory_space<vmem>>, vector<1x1x16xf32>,
        %get3A_753 = vector.shape_cast %get3A_752 : vector<1x1x16xf32> to vector<16xf32>
        %add3A_754 = arith.addf %add3A_745, %get3A_753 : vector<16xf32>
        %add3A_755 = arith.constant 16 : i32
        %add3A_756 = arith.addi %add3A_215, %add3A_755 : i32
        %get3A_757 = arith.constant 2 : i32
        %get3A_758 = arith.index_cast %get3A_757 : i32 to index
        %get3A_759 = arith.index_cast %add3A_756 : i32 to index
        %get3A_760 = arith.constant 32 : index
        %get3A_761 = tpu.vector_load %arg6[%get3A_758, %get3A_759, %get3A_760] {strides = array<i32>} : memref<4x200x64xf32, #tpu.memory_space<vmem>>, vector<1x1x16xf32>,
        %get3A_762 = vector.shape_cast %get3A_761 : vector<1x1x16xf32> to vector<16xf32>
        %add3A_763 = arith.addf %add3A_754, %get3A_762 : vector<16xf32>
        %add3A_764 = arith.constant 18 : i32
        %add3A_765 = arith.addi %add3A_215, %add3A_764 : i32
        %get3A_766 = arith.constant 2 : i32
        %get3A_767 = arith.index_cast %get3A_766 : i32 to index
        %get3A_768 = arith.index_cast %add3A_765 : i32 to index
        %get3A_769 = arith.constant 32 : index
        %get3A_770 = tpu.vector_load %arg6[%get3A_767, %get3A_768, %get3A_769] {strides = array<i32>} : memref<4x200x64xf32, #tpu.memory_space<vmem>>, vector<1x1x16xf32>,
        %get3A_771 = vector.shape_cast %get3A_770 : vector<1x1x16xf32> to vector<16xf32>
        %add3A_772 = arith.addf %add3A_763, %get3A_771 : vector<16xf32>
        %add3A_773 = arith.constant 20 : i32
        %add3A_774 = arith.addi %add3A_215, %add3A_773 : i32
        %get3A_775 = arith.constant 2 : i32
        %get3A_776 = arith.index_cast %get3A_775 : i32 to index
        %get3A_777 = arith.index_cast %add3A_774 : i32 to index
        %get3A_778 = arith.constant 32 : index
        %get3A_779 = tpu.vector_load %arg6[%get3A_776, %get3A_777, %get3A_778] {strides = array<i32>} : memref<4x200x64xf32, #tpu.memory_space<vmem>>, vector<1x1x16xf32>,
        %get3A_780 = vector.shape_cast %get3A_779 : vector<1x1x16xf32> to vector<16xf32>
        %add3A_781 = arith.addf %add3A_772, %get3A_780 : vector<16xf32>
        %add3A_782 = arith.constant 22 : i32
        %add3A_783 = arith.addi %add3A_215, %add3A_782 : i32
        %get3A_784 = arith.constant 2 : i32
        %get3A_785 = arith.index_cast %get3A_784 : i32 to index
        %get3A_786 = arith.index_cast %add3A_783 : i32 to index
        %get3A_787 = arith.constant 32 : index
        %get3A_788 = tpu.vector_load %arg6[%get3A_785, %get3A_786, %get3A_787] {strides = array<i32>} : memref<4x200x64xf32, #tpu.memory_space<vmem>>, vector<1x1x16xf32>,
        %get3A_789 = vector.shape_cast %get3A_788 : vector<1x1x16xf32> to vector<16xf32>
        %add3A_790 = arith.addf %add3A_781, %get3A_789 : vector<16xf32>
        %add3A_791 = arith.constant 24 : i32
        %add3A_792 = arith.addi %add3A_215, %add3A_791 : i32
        %get3A_793 = arith.constant 2 : i32
        %get3A_794 = arith.index_cast %get3A_793 : i32 to index
        %get3A_795 = arith.index_cast %add3A_792 : i32 to index
        %get3A_796 = arith.constant 32 : index
        %get3A_797 = tpu.vector_load %arg6[%get3A_794, %get3A_795, %get3A_796] {strides = array<i32>} : memref<4x200x64xf32, #tpu.memory_space<vmem>>, vector<1x1x16xf32>,
        %get3A_798 = vector.shape_cast %get3A_797 : vector<1x1x16xf32> to vector<16xf32>
        %add3A_799 = arith.addf %add3A_790, %get3A_798 : vector<16xf32>
        %add3A_800 = arith.constant 3 : i32
        %add3A_801 = arith.addi %add3A_215, %add3A_800 : i32
        %get3A_802 = arith.constant 2 : i32
        %get3A_803 = arith.index_cast %get3A_802 : i32 to index
        %get3A_804 = arith.index_cast %add3A_801 : i32 to index
        %get3A_805 = arith.constant 32 : index
        %get3A_806 = tpu.vector_load %arg6[%get3A_803, %get3A_804, %get3A_805] {strides = array<i32>} : memref<4x200x64xf32, #tpu.memory_space<vmem>>, vector<1x1x16xf32>,
        %get3A_807 = vector.shape_cast %get3A_806 : vector<1x1x16xf32> to vector<16xf32>
        %add3A_808 = arith.addf %get3A_691, %get3A_807 : vector<16xf32>
        %add3A_809 = arith.constant 5 : i32
        %add3A_810 = arith.addi %add3A_215, %add3A_809 : i32
        %get3A_811 = arith.constant 2 : i32
        %get3A_812 = arith.index_cast %get3A_811 : i32 to index
        %get3A_813 = arith.index_cast %add3A_810 : i32 to index
        %get3A_814 = arith.constant 32 : index
        %get3A_815 = tpu.vector_load %arg6[%get3A_812, %get3A_813, %get3A_814] {strides = array<i32>} : memref<4x200x64xf32, #tpu.memory_space<vmem>>, vector<1x1x16xf32>,
        %get3A_816 = vector.shape_cast %get3A_815 : vector<1x1x16xf32> to vector<16xf32>
        %add3A_817 = arith.addf %add3A_808, %get3A_816 : vector<16xf32>
        %add3A_818 = arith.constant 7 : i32
        %add3A_819 = arith.addi %add3A_215, %add3A_818 : i32
        %get3A_820 = arith.constant 2 : i32
        %get3A_821 = arith.index_cast %get3A_820 : i32 to index
        %get3A_822 = arith.index_cast %add3A_819 : i32 to index
        %get3A_823 = arith.constant 32 : index
        %get3A_824 = tpu.vector_load %arg6[%get3A_821, %get3A_822, %get3A_823] {strides = array<i32>} : memref<4x200x64xf32, #tpu.memory_space<vmem>>, vector<1x1x16xf32>,
        %get3A_825 = vector.shape_cast %get3A_824 : vector<1x1x16xf32> to vector<16xf32>
        %add3A_826 = arith.addf %add3A_817, %get3A_825 : vector<16xf32>
        %add3A_827 = arith.constant 9 : i32
        %add3A_828 = arith.addi %add3A_215, %add3A_827 : i32
        %get3A_829 = arith.constant 2 : i32
        %get3A_830 = arith.index_cast %get3A_829 : i32 to index
        %get3A_831 = arith.index_cast %add3A_828 : i32 to index
        %get3A_832 = arith.constant 32 : index
        %get3A_833 = tpu.vector_load %arg6[%get3A_830, %get3A_831, %get3A_832] {strides = array<i32>} : memref<4x200x64xf32, #tpu.memory_space<vmem>>, vector<1x1x16xf32>,
        %get3A_834 = vector.shape_cast %get3A_833 : vector<1x1x16xf32> to vector<16xf32>
        %add3A_835 = arith.addf %add3A_826, %get3A_834 : vector<16xf32>
        %add3A_836 = arith.constant 11 : i32
        %add3A_837 = arith.addi %add3A_215, %add3A_836 : i32
        %get3A_838 = arith.constant 2 : i32
        %get3A_839 = arith.index_cast %get3A_838 : i32 to index
        %get3A_840 = arith.index_cast %add3A_837 : i32 to index
        %get3A_841 = arith.constant 32 : index
        %get3A_842 = tpu.vector_load %arg6[%get3A_839, %get3A_840, %get3A_841] {strides = array<i32>} : memref<4x200x64xf32, #tpu.memory_space<vmem>>, vector<1x1x16xf32>,
        %get3A_843 = vector.shape_cast %get3A_842 : vector<1x1x16xf32> to vector<16xf32>
        %add3A_844 = arith.addf %add3A_835, %get3A_843 : vector<16xf32>
        %add3A_845 = arith.constant 13 : i32
        %add3A_846 = arith.addi %add3A_215, %add3A_845 : i32
        %get3A_847 = arith.constant 2 : i32
        %get3A_848 = arith.index_cast %get3A_847 : i32 to index
        %get3A_849 = arith.index_cast %add3A_846 : i32 to index
        %get3A_850 = arith.constant 32 : index
        %get3A_851 = tpu.vector_load %arg6[%get3A_848, %get3A_849, %get3A_850] {strides = array<i32>} : memref<4x200x64xf32, #tpu.memory_space<vmem>>, vector<1x1x16xf32>,
        %get3A_852 = vector.shape_cast %get3A_851 : vector<1x1x16xf32> to vector<16xf32>
        %add3A_853 = arith.addf %add3A_844, %get3A_852 : vector<16xf32>
        %add3A_854 = arith.constant 15 : i32
        %add3A_855 = arith.addi %add3A_215, %add3A_854 : i32
        %get3A_856 = arith.constant 2 : i32
        %get3A_857 = arith.index_cast %get3A_856 : i32 to index
        %get3A_858 = arith.index_cast %add3A_855 : i32 to index
        %get3A_859 = arith.constant 32 : index
        %get3A_860 = tpu.vector_load %arg6[%get3A_857, %get3A_858, %get3A_859] {strides = array<i32>} : memref<4x200x64xf32, #tpu.memory_space<vmem>>, vector<1x1x16xf32>,
        %get3A_861 = vector.shape_cast %get3A_860 : vector<1x1x16xf32> to vector<16xf32>
        %add3A_862 = arith.addf %add3A_853, %get3A_861 : vector<16xf32>
        %add3A_863 = arith.constant 17 : i32
        %add3A_864 = arith.addi %add3A_215, %add3A_863 : i32
        %get3A_865 = arith.constant 2 : i32
        %get3A_866 = arith.index_cast %get3A_865 : i32 to index
        %get3A_867 = arith.index_cast %add3A_864 : i32 to index
        %get3A_868 = arith.constant 32 : index
        %get3A_869 = tpu.vector_load %arg6[%get3A_866, %get3A_867, %get3A_868] {strides = array<i32>} : memref<4x200x64xf32, #tpu.memory_space<vmem>>, vector<1x1x16xf32>,
        %get3A_870 = vector.shape_cast %get3A_869 : vector<1x1x16xf32> to vector<16xf32>
        %add3A_871 = arith.addf %add3A_862, %get3A_870 : vector<16xf32>
        %add3A_872 = arith.constant 19 : i32
        %add3A_873 = arith.addi %add3A_215, %add3A_872 : i32
        %get3A_874 = arith.constant 2 : i32
        %get3A_875 = arith.index_cast %get3A_874 : i32 to index
        %get3A_876 = arith.index_cast %add3A_873 : i32 to index
        %get3A_877 = arith.constant 32 : index
        %get3A_878 = tpu.vector_load %arg6[%get3A_875, %get3A_876, %get3A_877] {strides = array<i32>} : memref<4x200x64xf32, #tpu.memory_space<vmem>>, vector<1x1x16xf32>,
        %get3A_879 = vector.shape_cast %get3A_878 : vector<1x1x16xf32> to vector<16xf32>
        %add3A_880 = arith.addf %add3A_871, %get3A_879 : vector<16xf32>
        %add3A_881 = arith.constant 21 : i32
        %add3A_882 = arith.addi %add3A_215, %add3A_881 : i32
        %get3A_883 = arith.constant 2 : i32
        %get3A_884 = arith.index_cast %get3A_883 : i32 to index
        %get3A_885 = arith.index_cast %add3A_882 : i32 to index
        %get3A_886 = arith.constant 32 : index
        %get3A_887 = tpu.vector_load %arg6[%get3A_884, %get3A_885, %get3A_886] {strides = array<i32>} : memref<4x200x64xf32, #tpu.memory_space<vmem>>, vector<1x1x16xf32>,
        %get3A_888 = vector.shape_cast %get3A_887 : vector<1x1x16xf32> to vector<16xf32>
        %add3A_889 = arith.addf %add3A_880, %get3A_888 : vector<16xf32>
        %add3A_890 = arith.constant 23 : i32
        %add3A_891 = arith.addi %add3A_215, %add3A_890 : i32
        %get3A_892 = arith.constant 2 : i32
        %get3A_893 = arith.index_cast %get3A_892 : i32 to index
        %get3A_894 = arith.index_cast %add3A_891 : i32 to index
        %get3A_895 = arith.constant 32 : index
        %get3A_896 = tpu.vector_load %arg6[%get3A_893, %get3A_894, %get3A_895] {strides = array<i32>} : memref<4x200x64xf32, #tpu.memory_space<vmem>>, vector<1x1x16xf32>,
        %get3A_897 = vector.shape_cast %get3A_896 : vector<1x1x16xf32> to vector<16xf32>
        %add3A_898 = arith.addf %add3A_889, %get3A_897 : vector<16xf32>
        %get3A_899 = arith.index_cast %add3A_154 : i32 to index
        %get3A_900 = arith.constant 32 : index
        %get3A_901 = tpu.vector_load %arg7[%get3A_899, %get3A_900] {strides = array<i32>} : memref<128x64xf32, #tpu.memory_space<vmem>>, vector<1x16xf32>,
        %get3A_902 = vector.shape_cast %get3A_901 : vector<1x16xf32> to vector<16xf32>
        %add3A_903 = arith.addf %add3A_799, %add3A_898 : vector<16xf32>
        %add3A_904 = arith.addf %get3A_902, %add3A_903 : vector<16xf32>
        %swap3A_905 = arith.index_cast %add3A_154 : i32 to index
        %swap3A_906 = arith.constant 32 : index
        %swap3A_907 = tpu.vector_load %arg7[%swap3A_905, %swap3A_906] {strides = array<i32>} : memref<128x64xf32, #tpu.memory_space<vmem>>, vector<1x16xf32>,
        %swap3A_908 = vector.shape_cast %swap3A_907 : vector<1x16xf32> to vector<16xf32>
        %swap3A_909 = vector.shape_cast %add3A_904 : vector<16xf32> to vector<1x16xf32>
        tpu.vector_store %arg7[%swap3A_905, %swap3A_906], %swap3A_909 {strides = array<i32>} : memref<128x64xf32, #tpu.memory_space<vmem>>, vector<1x16xf32>,
        %get3A_910 = arith.constant 2 : i32
        %get3A_911 = arith.index_cast %get3A_910 : i32 to index
        %get3A_912 = arith.index_cast %add3A_215 : i32 to index
        %get3A_913 = arith.constant 48 : index
        %get3A_914 = tpu.vector_load %arg6[%get3A_911, %get3A_912, %get3A_913] {strides = array<i32>} : memref<4x200x64xf32, #tpu.memory_space<vmem>>, vector<1x1x16xf32>,
        %get3A_915 = vector.shape_cast %get3A_914 : vector<1x1x16xf32> to vector<16xf32>
        %add3A_916 = arith.constant 1 : i32
        %add3A_917 = arith.addi %add3A_215, %add3A_916 : i32
        %get3A_918 = arith.constant 2 : i32
        %get3A_919 = arith.index_cast %get3A_918 : i32 to index
        %get3A_920 = arith.index_cast %add3A_917 : i32 to index
        %get3A_921 = arith.constant 48 : index
        %get3A_922 = tpu.vector_load %arg6[%get3A_919, %get3A_920, %get3A_921] {strides = array<i32>} : memref<4x200x64xf32, #tpu.memory_space<vmem>>, vector<1x1x16xf32>,
        %get3A_923 = vector.shape_cast %get3A_922 : vector<1x1x16xf32> to vector<16xf32>
        %add3A_924 = arith.constant 2 : i32
        %add3A_925 = arith.addi %add3A_215, %add3A_924 : i32
        %get3A_926 = arith.constant 2 : i32
        %get3A_927 = arith.index_cast %get3A_926 : i32 to index
        %get3A_928 = arith.index_cast %add3A_925 : i32 to index
        %get3A_929 = arith.constant 48 : index
        %get3A_930 = tpu.vector_load %arg6[%get3A_927, %get3A_928, %get3A_929] {strides = array<i32>} : memref<4x200x64xf32, #tpu.memory_space<vmem>>, vector<1x1x16xf32>,
        %get3A_931 = vector.shape_cast %get3A_930 : vector<1x1x16xf32> to vector<16xf32>
        %add3A_932 = arith.addf %get3A_915, %get3A_931 : vector<16xf32>
        %add3A_933 = arith.constant 4 : i32
        %add3A_934 = arith.addi %add3A_215, %add3A_933 : i32
        %get3A_935 = arith.constant 2 : i32
        %get3A_936 = arith.index_cast %get3A_935 : i32 to index
        %get3A_937 = arith.index_cast %add3A_934 : i32 to index
        %get3A_938 = arith.constant 48 : index
        %get3A_939 = tpu.vector_load %arg6[%get3A_936, %get3A_937, %get3A_938] {strides = array<i32>} : memref<4x200x64xf32, #tpu.memory_space<vmem>>, vector<1x1x16xf32>,
        %get3A_940 = vector.shape_cast %get3A_939 : vector<1x1x16xf32> to vector<16xf32>
        %add3A_941 = arith.addf %add3A_932, %get3A_940 : vector<16xf32>
        %add3A_942 = arith.constant 6 : i32
        %add3A_943 = arith.addi %add3A_215, %add3A_942 : i32
        %get3A_944 = arith.constant 2 : i32
        %get3A_945 = arith.index_cast %get3A_944 : i32 to index
        %get3A_946 = arith.index_cast %add3A_943 : i32 to index
        %get3A_947 = arith.constant 48 : index
        %get3A_948 = tpu.vector_load %arg6[%get3A_945, %get3A_946, %get3A_947] {strides = array<i32>} : memref<4x200x64xf32, #tpu.memory_space<vmem>>, vector<1x1x16xf32>,
        %get3A_949 = vector.shape_cast %get3A_948 : vector<1x1x16xf32> to vector<16xf32>
        %add3A_950 = arith.addf %add3A_941, %get3A_949 : vector<16xf32>
        %add3A_951 = arith.constant 8 : i32
        %add3A_952 = arith.addi %add3A_215, %add3A_951 : i32
        %get3A_953 = arith.constant 2 : i32
        %get3A_954 = arith.index_cast %get3A_953 : i32 to index
        %get3A_955 = arith.index_cast %add3A_952 : i32 to index
        %get3A_956 = arith.constant 48 : index
        %get3A_957 = tpu.vector_load %arg6[%get3A_954, %get3A_955, %get3A_956] {strides = array<i32>} : memref<4x200x64xf32, #tpu.memory_space<vmem>>, vector<1x1x16xf32>,
        %get3A_958 = vector.shape_cast %get3A_957 : vector<1x1x16xf32> to vector<16xf32>
        %add3A_959 = arith.addf %add3A_950, %get3A_958 : vector<16xf32>
        %add3A_960 = arith.constant 10 : i32
        %add3A_961 = arith.addi %add3A_215, %add3A_960 : i32
        %get3A_962 = arith.constant 2 : i32
        %get3A_963 = arith.index_cast %get3A_962 : i32 to index
        %get3A_964 = arith.index_cast %add3A_961 : i32 to index
        %get3A_965 = arith.constant 48 : index
        %get3A_966 = tpu.vector_load %arg6[%get3A_963, %get3A_964, %get3A_965] {strides = array<i32>} : memref<4x200x64xf32, #tpu.memory_space<vmem>>, vector<1x1x16xf32>,
        %get3A_967 = vector.shape_cast %get3A_966 : vector<1x1x16xf32> to vector<16xf32>
        %add3A_968 = arith.addf %add3A_959, %get3A_967 : vector<16xf32>
        %add3A_969 = arith.constant 12 : i32
        %add3A_970 = arith.addi %add3A_215, %add3A_969 : i32
        %get3A_971 = arith.constant 2 : i32
        %get3A_972 = arith.index_cast %get3A_971 : i32 to index
        %get3A_973 = arith.index_cast %add3A_970 : i32 to index
        %get3A_974 = arith.constant 48 : index
        %get3A_975 = tpu.vector_load %arg6[%get3A_972, %get3A_973, %get3A_974] {strides = array<i32>} : memref<4x200x64xf32, #tpu.memory_space<vmem>>, vector<1x1x16xf32>,
        %get3A_976 = vector.shape_cast %get3A_975 : vector<1x1x16xf32> to vector<16xf32>
        %add3A_977 = arith.addf %add3A_968, %get3A_976 : vector<16xf32>
        %add3A_978 = arith.constant 14 : i32
        %add3A_979 = arith.addi %add3A_215, %add3A_978 : i32
        %get3A_980 = arith.constant 2 : i32
        %get3A_981 = arith.index_cast %get3A_980 : i32 to index
        %get3A_982 = arith.index_cast %add3A_979 : i32 to index
        %get3A_983 = arith.constant 48 : index
        %get3A_984 = tpu.vector_load %arg6[%get3A_981, %get3A_982, %get3A_983] {strides = array<i32>} : memref<4x200x64xf32, #tpu.memory_space<vmem>>, vector<1x1x16xf32>,
        %get3A_985 = vector.shape_cast %get3A_984 : vector<1x1x16xf32> to vector<16xf32>
        %add3A_986 = arith.addf %add3A_977, %get3A_985 : vector<16xf32>
        %add3A_987 = arith.constant 16 : i32
        %add3A_988 = arith.addi %add3A_215, %add3A_987 : i32
        %get3A_989 = arith.constant 2 : i32
        %get3A_990 = arith.index_cast %get3A_989 : i32 to index
        %get3A_991 = arith.index_cast %add3A_988 : i32 to index
        %get3A_992 = arith.constant 48 : index
        %get3A_993 = tpu.vector_load %arg6[%get3A_990, %get3A_991, %get3A_992] {strides = array<i32>} : memref<4x200x64xf32, #tpu.memory_space<vmem>>, vector<1x1x16xf32>,
        %get3A_994 = vector.shape_cast %get3A_993 : vector<1x1x16xf32> to vector<16xf32>
        %add3A_995 = arith.addf %add3A_986, %get3A_994 : vector<16xf32>
        %add3A_996 = arith.constant 18 : i32
        %add3A_997 = arith.addi %add3A_215, %add3A_996 : i32
        %get3A_998 = arith.constant 2 : i32
        %get3A_999 = arith.index_cast %get3A_998 : i32 to index
        %get3A_1000 = arith.index_cast %add3A_997 : i32 to index
        %get3A_1001 = arith.constant 48 : index
        %get3A_1002 = tpu.vector_load %arg6[%get3A_999, %get3A_1000, %get3A_1001] {strides = array<i32>} : memref<4x200x64xf32, #tpu.memory_space<vmem>>, vector<1x1x16xf32>,
        %get3A_1003 = vector.shape_cast %get3A_1002 : vector<1x1x16xf32> to vector<16xf32>
        %add3A_1004 = arith.addf %add3A_995, %get3A_1003 : vector<16xf32>
        %add3A_1005 = arith.constant 20 : i32
        %add3A_1006 = arith.addi %add3A_215, %add3A_1005 : i32
        %get3A_1007 = arith.constant 2 : i32
        %get3A_1008 = arith.index_cast %get3A_1007 : i32 to index
        %get3A_1009 = arith.index_cast %add3A_1006 : i32 to index
        %get3A_1010 = arith.constant 48 : index
        %get3A_1011 = tpu.vector_load %arg6[%get3A_1008, %get3A_1009, %get3A_1010] {strides = array<i32>} : memref<4x200x64xf32, #tpu.memory_space<vmem>>, vector<1x1x16xf32>,
        %get3A_1012 = vector.shape_cast %get3A_1011 : vector<1x1x16xf32> to vector<16xf32>
        %add3A_1013 = arith.addf %add3A_1004, %get3A_1012 : vector<16xf32>
        %add3A_1014 = arith.constant 22 : i32
        %add3A_1015 = arith.addi %add3A_215, %add3A_1014 : i32
        %get3A_1016 = arith.constant 2 : i32
        %get3A_1017 = arith.index_cast %get3A_1016 : i32 to index
        %get3A_1018 = arith.index_cast %add3A_1015 : i32 to index
        %get3A_1019 = arith.constant 48 : index
        %get3A_1020 = tpu.vector_load %arg6[%get3A_1017, %get3A_1018, %get3A_1019] {strides = array<i32>} : memref<4x200x64xf32, #tpu.memory_space<vmem>>, vector<1x1x16xf32>,
        %get3A_1021 = vector.shape_cast %get3A_1020 : vector<1x1x16xf32> to vector<16xf32>
        %add3A_1022 = arith.addf %add3A_1013, %get3A_1021 : vector<16xf32>
        %add3A_1023 = arith.constant 24 : i32
        %add3A_1024 = arith.addi %add3A_215, %add3A_1023 : i32
        %get3A_1025 = arith.constant 2 : i32
        %get3A_1026 = arith.index_cast %get3A_1025 : i32 to index
        %get3A_1027 = arith.index_cast %add3A_1024 : i32 to index
        %get3A_1028 = arith.constant 48 : index
        %get3A_1029 = tpu.vector_load %arg6[%get3A_1026, %get3A_1027, %get3A_1028] {strides = array<i32>} : memref<4x200x64xf32, #tpu.memory_space<vmem>>, vector<1x1x16xf32>,
        %get3A_1030 = vector.shape_cast %get3A_1029 : vector<1x1x16xf32> to vector<16xf32>
        %add3A_1031 = arith.addf %add3A_1022, %get3A_1030 : vector<16xf32>
        %add3A_1032 = arith.constant 3 : i32
        %add3A_1033 = arith.addi %add3A_215, %add3A_1032 : i32
        %get3A_1034 = arith.constant 2 : i32
        %get3A_1035 = arith.index_cast %get3A_1034 : i32 to index
        %get3A_1036 = arith.index_cast %add3A_1033 : i32 to index
        %get3A_1037 = arith.constant 48 : index
        %get3A_1038 = tpu.vector_load %arg6[%get3A_1035, %get3A_1036, %get3A_1037] {strides = array<i32>} : memref<4x200x64xf32, #tpu.memory_space<vmem>>, vector<1x1x16xf32>,
        %get3A_1039 = vector.shape_cast %get3A_1038 : vector<1x1x16xf32> to vector<16xf32>
        %add3A_1040 = arith.addf %get3A_923, %get3A_1039 : vector<16xf32>
        %add3A_1041 = arith.constant 5 : i32
        %add3A_1042 = arith.addi %add3A_215, %add3A_1041 : i32
        %get3A_1043 = arith.constant 2 : i32
        %get3A_1044 = arith.index_cast %get3A_1043 : i32 to index
        %get3A_1045 = arith.index_cast %add3A_1042 : i32 to index
        %get3A_1046 = arith.constant 48 : index
        %get3A_1047 = tpu.vector_load %arg6[%get3A_1044, %get3A_1045, %get3A_1046] {strides = array<i32>} : memref<4x200x64xf32, #tpu.memory_space<vmem>>, vector<1x1x16xf32>,
        %get3A_1048 = vector.shape_cast %get3A_1047 : vector<1x1x16xf32> to vector<16xf32>
        %add3A_1049 = arith.addf %add3A_1040, %get3A_1048 : vector<16xf32>
        %add3A_1050 = arith.constant 7 : i32
        %add3A_1051 = arith.addi %add3A_215, %add3A_1050 : i32
        %get3A_1052 = arith.constant 2 : i32
        %get3A_1053 = arith.index_cast %get3A_1052 : i32 to index
        %get3A_1054 = arith.index_cast %add3A_1051 : i32 to index
        %get3A_1055 = arith.constant 48 : index
        %get3A_1056 = tpu.vector_load %arg6[%get3A_1053, %get3A_1054, %get3A_1055] {strides = array<i32>} : memref<4x200x64xf32, #tpu.memory_space<vmem>>, vector<1x1x16xf32>,
        %get3A_1057 = vector.shape_cast %get3A_1056 : vector<1x1x16xf32> to vector<16xf32>
        %add3A_1058 = arith.addf %add3A_1049, %get3A_1057 : vector<16xf32>
        %add3A_1059 = arith.constant 9 : i32
        %add3A_1060 = arith.addi %add3A_215, %add3A_1059 : i32
        %get3A_1061 = arith.constant 2 : i32
        %get3A_1062 = arith.index_cast %get3A_1061 : i32 to index
        %get3A_1063 = arith.index_cast %add3A_1060 : i32 to index
        %get3A_1064 = arith.constant 48 : index
        %get3A_1065 = tpu.vector_load %arg6[%get3A_1062, %get3A_1063, %get3A_1064] {strides = array<i32>} : memref<4x200x64xf32, #tpu.memory_space<vmem>>, vector<1x1x16xf32>,
        %get3A_1066 = vector.shape_cast %get3A_1065 : vector<1x1x16xf32> to vector<16xf32>
        %add3A_1067 = arith.addf %add3A_1058, %get3A_1066 : vector<16xf32>
        %add3A_1068 = arith.constant 11 : i32
        %add3A_1069 = arith.addi %add3A_215, %add3A_1068 : i32
        %get3A_1070 = arith.constant 2 : i32
        %get3A_1071 = arith.index_cast %get3A_1070 : i32 to index
        %get3A_1072 = arith.index_cast %add3A_1069 : i32 to index
        %get3A_1073 = arith.constant 48 : index
        %get3A_1074 = tpu.vector_load %arg6[%get3A_1071, %get3A_1072, %get3A_1073] {strides = array<i32>} : memref<4x200x64xf32, #tpu.memory_space<vmem>>, vector<1x1x16xf32>,
        %get3A_1075 = vector.shape_cast %get3A_1074 : vector<1x1x16xf32> to vector<16xf32>
        %add3A_1076 = arith.addf %add3A_1067, %get3A_1075 : vector<16xf32>
        %add3A_1077 = arith.constant 13 : i32
        %add3A_1078 = arith.addi %add3A_215, %add3A_1077 : i32
        %get3A_1079 = arith.constant 2 : i32
        %get3A_1080 = arith.index_cast %get3A_1079 : i32 to index
        %get3A_1081 = arith.index_cast %add3A_1078 : i32 to index
        %get3A_1082 = arith.constant 48 : index
        %get3A_1083 = tpu.vector_load %arg6[%get3A_1080, %get3A_1081, %get3A_1082] {strides = array<i32>} : memref<4x200x64xf32, #tpu.memory_space<vmem>>, vector<1x1x16xf32>,
        %get3A_1084 = vector.shape_cast %get3A_1083 : vector<1x1x16xf32> to vector<16xf32>
        %add3A_1085 = arith.addf %add3A_1076, %get3A_1084 : vector<16xf32>
        %add3A_1086 = arith.constant 15 : i32
        %add3A_1087 = arith.addi %add3A_215, %add3A_1086 : i32
        %get3A_1088 = arith.constant 2 : i32
        %get3A_1089 = arith.index_cast %get3A_1088 : i32 to index
        %get3A_1090 = arith.index_cast %add3A_1087 : i32 to index
        %get3A_1091 = arith.constant 48 : index
        %get3A_1092 = tpu.vector_load %arg6[%get3A_1089, %get3A_1090, %get3A_1091] {strides = array<i32>} : memref<4x200x64xf32, #tpu.memory_space<vmem>>, vector<1x1x16xf32>,
        %get3A_1093 = vector.shape_cast %get3A_1092 : vector<1x1x16xf32> to vector<16xf32>
        %add3A_1094 = arith.addf %add3A_1085, %get3A_1093 : vector<16xf32>
        %add3A_1095 = arith.constant 17 : i32
        %add3A_1096 = arith.addi %add3A_215, %add3A_1095 : i32
        %get3A_1097 = arith.constant 2 : i32
        %get3A_1098 = arith.index_cast %get3A_1097 : i32 to index
        %get3A_1099 = arith.index_cast %add3A_1096 : i32 to index
        %get3A_1100 = arith.constant 48 : index
        %get3A_1101 = tpu.vector_load %arg6[%get3A_1098, %get3A_1099, %get3A_1100] {strides = array<i32>} : memref<4x200x64xf32, #tpu.memory_space<vmem>>, vector<1x1x16xf32>,
        %get3A_1102 = vector.shape_cast %get3A_1101 : vector<1x1x16xf32> to vector<16xf32>
        %add3A_1103 = arith.addf %add3A_1094, %get3A_1102 : vector<16xf32>
        %add3A_1104 = arith.constant 19 : i32
        %add3A_1105 = arith.addi %add3A_215, %add3A_1104 : i32
        %get3A_1106 = arith.constant 2 : i32
        %get3A_1107 = arith.index_cast %get3A_1106 : i32 to index
        %get3A_1108 = arith.index_cast %add3A_1105 : i32 to index
        %get3A_1109 = arith.constant 48 : index
        %get3A_1110 = tpu.vector_load %arg6[%get3A_1107, %get3A_1108, %get3A_1109] {strides = array<i32>} : memref<4x200x64xf32, #tpu.memory_space<vmem>>, vector<1x1x16xf32>,
        %get3A_1111 = vector.shape_cast %get3A_1110 : vector<1x1x16xf32> to vector<16xf32>
        %add3A_1112 = arith.addf %add3A_1103, %get3A_1111 : vector<16xf32>
        %add3A_1113 = arith.constant 21 : i32
        %add3A_1114 = arith.addi %add3A_215, %add3A_1113 : i32
        %get3A_1115 = arith.constant 2 : i32
        %get3A_1116 = arith.index_cast %get3A_1115 : i32 to index
        %get3A_1117 = arith.index_cast %add3A_1114 : i32 to index
        %get3A_1118 = arith.constant 48 : index
        %get3A_1119 = tpu.vector_load %arg6[%get3A_1116, %get3A_1117, %get3A_1118] {strides = array<i32>} : memref<4x200x64xf32, #tpu.memory_space<vmem>>, vector<1x1x16xf32>,
        %get3A_1120 = vector.shape_cast %get3A_1119 : vector<1x1x16xf32> to vector<16xf32>
        %add3A_1121 = arith.addf %add3A_1112, %get3A_1120 : vector<16xf32>
        %add3A_1122 = arith.constant 23 : i32
        %add3A_1123 = arith.addi %add3A_215, %add3A_1122 : i32
        %get3A_1124 = arith.constant 2 : i32
        %get3A_1125 = arith.index_cast %get3A_1124 : i32 to index
        %get3A_1126 = arith.index_cast %add3A_1123 : i32 to index
        %get3A_1127 = arith.constant 48 : index
        %get3A_1128 = tpu.vector_load %arg6[%get3A_1125, %get3A_1126, %get3A_1127] {strides = array<i32>} : memref<4x200x64xf32, #tpu.memory_space<vmem>>, vector<1x1x16xf32>,
        %get3A_1129 = vector.shape_cast %get3A_1128 : vector<1x1x16xf32> to vector<16xf32>
        %add3A_1130 = arith.addf %add3A_1121, %get3A_1129 : vector<16xf32>
        %get3A_1131 = arith.index_cast %add3A_154 : i32 to index
        %get3A_1132 = arith.constant 48 : index
        %get3A_1133 = tpu.vector_load %arg7[%get3A_1131, %get3A_1132] {strides = array<i32>} : memref<128x64xf32, #tpu.memory_space<vmem>>, vector<1x16xf32>,
        %get3A_1134 = vector.shape_cast %get3A_1133 : vector<1x16xf32> to vector<16xf32>
        %add3A_1135 = arith.addf %add3A_1031, %add3A_1130 : vector<16xf32>
        %add3A_1136 = arith.addf %get3A_1134, %add3A_1135 : vector<16xf32>
        %swap3A_1137 = arith.index_cast %add3A_154 : i32 to index
        %swap3A_1138 = arith.constant 48 : index
        %swap3A_1139 = tpu.vector_load %arg7[%swap3A_1137, %swap3A_1138] {strides = array<i32>} : memref<128x64xf32, #tpu.memory_space<vmem>>, vector<1x16xf32>,
        %swap3A_1140 = vector.shape_cast %swap3A_1139 : vector<1x16xf32> to vector<16xf32>
        %swap3A_1141 = vector.shape_cast %add3A_1136 : vector<16xf32> to vector<1x16xf32>
        tpu.vector_store %arg7[%swap3A_1137, %swap3A_1138], %swap3A_1141 {strides = array<i32>} : memref<128x64xf32, #tpu.memory_space<vmem>>, vector<1x16xf32>,
      }
      %scan3A_174 = arith.constant 8 : i32
      %add3A_175 = arith.constant 4 : i32
      %add3A_176 = arith.addi %add3A_154, %add3A_175 : i32
      %lt3A_177 = arith.constant 128 : i32
      %lt3A_178 = arith.cmpi slt, %add3A_176, %lt3A_177 : i32
      %convert_element_type3A_179 = arith.extui %lt3A_178 : i1 to i32
      %cond3A_180 = arith.constant 0 : i32
      %cond3A_181 = arith.cmpi ne, %convert_element_type3A_179, %cond3A_180 : i32
      scf.if %cond3A_181 {
        %mul3A_211 = arith.constant 200 : i32
        %mul3A_212 = arith.muli %add3A_176, %mul3A_211 : i32
        %dma_start3A_213 = arith.constant 2 : i32
        %dma_start3A_214 = arith.constant 0 : i32
        %dma_start3A_215 = arith.constant 0 : i32
        %dma_start3A_216 = tpu.memref_slice %arg6[%dma_start3A_213, %dma_start3A_214, %dma_start3A_215] : memref<4x200x64xf32, #tpu.memory_space<vmem>> -> memref<1x120x64xf32, #tpu.memory_space<vmem>>
        %dma_start3A_217 = tpu.memref_squeeze %dma_start3A_216 : memref<1x120x64xf32, #tpu.memory_space<vmem>> -> memref<120x64xf32, #tpu.memory_space<vmem>>
        %dma_start3A_218 = tpu.memref_slice %arg5[%mul3A_212] : memref<25600xi32, #tpu.memory_space<vmem>> -> memref<120xi32, #tpu.memory_space<vmem>>
        %dma_start3A_219 = arith.constant 0 : i32
        %dma_start3A_220 = arith.constant 0 : i32
        %dma_start3A_221 = tpu.memref_slice %arg2[%dma_start3A_219, %dma_start3A_220] : memref<1015808x64xf32, #tpu.memory_space<hbm>> -> memref<1015808x64xf32, #tpu.memory_space<hbm>>
        tpu.enqueue_indirect_dma source(%dma_start3A_221 : memref<1015808x64xf32, #tpu.memory_space<hbm>>) target(%dma_start3A_217 : memref<120x64xf32, #tpu.memory_space<vmem>>) offsets(%dma_start3A_218 : memref<120xi32, #tpu.memory_space<vmem>>) semaphore(%arg10 : memref<!tpu.dma_semaphore, #tpu.memory_space<semaphore_mem>>)
        %add3A_222 = arith.constant 120 : i32
        %add3A_223 = arith.addi %mul3A_212, %add3A_222 : i32
        %dma_start3A_224 = arith.constant 2 : i32
        %dma_start3A_225 = arith.constant 120 : i32
        %dma_start3A_226 = arith.constant 0 : i32
        %dma_start3A_227 = tpu.memref_slice %arg6[%dma_start3A_224, %dma_start3A_225, %dma_start3A_226] : memref<4x200x64xf32, #tpu.memory_space<vmem>> -> memref<1x80x64xf32, #tpu.memory_space<vmem>>
        %dma_start3A_228 = tpu.memref_squeeze %dma_start3A_227 : memref<1x80x64xf32, #tpu.memory_space<vmem>> -> memref<80x64xf32, #tpu.memory_space<vmem>>
        %dma_start3A_229 = tpu.memref_slice %arg5[%add3A_223] : memref<25600xi32, #tpu.memory_space<vmem>> -> memref<80xi32, #tpu.memory_space<vmem>>
        %dma_start3A_230 = arith.constant 0 : i32
        %dma_start3A_231 = arith.constant 0 : i32
        %dma_start3A_232 = tpu.memref_slice %arg2[%dma_start3A_230, %dma_start3A_231] : memref<1015808x64xf32, #tpu.memory_space<hbm>> -> memref<1015808x64xf32, #tpu.memory_space<hbm>>
        tpu.enqueue_indirect_dma source(%dma_start3A_232 : memref<1015808x64xf32, #tpu.memory_space<hbm>>) target(%dma_start3A_228 : memref<80x64xf32, #tpu.memory_space<vmem>>) offsets(%dma_start3A_229 : memref<80xi32, #tpu.memory_space<vmem>>) semaphore(%arg10 : memref<!tpu.dma_semaphore, #tpu.memory_space<semaphore_mem>>)
      } else {
      }
      %add3A_182 = arith.constant 3 : i32
      %add3A_183 = arith.addi %add3A_98, %add3A_182 : i32
      %dma_wait3A_184 = arith.constant 3 : i32
      %dma_wait3A_185 = arith.constant 0 : i32
      %dma_wait3A_186 = arith.constant 0 : i32
      %dma_wait3A_187 = tpu.memref_slice %arg6[%dma_wait3A_184, %dma_wait3A_185, %dma_wait3A_186] : memref<4x200x64xf32, #tpu.memory_space<vmem>> -> memref<1x200x64xf32, #tpu.memory_space<vmem>>
      %dma_wait3A_188 = tpu.memref_squeeze %dma_wait3A_187 : memref<1x200x64xf32, #tpu.memory_space<vmem>> -> memref<200x64xf32, #tpu.memory_space<vmem>>
      %dma_wait3A_189 = arith.constant 0 : i32
      %dma_wait3A_190 = arith.constant 0 : i32
      %dma_wait3A_191 = tpu.memref_slice %arg4[%dma_wait3A_189, %dma_wait3A_190] : memref<4096x64xf32, #tpu.memory_space<hbm>> -> memref<200x64xf32, #tpu.memory_space<hbm>>
      %dma_wait3A_192 = arith.constant 0 : i32
      %dma_wait3A_193 = arith.constant 0 : i32
      %dma_wait3A_194 = tpu.memref_slice %arg6[%dma_wait3A_184, %dma_wait3A_192, %dma_wait3A_193] : memref<4x200x64xf32, #tpu.memory_space<vmem>> -> memref<1x200x64xf32, #tpu.memory_space<vmem>>
      %dma_wait3A_195 = tpu.memref_squeeze %dma_wait3A_194 : memref<1x200x64xf32, #tpu.memory_space<vmem>> -> memref<200x64xf32, #tpu.memory_space<vmem>>
      %dma_wait3A_196 = arith.constant 0 : i32
      %dma_wait3A_197 = arith.constant 0 : i32
      %dma_wait3A_198 = tpu.memref_slice %arg4[%dma_wait3A_196, %dma_wait3A_197] : memref<4096x64xf32, #tpu.memory_space<hbm>> -> memref<200x64xf32, #tpu.memory_space<hbm>>
      tpu.wait_dma2 semaphore(%arg11 : memref<!tpu.dma_semaphore, #tpu.memory_space<semaphore_mem>>) src(%dma_wait3A_198 : memref<200x64xf32, #tpu.memory_space<hbm>>) dst(%dma_wait3A_195 : memref<200x64xf32, #tpu.memory_space<vmem>>)
      %scan3A_199 = arith.constant 0 : i32
      %scan3A_200 = arith.constant 8 : i32
      %scan3A_201 = arith.addi %scan3A_199, %scan3A_200 : i32
      %scan3A_202 = arith.constant 1 : i32
      scf.for %scan3A_211 = %scan3A_199 to %scan3A_201 step %scan3A_202  : i32 {
        %mul3A_212 = arith.constant 25 : i32
        %mul3A_213 = arith.muli %scan3A_211, %mul3A_212 : i32
        %add3A_214 = arith.constant 0 : i32
        %add3A_215 = arith.addi %add3A_214, %mul3A_213 : i32
        %get3A = arith.constant 3 : i32
        %get3A_216 = arith.index_cast %get3A : i32 to index
        %get3A_217 = arith.index_cast %add3A_215 : i32 to index
        %get3A_218 = arith.constant 0 : index
        %get3A_219 = tpu.vector_load %arg6[%get3A_216, %get3A_217, %get3A_218] {strides = array<i32>} : memref<4x200x64xf32, #tpu.memory_space<vmem>>, vector<1x1x16xf32>,
        %get3A_220 = vector.shape_cast %get3A_219 : vector<1x1x16xf32> to vector<16xf32>
        %add3A_221 = arith.constant 1 : i32
        %add3A_222 = arith.addi %add3A_215, %add3A_221 : i32
        %get3A_223 = arith.constant 3 : i32
        %get3A_224 = arith.index_cast %get3A_223 : i32 to index
        %get3A_225 = arith.index_cast %add3A_222 : i32 to index
        %get3A_226 = arith.constant 0 : index
        %get3A_227 = tpu.vector_load %arg6[%get3A_224, %get3A_225, %get3A_226] {strides = array<i32>} : memref<4x200x64xf32, #tpu.memory_space<vmem>>, vector<1x1x16xf32>,
        %get3A_228 = vector.shape_cast %get3A_227 : vector<1x1x16xf32> to vector<16xf32>
        %add3A_229 = arith.constant 2 : i32
        %add3A_230 = arith.addi %add3A_215, %add3A_229 : i32
        %get3A_231 = arith.constant 3 : i32
        %get3A_232 = arith.index_cast %get3A_231 : i32 to index
        %get3A_233 = arith.index_cast %add3A_230 : i32 to index
        %get3A_234 = arith.constant 0 : index
        %get3A_235 = tpu.vector_load %arg6[%get3A_232, %get3A_233, %get3A_234] {strides = array<i32>} : memref<4x200x64xf32, #tpu.memory_space<vmem>>, vector<1x1x16xf32>,
        %get3A_236 = vector.shape_cast %get3A_235 : vector<1x1x16xf32> to vector<16xf32>
        %add3A_237 = arith.addf %get3A_220, %get3A_236 : vector<16xf32>
        %add3A_238 = arith.constant 4 : i32
        %add3A_239 = arith.addi %add3A_215, %add3A_238 : i32
        %get3A_240 = arith.constant 3 : i32
        %get3A_241 = arith.index_cast %get3A_240 : i32 to index
        %get3A_242 = arith.index_cast %add3A_239 : i32 to index
        %get3A_243 = arith.constant 0 : index
        %get3A_244 = tpu.vector_load %arg6[%get3A_241, %get3A_242, %get3A_243] {strides = array<i32>} : memref<4x200x64xf32, #tpu.memory_space<vmem>>, vector<1x1x16xf32>,
        %get3A_245 = vector.shape_cast %get3A_244 : vector<1x1x16xf32> to vector<16xf32>
        %add3A_246 = arith.addf %add3A_237, %get3A_245 : vector<16xf32>
        %add3A_247 = arith.constant 6 : i32
        %add3A_248 = arith.addi %add3A_215, %add3A_247 : i32
        %get3A_249 = arith.constant 3 : i32
        %get3A_250 = arith.index_cast %get3A_249 : i32 to index
        %get3A_251 = arith.index_cast %add3A_248 : i32 to index
        %get3A_252 = arith.constant 0 : index
        %get3A_253 = tpu.vector_load %arg6[%get3A_250, %get3A_251, %get3A_252] {strides = array<i32>} : memref<4x200x64xf32, #tpu.memory_space<vmem>>, vector<1x1x16xf32>,
        %get3A_254 = vector.shape_cast %get3A_253 : vector<1x1x16xf32> to vector<16xf32>
        %add3A_255 = arith.addf %add3A_246, %get3A_254 : vector<16xf32>
        %add3A_256 = arith.constant 8 : i32
        %add3A_257 = arith.addi %add3A_215, %add3A_256 : i32
        %get3A_258 = arith.constant 3 : i32
        %get3A_259 = arith.index_cast %get3A_258 : i32 to index
        %get3A_260 = arith.index_cast %add3A_257 : i32 to index
        %get3A_261 = arith.constant 0 : index
        %get3A_262 = tpu.vector_load %arg6[%get3A_259, %get3A_260, %get3A_261] {strides = array<i32>} : memref<4x200x64xf32, #tpu.memory_space<vmem>>, vector<1x1x16xf32>,
        %get3A_263 = vector.shape_cast %get3A_262 : vector<1x1x16xf32> to vector<16xf32>
        %add3A_264 = arith.addf %add3A_255, %get3A_263 : vector<16xf32>
        %add3A_265 = arith.constant 10 : i32
        %add3A_266 = arith.addi %add3A_215, %add3A_265 : i32
        %get3A_267 = arith.constant 3 : i32
        %get3A_268 = arith.index_cast %get3A_267 : i32 to index
        %get3A_269 = arith.index_cast %add3A_266 : i32 to index
        %get3A_270 = arith.constant 0 : index
        %get3A_271 = tpu.vector_load %arg6[%get3A_268, %get3A_269, %get3A_270] {strides = array<i32>} : memref<4x200x64xf32, #tpu.memory_space<vmem>>, vector<1x1x16xf32>,
        %get3A_272 = vector.shape_cast %get3A_271 : vector<1x1x16xf32> to vector<16xf32>
        %add3A_273 = arith.addf %add3A_264, %get3A_272 : vector<16xf32>
        %add3A_274 = arith.constant 12 : i32
        %add3A_275 = arith.addi %add3A_215, %add3A_274 : i32
        %get3A_276 = arith.constant 3 : i32
        %get3A_277 = arith.index_cast %get3A_276 : i32 to index
        %get3A_278 = arith.index_cast %add3A_275 : i32 to index
        %get3A_279 = arith.constant 0 : index
        %get3A_280 = tpu.vector_load %arg6[%get3A_277, %get3A_278, %get3A_279] {strides = array<i32>} : memref<4x200x64xf32, #tpu.memory_space<vmem>>, vector<1x1x16xf32>,
        %get3A_281 = vector.shape_cast %get3A_280 : vector<1x1x16xf32> to vector<16xf32>
        %add3A_282 = arith.addf %add3A_273, %get3A_281 : vector<16xf32>
        %add3A_283 = arith.constant 14 : i32
        %add3A_284 = arith.addi %add3A_215, %add3A_283 : i32
        %get3A_285 = arith.constant 3 : i32
        %get3A_286 = arith.index_cast %get3A_285 : i32 to index
        %get3A_287 = arith.index_cast %add3A_284 : i32 to index
        %get3A_288 = arith.constant 0 : index
        %get3A_289 = tpu.vector_load %arg6[%get3A_286, %get3A_287, %get3A_288] {strides = array<i32>} : memref<4x200x64xf32, #tpu.memory_space<vmem>>, vector<1x1x16xf32>,
        %get3A_290 = vector.shape_cast %get3A_289 : vector<1x1x16xf32> to vector<16xf32>
        %add3A_291 = arith.addf %add3A_282, %get3A_290 : vector<16xf32>
        %add3A_292 = arith.constant 16 : i32
        %add3A_293 = arith.addi %add3A_215, %add3A_292 : i32
        %get3A_294 = arith.constant 3 : i32
        %get3A_295 = arith.index_cast %get3A_294 : i32 to index
        %get3A_296 = arith.index_cast %add3A_293 : i32 to index
        %get3A_297 = arith.constant 0 : index
        %get3A_298 = tpu.vector_load %arg6[%get3A_295, %get3A_296, %get3A_297] {strides = array<i32>} : memref<4x200x64xf32, #tpu.memory_space<vmem>>, vector<1x1x16xf32>,
        %get3A_299 = vector.shape_cast %get3A_298 : vector<1x1x16xf32> to vector<16xf32>
        %add3A_300 = arith.addf %add3A_291, %get3A_299 : vector<16xf32>
        %add3A_301 = arith.constant 18 : i32
        %add3A_302 = arith.addi %add3A_215, %add3A_301 : i32
        %get3A_303 = arith.constant 3 : i32
        %get3A_304 = arith.index_cast %get3A_303 : i32 to index
        %get3A_305 = arith.index_cast %add3A_302 : i32 to index
        %get3A_306 = arith.constant 0 : index
        %get3A_307 = tpu.vector_load %arg6[%get3A_304, %get3A_305, %get3A_306] {strides = array<i32>} : memref<4x200x64xf32, #tpu.memory_space<vmem>>, vector<1x1x16xf32>,
        %get3A_308 = vector.shape_cast %get3A_307 : vector<1x1x16xf32> to vector<16xf32>
        %add3A_309 = arith.addf %add3A_300, %get3A_308 : vector<16xf32>
        %add3A_310 = arith.constant 20 : i32
        %add3A_311 = arith.addi %add3A_215, %add3A_310 : i32
        %get3A_312 = arith.constant 3 : i32
        %get3A_313 = arith.index_cast %get3A_312 : i32 to index
        %get3A_314 = arith.index_cast %add3A_311 : i32 to index
        %get3A_315 = arith.constant 0 : index
        %get3A_316 = tpu.vector_load %arg6[%get3A_313, %get3A_314, %get3A_315] {strides = array<i32>} : memref<4x200x64xf32, #tpu.memory_space<vmem>>, vector<1x1x16xf32>,
        %get3A_317 = vector.shape_cast %get3A_316 : vector<1x1x16xf32> to vector<16xf32>
        %add3A_318 = arith.addf %add3A_309, %get3A_317 : vector<16xf32>
        %add3A_319 = arith.constant 22 : i32
        %add3A_320 = arith.addi %add3A_215, %add3A_319 : i32
        %get3A_321 = arith.constant 3 : i32
        %get3A_322 = arith.index_cast %get3A_321 : i32 to index
        %get3A_323 = arith.index_cast %add3A_320 : i32 to index
        %get3A_324 = arith.constant 0 : index
        %get3A_325 = tpu.vector_load %arg6[%get3A_322, %get3A_323, %get3A_324] {strides = array<i32>} : memref<4x200x64xf32, #tpu.memory_space<vmem>>, vector<1x1x16xf32>,
        %get3A_326 = vector.shape_cast %get3A_325 : vector<1x1x16xf32> to vector<16xf32>
        %add3A_327 = arith.addf %add3A_318, %get3A_326 : vector<16xf32>
        %add3A_328 = arith.constant 24 : i32
        %add3A_329 = arith.addi %add3A_215, %add3A_328 : i32
        %get3A_330 = arith.constant 3 : i32
        %get3A_331 = arith.index_cast %get3A_330 : i32 to index
        %get3A_332 = arith.index_cast %add3A_329 : i32 to index
        %get3A_333 = arith.constant 0 : index
        %get3A_334 = tpu.vector_load %arg6[%get3A_331, %get3A_332, %get3A_333] {strides = array<i32>} : memref<4x200x64xf32, #tpu.memory_space<vmem>>, vector<1x1x16xf32>,
        %get3A_335 = vector.shape_cast %get3A_334 : vector<1x1x16xf32> to vector<16xf32>
        %add3A_336 = arith.addf %add3A_327, %get3A_335 : vector<16xf32>
        %add3A_337 = arith.constant 3 : i32
        %add3A_338 = arith.addi %add3A_215, %add3A_337 : i32
        %get3A_339 = arith.constant 3 : i32
        %get3A_340 = arith.index_cast %get3A_339 : i32 to index
        %get3A_341 = arith.index_cast %add3A_338 : i32 to index
        %get3A_342 = arith.constant 0 : index
        %get3A_343 = tpu.vector_load %arg6[%get3A_340, %get3A_341, %get3A_342] {strides = array<i32>} : memref<4x200x64xf32, #tpu.memory_space<vmem>>, vector<1x1x16xf32>,
        %get3A_344 = vector.shape_cast %get3A_343 : vector<1x1x16xf32> to vector<16xf32>
        %add3A_345 = arith.addf %get3A_228, %get3A_344 : vector<16xf32>
        %add3A_346 = arith.constant 5 : i32
        %add3A_347 = arith.addi %add3A_215, %add3A_346 : i32
        %get3A_348 = arith.constant 3 : i32
        %get3A_349 = arith.index_cast %get3A_348 : i32 to index
        %get3A_350 = arith.index_cast %add3A_347 : i32 to index
        %get3A_351 = arith.constant 0 : index
        %get3A_352 = tpu.vector_load %arg6[%get3A_349, %get3A_350, %get3A_351] {strides = array<i32>} : memref<4x200x64xf32, #tpu.memory_space<vmem>>, vector<1x1x16xf32>,
        %get3A_353 = vector.shape_cast %get3A_352 : vector<1x1x16xf32> to vector<16xf32>
        %add3A_354 = arith.addf %add3A_345, %get3A_353 : vector<16xf32>
        %add3A_355 = arith.constant 7 : i32
        %add3A_356 = arith.addi %add3A_215, %add3A_355 : i32
        %get3A_357 = arith.constant 3 : i32
        %get3A_358 = arith.index_cast %get3A_357 : i32 to index
        %get3A_359 = arith.index_cast %add3A_356 : i32 to index
        %get3A_360 = arith.constant 0 : index
        %get3A_361 = tpu.vector_load %arg6[%get3A_358, %get3A_359, %get3A_360] {strides = array<i32>} : memref<4x200x64xf32, #tpu.memory_space<vmem>>, vector<1x1x16xf32>,
        %get3A_362 = vector.shape_cast %get3A_361 : vector<1x1x16xf32> to vector<16xf32>
        %add3A_363 = arith.addf %add3A_354, %get3A_362 : vector<16xf32>
        %add3A_364 = arith.constant 9 : i32
        %add3A_365 = arith.addi %add3A_215, %add3A_364 : i32
        %get3A_366 = arith.constant 3 : i32
        %get3A_367 = arith.index_cast %get3A_366 : i32 to index
        %get3A_368 = arith.index_cast %add3A_365 : i32 to index
        %get3A_369 = arith.constant 0 : index
        %get3A_370 = tpu.vector_load %arg6[%get3A_367, %get3A_368, %get3A_369] {strides = array<i32>} : memref<4x200x64xf32, #tpu.memory_space<vmem>>, vector<1x1x16xf32>,
        %get3A_371 = vector.shape_cast %get3A_370 : vector<1x1x16xf32> to vector<16xf32>
        %add3A_372 = arith.addf %add3A_363, %get3A_371 : vector<16xf32>
        %add3A_373 = arith.constant 11 : i32
        %add3A_374 = arith.addi %add3A_215, %add3A_373 : i32
        %get3A_375 = arith.constant 3 : i32
        %get3A_376 = arith.index_cast %get3A_375 : i32 to index
        %get3A_377 = arith.index_cast %add3A_374 : i32 to index
        %get3A_378 = arith.constant 0 : index
        %get3A_379 = tpu.vector_load %arg6[%get3A_376, %get3A_377, %get3A_378] {strides = array<i32>} : memref<4x200x64xf32, #tpu.memory_space<vmem>>, vector<1x1x16xf32>,
        %get3A_380 = vector.shape_cast %get3A_379 : vector<1x1x16xf32> to vector<16xf32>
        %add3A_381 = arith.addf %add3A_372, %get3A_380 : vector<16xf32>
        %add3A_382 = arith.constant 13 : i32
        %add3A_383 = arith.addi %add3A_215, %add3A_382 : i32
        %get3A_384 = arith.constant 3 : i32
        %get3A_385 = arith.index_cast %get3A_384 : i32 to index
        %get3A_386 = arith.index_cast %add3A_383 : i32 to index
        %get3A_387 = arith.constant 0 : index
        %get3A_388 = tpu.vector_load %arg6[%get3A_385, %get3A_386, %get3A_387] {strides = array<i32>} : memref<4x200x64xf32, #tpu.memory_space<vmem>>, vector<1x1x16xf32>,
        %get3A_389 = vector.shape_cast %get3A_388 : vector<1x1x16xf32> to vector<16xf32>
        %add3A_390 = arith.addf %add3A_381, %get3A_389 : vector<16xf32>
        %add3A_391 = arith.constant 15 : i32
        %add3A_392 = arith.addi %add3A_215, %add3A_391 : i32
        %get3A_393 = arith.constant 3 : i32
        %get3A_394 = arith.index_cast %get3A_393 : i32 to index
        %get3A_395 = arith.index_cast %add3A_392 : i32 to index
        %get3A_396 = arith.constant 0 : index
        %get3A_397 = tpu.vector_load %arg6[%get3A_394, %get3A_395, %get3A_396] {strides = array<i32>} : memref<4x200x64xf32, #tpu.memory_space<vmem>>, vector<1x1x16xf32>,
        %get3A_398 = vector.shape_cast %get3A_397 : vector<1x1x16xf32> to vector<16xf32>
        %add3A_399 = arith.addf %add3A_390, %get3A_398 : vector<16xf32>
        %add3A_400 = arith.constant 17 : i32
        %add3A_401 = arith.addi %add3A_215, %add3A_400 : i32
        %get3A_402 = arith.constant 3 : i32
        %get3A_403 = arith.index_cast %get3A_402 : i32 to index
        %get3A_404 = arith.index_cast %add3A_401 : i32 to index
        %get3A_405 = arith.constant 0 : index
        %get3A_406 = tpu.vector_load %arg6[%get3A_403, %get3A_404, %get3A_405] {strides = array<i32>} : memref<4x200x64xf32, #tpu.memory_space<vmem>>, vector<1x1x16xf32>,
        %get3A_407 = vector.shape_cast %get3A_406 : vector<1x1x16xf32> to vector<16xf32>
        %add3A_408 = arith.addf %add3A_399, %get3A_407 : vector<16xf32>
        %add3A_409 = arith.constant 19 : i32
        %add3A_410 = arith.addi %add3A_215, %add3A_409 : i32
        %get3A_411 = arith.constant 3 : i32
        %get3A_412 = arith.index_cast %get3A_411 : i32 to index
        %get3A_413 = arith.index_cast %add3A_410 : i32 to index
        %get3A_414 = arith.constant 0 : index
        %get3A_415 = tpu.vector_load %arg6[%get3A_412, %get3A_413, %get3A_414] {strides = array<i32>} : memref<4x200x64xf32, #tpu.memory_space<vmem>>, vector<1x1x16xf32>,
        %get3A_416 = vector.shape_cast %get3A_415 : vector<1x1x16xf32> to vector<16xf32>
        %add3A_417 = arith.addf %add3A_408, %get3A_416 : vector<16xf32>
        %add3A_418 = arith.constant 21 : i32
        %add3A_419 = arith.addi %add3A_215, %add3A_418 : i32
        %get3A_420 = arith.constant 3 : i32
        %get3A_421 = arith.index_cast %get3A_420 : i32 to index
        %get3A_422 = arith.index_cast %add3A_419 : i32 to index
        %get3A_423 = arith.constant 0 : index
        %get3A_424 = tpu.vector_load %arg6[%get3A_421, %get3A_422, %get3A_423] {strides = array<i32>} : memref<4x200x64xf32, #tpu.memory_space<vmem>>, vector<1x1x16xf32>,
        %get3A_425 = vector.shape_cast %get3A_424 : vector<1x1x16xf32> to vector<16xf32>
        %add3A_426 = arith.addf %add3A_417, %get3A_425 : vector<16xf32>
        %add3A_427 = arith.constant 23 : i32
        %add3A_428 = arith.addi %add3A_215, %add3A_427 : i32
        %get3A_429 = arith.constant 3 : i32
        %get3A_430 = arith.index_cast %get3A_429 : i32 to index
        %get3A_431 = arith.index_cast %add3A_428 : i32 to index
        %get3A_432 = arith.constant 0 : index
        %get3A_433 = tpu.vector_load %arg6[%get3A_430, %get3A_431, %get3A_432] {strides = array<i32>} : memref<4x200x64xf32, #tpu.memory_space<vmem>>, vector<1x1x16xf32>,
        %get3A_434 = vector.shape_cast %get3A_433 : vector<1x1x16xf32> to vector<16xf32>
        %add3A_435 = arith.addf %add3A_426, %get3A_434 : vector<16xf32>
        %get3A_436 = arith.index_cast %add3A_183 : i32 to index
        %get3A_437 = arith.constant 0 : index
        %get3A_438 = tpu.vector_load %arg7[%get3A_436, %get3A_437] {strides = array<i32>} : memref<128x64xf32, #tpu.memory_space<vmem>>, vector<1x16xf32>,
        %get3A_439 = vector.shape_cast %get3A_438 : vector<1x16xf32> to vector<16xf32>
        %add3A_440 = arith.addf %add3A_336, %add3A_435 : vector<16xf32>
        %add3A_441 = arith.addf %get3A_439, %add3A_440 : vector<16xf32>
        %swap3A = arith.index_cast %add3A_183 : i32 to index
        %swap3A_442 = arith.constant 0 : index
        %swap3A_443 = tpu.vector_load %arg7[%swap3A, %swap3A_442] {strides = array<i32>} : memref<128x64xf32, #tpu.memory_space<vmem>>, vector<1x16xf32>,
        %swap3A_444 = vector.shape_cast %swap3A_443 : vector<1x16xf32> to vector<16xf32>
        %swap3A_445 = vector.shape_cast %add3A_441 : vector<16xf32> to vector<1x16xf32>
        tpu.vector_store %arg7[%swap3A, %swap3A_442], %swap3A_445 {strides = array<i32>} : memref<128x64xf32, #tpu.memory_space<vmem>>, vector<1x16xf32>,
        %get3A_446 = arith.constant 3 : i32
        %get3A_447 = arith.index_cast %get3A_446 : i32 to index
        %get3A_448 = arith.index_cast %add3A_215 : i32 to index
        %get3A_449 = arith.constant 16 : index
        %get3A_450 = tpu.vector_load %arg6[%get3A_447, %get3A_448, %get3A_449] {strides = array<i32>} : memref<4x200x64xf32, #tpu.memory_space<vmem>>, vector<1x1x16xf32>,
        %get3A_451 = vector.shape_cast %get3A_450 : vector<1x1x16xf32> to vector<16xf32>
        %add3A_452 = arith.constant 1 : i32
        %add3A_453 = arith.addi %add3A_215, %add3A_452 : i32
        %get3A_454 = arith.constant 3 : i32
        %get3A_455 = arith.index_cast %get3A_454 : i32 to index
        %get3A_456 = arith.index_cast %add3A_453 : i32 to index
        %get3A_457 = arith.constant 16 : index
        %get3A_458 = tpu.vector_load %arg6[%get3A_455, %get3A_456, %get3A_457] {strides = array<i32>} : memref<4x200x64xf32, #tpu.memory_space<vmem>>, vector<1x1x16xf32>,
        %get3A_459 = vector.shape_cast %get3A_458 : vector<1x1x16xf32> to vector<16xf32>
        %add3A_460 = arith.constant 2 : i32
        %add3A_461 = arith.addi %add3A_215, %add3A_460 : i32
        %get3A_462 = arith.constant 3 : i32
        %get3A_463 = arith.index_cast %get3A_462 : i32 to index
        %get3A_464 = arith.index_cast %add3A_461 : i32 to index
        %get3A_465 = arith.constant 16 : index
        %get3A_466 = tpu.vector_load %arg6[%get3A_463, %get3A_464, %get3A_465] {strides = array<i32>} : memref<4x200x64xf32, #tpu.memory_space<vmem>>, vector<1x1x16xf32>,
        %get3A_467 = vector.shape_cast %get3A_466 : vector<1x1x16xf32> to vector<16xf32>
        %add3A_468 = arith.addf %get3A_451, %get3A_467 : vector<16xf32>
        %add3A_469 = arith.constant 4 : i32
        %add3A_470 = arith.addi %add3A_215, %add3A_469 : i32
        %get3A_471 = arith.constant 3 : i32
        %get3A_472 = arith.index_cast %get3A_471 : i32 to index
        %get3A_473 = arith.index_cast %add3A_470 : i32 to index
        %get3A_474 = arith.constant 16 : index
        %get3A_475 = tpu.vector_load %arg6[%get3A_472, %get3A_473, %get3A_474] {strides = array<i32>} : memref<4x200x64xf32, #tpu.memory_space<vmem>>, vector<1x1x16xf32>,
        %get3A_476 = vector.shape_cast %get3A_475 : vector<1x1x16xf32> to vector<16xf32>
        %add3A_477 = arith.addf %add3A_468, %get3A_476 : vector<16xf32>
        %add3A_478 = arith.constant 6 : i32
        %add3A_479 = arith.addi %add3A_215, %add3A_478 : i32
        %get3A_480 = arith.constant 3 : i32
        %get3A_481 = arith.index_cast %get3A_480 : i32 to index
        %get3A_482 = arith.index_cast %add3A_479 : i32 to index
        %get3A_483 = arith.constant 16 : index
        %get3A_484 = tpu.vector_load %arg6[%get3A_481, %get3A_482, %get3A_483] {strides = array<i32>} : memref<4x200x64xf32, #tpu.memory_space<vmem>>, vector<1x1x16xf32>,
        %get3A_485 = vector.shape_cast %get3A_484 : vector<1x1x16xf32> to vector<16xf32>
        %add3A_486 = arith.addf %add3A_477, %get3A_485 : vector<16xf32>
        %add3A_487 = arith.constant 8 : i32
        %add3A_488 = arith.addi %add3A_215, %add3A_487 : i32
        %get3A_489 = arith.constant 3 : i32
        %get3A_490 = arith.index_cast %get3A_489 : i32 to index
        %get3A_491 = arith.index_cast %add3A_488 : i32 to index
        %get3A_492 = arith.constant 16 : index
        %get3A_493 = tpu.vector_load %arg6[%get3A_490, %get3A_491, %get3A_492] {strides = array<i32>} : memref<4x200x64xf32, #tpu.memory_space<vmem>>, vector<1x1x16xf32>,
        %get3A_494 = vector.shape_cast %get3A_493 : vector<1x1x16xf32> to vector<16xf32>
        %add3A_495 = arith.addf %add3A_486, %get3A_494 : vector<16xf32>
        %add3A_496 = arith.constant 10 : i32
        %add3A_497 = arith.addi %add3A_215, %add3A_496 : i32
        %get3A_498 = arith.constant 3 : i32
        %get3A_499 = arith.index_cast %get3A_498 : i32 to index
        %get3A_500 = arith.index_cast %add3A_497 : i32 to index
        %get3A_501 = arith.constant 16 : index
        %get3A_502 = tpu.vector_load %arg6[%get3A_499, %get3A_500, %get3A_501] {strides = array<i32>} : memref<4x200x64xf32, #tpu.memory_space<vmem>>, vector<1x1x16xf32>,
        %get3A_503 = vector.shape_cast %get3A_502 : vector<1x1x16xf32> to vector<16xf32>
        %add3A_504 = arith.addf %add3A_495, %get3A_503 : vector<16xf32>
        %add3A_505 = arith.constant 12 : i32
        %add3A_506 = arith.addi %add3A_215, %add3A_505 : i32
        %get3A_507 = arith.constant 3 : i32
        %get3A_508 = arith.index_cast %get3A_507 : i32 to index
        %get3A_509 = arith.index_cast %add3A_506 : i32 to index
        %get3A_510 = arith.constant 16 : index
        %get3A_511 = tpu.vector_load %arg6[%get3A_508, %get3A_509, %get3A_510] {strides = array<i32>} : memref<4x200x64xf32, #tpu.memory_space<vmem>>, vector<1x1x16xf32>,
        %get3A_512 = vector.shape_cast %get3A_511 : vector<1x1x16xf32> to vector<16xf32>
        %add3A_513 = arith.addf %add3A_504, %get3A_512 : vector<16xf32>
        %add3A_514 = arith.constant 14 : i32
        %add3A_515 = arith.addi %add3A_215, %add3A_514 : i32
        %get3A_516 = arith.constant 3 : i32
        %get3A_517 = arith.index_cast %get3A_516 : i32 to index
        %get3A_518 = arith.index_cast %add3A_515 : i32 to index
        %get3A_519 = arith.constant 16 : index
        %get3A_520 = tpu.vector_load %arg6[%get3A_517, %get3A_518, %get3A_519] {strides = array<i32>} : memref<4x200x64xf32, #tpu.memory_space<vmem>>, vector<1x1x16xf32>,
        %get3A_521 = vector.shape_cast %get3A_520 : vector<1x1x16xf32> to vector<16xf32>
        %add3A_522 = arith.addf %add3A_513, %get3A_521 : vector<16xf32>
        %add3A_523 = arith.constant 16 : i32
        %add3A_524 = arith.addi %add3A_215, %add3A_523 : i32
        %get3A_525 = arith.constant 3 : i32
        %get3A_526 = arith.index_cast %get3A_525 : i32 to index
        %get3A_527 = arith.index_cast %add3A_524 : i32 to index
        %get3A_528 = arith.constant 16 : index
        %get3A_529 = tpu.vector_load %arg6[%get3A_526, %get3A_527, %get3A_528] {strides = array<i32>} : memref<4x200x64xf32, #tpu.memory_space<vmem>>, vector<1x1x16xf32>,
        %get3A_530 = vector.shape_cast %get3A_529 : vector<1x1x16xf32> to vector<16xf32>
        %add3A_531 = arith.addf %add3A_522, %get3A_530 : vector<16xf32>
        %add3A_532 = arith.constant 18 : i32
        %add3A_533 = arith.addi %add3A_215, %add3A_532 : i32
        %get3A_534 = arith.constant 3 : i32
        %get3A_535 = arith.index_cast %get3A_534 : i32 to index
        %get3A_536 = arith.index_cast %add3A_533 : i32 to index
        %get3A_537 = arith.constant 16 : index
        %get3A_538 = tpu.vector_load %arg6[%get3A_535, %get3A_536, %get3A_537] {strides = array<i32>} : memref<4x200x64xf32, #tpu.memory_space<vmem>>, vector<1x1x16xf32>,
        %get3A_539 = vector.shape_cast %get3A_538 : vector<1x1x16xf32> to vector<16xf32>
        %add3A_540 = arith.addf %add3A_531, %get3A_539 : vector<16xf32>
        %add3A_541 = arith.constant 20 : i32
        %add3A_542 = arith.addi %add3A_215, %add3A_541 : i32
        %get3A_543 = arith.constant 3 : i32
        %get3A_544 = arith.index_cast %get3A_543 : i32 to index
        %get3A_545 = arith.index_cast %add3A_542 : i32 to index
        %get3A_546 = arith.constant 16 : index
        %get3A_547 = tpu.vector_load %arg6[%get3A_544, %get3A_545, %get3A_546] {strides = array<i32>} : memref<4x200x64xf32, #tpu.memory_space<vmem>>, vector<1x1x16xf32>,
        %get3A_548 = vector.shape_cast %get3A_547 : vector<1x1x16xf32> to vector<16xf32>
        %add3A_549 = arith.addf %add3A_540, %get3A_548 : vector<16xf32>
        %add3A_550 = arith.constant 22 : i32
        %add3A_551 = arith.addi %add3A_215, %add3A_550 : i32
        %get3A_552 = arith.constant 3 : i32
        %get3A_553 = arith.index_cast %get3A_552 : i32 to index
        %get3A_554 = arith.index_cast %add3A_551 : i32 to index
        %get3A_555 = arith.constant 16 : index
        %get3A_556 = tpu.vector_load %arg6[%get3A_553, %get3A_554, %get3A_555] {strides = array<i32>} : memref<4x200x64xf32, #tpu.memory_space<vmem>>, vector<1x1x16xf32>,
        %get3A_557 = vector.shape_cast %get3A_556 : vector<1x1x16xf32> to vector<16xf32>
        %add3A_558 = arith.addf %add3A_549, %get3A_557 : vector<16xf32>
        %add3A_559 = arith.constant 24 : i32
        %add3A_560 = arith.addi %add3A_215, %add3A_559 : i32
        %get3A_561 = arith.constant 3 : i32
        %get3A_562 = arith.index_cast %get3A_561 : i32 to index
        %get3A_563 = arith.index_cast %add3A_560 : i32 to index
        %get3A_564 = arith.constant 16 : index
        %get3A_565 = tpu.vector_load %arg6[%get3A_562, %get3A_563, %get3A_564] {strides = array<i32>} : memref<4x200x64xf32, #tpu.memory_space<vmem>>, vector<1x1x16xf32>,
        %get3A_566 = vector.shape_cast %get3A_565 : vector<1x1x16xf32> to vector<16xf32>
        %add3A_567 = arith.addf %add3A_558, %get3A_566 : vector<16xf32>
        %add3A_568 = arith.constant 3 : i32
        %add3A_569 = arith.addi %add3A_215, %add3A_568 : i32
        %get3A_570 = arith.constant 3 : i32
        %get3A_571 = arith.index_cast %get3A_570 : i32 to index
        %get3A_572 = arith.index_cast %add3A_569 : i32 to index
        %get3A_573 = arith.constant 16 : index
        %get3A_574 = tpu.vector_load %arg6[%get3A_571, %get3A_572, %get3A_573] {strides = array<i32>} : memref<4x200x64xf32, #tpu.memory_space<vmem>>, vector<1x1x16xf32>,
        %get3A_575 = vector.shape_cast %get3A_574 : vector<1x1x16xf32> to vector<16xf32>
        %add3A_576 = arith.addf %get3A_459, %get3A_575 : vector<16xf32>
        %add3A_577 = arith.constant 5 : i32
        %add3A_578 = arith.addi %add3A_215, %add3A_577 : i32
        %get3A_579 = arith.constant 3 : i32
        %get3A_580 = arith.index_cast %get3A_579 : i32 to index
        %get3A_581 = arith.index_cast %add3A_578 : i32 to index
        %get3A_582 = arith.constant 16 : index
        %get3A_583 = tpu.vector_load %arg6[%get3A_580, %get3A_581, %get3A_582] {strides = array<i32>} : memref<4x200x64xf32, #tpu.memory_space<vmem>>, vector<1x1x16xf32>,
        %get3A_584 = vector.shape_cast %get3A_583 : vector<1x1x16xf32> to vector<16xf32>
        %add3A_585 = arith.addf %add3A_576, %get3A_584 : vector<16xf32>
        %add3A_586 = arith.constant 7 : i32
        %add3A_587 = arith.addi %add3A_215, %add3A_586 : i32
        %get3A_588 = arith.constant 3 : i32
        %get3A_589 = arith.index_cast %get3A_588 : i32 to index
        %get3A_590 = arith.index_cast %add3A_587 : i32 to index
        %get3A_591 = arith.constant 16 : index
        %get3A_592 = tpu.vector_load %arg6[%get3A_589, %get3A_590, %get3A_591] {strides = array<i32>} : memref<4x200x64xf32, #tpu.memory_space<vmem>>, vector<1x1x16xf32>,
        %get3A_593 = vector.shape_cast %get3A_592 : vector<1x1x16xf32> to vector<16xf32>
        %add3A_594 = arith.addf %add3A_585, %get3A_593 : vector<16xf32>
        %add3A_595 = arith.constant 9 : i32
        %add3A_596 = arith.addi %add3A_215, %add3A_595 : i32
        %get3A_597 = arith.constant 3 : i32
        %get3A_598 = arith.index_cast %get3A_597 : i32 to index
        %get3A_599 = arith.index_cast %add3A_596 : i32 to index
        %get3A_600 = arith.constant 16 : index
        %get3A_601 = tpu.vector_load %arg6[%get3A_598, %get3A_599, %get3A_600] {strides = array<i32>} : memref<4x200x64xf32, #tpu.memory_space<vmem>>, vector<1x1x16xf32>,
        %get3A_602 = vector.shape_cast %get3A_601 : vector<1x1x16xf32> to vector<16xf32>
        %add3A_603 = arith.addf %add3A_594, %get3A_602 : vector<16xf32>
        %add3A_604 = arith.constant 11 : i32
        %add3A_605 = arith.addi %add3A_215, %add3A_604 : i32
        %get3A_606 = arith.constant 3 : i32
        %get3A_607 = arith.index_cast %get3A_606 : i32 to index
        %get3A_608 = arith.index_cast %add3A_605 : i32 to index
        %get3A_609 = arith.constant 16 : index
        %get3A_610 = tpu.vector_load %arg6[%get3A_607, %get3A_608, %get3A_609] {strides = array<i32>} : memref<4x200x64xf32, #tpu.memory_space<vmem>>, vector<1x1x16xf32>,
        %get3A_611 = vector.shape_cast %get3A_610 : vector<1x1x16xf32> to vector<16xf32>
        %add3A_612 = arith.addf %add3A_603, %get3A_611 : vector<16xf32>
        %add3A_613 = arith.constant 13 : i32
        %add3A_614 = arith.addi %add3A_215, %add3A_613 : i32
        %get3A_615 = arith.constant 3 : i32
        %get3A_616 = arith.index_cast %get3A_615 : i32 to index
        %get3A_617 = arith.index_cast %add3A_614 : i32 to index
        %get3A_618 = arith.constant 16 : index
        %get3A_619 = tpu.vector_load %arg6[%get3A_616, %get3A_617, %get3A_618] {strides = array<i32>} : memref<4x200x64xf32, #tpu.memory_space<vmem>>, vector<1x1x16xf32>,
        %get3A_620 = vector.shape_cast %get3A_619 : vector<1x1x16xf32> to vector<16xf32>
        %add3A_621 = arith.addf %add3A_612, %get3A_620 : vector<16xf32>
        %add3A_622 = arith.constant 15 : i32
        %add3A_623 = arith.addi %add3A_215, %add3A_622 : i32
        %get3A_624 = arith.constant 3 : i32
        %get3A_625 = arith.index_cast %get3A_624 : i32 to index
        %get3A_626 = arith.index_cast %add3A_623 : i32 to index
        %get3A_627 = arith.constant 16 : index
        %get3A_628 = tpu.vector_load %arg6[%get3A_625, %get3A_626, %get3A_627] {strides = array<i32>} : memref<4x200x64xf32, #tpu.memory_space<vmem>>, vector<1x1x16xf32>,
        %get3A_629 = vector.shape_cast %get3A_628 : vector<1x1x16xf32> to vector<16xf32>
        %add3A_630 = arith.addf %add3A_621, %get3A_629 : vector<16xf32>
        %add3A_631 = arith.constant 17 : i32
        %add3A_632 = arith.addi %add3A_215, %add3A_631 : i32
        %get3A_633 = arith.constant 3 : i32
        %get3A_634 = arith.index_cast %get3A_633 : i32 to index
        %get3A_635 = arith.index_cast %add3A_632 : i32 to index
        %get3A_636 = arith.constant 16 : index
        %get3A_637 = tpu.vector_load %arg6[%get3A_634, %get3A_635, %get3A_636] {strides = array<i32>} : memref<4x200x64xf32, #tpu.memory_space<vmem>>, vector<1x1x16xf32>,
        %get3A_638 = vector.shape_cast %get3A_637 : vector<1x1x16xf32> to vector<16xf32>
        %add3A_639 = arith.addf %add3A_630, %get3A_638 : vector<16xf32>
        %add3A_640 = arith.constant 19 : i32
        %add3A_641 = arith.addi %add3A_215, %add3A_640 : i32
        %get3A_642 = arith.constant 3 : i32
        %get3A_643 = arith.index_cast %get3A_642 : i32 to index
        %get3A_644 = arith.index_cast %add3A_641 : i32 to index
        %get3A_645 = arith.constant 16 : index
        %get3A_646 = tpu.vector_load %arg6[%get3A_643, %get3A_644, %get3A_645] {strides = array<i32>} : memref<4x200x64xf32, #tpu.memory_space<vmem>>, vector<1x1x16xf32>,
        %get3A_647 = vector.shape_cast %get3A_646 : vector<1x1x16xf32> to vector<16xf32>
        %add3A_648 = arith.addf %add3A_639, %get3A_647 : vector<16xf32>
        %add3A_649 = arith.constant 21 : i32
        %add3A_650 = arith.addi %add3A_215, %add3A_649 : i32
        %get3A_651 = arith.constant 3 : i32
        %get3A_652 = arith.index_cast %get3A_651 : i32 to index
        %get3A_653 = arith.index_cast %add3A_650 : i32 to index
        %get3A_654 = arith.constant 16 : index
        %get3A_655 = tpu.vector_load %arg6[%get3A_652, %get3A_653, %get3A_654] {strides = array<i32>} : memref<4x200x64xf32, #tpu.memory_space<vmem>>, vector<1x1x16xf32>,
        %get3A_656 = vector.shape_cast %get3A_655 : vector<1x1x16xf32> to vector<16xf32>
        %add3A_657 = arith.addf %add3A_648, %get3A_656 : vector<16xf32>
        %add3A_658 = arith.constant 23 : i32
        %add3A_659 = arith.addi %add3A_215, %add3A_658 : i32
        %get3A_660 = arith.constant 3 : i32
        %get3A_661 = arith.index_cast %get3A_660 : i32 to index
        %get3A_662 = arith.index_cast %add3A_659 : i32 to index
        %get3A_663 = arith.constant 16 : index
        %get3A_664 = tpu.vector_load %arg6[%get3A_661, %get3A_662, %get3A_663] {strides = array<i32>} : memref<4x200x64xf32, #tpu.memory_space<vmem>>, vector<1x1x16xf32>,
        %get3A_665 = vector.shape_cast %get3A_664 : vector<1x1x16xf32> to vector<16xf32>
        %add3A_666 = arith.addf %add3A_657, %get3A_665 : vector<16xf32>
        %get3A_667 = arith.index_cast %add3A_183 : i32 to index
        %get3A_668 = arith.constant 16 : index
        %get3A_669 = tpu.vector_load %arg7[%get3A_667, %get3A_668] {strides = array<i32>} : memref<128x64xf32, #tpu.memory_space<vmem>>, vector<1x16xf32>,
        %get3A_670 = vector.shape_cast %get3A_669 : vector<1x16xf32> to vector<16xf32>
        %add3A_671 = arith.addf %add3A_567, %add3A_666 : vector<16xf32>
        %add3A_672 = arith.addf %get3A_670, %add3A_671 : vector<16xf32>
        %swap3A_673 = arith.index_cast %add3A_183 : i32 to index
        %swap3A_674 = arith.constant 16 : index
        %swap3A_675 = tpu.vector_load %arg7[%swap3A_673, %swap3A_674] {strides = array<i32>} : memref<128x64xf32, #tpu.memory_space<vmem>>, vector<1x16xf32>,
        %swap3A_676 = vector.shape_cast %swap3A_675 : vector<1x16xf32> to vector<16xf32>
        %swap3A_677 = vector.shape_cast %add3A_672 : vector<16xf32> to vector<1x16xf32>
        tpu.vector_store %arg7[%swap3A_673, %swap3A_674], %swap3A_677 {strides = array<i32>} : memref<128x64xf32, #tpu.memory_space<vmem>>, vector<1x16xf32>,
        %get3A_678 = arith.constant 3 : i32
        %get3A_679 = arith.index_cast %get3A_678 : i32 to index
        %get3A_680 = arith.index_cast %add3A_215 : i32 to index
        %get3A_681 = arith.constant 32 : index
        %get3A_682 = tpu.vector_load %arg6[%get3A_679, %get3A_680, %get3A_681] {strides = array<i32>} : memref<4x200x64xf32, #tpu.memory_space<vmem>>, vector<1x1x16xf32>,
        %get3A_683 = vector.shape_cast %get3A_682 : vector<1x1x16xf32> to vector<16xf32>
        %add3A_684 = arith.constant 1 : i32
        %add3A_685 = arith.addi %add3A_215, %add3A_684 : i32
        %get3A_686 = arith.constant 3 : i32
        %get3A_687 = arith.index_cast %get3A_686 : i32 to index
        %get3A_688 = arith.index_cast %add3A_685 : i32 to index
        %get3A_689 = arith.constant 32 : index
        %get3A_690 = tpu.vector_load %arg6[%get3A_687, %get3A_688, %get3A_689] {strides = array<i32>} : memref<4x200x64xf32, #tpu.memory_space<vmem>>, vector<1x1x16xf32>,
        %get3A_691 = vector.shape_cast %get3A_690 : vector<1x1x16xf32> to vector<16xf32>
        %add3A_692 = arith.constant 2 : i32
        %add3A_693 = arith.addi %add3A_215, %add3A_692 : i32
        %get3A_694 = arith.constant 3 : i32
        %get3A_695 = arith.index_cast %get3A_694 : i32 to index
        %get3A_696 = arith.index_cast %add3A_693 : i32 to index
        %get3A_697 = arith.constant 32 : index
        %get3A_698 = tpu.vector_load %arg6[%get3A_695, %get3A_696, %get3A_697] {strides = array<i32>} : memref<4x200x64xf32, #tpu.memory_space<vmem>>, vector<1x1x16xf32>,
        %get3A_699 = vector.shape_cast %get3A_698 : vector<1x1x16xf32> to vector<16xf32>
        %add3A_700 = arith.addf %get3A_683, %get3A_699 : vector<16xf32>
        %add3A_701 = arith.constant 4 : i32
        %add3A_702 = arith.addi %add3A_215, %add3A_701 : i32
        %get3A_703 = arith.constant 3 : i32
        %get3A_704 = arith.index_cast %get3A_703 : i32 to index
        %get3A_705 = arith.index_cast %add3A_702 : i32 to index
        %get3A_706 = arith.constant 32 : index
        %get3A_707 = tpu.vector_load %arg6[%get3A_704, %get3A_705, %get3A_706] {strides = array<i32>} : memref<4x200x64xf32, #tpu.memory_space<vmem>>, vector<1x1x16xf32>,
        %get3A_708 = vector.shape_cast %get3A_707 : vector<1x1x16xf32> to vector<16xf32>
        %add3A_709 = arith.addf %add3A_700, %get3A_708 : vector<16xf32>
        %add3A_710 = arith.constant 6 : i32
        %add3A_711 = arith.addi %add3A_215, %add3A_710 : i32
        %get3A_712 = arith.constant 3 : i32
        %get3A_713 = arith.index_cast %get3A_712 : i32 to index
        %get3A_714 = arith.index_cast %add3A_711 : i32 to index
        %get3A_715 = arith.constant 32 : index
        %get3A_716 = tpu.vector_load %arg6[%get3A_713, %get3A_714, %get3A_715] {strides = array<i32>} : memref<4x200x64xf32, #tpu.memory_space<vmem>>, vector<1x1x16xf32>,
        %get3A_717 = vector.shape_cast %get3A_716 : vector<1x1x16xf32> to vector<16xf32>
        %add3A_718 = arith.addf %add3A_709, %get3A_717 : vector<16xf32>
        %add3A_719 = arith.constant 8 : i32
        %add3A_720 = arith.addi %add3A_215, %add3A_719 : i32
        %get3A_721 = arith.constant 3 : i32
        %get3A_722 = arith.index_cast %get3A_721 : i32 to index
        %get3A_723 = arith.index_cast %add3A_720 : i32 to index
        %get3A_724 = arith.constant 32 : index
        %get3A_725 = tpu.vector_load %arg6[%get3A_722, %get3A_723, %get3A_724] {strides = array<i32>} : memref<4x200x64xf32, #tpu.memory_space<vmem>>, vector<1x1x16xf32>,
        %get3A_726 = vector.shape_cast %get3A_725 : vector<1x1x16xf32> to vector<16xf32>
        %add3A_727 = arith.addf %add3A_718, %get3A_726 : vector<16xf32>
        %add3A_728 = arith.constant 10 : i32
        %add3A_729 = arith.addi %add3A_215, %add3A_728 : i32
        %get3A_730 = arith.constant 3 : i32
        %get3A_731 = arith.index_cast %get3A_730 : i32 to index
        %get3A_732 = arith.index_cast %add3A_729 : i32 to index
        %get3A_733 = arith.constant 32 : index
        %get3A_734 = tpu.vector_load %arg6[%get3A_731, %get3A_732, %get3A_733] {strides = array<i32>} : memref<4x200x64xf32, #tpu.memory_space<vmem>>, vector<1x1x16xf32>,
        %get3A_735 = vector.shape_cast %get3A_734 : vector<1x1x16xf32> to vector<16xf32>
        %add3A_736 = arith.addf %add3A_727, %get3A_735 : vector<16xf32>
        %add3A_737 = arith.constant 12 : i32
        %add3A_738 = arith.addi %add3A_215, %add3A_737 : i32
        %get3A_739 = arith.constant 3 : i32
        %get3A_740 = arith.index_cast %get3A_739 : i32 to index
        %get3A_741 = arith.index_cast %add3A_738 : i32 to index
        %get3A_742 = arith.constant 32 : index
        %get3A_743 = tpu.vector_load %arg6[%get3A_740, %get3A_741, %get3A_742] {strides = array<i32>} : memref<4x200x64xf32, #tpu.memory_space<vmem>>, vector<1x1x16xf32>,
        %get3A_744 = vector.shape_cast %get3A_743 : vector<1x1x16xf32> to vector<16xf32>
        %add3A_745 = arith.addf %add3A_736, %get3A_744 : vector<16xf32>
        %add3A_746 = arith.constant 14 : i32
        %add3A_747 = arith.addi %add3A_215, %add3A_746 : i32
        %get3A_748 = arith.constant 3 : i32
        %get3A_749 = arith.index_cast %get3A_748 : i32 to index
        %get3A_750 = arith.index_cast %add3A_747 : i32 to index
        %get3A_751 = arith.constant 32 : index
        %get3A_752 = tpu.vector_load %arg6[%get3A_749, %get3A_750, %get3A_751] {strides = array<i32>} : memref<4x200x64xf32, #tpu.memory_space<vmem>>, vector<1x1x16xf32>,
        %get3A_753 = vector.shape_cast %get3A_752 : vector<1x1x16xf32> to vector<16xf32>
        %add3A_754 = arith.addf %add3A_745, %get3A_753 : vector<16xf32>
        %add3A_755 = arith.constant 16 : i32
        %add3A_756 = arith.addi %add3A_215, %add3A_755 : i32
        %get3A_757 = arith.constant 3 : i32
        %get3A_758 = arith.index_cast %get3A_757 : i32 to index
        %get3A_759 = arith.index_cast %add3A_756 : i32 to index
        %get3A_760 = arith.constant 32 : index
        %get3A_761 = tpu.vector_load %arg6[%get3A_758, %get3A_759, %get3A_760] {strides = array<i32>} : memref<4x200x64xf32, #tpu.memory_space<vmem>>, vector<1x1x16xf32>,
        %get3A_762 = vector.shape_cast %get3A_761 : vector<1x1x16xf32> to vector<16xf32>
        %add3A_763 = arith.addf %add3A_754, %get3A_762 : vector<16xf32>
        %add3A_764 = arith.constant 18 : i32
        %add3A_765 = arith.addi %add3A_215, %add3A_764 : i32
        %get3A_766 = arith.constant 3 : i32
        %get3A_767 = arith.index_cast %get3A_766 : i32 to index
        %get3A_768 = arith.index_cast %add3A_765 : i32 to index
        %get3A_769 = arith.constant 32 : index
        %get3A_770 = tpu.vector_load %arg6[%get3A_767, %get3A_768, %get3A_769] {strides = array<i32>} : memref<4x200x64xf32, #tpu.memory_space<vmem>>, vector<1x1x16xf32>,
        %get3A_771 = vector.shape_cast %get3A_770 : vector<1x1x16xf32> to vector<16xf32>
        %add3A_772 = arith.addf %add3A_763, %get3A_771 : vector<16xf32>
        %add3A_773 = arith.constant 20 : i32
        %add3A_774 = arith.addi %add3A_215, %add3A_773 : i32
        %get3A_775 = arith.constant 3 : i32
        %get3A_776 = arith.index_cast %get3A_775 : i32 to index
        %get3A_777 = arith.index_cast %add3A_774 : i32 to index
        %get3A_778 = arith.constant 32 : index
        %get3A_779 = tpu.vector_load %arg6[%get3A_776, %get3A_777, %get3A_778] {strides = array<i32>} : memref<4x200x64xf32, #tpu.memory_space<vmem>>, vector<1x1x16xf32>,
        %get3A_780 = vector.shape_cast %get3A_779 : vector<1x1x16xf32> to vector<16xf32>
        %add3A_781 = arith.addf %add3A_772, %get3A_780 : vector<16xf32>
        %add3A_782 = arith.constant 22 : i32
        %add3A_783 = arith.addi %add3A_215, %add3A_782 : i32
        %get3A_784 = arith.constant 3 : i32
        %get3A_785 = arith.index_cast %get3A_784 : i32 to index
        %get3A_786 = arith.index_cast %add3A_783 : i32 to index
        %get3A_787 = arith.constant 32 : index
        %get3A_788 = tpu.vector_load %arg6[%get3A_785, %get3A_786, %get3A_787] {strides = array<i32>} : memref<4x200x64xf32, #tpu.memory_space<vmem>>, vector<1x1x16xf32>,
        %get3A_789 = vector.shape_cast %get3A_788 : vector<1x1x16xf32> to vector<16xf32>
        %add3A_790 = arith.addf %add3A_781, %get3A_789 : vector<16xf32>
        %add3A_791 = arith.constant 24 : i32
        %add3A_792 = arith.addi %add3A_215, %add3A_791 : i32
        %get3A_793 = arith.constant 3 : i32
        %get3A_794 = arith.index_cast %get3A_793 : i32 to index
        %get3A_795 = arith.index_cast %add3A_792 : i32 to index
        %get3A_796 = arith.constant 32 : index
        %get3A_797 = tpu.vector_load %arg6[%get3A_794, %get3A_795, %get3A_796] {strides = array<i32>} : memref<4x200x64xf32, #tpu.memory_space<vmem>>, vector<1x1x16xf32>,
        %get3A_798 = vector.shape_cast %get3A_797 : vector<1x1x16xf32> to vector<16xf32>
        %add3A_799 = arith.addf %add3A_790, %get3A_798 : vector<16xf32>
        %add3A_800 = arith.constant 3 : i32
        %add3A_801 = arith.addi %add3A_215, %add3A_800 : i32
        %get3A_802 = arith.constant 3 : i32
        %get3A_803 = arith.index_cast %get3A_802 : i32 to index
        %get3A_804 = arith.index_cast %add3A_801 : i32 to index
        %get3A_805 = arith.constant 32 : index
        %get3A_806 = tpu.vector_load %arg6[%get3A_803, %get3A_804, %get3A_805] {strides = array<i32>} : memref<4x200x64xf32, #tpu.memory_space<vmem>>, vector<1x1x16xf32>,
        %get3A_807 = vector.shape_cast %get3A_806 : vector<1x1x16xf32> to vector<16xf32>
        %add3A_808 = arith.addf %get3A_691, %get3A_807 : vector<16xf32>
        %add3A_809 = arith.constant 5 : i32
        %add3A_810 = arith.addi %add3A_215, %add3A_809 : i32
        %get3A_811 = arith.constant 3 : i32
        %get3A_812 = arith.index_cast %get3A_811 : i32 to index
        %get3A_813 = arith.index_cast %add3A_810 : i32 to index
        %get3A_814 = arith.constant 32 : index
        %get3A_815 = tpu.vector_load %arg6[%get3A_812, %get3A_813, %get3A_814] {strides = array<i32>} : memref<4x200x64xf32, #tpu.memory_space<vmem>>, vector<1x1x16xf32>,
        %get3A_816 = vector.shape_cast %get3A_815 : vector<1x1x16xf32> to vector<16xf32>
        %add3A_817 = arith.addf %add3A_808, %get3A_816 : vector<16xf32>
        %add3A_818 = arith.constant 7 : i32
        %add3A_819 = arith.addi %add3A_215, %add3A_818 : i32
        %get3A_820 = arith.constant 3 : i32
        %get3A_821 = arith.index_cast %get3A_820 : i32 to index
        %get3A_822 = arith.index_cast %add3A_819 : i32 to index
        %get3A_823 = arith.constant 32 : index
        %get3A_824 = tpu.vector_load %arg6[%get3A_821, %get3A_822, %get3A_823] {strides = array<i32>} : memref<4x200x64xf32, #tpu.memory_space<vmem>>, vector<1x1x16xf32>,
        %get3A_825 = vector.shape_cast %get3A_824 : vector<1x1x16xf32> to vector<16xf32>
        %add3A_826 = arith.addf %add3A_817, %get3A_825 : vector<16xf32>
        %add3A_827 = arith.constant 9 : i32
        %add3A_828 = arith.addi %add3A_215, %add3A_827 : i32
        %get3A_829 = arith.constant 3 : i32
        %get3A_830 = arith.index_cast %get3A_829 : i32 to index
        %get3A_831 = arith.index_cast %add3A_828 : i32 to index
        %get3A_832 = arith.constant 32 : index
        %get3A_833 = tpu.vector_load %arg6[%get3A_830, %get3A_831, %get3A_832] {strides = array<i32>} : memref<4x200x64xf32, #tpu.memory_space<vmem>>, vector<1x1x16xf32>,
        %get3A_834 = vector.shape_cast %get3A_833 : vector<1x1x16xf32> to vector<16xf32>
        %add3A_835 = arith.addf %add3A_826, %get3A_834 : vector<16xf32>
        %add3A_836 = arith.constant 11 : i32
        %add3A_837 = arith.addi %add3A_215, %add3A_836 : i32
        %get3A_838 = arith.constant 3 : i32
        %get3A_839 = arith.index_cast %get3A_838 : i32 to index
        %get3A_840 = arith.index_cast %add3A_837 : i32 to index
        %get3A_841 = arith.constant 32 : index
        %get3A_842 = tpu.vector_load %arg6[%get3A_839, %get3A_840, %get3A_841] {strides = array<i32>} : memref<4x200x64xf32, #tpu.memory_space<vmem>>, vector<1x1x16xf32>,
        %get3A_843 = vector.shape_cast %get3A_842 : vector<1x1x16xf32> to vector<16xf32>
        %add3A_844 = arith.addf %add3A_835, %get3A_843 : vector<16xf32>
        %add3A_845 = arith.constant 13 : i32
        %add3A_846 = arith.addi %add3A_215, %add3A_845 : i32
        %get3A_847 = arith.constant 3 : i32
        %get3A_848 = arith.index_cast %get3A_847 : i32 to index
        %get3A_849 = arith.index_cast %add3A_846 : i32 to index
        %get3A_850 = arith.constant 32 : index
        %get3A_851 = tpu.vector_load %arg6[%get3A_848, %get3A_849, %get3A_850] {strides = array<i32>} : memref<4x200x64xf32, #tpu.memory_space<vmem>>, vector<1x1x16xf32>,
        %get3A_852 = vector.shape_cast %get3A_851 : vector<1x1x16xf32> to vector<16xf32>
        %add3A_853 = arith.addf %add3A_844, %get3A_852 : vector<16xf32>
        %add3A_854 = arith.constant 15 : i32
        %add3A_855 = arith.addi %add3A_215, %add3A_854 : i32
        %get3A_856 = arith.constant 3 : i32
        %get3A_857 = arith.index_cast %get3A_856 : i32 to index
        %get3A_858 = arith.index_cast %add3A_855 : i32 to index
        %get3A_859 = arith.constant 32 : index
        %get3A_860 = tpu.vector_load %arg6[%get3A_857, %get3A_858, %get3A_859] {strides = array<i32>} : memref<4x200x64xf32, #tpu.memory_space<vmem>>, vector<1x1x16xf32>,
        %get3A_861 = vector.shape_cast %get3A_860 : vector<1x1x16xf32> to vector<16xf32>
        %add3A_862 = arith.addf %add3A_853, %get3A_861 : vector<16xf32>
        %add3A_863 = arith.constant 17 : i32
        %add3A_864 = arith.addi %add3A_215, %add3A_863 : i32
        %get3A_865 = arith.constant 3 : i32
        %get3A_866 = arith.index_cast %get3A_865 : i32 to index
        %get3A_867 = arith.index_cast %add3A_864 : i32 to index
        %get3A_868 = arith.constant 32 : index
        %get3A_869 = tpu.vector_load %arg6[%get3A_866, %get3A_867, %get3A_868] {strides = array<i32>} : memref<4x200x64xf32, #tpu.memory_space<vmem>>, vector<1x1x16xf32>,
        %get3A_870 = vector.shape_cast %get3A_869 : vector<1x1x16xf32> to vector<16xf32>
        %add3A_871 = arith.addf %add3A_862, %get3A_870 : vector<16xf32>
        %add3A_872 = arith.constant 19 : i32
        %add3A_873 = arith.addi %add3A_215, %add3A_872 : i32
        %get3A_874 = arith.constant 3 : i32
        %get3A_875 = arith.index_cast %get3A_874 : i32 to index
        %get3A_876 = arith.index_cast %add3A_873 : i32 to index
        %get3A_877 = arith.constant 32 : index
        %get3A_878 = tpu.vector_load %arg6[%get3A_875, %get3A_876, %get3A_877] {strides = array<i32>} : memref<4x200x64xf32, #tpu.memory_space<vmem>>, vector<1x1x16xf32>,
        %get3A_879 = vector.shape_cast %get3A_878 : vector<1x1x16xf32> to vector<16xf32>
        %add3A_880 = arith.addf %add3A_871, %get3A_879 : vector<16xf32>
        %add3A_881 = arith.constant 21 : i32
        %add3A_882 = arith.addi %add3A_215, %add3A_881 : i32
        %get3A_883 = arith.constant 3 : i32
        %get3A_884 = arith.index_cast %get3A_883 : i32 to index
        %get3A_885 = arith.index_cast %add3A_882 : i32 to index
        %get3A_886 = arith.constant 32 : index
        %get3A_887 = tpu.vector_load %arg6[%get3A_884, %get3A_885, %get3A_886] {strides = array<i32>} : memref<4x200x64xf32, #tpu.memory_space<vmem>>, vector<1x1x16xf32>,
        %get3A_888 = vector.shape_cast %get3A_887 : vector<1x1x16xf32> to vector<16xf32>
        %add3A_889 = arith.addf %add3A_880, %get3A_888 : vector<16xf32>
        %add3A_890 = arith.constant 23 : i32
        %add3A_891 = arith.addi %add3A_215, %add3A_890 : i32
        %get3A_892 = arith.constant 3 : i32
        %get3A_893 = arith.index_cast %get3A_892 : i32 to index
        %get3A_894 = arith.index_cast %add3A_891 : i32 to index
        %get3A_895 = arith.constant 32 : index
        %get3A_896 = tpu.vector_load %arg6[%get3A_893, %get3A_894, %get3A_895] {strides = array<i32>} : memref<4x200x64xf32, #tpu.memory_space<vmem>>, vector<1x1x16xf32>,
        %get3A_897 = vector.shape_cast %get3A_896 : vector<1x1x16xf32> to vector<16xf32>
        %add3A_898 = arith.addf %add3A_889, %get3A_897 : vector<16xf32>
        %get3A_899 = arith.index_cast %add3A_183 : i32 to index
        %get3A_900 = arith.constant 32 : index
        %get3A_901 = tpu.vector_load %arg7[%get3A_899, %get3A_900] {strides = array<i32>} : memref<128x64xf32, #tpu.memory_space<vmem>>, vector<1x16xf32>,
        %get3A_902 = vector.shape_cast %get3A_901 : vector<1x16xf32> to vector<16xf32>
        %add3A_903 = arith.addf %add3A_799, %add3A_898 : vector<16xf32>
        %add3A_904 = arith.addf %get3A_902, %add3A_903 : vector<16xf32>
        %swap3A_905 = arith.index_cast %add3A_183 : i32 to index
        %swap3A_906 = arith.constant 32 : index
        %swap3A_907 = tpu.vector_load %arg7[%swap3A_905, %swap3A_906] {strides = array<i32>} : memref<128x64xf32, #tpu.memory_space<vmem>>, vector<1x16xf32>,
        %swap3A_908 = vector.shape_cast %swap3A_907 : vector<1x16xf32> to vector<16xf32>
        %swap3A_909 = vector.shape_cast %add3A_904 : vector<16xf32> to vector<1x16xf32>
        tpu.vector_store %arg7[%swap3A_905, %swap3A_906], %swap3A_909 {strides = array<i32>} : memref<128x64xf32, #tpu.memory_space<vmem>>, vector<1x16xf32>,
        %get3A_910 = arith.constant 3 : i32
        %get3A_911 = arith.index_cast %get3A_910 : i32 to index
        %get3A_912 = arith.index_cast %add3A_215 : i32 to index
        %get3A_913 = arith.constant 48 : index
        %get3A_914 = tpu.vector_load %arg6[%get3A_911, %get3A_912, %get3A_913] {strides = array<i32>} : memref<4x200x64xf32, #tpu.memory_space<vmem>>, vector<1x1x16xf32>,
        %get3A_915 = vector.shape_cast %get3A_914 : vector<1x1x16xf32> to vector<16xf32>
        %add3A_916 = arith.constant 1 : i32
        %add3A_917 = arith.addi %add3A_215, %add3A_916 : i32
        %get3A_918 = arith.constant 3 : i32
        %get3A_919 = arith.index_cast %get3A_918 : i32 to index
        %get3A_920 = arith.index_cast %add3A_917 : i32 to index
        %get3A_921 = arith.constant 48 : index
        %get3A_922 = tpu.vector_load %arg6[%get3A_919, %get3A_920, %get3A_921] {strides = array<i32>} : memref<4x200x64xf32, #tpu.memory_space<vmem>>, vector<1x1x16xf32>,
        %get3A_923 = vector.shape_cast %get3A_922 : vector<1x1x16xf32> to vector<16xf32>
        %add3A_924 = arith.constant 2 : i32
        %add3A_925 = arith.addi %add3A_215, %add3A_924 : i32
        %get3A_926 = arith.constant 3 : i32
        %get3A_927 = arith.index_cast %get3A_926 : i32 to index
        %get3A_928 = arith.index_cast %add3A_925 : i32 to index
        %get3A_929 = arith.constant 48 : index
        %get3A_930 = tpu.vector_load %arg6[%get3A_927, %get3A_928, %get3A_929] {strides = array<i32>} : memref<4x200x64xf32, #tpu.memory_space<vmem>>, vector<1x1x16xf32>,
        %get3A_931 = vector.shape_cast %get3A_930 : vector<1x1x16xf32> to vector<16xf32>
        %add3A_932 = arith.addf %get3A_915, %get3A_931 : vector<16xf32>
        %add3A_933 = arith.constant 4 : i32
        %add3A_934 = arith.addi %add3A_215, %add3A_933 : i32
        %get3A_935 = arith.constant 3 : i32
        %get3A_936 = arith.index_cast %get3A_935 : i32 to index
        %get3A_937 = arith.index_cast %add3A_934 : i32 to index
        %get3A_938 = arith.constant 48 : index
        %get3A_939 = tpu.vector_load %arg6[%get3A_936, %get3A_937, %get3A_938] {strides = array<i32>} : memref<4x200x64xf32, #tpu.memory_space<vmem>>, vector<1x1x16xf32>,
        %get3A_940 = vector.shape_cast %get3A_939 : vector<1x1x16xf32> to vector<16xf32>
        %add3A_941 = arith.addf %add3A_932, %get3A_940 : vector<16xf32>
        %add3A_942 = arith.constant 6 : i32
        %add3A_943 = arith.addi %add3A_215, %add3A_942 : i32
        %get3A_944 = arith.constant 3 : i32
        %get3A_945 = arith.index_cast %get3A_944 : i32 to index
        %get3A_946 = arith.index_cast %add3A_943 : i32 to index
        %get3A_947 = arith.constant 48 : index
        %get3A_948 = tpu.vector_load %arg6[%get3A_945, %get3A_946, %get3A_947] {strides = array<i32>} : memref<4x200x64xf32, #tpu.memory_space<vmem>>, vector<1x1x16xf32>,
        %get3A_949 = vector.shape_cast %get3A_948 : vector<1x1x16xf32> to vector<16xf32>
        %add3A_950 = arith.addf %add3A_941, %get3A_949 : vector<16xf32>
        %add3A_951 = arith.constant 8 : i32
        %add3A_952 = arith.addi %add3A_215, %add3A_951 : i32
        %get3A_953 = arith.constant 3 : i32
        %get3A_954 = arith.index_cast %get3A_953 : i32 to index
        %get3A_955 = arith.index_cast %add3A_952 : i32 to index
        %get3A_956 = arith.constant 48 : index
        %get3A_957 = tpu.vector_load %arg6[%get3A_954, %get3A_955, %get3A_956] {strides = array<i32>} : memref<4x200x64xf32, #tpu.memory_space<vmem>>, vector<1x1x16xf32>,
        %get3A_958 = vector.shape_cast %get3A_957 : vector<1x1x16xf32> to vector<16xf32>
        %add3A_959 = arith.addf %add3A_950, %get3A_958 : vector<16xf32>
        %add3A_960 = arith.constant 10 : i32
        %add3A_961 = arith.addi %add3A_215, %add3A_960 : i32
        %get3A_962 = arith.constant 3 : i32
        %get3A_963 = arith.index_cast %get3A_962 : i32 to index
        %get3A_964 = arith.index_cast %add3A_961 : i32 to index
        %get3A_965 = arith.constant 48 : index
        %get3A_966 = tpu.vector_load %arg6[%get3A_963, %get3A_964, %get3A_965] {strides = array<i32>} : memref<4x200x64xf32, #tpu.memory_space<vmem>>, vector<1x1x16xf32>,
        %get3A_967 = vector.shape_cast %get3A_966 : vector<1x1x16xf32> to vector<16xf32>
        %add3A_968 = arith.addf %add3A_959, %get3A_967 : vector<16xf32>
        %add3A_969 = arith.constant 12 : i32
        %add3A_970 = arith.addi %add3A_215, %add3A_969 : i32
        %get3A_971 = arith.constant 3 : i32
        %get3A_972 = arith.index_cast %get3A_971 : i32 to index
        %get3A_973 = arith.index_cast %add3A_970 : i32 to index
        %get3A_974 = arith.constant 48 : index
        %get3A_975 = tpu.vector_load %arg6[%get3A_972, %get3A_973, %get3A_974] {strides = array<i32>} : memref<4x200x64xf32, #tpu.memory_space<vmem>>, vector<1x1x16xf32>,
        %get3A_976 = vector.shape_cast %get3A_975 : vector<1x1x16xf32> to vector<16xf32>
        %add3A_977 = arith.addf %add3A_968, %get3A_976 : vector<16xf32>
        %add3A_978 = arith.constant 14 : i32
        %add3A_979 = arith.addi %add3A_215, %add3A_978 : i32
        %get3A_980 = arith.constant 3 : i32
        %get3A_981 = arith.index_cast %get3A_980 : i32 to index
        %get3A_982 = arith.index_cast %add3A_979 : i32 to index
        %get3A_983 = arith.constant 48 : index
        %get3A_984 = tpu.vector_load %arg6[%get3A_981, %get3A_982, %get3A_983] {strides = array<i32>} : memref<4x200x64xf32, #tpu.memory_space<vmem>>, vector<1x1x16xf32>,
        %get3A_985 = vector.shape_cast %get3A_984 : vector<1x1x16xf32> to vector<16xf32>
        %add3A_986 = arith.addf %add3A_977, %get3A_985 : vector<16xf32>
        %add3A_987 = arith.constant 16 : i32
        %add3A_988 = arith.addi %add3A_215, %add3A_987 : i32
        %get3A_989 = arith.constant 3 : i32
        %get3A_990 = arith.index_cast %get3A_989 : i32 to index
        %get3A_991 = arith.index_cast %add3A_988 : i32 to index
        %get3A_992 = arith.constant 48 : index
        %get3A_993 = tpu.vector_load %arg6[%get3A_990, %get3A_991, %get3A_992] {strides = array<i32>} : memref<4x200x64xf32, #tpu.memory_space<vmem>>, vector<1x1x16xf32>,
        %get3A_994 = vector.shape_cast %get3A_993 : vector<1x1x16xf32> to vector<16xf32>
        %add3A_995 = arith.addf %add3A_986, %get3A_994 : vector<16xf32>
        %add3A_996 = arith.constant 18 : i32
        %add3A_997 = arith.addi %add3A_215, %add3A_996 : i32
        %get3A_998 = arith.constant 3 : i32
        %get3A_999 = arith.index_cast %get3A_998 : i32 to index
        %get3A_1000 = arith.index_cast %add3A_997 : i32 to index
        %get3A_1001 = arith.constant 48 : index
        %get3A_1002 = tpu.vector_load %arg6[%get3A_999, %get3A_1000, %get3A_1001] {strides = array<i32>} : memref<4x200x64xf32, #tpu.memory_space<vmem>>, vector<1x1x16xf32>,
        %get3A_1003 = vector.shape_cast %get3A_1002 : vector<1x1x16xf32> to vector<16xf32>
        %add3A_1004 = arith.addf %add3A_995, %get3A_1003 : vector<16xf32>
        %add3A_1005 = arith.constant 20 : i32
        %add3A_1006 = arith.addi %add3A_215, %add3A_1005 : i32
        %get3A_1007 = arith.constant 3 : i32
        %get3A_1008 = arith.index_cast %get3A_1007 : i32 to index
        %get3A_1009 = arith.index_cast %add3A_1006 : i32 to index
        %get3A_1010 = arith.constant 48 : index
        %get3A_1011 = tpu.vector_load %arg6[%get3A_1008, %get3A_1009, %get3A_1010] {strides = array<i32>} : memref<4x200x64xf32, #tpu.memory_space<vmem>>, vector<1x1x16xf32>,
        %get3A_1012 = vector.shape_cast %get3A_1011 : vector<1x1x16xf32> to vector<16xf32>
        %add3A_1013 = arith.addf %add3A_1004, %get3A_1012 : vector<16xf32>
        %add3A_1014 = arith.constant 22 : i32
        %add3A_1015 = arith.addi %add3A_215, %add3A_1014 : i32
        %get3A_1016 = arith.constant 3 : i32
        %get3A_1017 = arith.index_cast %get3A_1016 : i32 to index
        %get3A_1018 = arith.index_cast %add3A_1015 : i32 to index
        %get3A_1019 = arith.constant 48 : index
        %get3A_1020 = tpu.vector_load %arg6[%get3A_1017, %get3A_1018, %get3A_1019] {strides = array<i32>} : memref<4x200x64xf32, #tpu.memory_space<vmem>>, vector<1x1x16xf32>,
        %get3A_1021 = vector.shape_cast %get3A_1020 : vector<1x1x16xf32> to vector<16xf32>
        %add3A_1022 = arith.addf %add3A_1013, %get3A_1021 : vector<16xf32>
        %add3A_1023 = arith.constant 24 : i32
        %add3A_1024 = arith.addi %add3A_215, %add3A_1023 : i32
        %get3A_1025 = arith.constant 3 : i32
        %get3A_1026 = arith.index_cast %get3A_1025 : i32 to index
        %get3A_1027 = arith.index_cast %add3A_1024 : i32 to index
        %get3A_1028 = arith.constant 48 : index
        %get3A_1029 = tpu.vector_load %arg6[%get3A_1026, %get3A_1027, %get3A_1028] {strides = array<i32>} : memref<4x200x64xf32, #tpu.memory_space<vmem>>, vector<1x1x16xf32>,
        %get3A_1030 = vector.shape_cast %get3A_1029 : vector<1x1x16xf32> to vector<16xf32>
        %add3A_1031 = arith.addf %add3A_1022, %get3A_1030 : vector<16xf32>
        %add3A_1032 = arith.constant 3 : i32
        %add3A_1033 = arith.addi %add3A_215, %add3A_1032 : i32
        %get3A_1034 = arith.constant 3 : i32
        %get3A_1035 = arith.index_cast %get3A_1034 : i32 to index
        %get3A_1036 = arith.index_cast %add3A_1033 : i32 to index
        %get3A_1037 = arith.constant 48 : index
        %get3A_1038 = tpu.vector_load %arg6[%get3A_1035, %get3A_1036, %get3A_1037] {strides = array<i32>} : memref<4x200x64xf32, #tpu.memory_space<vmem>>, vector<1x1x16xf32>,
        %get3A_1039 = vector.shape_cast %get3A_1038 : vector<1x1x16xf32> to vector<16xf32>
        %add3A_1040 = arith.addf %get3A_923, %get3A_1039 : vector<16xf32>
        %add3A_1041 = arith.constant 5 : i32
        %add3A_1042 = arith.addi %add3A_215, %add3A_1041 : i32
        %get3A_1043 = arith.constant 3 : i32
        %get3A_1044 = arith.index_cast %get3A_1043 : i32 to index
        %get3A_1045 = arith.index_cast %add3A_1042 : i32 to index
        %get3A_1046 = arith.constant 48 : index
        %get3A_1047 = tpu.vector_load %arg6[%get3A_1044, %get3A_1045, %get3A_1046] {strides = array<i32>} : memref<4x200x64xf32, #tpu.memory_space<vmem>>, vector<1x1x16xf32>,
        %get3A_1048 = vector.shape_cast %get3A_1047 : vector<1x1x16xf32> to vector<16xf32>
        %add3A_1049 = arith.addf %add3A_1040, %get3A_1048 : vector<16xf32>
        %add3A_1050 = arith.constant 7 : i32
        %add3A_1051 = arith.addi %add3A_215, %add3A_1050 : i32
        %get3A_1052 = arith.constant 3 : i32
        %get3A_1053 = arith.index_cast %get3A_1052 : i32 to index
        %get3A_1054 = arith.index_cast %add3A_1051 : i32 to index
        %get3A_1055 = arith.constant 48 : index
        %get3A_1056 = tpu.vector_load %arg6[%get3A_1053, %get3A_1054, %get3A_1055] {strides = array<i32>} : memref<4x200x64xf32, #tpu.memory_space<vmem>>, vector<1x1x16xf32>,
        %get3A_1057 = vector.shape_cast %get3A_1056 : vector<1x1x16xf32> to vector<16xf32>
        %add3A_1058 = arith.addf %add3A_1049, %get3A_1057 : vector<16xf32>
        %add3A_1059 = arith.constant 9 : i32
        %add3A_1060 = arith.addi %add3A_215, %add3A_1059 : i32
        %get3A_1061 = arith.constant 3 : i32
        %get3A_1062 = arith.index_cast %get3A_1061 : i32 to index
        %get3A_1063 = arith.index_cast %add3A_1060 : i32 to index
        %get3A_1064 = arith.constant 48 : index
        %get3A_1065 = tpu.vector_load %arg6[%get3A_1062, %get3A_1063, %get3A_1064] {strides = array<i32>} : memref<4x200x64xf32, #tpu.memory_space<vmem>>, vector<1x1x16xf32>,
        %get3A_1066 = vector.shape_cast %get3A_1065 : vector<1x1x16xf32> to vector<16xf32>
        %add3A_1067 = arith.addf %add3A_1058, %get3A_1066 : vector<16xf32>
        %add3A_1068 = arith.constant 11 : i32
        %add3A_1069 = arith.addi %add3A_215, %add3A_1068 : i32
        %get3A_1070 = arith.constant 3 : i32
        %get3A_1071 = arith.index_cast %get3A_1070 : i32 to index
        %get3A_1072 = arith.index_cast %add3A_1069 : i32 to index
        %get3A_1073 = arith.constant 48 : index
        %get3A_1074 = tpu.vector_load %arg6[%get3A_1071, %get3A_1072, %get3A_1073] {strides = array<i32>} : memref<4x200x64xf32, #tpu.memory_space<vmem>>, vector<1x1x16xf32>,
        %get3A_1075 = vector.shape_cast %get3A_1074 : vector<1x1x16xf32> to vector<16xf32>
        %add3A_1076 = arith.addf %add3A_1067, %get3A_1075 : vector<16xf32>
        %add3A_1077 = arith.constant 13 : i32
        %add3A_1078 = arith.addi %add3A_215, %add3A_1077 : i32
        %get3A_1079 = arith.constant 3 : i32
        %get3A_1080 = arith.index_cast %get3A_1079 : i32 to index
        %get3A_1081 = arith.index_cast %add3A_1078 : i32 to index
        %get3A_1082 = arith.constant 48 : index
        %get3A_1083 = tpu.vector_load %arg6[%get3A_1080, %get3A_1081, %get3A_1082] {strides = array<i32>} : memref<4x200x64xf32, #tpu.memory_space<vmem>>, vector<1x1x16xf32>,
        %get3A_1084 = vector.shape_cast %get3A_1083 : vector<1x1x16xf32> to vector<16xf32>
        %add3A_1085 = arith.addf %add3A_1076, %get3A_1084 : vector<16xf32>
        %add3A_1086 = arith.constant 15 : i32
        %add3A_1087 = arith.addi %add3A_215, %add3A_1086 : i32
        %get3A_1088 = arith.constant 3 : i32
        %get3A_1089 = arith.index_cast %get3A_1088 : i32 to index
        %get3A_1090 = arith.index_cast %add3A_1087 : i32 to index
        %get3A_1091 = arith.constant 48 : index
        %get3A_1092 = tpu.vector_load %arg6[%get3A_1089, %get3A_1090, %get3A_1091] {strides = array<i32>} : memref<4x200x64xf32, #tpu.memory_space<vmem>>, vector<1x1x16xf32>,
        %get3A_1093 = vector.shape_cast %get3A_1092 : vector<1x1x16xf32> to vector<16xf32>
        %add3A_1094 = arith.addf %add3A_1085, %get3A_1093 : vector<16xf32>
        %add3A_1095 = arith.constant 17 : i32
        %add3A_1096 = arith.addi %add3A_215, %add3A_1095 : i32
        %get3A_1097 = arith.constant 3 : i32
        %get3A_1098 = arith.index_cast %get3A_1097 : i32 to index
        %get3A_1099 = arith.index_cast %add3A_1096 : i32 to index
        %get3A_1100 = arith.constant 48 : index
        %get3A_1101 = tpu.vector_load %arg6[%get3A_1098, %get3A_1099, %get3A_1100] {strides = array<i32>} : memref<4x200x64xf32, #tpu.memory_space<vmem>>, vector<1x1x16xf32>,
        %get3A_1102 = vector.shape_cast %get3A_1101 : vector<1x1x16xf32> to vector<16xf32>
        %add3A_1103 = arith.addf %add3A_1094, %get3A_1102 : vector<16xf32>
        %add3A_1104 = arith.constant 19 : i32
        %add3A_1105 = arith.addi %add3A_215, %add3A_1104 : i32
        %get3A_1106 = arith.constant 3 : i32
        %get3A_1107 = arith.index_cast %get3A_1106 : i32 to index
        %get3A_1108 = arith.index_cast %add3A_1105 : i32 to index
        %get3A_1109 = arith.constant 48 : index
        %get3A_1110 = tpu.vector_load %arg6[%get3A_1107, %get3A_1108, %get3A_1109] {strides = array<i32>} : memref<4x200x64xf32, #tpu.memory_space<vmem>>, vector<1x1x16xf32>,
        %get3A_1111 = vector.shape_cast %get3A_1110 : vector<1x1x16xf32> to vector<16xf32>
        %add3A_1112 = arith.addf %add3A_1103, %get3A_1111 : vector<16xf32>
        %add3A_1113 = arith.constant 21 : i32
        %add3A_1114 = arith.addi %add3A_215, %add3A_1113 : i32
        %get3A_1115 = arith.constant 3 : i32
        %get3A_1116 = arith.index_cast %get3A_1115 : i32 to index
        %get3A_1117 = arith.index_cast %add3A_1114 : i32 to index
        %get3A_1118 = arith.constant 48 : index
        %get3A_1119 = tpu.vector_load %arg6[%get3A_1116, %get3A_1117, %get3A_1118] {strides = array<i32>} : memref<4x200x64xf32, #tpu.memory_space<vmem>>, vector<1x1x16xf32>,
        %get3A_1120 = vector.shape_cast %get3A_1119 : vector<1x1x16xf32> to vector<16xf32>
        %add3A_1121 = arith.addf %add3A_1112, %get3A_1120 : vector<16xf32>
        %add3A_1122 = arith.constant 23 : i32
        %add3A_1123 = arith.addi %add3A_215, %add3A_1122 : i32
        %get3A_1124 = arith.constant 3 : i32
        %get3A_1125 = arith.index_cast %get3A_1124 : i32 to index
        %get3A_1126 = arith.index_cast %add3A_1123 : i32 to index
        %get3A_1127 = arith.constant 48 : index
        %get3A_1128 = tpu.vector_load %arg6[%get3A_1125, %get3A_1126, %get3A_1127] {strides = array<i32>} : memref<4x200x64xf32, #tpu.memory_space<vmem>>, vector<1x1x16xf32>,
        %get3A_1129 = vector.shape_cast %get3A_1128 : vector<1x1x16xf32> to vector<16xf32>
        %add3A_1130 = arith.addf %add3A_1121, %get3A_1129 : vector<16xf32>
        %get3A_1131 = arith.index_cast %add3A_183 : i32 to index
        %get3A_1132 = arith.constant 48 : index
        %get3A_1133 = tpu.vector_load %arg7[%get3A_1131, %get3A_1132] {strides = array<i32>} : memref<128x64xf32, #tpu.memory_space<vmem>>, vector<1x16xf32>,
        %get3A_1134 = vector.shape_cast %get3A_1133 : vector<1x16xf32> to vector<16xf32>
        %add3A_1135 = arith.addf %add3A_1031, %add3A_1130 : vector<16xf32>
        %add3A_1136 = arith.addf %get3A_1134, %add3A_1135 : vector<16xf32>
        %swap3A_1137 = arith.index_cast %add3A_183 : i32 to index
        %swap3A_1138 = arith.constant 48 : index
        %swap3A_1139 = tpu.vector_load %arg7[%swap3A_1137, %swap3A_1138] {strides = array<i32>} : memref<128x64xf32, #tpu.memory_space<vmem>>, vector<1x16xf32>,
        %swap3A_1140 = vector.shape_cast %swap3A_1139 : vector<1x16xf32> to vector<16xf32>
        %swap3A_1141 = vector.shape_cast %add3A_1136 : vector<16xf32> to vector<1x16xf32>
        tpu.vector_store %arg7[%swap3A_1137, %swap3A_1138], %swap3A_1141 {strides = array<i32>} : memref<128x64xf32, #tpu.memory_space<vmem>>, vector<1x16xf32>,
      }
      %scan3A_203 = arith.constant 8 : i32
      %add3A_204 = arith.constant 4 : i32
      %add3A_205 = arith.addi %add3A_183, %add3A_204 : i32
      %lt3A_206 = arith.constant 128 : i32
      %lt3A_207 = arith.cmpi slt, %add3A_205, %lt3A_206 : i32
      %convert_element_type3A_208 = arith.extui %lt3A_207 : i1 to i32
      %cond3A_209 = arith.constant 0 : i32
      %cond3A_210 = arith.cmpi ne, %convert_element_type3A_208, %cond3A_209 : i32
      scf.if %cond3A_210 {
        %mul3A_211 = arith.constant 200 : i32
        %mul3A_212 = arith.muli %add3A_205, %mul3A_211 : i32
        %dma_start3A_213 = arith.constant 3 : i32
        %dma_start3A_214 = arith.constant 0 : i32
        %dma_start3A_215 = arith.constant 0 : i32
        %dma_start3A_216 = tpu.memref_slice %arg6[%dma_start3A_213, %dma_start3A_214, %dma_start3A_215] : memref<4x200x64xf32, #tpu.memory_space<vmem>> -> memref<1x120x64xf32, #tpu.memory_space<vmem>>
        %dma_start3A_217 = tpu.memref_squeeze %dma_start3A_216 : memref<1x120x64xf32, #tpu.memory_space<vmem>> -> memref<120x64xf32, #tpu.memory_space<vmem>>
        %dma_start3A_218 = tpu.memref_slice %arg5[%mul3A_212] : memref<25600xi32, #tpu.memory_space<vmem>> -> memref<120xi32, #tpu.memory_space<vmem>>
        %dma_start3A_219 = arith.constant 0 : i32
        %dma_start3A_220 = arith.constant 0 : i32
        %dma_start3A_221 = tpu.memref_slice %arg2[%dma_start3A_219, %dma_start3A_220] : memref<1015808x64xf32, #tpu.memory_space<hbm>> -> memref<1015808x64xf32, #tpu.memory_space<hbm>>
        tpu.enqueue_indirect_dma source(%dma_start3A_221 : memref<1015808x64xf32, #tpu.memory_space<hbm>>) target(%dma_start3A_217 : memref<120x64xf32, #tpu.memory_space<vmem>>) offsets(%dma_start3A_218 : memref<120xi32, #tpu.memory_space<vmem>>) semaphore(%arg11 : memref<!tpu.dma_semaphore, #tpu.memory_space<semaphore_mem>>)
        %add3A_222 = arith.constant 120 : i32
        %add3A_223 = arith.addi %mul3A_212, %add3A_222 : i32
        %dma_start3A_224 = arith.constant 3 : i32
        %dma_start3A_225 = arith.constant 120 : i32
        %dma_start3A_226 = arith.constant 0 : i32
        %dma_start3A_227 = tpu.memref_slice %arg6[%dma_start3A_224, %dma_start3A_225, %dma_start3A_226] : memref<4x200x64xf32, #tpu.memory_space<vmem>> -> memref<1x80x64xf32, #tpu.memory_space<vmem>>
        %dma_start3A_228 = tpu.memref_squeeze %dma_start3A_227 : memref<1x80x64xf32, #tpu.memory_space<vmem>> -> memref<80x64xf32, #tpu.memory_space<vmem>>
        %dma_start3A_229 = tpu.memref_slice %arg5[%add3A_223] : memref<25600xi32, #tpu.memory_space<vmem>> -> memref<80xi32, #tpu.memory_space<vmem>>
        %dma_start3A_230 = arith.constant 0 : i32
        %dma_start3A_231 = arith.constant 0 : i32
        %dma_start3A_232 = tpu.memref_slice %arg2[%dma_start3A_230, %dma_start3A_231] : memref<1015808x64xf32, #tpu.memory_space<hbm>> -> memref<1015808x64xf32, #tpu.memory_space<hbm>>
        tpu.enqueue_indirect_dma source(%dma_start3A_232 : memref<1015808x64xf32, #tpu.memory_space<hbm>>) target(%dma_start3A_228 : memref<80x64xf32, #tpu.memory_space<vmem>>) offsets(%dma_start3A_229 : memref<80xi32, #tpu.memory_space<vmem>>) semaphore(%arg11 : memref<!tpu.dma_semaphore, #tpu.memory_space<semaphore_mem>>)
      } else {
      }
    }
    %scan3A_93 = arith.constant 32 : i32
    "tpu.region"() ({
      %run_scoped3A = tpu.sem_alloc : memref<!tpu.dma_semaphore, #tpu.memory_space<semaphore_mem>>
      %dma_start3A_94 = arith.constant 0 : i32
      %dma_start3A_95 = tpu.memref_slice %arg4[%mul3A_2, %dma_start3A_94] : memref<4096x64xf32, #tpu.memory_space<hbm>> -> memref<128x64xf32, #tpu.memory_space<hbm>>
      %dma_start3A_96 = arith.constant 0 : i32
      %dma_start3A_97 = tpu.memref_slice %arg4[%mul3A_2, %dma_start3A_96] : memref<4096x64xf32, #tpu.memory_space<hbm>> -> memref<128x64xf32, #tpu.memory_space<hbm>>
      tpu.enqueue_dma source(%arg7 : memref<128x64xf32, #tpu.memory_space<vmem>>) target(%dma_start3A_97 : memref<128x64xf32, #tpu.memory_space<hbm>>) target_semaphore(%run_scoped3A : memref<!tpu.dma_semaphore, #tpu.memory_space<semaphore_mem>>)
      %dma_wait3A = arith.constant 0 : i32
      %dma_wait3A_98 = tpu.memref_slice %arg4[%mul3A_2, %dma_wait3A] : memref<4096x64xf32, #tpu.memory_space<hbm>> -> memref<128x64xf32, #tpu.memory_space<hbm>>
      %dma_wait3A_99 = arith.constant 0 : i32
      %dma_wait3A_100 = tpu.memref_slice %arg4[%mul3A_2, %dma_wait3A_99] : memref<4096x64xf32, #tpu.memory_space<hbm>> -> memref<128x64xf32, #tpu.memory_space<hbm>>
      tpu.wait_dma2 semaphore(%run_scoped3A : memref<!tpu.dma_semaphore, #tpu.memory_space<semaphore_mem>>) src(%arg7 : memref<128x64xf32, #tpu.memory_space<vmem>>) dst(%dma_wait3A_100 : memref<128x64xf32, #tpu.memory_space<hbm>>)
      tpu.yield
    }) : () -> ()
    return
  }
}

module attributes {stable_mosaic.version = 14 : i64} {
  func.func @body(%arg0: i32, %arg1: memref<64x32768xf32, #tpu.memory_space<vmem>>, %arg2: memref<16384x128xf32, #tpu.memory_space<vmem>>) attributes {dimension_semantics = [#tpu.dimension_semantics<arbitrary>], iteration_bounds = array<i64: 31>, scalar_prefetch = 0 : i64, scratch_operands = 0 : i64, tpu.core_type = #tpu.core_type<tc>, window_params = [{transform_indices = @transform_0, window_bounds = array<i64: 64, 32768>}, {transform_indices = @transform_1, window_bounds = array<i64: 16384, 128>}]} {
    %get3A = arith.constant 0 : index
    %get3A_0 = arith.constant 0 : index
    %get3A_1 = vector.load %arg1[%get3A, %get3A_0] : memref<64x32768xf32, #tpu.memory_space<vmem>>, vector<64x32768xf32>
    %slice3A = vector.extract_strided_slice %get3A_1 {offsets = [0, 0], sizes = [64, 16384], strides = [1, 1]} : vector<64x32768xf32> to vector<64x16384xf32>
    %slice3A_2 = vector.extract_strided_slice %get3A_1 {offsets = [0, 16384], sizes = [64, 16384], strides = [1, 1]} : vector<64x32768xf32> to vector<64x16384xf32>
    %concatenate3A = tpu.concatenate %slice3A, %slice3A_2 in 0 : vector<64x16384xf32>, vector<64x16384xf32> -> vector<128x16384xf32>
    %transpose3A = tpu.transpose %concatenate3A, [1, 0] : vector<128x16384xf32> -> vector<16384x128xf32>
    %swap3A = arith.constant 0 : index
    %swap3A_3 = arith.constant 0 : index
    %swap3A_4 = vector.load %arg2[%swap3A, %swap3A_3] : memref<16384x128xf32, #tpu.memory_space<vmem>>, vector<16384x128xf32>
    tpu.vector_store %arg2[%swap3A, %swap3A_3], %transpose3A {strides = array<i32>} : memref<16384x128xf32, #tpu.memory_space<vmem>>, vector<16384x128xf32>,
    return
  }
  func.func @transform_0(%arg0: i32) -> (i32, i32) {
    %c0_i32 = arith.constant 0 : i32
    %c0_i32_0 = arith.constant 0 : i32
    return %c0_i32, %arg0 : i32, i32
  }
  func.func @transform_1(%arg0: i32) -> (i32, i32) {
    %c0_i32 = arith.constant 0 : i32
    %c0_i32_0 = arith.constant 0 : i32
    return %arg0, %c0_i32 : i32, i32
  }
}

module attributes {stable_mosaic.version = 14 : i64} {
  func.func @body(%arg0: memref<4096x200xi32, #tpu.memory_space<vmem>>, %arg1: memref<4096x64xf32, #tpu.memory_space<vmem>>, %arg2: memref<1x64xf32, #tpu.memory_space<vmem>>, %arg3: memref<64x256xf32, #tpu.memory_space<vmem>>, %arg4: memref<1x256xf32, #tpu.memory_space<vmem>>, %arg5: memref<256x50xf32, #tpu.memory_space<vmem>>, %arg6: memref<1x50xf32, #tpu.memory_space<vmem>>, %arg7: memref<4096x50xf32, #tpu.memory_space<vmem>>) attributes {dimension_semantics = [], scalar_prefetch = 0 : i64, scratch_operands = 0 : i64, tpu.core_type = #tpu.core_type<tc>} {
    %get3A = arith.constant 0 : index
    %get3A_0 = arith.constant 0 : index
    %get3A_1 = vector.load %arg0[%get3A, %get3A_0] : memref<4096x200xi32, #tpu.memory_space<vmem>>, vector<4096x200xi32>
    %ne3A = arith.constant 0 : i32
    %ne3A_2 = vector.broadcast %ne3A : i32 to vector<4096x200xi32>
    %ne3A_3 = arith.cmpi ne, %get3A_1, %ne3A_2 : vector<4096x200xi32>
    %convert_element_type3A = arith.extui %ne3A_3 : vector<4096x200xi1> to vector<4096x200xi32>
    %convert_element_type3A_4 = arith.sitofp %convert_element_type3A : vector<4096x200xi32> to vector<4096x200xf32>
    %reduce_sum3A = arith.constant dense<0.000000e+00> : vector<4096xf32>
    %reduce_sum3A_5 = vector.multi_reduction <add>, %convert_element_type3A_4, %reduce_sum3A [1] : vector<4096x200xf32> to vector<4096xf32>
    %broadcast_in_dim3A = vector.shape_cast %reduce_sum3A_5 : vector<4096xf32> to vector<4096x1xf32>
    %sub3A = arith.constant 2.000000e+02 : f32
    %sub3A_6 = vector.broadcast %sub3A : f32 to vector<4096x1xf32>
    %sub3A_7 = arith.subf %sub3A_6, %broadcast_in_dim3A : vector<4096x1xf32>
    %get3A_8 = arith.constant 0 : index
    %get3A_9 = arith.constant 0 : index
    %get3A_10 = vector.load %arg1[%get3A_8, %get3A_9] : memref<4096x64xf32, #tpu.memory_space<vmem>>, vector<4096x64xf32>
    %get3A_11 = arith.constant 0 : index
    %get3A_12 = arith.constant 0 : index
    %get3A_13 = vector.load %arg2[%get3A_11, %get3A_12] : memref<1x64xf32, #tpu.memory_space<vmem>>, vector<1x64xf32>
    %mul3A = vector.broadcast %sub3A_7 : vector<4096x1xf32> to vector<4096x64xf32>
    %mul3A_14 = vector.broadcast %get3A_13 : vector<1x64xf32> to vector<4096x64xf32>
    %mul3A_15 = arith.mulf %mul3A, %mul3A_14 : vector<4096x64xf32>
    %sub3A_16 = arith.subf %get3A_10, %mul3A_15 : vector<4096x64xf32>
    %div3A = vector.broadcast %broadcast_in_dim3A : vector<4096x1xf32> to vector<4096x64xf32>
    %div3A_17 = arith.divf %sub3A_16, %div3A : vector<4096x64xf32>
    %get3A_18 = arith.constant 0 : index
    %get3A_19 = arith.constant 0 : index
    %get3A_20 = vector.load %arg3[%get3A_18, %get3A_19] : memref<64x256xf32, #tpu.memory_space<vmem>>, vector<64x256xf32>
    %dot_general3A = arith.constant dense<0.000000e+00> : vector<4096x256xf32>
    %dot_general3A_21 = tpu.matmul %div3A_17, %get3A_20, %dot_general3A {dimension_numbers = #tpu.dot_dimension_numbers<[1], [0], [0], [1], [0, 0, 1, 1], [], []>, transpose_lhs_hint = false} : vector<4096x64xf32>, vector<64x256xf32>, vector<4096x256xf32> -> vector<4096x256xf32>
    %get3A_22 = arith.constant 0 : index
    %get3A_23 = arith.constant 0 : index
    %get3A_24 = vector.load %arg4[%get3A_22, %get3A_23] : memref<1x256xf32, #tpu.memory_space<vmem>>, vector<1x256xf32>
    %add3A = vector.broadcast %get3A_24 : vector<1x256xf32> to vector<4096x256xf32>
    %add3A_25 = arith.addf %dot_general3A_21, %add3A : vector<4096x256xf32>
    %max3A = arith.constant 0.000000e+00 : f32
    %max3A_26 = vector.broadcast %max3A : f32 to vector<4096x256xf32>
    %max3A_27 = arith.maximumf %add3A_25, %max3A_26 : vector<4096x256xf32>
    %get3A_28 = arith.constant 0 : index
    %get3A_29 = arith.constant 0 : index
    %get3A_30 = vector.load %arg5[%get3A_28, %get3A_29] : memref<256x50xf32, #tpu.memory_space<vmem>>, vector<256x50xf32>
    %dot_general3A_31 = arith.constant dense<0.000000e+00> : vector<4096x50xf32>
    %dot_general3A_32 = tpu.matmul %max3A_27, %get3A_30, %dot_general3A_31 {dimension_numbers = #tpu.dot_dimension_numbers<[1], [0], [0], [1], [0, 0, 1, 1], [], []>, transpose_lhs_hint = false} : vector<4096x256xf32>, vector<256x50xf32>, vector<4096x50xf32> -> vector<4096x50xf32>
    %get3A_33 = arith.constant 0 : index
    %get3A_34 = arith.constant 0 : index
    %get3A_35 = vector.load %arg6[%get3A_33, %get3A_34] : memref<1x50xf32, #tpu.memory_space<vmem>>, vector<1x50xf32>
    %add3A_36 = vector.broadcast %get3A_35 : vector<1x50xf32> to vector<4096x50xf32>
    %add3A_37 = arith.addf %dot_general3A_32, %add3A_36 : vector<4096x50xf32>
    %swap3A = arith.constant 0 : index
    %swap3A_38 = arith.constant 0 : index
    %swap3A_39 = vector.load %arg7[%swap3A, %swap3A_38] : memref<4096x50xf32, #tpu.memory_space<vmem>>, vector<4096x50xf32>
    tpu.vector_store %arg7[%swap3A, %swap3A_38], %add3A_37 {strides = array<i32>} : memref<4096x50xf32, #tpu.memory_space<vmem>>, vector<4096x50xf32>,
    return
  }
}

</mosaic_0001>

<sc_bundles>
// kernel: kernel.5.cloned.1.call-start
scs
__scs_entry_jumppad:
0x0: {  	(pc) =	sbr.rel $0x88, $3  }
0x1: {  	(tag) =	ssettag $0x0;
	lr =	simm.s32 $0x1  }
0x2: {  	[smem:$0x3F9B] =	sst lr;
	_ =	strace $0xD0000000  }
0x3: {  	_ = 	snop  }
0x4: {  	_ = 	snop  }
0x5: {  	_ = 	snop  }
0x6: {  	_ = 	snop  }
0x7: {  	_ = 	snop  }
__scs_overlays_trampoline_lowered:
0x8: {  	[smem:$0x3FAA] =	sst s0  }
0x9: {  	[smem:$0x3FAB] =	sst s1  }
0xa: {  	[smem:$0x3FAC] =	sst s2  }
0xb: {  	[smem:$0x3FAD] =	sst s3  }
0xc: {  	[smem:$0x3FAE] =	sst s4  }
0xd: {  	[smem:$0x3FAF] =	sst s5  }
0xe: {  	[smem:$0x3FB0] =	sst s6  }
0xf: {  	[smem:$0x3FB1] =	sst s7  }
0x10: {  	[smem:$0x3FB2] =	sst s8  }
0x11: {  	[smem:$0x3FB3] =	sst s9;
	s0 =	simm.s32 @!p0 $0x0  }
0x12: {  	s1 =	sld [smem:$0x3F99];
	s0 =	simm.s32 @p0 $0x1  }
0x13: {  	[smem:$0x3FB4] =	sst s0;
	s0 =	simm.s32 @!p1 $0x0  }
0x14: {  	s2 =	sld [smem:$0x3F98];
	s0 =	simm.s32 @p1 $0x1  }
0x15: {  	[smem:$0x3FB5] =	sst s0;
	s0 =	simm.s32 @!p2 $0x0  }
0x16: {  	s3 =	sld [smem:$0x3FDB];
	s0 =	simm.s32 @p2 $0x1  }
0x17: {  	s4 =	simm.s32 $0x1BF5;
	[smem:$0x3FB7] =	sst s0  }
0x18: {  	s0 =	sld [smem:$0x3F9A];
	_ =	swait.ge [sflag:s4], $0x0  }
0x19: {  	s7 =	sld [smem:$0x3F9B]  }
0x1a: {  	s8 =	sadd.s32 $0xFFFFE003, lr  }
0x1b: {  	s9 =	sadd.s32 $0xFFFFFEF7, lr;
	s5 =	simm.s32 $0xFFFFFFFF;
	p2 =	slt.u32 s8, $0xFFFFF086  }
0x1c: {  	p1 =	slt.u32 s9, $0xF7A;
	s5 =	simm.s32 @!p2 $0x0  }
0x1d: {  	s5 =	simm.s32 @p1 $0x1;
	p0 =	seq.s32 s7, s2  }
0x1e: {  	s7 =	smul.u32 @!p0 $0xF7A, s2;
	p2 =	seq.s32 @!p0 s5, $0x0  }
0x1f: {  	s9 =	smul.u32 $0xF7A, s1;
	s8 =	simm.s32 @!p0 $0x1BF5;
	p2 =	por !p2, p0  }
0x20: {  	[sflag:s8] =	ssyncset.s32 @!p0 $0xFFFFF086;
	s6 =	sadd.s32 @!p0 s3, s7;
	s7 =	simm.s32 @!p0 $0x108  }
0x21: {  	s3 =	sadd.s32 s3, s9;
	s6 =	sadd.s32 @!p0 $0x88, s6;
	s7 =	simm.s32 @p2 $0x1082  }
0x22: {  	[simem:s7], [sflag:s8] =	dma.local @!p0 [hbm:s6], $0xF7A  }
0x23: {  	s9 =	sor.u32 $0xD0000000, s2;
	s6 =	simm.s32 $0x108;
	_ =	swait.ge @!p0 [sflag:s8], $0x0  }
0x24: {  	s3 =	sadd.s32 $0x88, s3;
	s6 =	simm.s32 @!p1 $0x1082;
	[sflag:s4] =	ssyncset.s32 $0xFFFFF086  }
0x25: {  	[simem:s6], [sflag:s4] =	dma.local [hbm:s3], $0xF7A  }
0x26: {  	[smem:$0x3F9B] =	sst s1;
	(tag) =	ssettag s2;
	_ =	strace s9  }
0x27: {  	s1 =	sld [smem:$0x3FAB]  }
0x28: {  	s2 =	sld [smem:$0x3FAC]  }
0x29: {  	s4 =	sld [smem:$0x3FAE]  }
0x2a: {  	p0 =	seq.s32 s5, $0x0;
	s5 =	sld [smem:$0x3FAF]  }
0x2b: {  	s6 =	sld [smem:$0x3FB0]  }
0x2c: {  	s7 =	sld [smem:$0x3FB1]  }
0x2d: {  	s3 =	simm.s32 $0x108;
	s8 =	sld [smem:$0x3FB2]  }
0x2e: {  	s3 =	simm.s32 @!p0 $0x1082;
	s9 =	sld [smem:$0x3FB3]  }
0x2f: {  	lr =	sadd.s32 s0, s3;
	s0 =	sld [smem:$0x3FAA]  }
0x30: {  	s3 =	sld [smem:$0x3FAD]  }
0x31: {  	[smem:$0x3FB6] =	sst s10  }
0x32: {  	s10 =	sld [smem:$0x3FB4];
	_ =	sdelay $0x3  }
0x33: {  	p0 =	seq.s32 s10, $0x1;
	s10 =	sld [smem:$0x3FB6];
	_ =	sdelay $0x3  }
0x34: {  	[smem:$0x3FB6] =	sst s10  }
0x35: {  	s10 =	sld [smem:$0x3FB5];
	_ =	sdelay $0x3  }
0x36: {  	p1 =	seq.s32 s10, $0x1;
	s10 =	sld [smem:$0x3FB6];
	_ =	sdelay $0x3  }
0x37: {  	[smem:$0x3FB6] =	sst s10  }
0x38: {  	s10 =	sld [smem:$0x3FB7]  }
0x39: {  	_ = 	snop;
	(pc) =	sbr.ind lr, $3  }
0x3a: {  	_ = 	snop  }
0x3b: {  	_ = 	snop  }
0x3c: {  	p2 =	seq.s32 s10, $0x1;
	s10 =	sld [smem:$0x3FB6]  }
0x3d: {  	_ =	shalt  }
0x3e: {  	_ =	shalt  }
0x3f: {  	_ =	shalt  }
0x40: {  	_ =	shalt  }
0x41: {  	_ =	shalt  }
0x42: {  	_ =	shalt  }
0x43: {  	_ =	shalt  }
0x44: {  	_ =	shalt  }
0x45: {  	_ =	shalt  }
0x46: {  	_ =	shalt  }
0x47: {  	_ =	shalt  }
0x48: {  	_ =	shalt  }
0x49: {  	_ =	shalt  }
0x4a: {  	_ =	shalt  }
0x4b: {  	_ =	shalt  }
0x4c: {  	_ =	shalt  }
0x4d: {  	_ =	shalt  }
0x4e: {  	_ =	shalt  }
0x4f: {  	_ =	shalt  }
0x50: {  	_ =	shalt  }
0x51: {  	_ =	shalt  }
0x52: {  	_ =	shalt  }
0x53: {  	_ =	shalt  }
0x54: {  	_ =	shalt  }
0x55: {  	_ =	shalt  }
0x56: {  	_ =	shalt  }
0x57: {  	_ =	shalt  }
0x58: {  	_ =	shalt  }
0x59: {  	_ =	shalt  }
0x5a: {  	_ =	shalt  }
0x5b: {  	_ =	shalt  }
0x5c: {  	_ =	shalt  }
0x5d: {  	_ =	shalt  }
0x5e: {  	_ =	shalt  }
0x5f: {  	_ =	shalt  }
0x60: {  	_ =	shalt  }
0x61: {  	_ =	shalt  }
0x62: {  	_ =	shalt  }
0x63: {  	_ =	shalt  }
0x64: {  	_ =	shalt  }
0x65: {  	_ =	shalt  }
0x66: {  	_ =	shalt  }
0x67: {  	_ =	shalt  }
0x68: {  	_ =	shalt  }
0x69: {  	_ =	shalt  }
0x6a: {  	_ =	shalt  }
0x6b: {  	_ =	shalt  }
0x6c: {  	_ =	shalt  }
0x6d: {  	_ =	shalt  }
0x6e: {  	_ =	shalt  }
0x6f: {  	_ =	shalt  }
0x70: {  	_ =	shalt  }
0x71: {  	_ =	shalt  }
0x72: {  	_ =	shalt  }
0x73: {  	_ =	shalt  }
0x74: {  	_ =	shalt  }
0x75: {  	_ =	shalt  }
0x76: {  	_ =	shalt  }
0x77: {  	_ =	shalt  }
0x78: {  	_ =	shalt  }
0x79: {  	_ =	shalt  }
0x7a: {  	_ =	shalt  }
0x7b: {  	_ =	shalt  }
0x7c: {  	_ =	shalt  }
0x7d: {  	_ =	shalt  }
0x7e: {  	_ =	shalt  }
0x7f: {  	_ =	shalt  }
0x80: {  	_ =	shalt  }
0x81: {  	_ =	shalt  }
0x82: {  	_ =	shalt  }
0x83: {  	_ =	shalt  }
0x84: {  	_ =	shalt  }
0x85: {  	_ =	shalt  }
0x86: {  	_ =	shalt  }
0x87: {  	_ =	shalt  }
.Lfunc_end0:
.L_simem_size_0:
called_computation_lowered:
.L_overlay_start_0:
0x88: {  	s2 =	sld [smem:$0x3FD9]  }
0x89: {  	s3 =	sld [smem:$0x3FFE];
	_ =	sdelay $0x1  }
0x8a: {  	s1 =	srdreg.scid  }
0x8b: {  	s0 =	sand.u32 $0x1, s1  }
0x8c: {  	s17 =	sshll.u32 s0, $0xA;
	s2 =	sadd.s32 s3, s2  }
0x8d: {  	s2 =	sadd.s32 s2, s17  }
0x8e: {  	[smem:$0x3FC2] =	sst s2  }
0x8f: {  	_ = 	snop  }
0x90: {  	s2 =	sld [smem:$0x3FD0];
	(tm) =	ssettm $0x1  }
0x91: {  	s18 =	sld [smem:$0x3FFB];
	_ =	sdelay $0x3  }
0x92: {  	_ =	strace s18  }
0x93: {  	s3 =	sld [smem:$0x3FFC];
	_ =	sdelay $0x3  }
0x94: {  	_ =	strace s3  }
0x95: {  	s3 =	sld [smem:$0x3FFD];
	_ =	sdelay $0x3  }
0x96: {  	_ =	strace s3  }
0x97: {  	_ =	strace $0x8FFFFFFF  }
0x98: {  	s19 =	sld [smem:$0x3FDB];
	_ =	sdelay $0x1  }
0x99: {  	s4 =	simm.s32 $_scs_section_size  }
0x9a: {  	s5 =	simm.s32 $_size__tile_overlayer_lowered;
	s6 =	simm.s32 $_tile_overlayer_lowered  }
0x9b: {  	s22 =	simm.s32 $0x1BFF;
	s21 =	sshll.u32 s6, $0x1;
	s3 =	sadd.s32 s4, s19  }
0x9c: {  	s7 =	simm.s32 $0x0;
	s20 =	sshll.u32 s5, $0x1;
	s5 =	sadd.s32 s21, s3  }
0x9d: {  	[timem:s7], [sflag:s22] =	dma.local [hbm:s5], s20  }
0x9e: {  	_ =	swait.ge [sflag:s22], s20  }
0x9f: {  	s4 =	ssub.s32 $0x0, s20;
	[sflag:s22] =	ssyncset.done $0x0  }
0xa0: {  	[sflag:s22] =	ssyncadd.s32 s4;
	_ =	sdelay $0x1  }
0xa1: {  	s23 =	simm.s32 $0x1B8B  }
0xa2: {  	_ =	swait.ge [sflag:s23], $0x1  }
0xa3: {  	[sflag:s23] =	ssyncset.done $0x0  }
0xa4: {  	s25 =	simm.s32 $0x1B8E;
	s24 =	sld [smem:$0x3FFE];
	[sflag:s23] =	ssyncadd.s32 $0xFFFFFFFF  }
0xa5: {  	s26 =	simm.s32 $execute0_lowered;
	[smem:$0x3FD2] =	sst s25  }
0xa6: {  	s5 =	sshll.u32 s26, $0x1;
	_ =	strace $0x80000046;
	[dreg:$0x1] =	wrdreg $0xFFFFFFFF  }
0xa7: {  	s28 =	simm.s32 $_size_execute0_lowered;
	s3 =	sadd.s32 s3, s5;
	[dreg:$0x0] =	wrdreg $0x0  }
0xa8: {  	s5 =	sshll.u32 s28, $0x1;
	[dreg:$0x2] =	wrdreg s3  }
0xa9: {  	[dreg:$0x3] =	wrdreg s5  }
0xaa: {  	[dreg:$0x4] =	wrdreg $0xC0  }
0xab: {  	_ =	task [dreg:s7], $0x5FFFF  }
0xac: {  	[dreg:$0x1] =	wrdreg $0xFFFFFFFF  }
0xad: {  	[dreg:$0x0] =	wrdreg $0x60  }
0xae: {  	[dreg:$0x2] =	wrdreg s24  }
0xaf: {  	[dreg:$0x3] =	wrdreg s2  }
0xb0: {  	[dreg:$0x4] =	wrdreg $0x9  }
0xb1: {  	_ =	task.clear_ibuf [dreg:s7], $0x5FFFF;
	_ =	strace $0x90000046  }
0xb2: {  	s29 =	simm.s32 $0x9;
	_ =	strace $0x80000048  }
0xb3: {  	_ =	swait.ge [sflag:s29], $0x1  }
0xb4: {  	[sflag:s29] =	ssyncadd.s32 $0xFFFFFFFF  }
0xb5: {  	_ =	strace $0x90000048  }
0xb6: {  	_ =	sfence  }
0xb7: {  	s30 =	sld [smem:$0x0];
	_ =	sdelay $0x2  }
0xb8: {  	s31 =	sshll.u32 s1, $0xD;
	s1 =	sshrl.u32 s1, $0x2  }
0xb9: {  	s3 =	sand.u32 $0x4000, s31;
	s1 =	sadd.s32 s1, s30  }
0xba: {  	s0 =	sor.u32 s3, s0;
	s1 =	sshll.u32 s1, $0x11  }
0xbb: {  	s0 =	sor.u32 s1, s0  }
0xbc: {  	s0 =	sadd.s32 $0x8F2B, s0  }
0xbd: {  	[sflag:s0] =	ssyncadd.remote.s32 $0x1  }
0xbe: {  	_ =	sfence.sel $0xFFFF  }
0xbf: {  	[dreg:$0x0] =	wrdreg $0xFFFFFFFF;
	(pc) =	sbr.abs _section_cstart, $3  }
0xc0: {  	[dreg:$0x1] =	wrdreg $0xFFFFFFFF  }
0xc1: {  	_ =	task.clear_ibuf [dreg:s7], $0x2FFFF;
	_ =	strace $0x9FFFFFFF  }
0xc2: {  	(tm) =	ssettm $0x7FFFFFFF  }
0xc3: {  	_ =	shalt  }
tec
execute0_lowered:
.L_overlay_start_1:
0x0: {  	(tag) =	ssettag $0x1  }
0x1: {  	s0 =	rddreg [dreg:$0x0];
	s1 =	srdreg.scid  }
0x2: {  	s2 =	stileid.u32;
	s5 =	rddreg [dreg:$0x1];
	s8 =	simm.s32 $0x78  }
0x3: {  	s10 =	simm.s32 $0x50;
	s13 =	simm.s32 $0x9600;
	s14 =	simm.s32 $0x140  }
0x4: {  	s15 =	simm.s32 $0xB400;
	s16 =	simm.s32 $0x190;
	s17 =	simm.s32 $0xC800  }
0x5: {  	s18 =	simm.s32 $0x208;
	s19 =	simm.s32 $0xE600;
	s20 =	simm.s32 $0x258  }
0x6: {  	s21 =	simm.s32 $0xFA00;
	s22 =	simm.s32 $0x2D0;
	s23 =	simm.s32 $0x11800  }
0x7: {  	s24 =	simm.s32 $0x1;
	s25 =	simm.s32 $0x2;
	s26 =	simm.s32 $0x3  }
0x8: {  	s28 =	simm.s32 $0x4;
	s29 =	simm.s32 $0x12C00;
	s30 =	simm.s32 $0x0  }
0x9: {  	s1 =	sand.u32 $0x1, s1;
	s3 =	sshll.u32 s2, $0x1;
	s2 =	simm.s32 $0x0  }
.Ltmp0:
0xa: {  	s4 =	sor.u32 s1, s3;
	[smem:$0x7FF] =	sst s2;
	(pc) =	sbr.rel .LBB2_1-.Ltmp0, $4  }
0xb: {  	s3 =	sadd.s32 $0x1000, s0;
	s1 =	ssub.s32 $0x2, s1;
	s6 =	smul.u32 $0xC80, s4  }
0xc: {  	_ =	strace $0x80000047;
	s31 =	sshrl.u32 s1, $0x1;
	s7 =	sshll.u32 s4, $0xA  }
0xd: {  	s1 =	ssub.s32 s1, s31;
	s5 =	sadd.s32 s5, s7;
	s0 =	sadd.s32 s6, s0  }
0xe: {  	v0 =	vimm.f32 $0.0e+00;
	s7 =	simm.s32 $0x5;
	s6 =	smax.u32 s1, $0x1;
	s4 =	sadd.s32 $0x7C1000, s0  }
.LBB2_14:
0xf: {  	s30 =	sadd.s32 $0x1, s30  }
0x10: {  	p0 =	sne.s32 s30, s6  }
.Ltmp1:
0x11: {  	_ = 	snop;
	(pc) =	sbr.rel @!p0 .LBB2_15-.Ltmp1, $4  }
0x12: {  	[hbm4b:s5+s2] =	stream.linear.scatter [tilespmem:s29], [sflag:$0x5], $0x2000, $0x38;
	[tilespmem:$0x14C00] =	vst v63  }
0x13: {  	_ =	swait.ge [sflag:s7], $0x2000  }
0x14: {  	[sflag:s7] =	ssyncset.done $0x0  }
0x15: {  	[sflag:s7] =	ssyncadd.s32 $0xFFFFE000  }
.LBB2_1:
0x16: {  	[tilespmem:s2], [sflag:$0x5] =	stream.linear.gather [hbm4b:s4+s2], $0x6400, $0x38;
	[tilespmem:$0x14C00] =	vst v63  }
0x17: {  	_ =	swait.ge [sflag:s7], $0x6400  }
0x18: {  	[sflag:s7] =	ssyncset.done $0x0  }
0x19: {  	s1 =	simm.s32 $0x100;
	s0 =	simm.s32 $0x0;
	[sflag:s7] =	ssyncadd.s32 $0xFFFF9C00  }
.LBB2_2:
0x1a: {  	p0 =	sne.s32 s1, $0x7F00;
	[tilespmem:s0+$0x12C30] =	vst v0;
	s9 =	smov.u32 s1;
	s1 =	sadd.s32 $0x100, s1  }
.Ltmp2:
0x1b: {  	[tilespmem:s0+$0x12C20] =	vst v0;
	(pc) =	sbr.rel @p0 .LBB2_2-.Ltmp2, $3  }
0x1c: {  	[tilespmem:s0+$0x12C00] =	vst v0  }
0x1d: {  	[tilespmem:s0+$0x12C10] =	vst v0;
	_ =	sdelay $0x1  }
0x1e: {  	s0 =	sshra.s32 s9, $0x2  }
0x1f: {  	[tilespmem:s0+$0x12C30] =	vst v0  }
0x20: {  	[tilespmem:s0+$0x12C20] =	vst v0  }
0x21: {  	[tilespmem:s0+$0x12C00] =	vst v0  }
0x22: {  	[tilespmem:s0+$0x12C10] =	vst v0;
	s31 =	simm.s32 $0x0;
	s9 =	simm.s32 $0x6400  }
0x23: {  	[tilespmem:s9], [sflag:$0x1] =	stream.indirect.gather [hbm4b:s3+s8], $0x40, s31, s8, $0xb8;
	[tilespmem:$0x14C00] =	vst v63  }
0x24: {  	s11 =	simm.s32 $0x8200  }
0x25: {  	[tilespmem:s11], [sflag:$0x1] =	stream.indirect.gather [hbm4b:s3+s10], $0x40, s8, s10, $0xb8;
	[tilespmem:$0x14C00] =	vst v63  }
0x26: {  	s12 =	simm.s32 $0xC8  }
0x27: {  	[tilespmem:s13], [sflag:$0x2] =	stream.indirect.gather [hbm4b:s3+s8], $0x40, s12, s8, $0xb8;
	[tilespmem:$0x14C00] =	vst v63  }
0x28: {  	_ = 	snop  }
0x29: {  	[tilespmem:s15], [sflag:$0x2] =	stream.indirect.gather [hbm4b:s3+s10], $0x40, s14, s10, $0xb8;
	[tilespmem:$0x14C00] =	vst v63  }
0x2a: {  	_ = 	snop  }
0x2b: {  	[tilespmem:s17], [sflag:$0x3] =	stream.indirect.gather [hbm4b:s3+s8], $0x40, s16, s8, $0xb8;
	[tilespmem:$0x14C00] =	vst v63  }
0x2c: {  	_ = 	snop  }
0x2d: {  	[tilespmem:s19], [sflag:$0x3] =	stream.indirect.gather [hbm4b:s3+s10], $0x40, s18, s10, $0xb8;
	[tilespmem:$0x14C00] =	vst v63  }
0x2e: {  	_ = 	snop  }
0x2f: {  	[tilespmem:s21], [sflag:$0x4] =	stream.indirect.gather [hbm4b:s3+s8], $0x40, s20, s8, $0xb8;
	[tilespmem:$0x14C00] =	vst v63  }
0x30: {  	_ = 	snop  }
0x31: {  	[tilespmem:s23], [sflag:$0x4] =	stream.indirect.gather [hbm4b:s3+s10], $0x40, s22, s10, $0xb8;
	[tilespmem:$0x14C00] =	vst v63  }
.LBB2_4:
0x32: {  	_ =	swait.ge [sflag:s24], $0x3200  }
0x33: {  	[sflag:s24] =	ssyncset.done $0x0  }
0x34: {  	s0 =	simm.s32 $0x0;
	[sflag:s24] =	ssyncadd.s32 $0xFFFFCE00  }
0x35: {  	v1 =	vld [tilespmem:s0+$0x6480]  }
0x36: {  	v2 =	vld [tilespmem:s0+$0x64C0]  }
0x37: {  	v3 =	vld [tilespmem:s0+$0x6400]  }
0x38: {  	v4 =	vld [tilespmem:s0+$0x6500]  }
0x39: {  	v5 =	vld [tilespmem:s0+$0x6440]  }
0x3a: {  	v6 =	vld [tilespmem:s0+$0x6540]  }
0x3b: {  	v7 =	vld [tilespmem:s0+$0x6580]  }
0x3c: {  	v8 =	vld [tilespmem:s0+$0x6600];
	v1 =	vadd.f32 v1, v3  }
0x3d: {  	v3 =	vld [tilespmem:s0+$0x65C0]  }
0x3e: {  	v2 =	vadd.f32 v2, v5;
	v5 =	vld [tilespmem:s0+$0x6680];
	v1 =	vadd.f32 v4, v1  }
0x3f: {  	v4 =	vld [tilespmem:s0+$0x6640]  }
0x40: {  	v2 =	vadd.f32 v6, v2;
	v6 =	vld [tilespmem:s0+$0x66C0];
	v1 =	vadd.f32 v7, v1  }
0x41: {  	v7 =	vld [tilespmem:s0+$0x6700]  }
0x42: {  	v2 =	vadd.f32 v3, v2;
	v3 =	vld [tilespmem:s0+$0x6740];
	v1 =	vadd.f32 v8, v1  }
0x43: {  	v8 =	vld [tilespmem:s0+$0x6780]  }
0x44: {  	v2 =	vadd.f32 v4, v2;
	v4 =	vld [tilespmem:s0+$0x67C0];
	v1 =	vadd.f32 v5, v1  }
0x45: {  	v5 =	vld [tilespmem:s0+$0x6800]  }
0x46: {  	v2 =	vadd.f32 v6, v2;
	v6 =	vld [tilespmem:s0+$0x6840];
	v1 =	vadd.f32 v7, v1  }
0x47: {  	v7 =	vld [tilespmem:s0+$0x6880]  }
0x48: {  	v2 =	vadd.f32 v3, v2;
	v3 =	vld [tilespmem:s0+$0x68C0];
	v1 =	vadd.f32 v8, v1  }
0x49: {  	v8 =	vld [tilespmem:s0+$0x6900]  }
0x4a: {  	v2 =	vadd.f32 v4, v2;
	v4 =	vld [tilespmem:s0+$0x6940];
	v1 =	vadd.f32 v5, v1  }
0x4b: {  	v5 =	vld [tilespmem:s0+$0x6980]  }
0x4c: {  	v2 =	vadd.f32 v6, v2;
	v6 =	vld [tilespmem:s0+$0x69C0];
	v1 =	vadd.f32 v7, v1  }
0x4d: {  	v7 =	vld [tilespmem:s0+$0x6A00]  }
0x4e: {  	v2 =	vadd.f32 v3, v2;
	v1 =	vadd.f32 v8, v1  }
0x4f: {  	s1 =	sshll.u32 s31, $0x8  }
0x50: {  	s1 =	sand.u32 $0x3FFFFF00, s1;
	v2 =	vadd.f32 v4, v2;
	v1 =	vadd.f32 v5, v1  }
0x51: {  	v4 =	vld [tilespmem:s1+$0x12C00]  }
0x52: {  	v2 =	vadd.f32 v6, v2;
	v1 =	vadd.f32 v7, v1;
	_ =	sdelay $0x1  }
0x53: {  	v1 =	vadd.f32 v2, v1;
	_ =	sdelay $0x1  }
0x54: {  	v3 =	vld [tilespmem:s1+$0x12C10];
	v4 =	vadd.f32 v1, v4  }
0x55: {  	v2 =	vld [tilespmem:s1+$0x12C20]  }
0x56: {  	v1 =	vld [tilespmem:s1+$0x12C30];
	[tilespmem:s1+$0x12C00] =	vst v4  }
0x57: {  	v6 =	vld [tilespmem:s0+$0x6490]  }
0x58: {  	v5 =	vld [tilespmem:s0+$0x6790]  }
0x59: {  	v7 =	vld [tilespmem:s0+$0x64D0]  }
0x5a: {  	v8 =	vld [tilespmem:s0+$0x6410]  }
0x5b: {  	v9 =	vld [tilespmem:s0+$0x6510]  }
0x5c: {  	v10 =	vld [tilespmem:s0+$0x6450]  }
0x5d: {  	v11 =	vld [tilespmem:s0+$0x6550]  }
0x5e: {  	v12 =	vld [tilespmem:s0+$0x6590]  }
0x5f: {  	v13 =	vld [tilespmem:s0+$0x6610];
	v6 =	vadd.f32 v6, v8  }
0x60: {  	v8 =	vld [tilespmem:s0+$0x65D0]  }
0x61: {  	v7 =	vadd.f32 v7, v10;
	v14 =	vadd.f32 v9, v6;
	v6 =	vld [tilespmem:s0+$0x6650]  }
0x62: {  	v9 =	vld [tilespmem:s0+$0x6690]  }
0x63: {  	v10 =	vld [tilespmem:s0+$0x6710];
	v12 =	vadd.f32 v12, v14;
	v14 =	vadd.f32 v11, v7  }
0x64: {  	v7 =	vld [tilespmem:s0+$0x66D0]  }
0x65: {  	s9 =	simm.s32 $0x1900;
	v11 =	vadd.f32 v13, v12;
	v12 =	vadd.f32 v8, v14;
	v8 =	vld [tilespmem:s0+$0x6750]  }
.LBB2_5:
0x66: {  	p0 =	sne.s32 s9, $0xAF00;
	s11 =	smov.u32 s9;
	s9 =	sadd.s32 $0x1900, s9  }
0x67: {  	v9 =	vadd.f32 v9, v11;
	v6 =	vadd.f32 v6, v12;
	v11 =	vld [tilespmem:s0+$0x67D0]  }
0x68: {  	v12 =	vld [tilespmem:s0+$0x6810]  }
0x69: {  	v9 =	vadd.f32 v10, v9;
	v6 =	vadd.f32 v7, v6;
	v7 =	vld [tilespmem:s0+$0x6850]  }
0x6a: {  	v10 =	vld [tilespmem:s0+$0x6890]  }
0x6b: {  	v5 =	vadd.f32 v5, v9;
	v6 =	vadd.f32 v8, v6;
	v8 =	vld [tilespmem:s0+$0x68D0]  }
0x6c: {  	v9 =	vld [tilespmem:s0+$0x6910]  }
0x6d: {  	v5 =	vadd.f32 v12, v5;
	v6 =	vadd.f32 v11, v6;
	v11 =	vld [tilespmem:s0+$0x6950]  }
0x6e: {  	v12 =	vld [tilespmem:s0+$0x6990]  }
0x6f: {  	s11 =	sshra.s32 s11, $0x2;
	v5 =	vadd.f32 v10, v5;
	v6 =	vadd.f32 v7, v6;
	v7 =	vld [tilespmem:s0+$0x69D0]  }
0x70: {  	v10 =	vld [tilespmem:s0+$0x6A10]  }
0x71: {  	v5 =	vadd.f32 v9, v5;
	v6 =	vadd.f32 v8, v6;
	_ =	sdelay $0x1  }
0x72: {  	v5 =	vadd.f32 v12, v5;
	v6 =	vadd.f32 v11, v6;
	_ =	sdelay $0x1  }
0x73: {  	v5 =	vadd.f32 v10, v5;
	v6 =	vadd.f32 v7, v6;
	_ =	sdelay $0x1  }
0x74: {  	v5 =	vadd.f32 v6, v5;
	_ =	sdelay $0x1  }
0x75: {  	v3 =	vadd.f32 v5, v3;
	_ =	sdelay $0x1  }
0x76: {  	[tilespmem:s1+$0x12C10] =	vst v3  }
0x77: {  	v5 =	vld [tilespmem:s0+$0x64E0]  }
0x78: {  	v6 =	vld [tilespmem:s0+$0x64A0]  }
0x79: {  	v7 =	vld [tilespmem:s0+$0x6420]  }
0x7a: {  	v8 =	vld [tilespmem:s0+$0x6460]  }
0x7b: {  	v9 =	vld [tilespmem:s0+$0x6520]  }
0x7c: {  	v10 =	vld [tilespmem:s0+$0x6560]  }
0x7d: {  	v11 =	vld [tilespmem:s0+$0x65A0]  }
0x7e: {  	v6 =	vadd.f32 v6, v7;
	v7 =	vld [tilespmem:s0+$0x65E0]  }
0x7f: {  	v12 =	vld [tilespmem:s0+$0x6620];
	v5 =	vadd.f32 v5, v8  }
0x80: {  	v6 =	vadd.f32 v9, v6;
	v8 =	vld [tilespmem:s0+$0x6660]  }
0x81: {  	v9 =	vld [tilespmem:s0+$0x66A0];
	v5 =	vadd.f32 v10, v5  }
0x82: {  	v6 =	vadd.f32 v11, v6;
	v10 =	vld [tilespmem:s0+$0x66E0]  }
0x83: {  	v11 =	vld [tilespmem:s0+$0x6720];
	v5 =	vadd.f32 v7, v5  }
0x84: {  	v6 =	vadd.f32 v12, v6;
	v7 =	vld [tilespmem:s0+$0x6760]  }
0x85: {  	v12 =	vld [tilespmem:s0+$0x67A0];
	v5 =	vadd.f32 v8, v5  }
0x86: {  	v6 =	vadd.f32 v9, v6;
	v8 =	vld [tilespmem:s0+$0x67E0]  }
0x87: {  	v9 =	vld [tilespmem:s0+$0x6820];
	v5 =	vadd.f32 v10, v5  }
0x88: {  	v6 =	vadd.f32 v11, v6;
	v10 =	vld [tilespmem:s0+$0x6860]  }
0x89: {  	v11 =	vld [tilespmem:s0+$0x68A0];
	v5 =	vadd.f32 v7, v5  }
0x8a: {  	v6 =	vadd.f32 v12, v6;
	v7 =	vld [tilespmem:s0+$0x68E0]  }
0x8b: {  	v12 =	vld [tilespmem:s0+$0x6920];
	v5 =	vadd.f32 v8, v5  }
0x8c: {  	v6 =	vadd.f32 v9, v6;
	v8 =	vld [tilespmem:s0+$0x6960]  }
0x8d: {  	v9 =	vld [tilespmem:s0+$0x69A0];
	v5 =	vadd.f32 v10, v5  }
0x8e: {  	v6 =	vadd.f32 v11, v6;
	v10 =	vld [tilespmem:s0+$0x69E0]  }
0x8f: {  	v11 =	vld [tilespmem:s0+$0x6A20];
	v5 =	vadd.f32 v7, v5  }
0x90: {  	v6 =	vadd.f32 v12, v6  }
0x91: {  	v5 =	vadd.f32 v8, v5  }
0x92: {  	v6 =	vadd.f32 v9, v6;
	_ =	sdelay $0x1  }
0x93: {  	v5 =	vadd.f32 v10, v5;
	v6 =	vadd.f32 v11, v6;
	_ =	sdelay $0x1  }
0x94: {  	v5 =	vadd.f32 v5, v6;
	_ =	sdelay $0x1  }
0x95: {  	v2 =	vadd.f32 v5, v2;
	_ =	sdelay $0x1  }
0x96: {  	[tilespmem:s1+$0x12C20] =	vst v2  }
0x97: {  	v5 =	vld [tilespmem:s0+$0x6430]  }
0x98: {  	v6 =	vld [tilespmem:s0+$0x64B0]  }
0x99: {  	v7 =	vld [tilespmem:s0+$0x6530]  }
0x9a: {  	v8 =	vld [tilespmem:s0+$0x64F0]  }
0x9b: {  	v9 =	vld [tilespmem:s0+$0x6470]  }
0x9c: {  	v10 =	vld [tilespmem:s0+$0x65B0]  }
0x9d: {  	v5 =	vadd.f32 v6, v5;
	v6 =	vld [tilespmem:s0+$0x6570]  }
0x9e: {  	v11 =	vld [tilespmem:s0+$0x6630]  }
0x9f: {  	v5 =	vadd.f32 v7, v5;
	v7 =	vld [tilespmem:s0+$0x65F0]  }
0xa0: {  	v12 =	vld [tilespmem:s0+$0x66B0];
	v8 =	vadd.f32 v8, v9  }
0xa1: {  	v5 =	vadd.f32 v10, v5;
	v9 =	vld [tilespmem:s0+$0x6670]  }
0xa2: {  	v10 =	vld [tilespmem:s0+$0x6730];
	v6 =	vadd.f32 v6, v8  }
0xa3: {  	v5 =	vadd.f32 v11, v5;
	v8 =	vld [tilespmem:s0+$0x66F0]  }
0xa4: {  	v11 =	vld [tilespmem:s0+$0x67B0];
	v6 =	vadd.f32 v7, v6  }
0xa5: {  	v5 =	vadd.f32 v12, v5;
	v7 =	vld [tilespmem:s0+$0x6770]  }
0xa6: {  	v12 =	vld [tilespmem:s0+$0x6830];
	v6 =	vadd.f32 v9, v6  }
0xa7: {  	v5 =	vadd.f32 v10, v5;
	v9 =	vld [tilespmem:s0+$0x67F0]  }
0xa8: {  	v10 =	vld [tilespmem:s0+$0x68B0];
	v6 =	vadd.f32 v8, v6  }
0xa9: {  	v5 =	vadd.f32 v11, v5;
	v8 =	vld [tilespmem:s0+$0x6870]  }
0xaa: {  	v11 =	vld [tilespmem:s0+$0x6930];
	v6 =	vadd.f32 v7, v6  }
0xab: {  	v5 =	vadd.f32 v12, v5;
	v7 =	vld [tilespmem:s0+$0x68F0]  }
0xac: {  	v12 =	vld [tilespmem:s0+$0x69B0];
	v6 =	vadd.f32 v9, v6  }
0xad: {  	v5 =	vadd.f32 v10, v5;
	v9 =	vld [tilespmem:s0+$0x6970]  }
0xae: {  	v10 =	vld [tilespmem:s0+$0x6A30];
	v6 =	vadd.f32 v8, v6  }
0xaf: {  	v5 =	vadd.f32 v11, v5;
	v8 =	vld [tilespmem:s0+$0x69F0];
	s0 =	smov.u32 s11  }
0xb0: {  	v6 =	vadd.f32 v7, v6  }
0xb1: {  	v5 =	vadd.f32 v12, v5  }
0xb2: {  	v6 =	vadd.f32 v9, v6;
	_ =	sdelay $0x1  }
0xb3: {  	v5 =	vadd.f32 v10, v5;
	v6 =	vadd.f32 v8, v6;
	_ =	sdelay $0x1  }
0xb4: {  	v5 =	vadd.f32 v6, v5;
	_ =	sdelay $0x1  }
0xb5: {  	v1 =	vadd.f32 v5, v1;
	_ =	sdelay $0x1  }
0xb6: {  	[tilespmem:s1+$0x12C30] =	vst v1  }
0xb7: {  	v5 =	vld [tilespmem:s0+$0x6480]  }
0xb8: {  	v6 =	vld [tilespmem:s0+$0x64C0]  }
0xb9: {  	v7 =	vld [tilespmem:s0+$0x6400]  }
0xba: {  	v8 =	vld [tilespmem:s0+$0x6500]  }
0xbb: {  	v9 =	vld [tilespmem:s0+$0x6440]  }
0xbc: {  	v10 =	vld [tilespmem:s0+$0x6540]  }
0xbd: {  	v11 =	vld [tilespmem:s0+$0x6580]  }
0xbe: {  	v5 =	vadd.f32 v5, v7;
	v7 =	vld [tilespmem:s0+$0x65C0]  }
0xbf: {  	v12 =	vld [tilespmem:s0+$0x6600]  }
0xc0: {  	v5 =	vadd.f32 v8, v5;
	v6 =	vadd.f32 v6, v9;
	v8 =	vld [tilespmem:s0+$0x6640]  }
0xc1: {  	v9 =	vld [tilespmem:s0+$0x6680]  }
0xc2: {  	v5 =	vadd.f32 v11, v5;
	v6 =	vadd.f32 v10, v6;
	v10 =	vld [tilespmem:s0+$0x66C0]  }
0xc3: {  	v11 =	vld [tilespmem:s0+$0x6700]  }
0xc4: {  	v5 =	vadd.f32 v12, v5;
	v6 =	vadd.f32 v7, v6;
	v7 =	vld [tilespmem:s0+$0x6740]  }
0xc5: {  	v12 =	vld [tilespmem:s0+$0x6780]  }
0xc6: {  	v5 =	vadd.f32 v9, v5;
	v6 =	vadd.f32 v8, v6;
	v8 =	vld [tilespmem:s0+$0x67C0]  }
0xc7: {  	v9 =	vld [tilespmem:s0+$0x6800]  }
0xc8: {  	v5 =	vadd.f32 v11, v5;
	v6 =	vadd.f32 v10, v6;
	v10 =	vld [tilespmem:s0+$0x6840]  }
0xc9: {  	v11 =	vld [tilespmem:s0+$0x6880]  }
0xca: {  	v5 =	vadd.f32 v12, v5;
	v6 =	vadd.f32 v7, v6;
	v7 =	vld [tilespmem:s0+$0x68C0]  }
0xcb: {  	v12 =	vld [tilespmem:s0+$0x6900]  }
0xcc: {  	v5 =	vadd.f32 v9, v5;
	v6 =	vadd.f32 v8, v6;
	v8 =	vld [tilespmem:s0+$0x6940]  }
0xcd: {  	v9 =	vld [tilespmem:s0+$0x6980]  }
0xce: {  	v5 =	vadd.f32 v11, v5;
	v6 =	vadd.f32 v10, v6;
	v10 =	vld [tilespmem:s0+$0x69C0]  }
0xcf: {  	v11 =	vld [tilespmem:s0+$0x6A00]  }
0xd0: {  	v5 =	vadd.f32 v12, v5;
	v6 =	vadd.f32 v7, v6;
	_ =	sdelay $0x1  }
0xd1: {  	v5 =	vadd.f32 v9, v5;
	v6 =	vadd.f32 v8, v6;
	_ =	sdelay $0x1  }
0xd2: {  	v5 =	vadd.f32 v11, v5;
	v6 =	vadd.f32 v10, v6;
	_ =	sdelay $0x1  }
0xd3: {  	v5 =	vadd.f32 v6, v5;
	_ =	sdelay $0x1  }
0xd4: {  	v4 =	vadd.f32 v5, v4;
	_ =	sdelay $0x1  }
0xd5: {  	[tilespmem:s1+$0x12C00] =	vst v4  }
0xd6: {  	v6 =	vld [tilespmem:s0+$0x6490]  }
0xd7: {  	v5 =	vld [tilespmem:s0+$0x6790]  }
0xd8: {  	v7 =	vld [tilespmem:s0+$0x64D0]  }
0xd9: {  	v8 =	vld [tilespmem:s0+$0x6410]  }
0xda: {  	v9 =	vld [tilespmem:s0+$0x6510]  }
0xdb: {  	v10 =	vld [tilespmem:s0+$0x6450]  }
0xdc: {  	v11 =	vld [tilespmem:s0+$0x6550]  }
0xdd: {  	v12 =	vld [tilespmem:s0+$0x6590]  }
0xde: {  	v6 =	vadd.f32 v6, v8;
	v8 =	vld [tilespmem:s0+$0x65D0]  }
0xdf: {  	v13 =	vld [tilespmem:s0+$0x6610]  }
.Ltmp3:
0xe0: {  	v14 =	vadd.f32 v9, v6;
	v7 =	vadd.f32 v7, v10;
	v6 =	vld [tilespmem:s0+$0x6650];
	(pc) =	sbr.rel @p0 .LBB2_5-.Ltmp3, $4  }
0xe1: {  	v9 =	vld [tilespmem:s0+$0x6690]  }
0xe2: {  	v12 =	vadd.f32 v12, v14;
	v14 =	vadd.f32 v11, v7;
	v7 =	vld [tilespmem:s0+$0x66D0]  }
0xe3: {  	v10 =	vld [tilespmem:s0+$0x6710]  }
0xe4: {  	v11 =	vadd.f32 v13, v12;
	v12 =	vadd.f32 v8, v14;
	v8 =	vld [tilespmem:s0+$0x6750]  }
0xe5: {  	_ = 	snop  }
0xe6: {  	v4 =	vadd.f32 v9, v11;
	v6 =	vadd.f32 v6, v12;
	v9 =	vld [tilespmem:s0+$0x67D0]  }
0xe7: {  	v11 =	vld [tilespmem:s0+$0x6810]  }
0xe8: {  	v4 =	vadd.f32 v10, v4;
	v6 =	vadd.f32 v7, v6;
	v7 =	vld [tilespmem:s0+$0x6850]  }
0xe9: {  	v10 =	vld [tilespmem:s0+$0x6890]  }
0xea: {  	v4 =	vadd.f32 v5, v4;
	v5 =	vadd.f32 v8, v6;
	v6 =	vld [tilespmem:s0+$0x68D0]  }
0xeb: {  	v8 =	vld [tilespmem:s0+$0x6910]  }
0xec: {  	v4 =	vadd.f32 v11, v4;
	v5 =	vadd.f32 v9, v5;
	v9 =	vld [tilespmem:s0+$0x6950]  }
0xed: {  	v11 =	vld [tilespmem:s0+$0x6990]  }
0xee: {  	v4 =	vadd.f32 v10, v4;
	v5 =	vadd.f32 v7, v5;
	v7 =	vld [tilespmem:s0+$0x69D0]  }
0xef: {  	v10 =	vld [tilespmem:s0+$0x6A10]  }
0xf0: {  	v4 =	vadd.f32 v8, v4;
	v5 =	vadd.f32 v6, v5;
	_ =	sdelay $0x1  }
0xf1: {  	v4 =	vadd.f32 v11, v4;
	v5 =	vadd.f32 v9, v5;
	_ =	sdelay $0x1  }
0xf2: {  	v4 =	vadd.f32 v10, v4;
	v5 =	vadd.f32 v7, v5;
	_ =	sdelay $0x1  }
0xf3: {  	v4 =	vadd.f32 v5, v4;
	_ =	sdelay $0x1  }
0xf4: {  	v3 =	vadd.f32 v4, v3;
	_ =	sdelay $0x1  }
0xf5: {  	[tilespmem:s1+$0x12C10] =	vst v3  }
0xf6: {  	v3 =	vld [tilespmem:s0+$0x64E0]  }
0xf7: {  	v4 =	vld [tilespmem:s0+$0x64A0]  }
0xf8: {  	v5 =	vld [tilespmem:s0+$0x6420]  }
0xf9: {  	v6 =	vld [tilespmem:s0+$0x6460]  }
0xfa: {  	v7 =	vld [tilespmem:s0+$0x6520]  }
0xfb: {  	v8 =	vld [tilespmem:s0+$0x6560]  }
0xfc: {  	v9 =	vld [tilespmem:s0+$0x65A0]  }
0xfd: {  	v10 =	vld [tilespmem:s0+$0x6620];
	v4 =	vadd.f32 v4, v5  }
0xfe: {  	v5 =	vld [tilespmem:s0+$0x65E0]  }
0xff: {  	v3 =	vadd.f32 v3, v6;
	v6 =	vld [tilespmem:s0+$0x6660];
	v4 =	vadd.f32 v7, v4  }
0x100: {  	v7 =	vld [tilespmem:s0+$0x66A0]  }
0x101: {  	v3 =	vadd.f32 v8, v3;
	v8 =	vld [tilespmem:s0+$0x66E0];
	v4 =	vadd.f32 v9, v4  }
0x102: {  	v9 =	vld [tilespmem:s0+$0x6720]  }
0x103: {  	v3 =	vadd.f32 v5, v3;
	v5 =	vld [tilespmem:s0+$0x6760];
	v4 =	vadd.f32 v10, v4  }
0x104: {  	v10 =	vld [tilespmem:s0+$0x67A0]  }
0x105: {  	v3 =	vadd.f32 v6, v3;
	v6 =	vld [tilespmem:s0+$0x67E0];
	v4 =	vadd.f32 v7, v4  }
0x106: {  	v7 =	vld [tilespmem:s0+$0x6820]  }
0x107: {  	v3 =	vadd.f32 v8, v3;
	v8 =	vld [tilespmem:s0+$0x6860];
	v4 =	vadd.f32 v9, v4  }
0x108: {  	v9 =	vld [tilespmem:s0+$0x68A0]  }
0x109: {  	v3 =	vadd.f32 v5, v3;
	v5 =	vld [tilespmem:s0+$0x68E0];
	v4 =	vadd.f32 v10, v4  }
0x10a: {  	v10 =	vld [tilespmem:s0+$0x6920]  }
0x10b: {  	v3 =	vadd.f32 v6, v3;
	v6 =	vld [tilespmem:s0+$0x6960];
	v4 =	vadd.f32 v7, v4  }
0x10c: {  	v7 =	vld [tilespmem:s0+$0x69A0]  }
0x10d: {  	v3 =	vadd.f32 v8, v3;
	v8 =	vld [tilespmem:s0+$0x69E0];
	v4 =	vadd.f32 v9, v4  }
0x10e: {  	v9 =	vld [tilespmem:s0+$0x6A20]  }
0x10f: {  	v3 =	vadd.f32 v5, v3;
	v4 =	vadd.f32 v10, v4;
	_ =	sdelay $0x1  }
0x110: {  	v3 =	vadd.f32 v6, v3;
	v4 =	vadd.f32 v7, v4;
	_ =	sdelay $0x1  }
0x111: {  	v3 =	vadd.f32 v8, v3;
	v4 =	vadd.f32 v9, v4;
	_ =	sdelay $0x1  }
0x112: {  	v3 =	vadd.f32 v3, v4;
	_ =	sdelay $0x1  }
0x113: {  	v2 =	vadd.f32 v3, v2;
	_ =	sdelay $0x1  }
0x114: {  	[tilespmem:s1+$0x12C20] =	vst v2  }
0x115: {  	v2 =	vld [tilespmem:s0+$0x6430]  }
0x116: {  	v3 =	vld [tilespmem:s0+$0x64B0]  }
0x117: {  	v4 =	vld [tilespmem:s0+$0x6530]  }
0x118: {  	v5 =	vld [tilespmem:s0+$0x64F0]  }
0x119: {  	v6 =	vld [tilespmem:s0+$0x6470]  }
0x11a: {  	v7 =	vld [tilespmem:s0+$0x65B0]  }
0x11b: {  	v8 =	vld [tilespmem:s0+$0x6570]  }
0x11c: {  	v9 =	vld [tilespmem:s0+$0x65F0];
	v2 =	vadd.f32 v3, v2  }
0x11d: {  	v3 =	vld [tilespmem:s0+$0x6630]  }
0x11e: {  	v5 =	vadd.f32 v5, v6;
	v6 =	vld [tilespmem:s0+$0x6670];
	v2 =	vadd.f32 v4, v2  }
0x11f: {  	v4 =	vld [tilespmem:s0+$0x66B0]  }
0x120: {  	v5 =	vadd.f32 v8, v5;
	v8 =	vld [tilespmem:s0+$0x66F0];
	v2 =	vadd.f32 v7, v2  }
0x121: {  	v7 =	vld [tilespmem:s0+$0x6730]  }
0x122: {  	v5 =	vadd.f32 v9, v5;
	v9 =	vld [tilespmem:s0+$0x6770];
	v2 =	vadd.f32 v3, v2  }
0x123: {  	v3 =	vld [tilespmem:s0+$0x67B0]  }
0x124: {  	v5 =	vadd.f32 v6, v5;
	v6 =	vld [tilespmem:s0+$0x67F0];
	v2 =	vadd.f32 v4, v2  }
0x125: {  	v4 =	vld [tilespmem:s0+$0x6830]  }
0x126: {  	v5 =	vadd.f32 v8, v5;
	v8 =	vld [tilespmem:s0+$0x6870];
	v2 =	vadd.f32 v7, v2  }
0x127: {  	v7 =	vld [tilespmem:s0+$0x68B0]  }
0x128: {  	v5 =	vadd.f32 v9, v5;
	v9 =	vld [tilespmem:s0+$0x68F0];
	v2 =	vadd.f32 v3, v2  }
0x129: {  	v3 =	vld [tilespmem:s0+$0x6930]  }
0x12a: {  	v5 =	vadd.f32 v6, v5;
	v6 =	vld [tilespmem:s0+$0x6970];
	v2 =	vadd.f32 v4, v2  }
0x12b: {  	v4 =	vld [tilespmem:s0+$0x69B0]  }
0x12c: {  	v5 =	vadd.f32 v8, v5;
	v8 =	vld [tilespmem:s0+$0x69F0];
	v2 =	vadd.f32 v7, v2  }
0x12d: {  	v7 =	vld [tilespmem:s0+$0x6A30]  }
0x12e: {  	v2 =	vadd.f32 v3, v2;
	v3 =	vadd.f32 v9, v5;
	_ =	sdelay $0x1  }
0x12f: {  	v2 =	vadd.f32 v4, v2;
	v3 =	vadd.f32 v6, v3;
	_ =	sdelay $0x1  }
0x130: {  	v2 =	vadd.f32 v7, v2;
	v3 =	vadd.f32 v8, v3;
	_ =	sdelay $0x1  }
0x131: {  	p0 =	seq.s32 s31, $0x1F;
	v2 =	vadd.f32 v3, v2  }
0x132: {  	s0 =	smul.u32 @!p0 $0xC80, s31  }
0x133: {  	v1 =	vadd.f32 v2, v1  }
0x134: {  	s0 =	sshra.s32 @!p0 s0, $0x2  }
0x135: {  	s11 =	simm.s32 @!p0 $0x78;
	s12 =	simm.s32 @!p0 $0x6400;
	s9 =	sadd.s32 @!p0 $0x320, s0;
	[tilespmem:s1+$0x12C30] =	vst v1  }
0x136: {  	[tilespmem:s12], [sflag:$0x1] =	stream.indirect.gather @!p0 [hbm4b:s3+s11], $0x40, s9, s11, $0xb8;
	[tilespmem:$0x14C00] =	vst v63  }
0x137: {  	s9 =	sadd.s32 @!p0 $0x398, s0;
	s11 =	simm.s32 @!p0 $0x50;
	s12 =	simm.s32 @!p0 $0x8200  }
0x138: {  	[tilespmem:s12], [sflag:$0x1] =	stream.indirect.gather @!p0 [hbm4b:s3+s11], $0x40, s9, s11, $0xb8;
	[tilespmem:$0x14C00] =	vst v63  }
0x139: {  	_ =	swait.ge [sflag:s25], $0x3200  }
0x13a: {  	[sflag:s25] =	ssyncset.done $0x0  }
0x13b: {  	s9 =	simm.s32 $0x0;
	[sflag:s25] =	ssyncadd.s32 $0xFFFFCE00  }
0x13c: {  	v1 =	vld [tilespmem:s9+$0x9680]  }
0x13d: {  	v2 =	vld [tilespmem:s9+$0x96C0]  }
0x13e: {  	v3 =	vld [tilespmem:s9+$0x9600]  }
0x13f: {  	v4 =	vld [tilespmem:s9+$0x9700]  }
0x140: {  	v5 =	vld [tilespmem:s9+$0x9640]  }
0x141: {  	v6 =	vld [tilespmem:s9+$0x9740]  }
0x142: {  	v7 =	vld [tilespmem:s9+$0x9780]  }
0x143: {  	v8 =	vld [tilespmem:s9+$0x9800];
	v1 =	vadd.f32 v1, v3  }
0x144: {  	v3 =	vld [tilespmem:s9+$0x97C0]  }
0x145: {  	v2 =	vadd.f32 v2, v5;
	v5 =	vld [tilespmem:s9+$0x9880];
	v1 =	vadd.f32 v4, v1  }
0x146: {  	v4 =	vld [tilespmem:s9+$0x9840]  }
0x147: {  	v2 =	vadd.f32 v6, v2;
	v6 =	vld [tilespmem:s9+$0x98C0];
	v1 =	vadd.f32 v7, v1  }
0x148: {  	v7 =	vld [tilespmem:s9+$0x9900]  }
0x149: {  	v2 =	vadd.f32 v3, v2;
	v3 =	vld [tilespmem:s9+$0x9940];
	v1 =	vadd.f32 v8, v1  }
0x14a: {  	v8 =	vld [tilespmem:s9+$0x9980]  }
0x14b: {  	v2 =	vadd.f32 v4, v2;
	v4 =	vld [tilespmem:s9+$0x99C0];
	v1 =	vadd.f32 v5, v1  }
0x14c: {  	v5 =	vld [tilespmem:s9+$0x9A00]  }
0x14d: {  	v2 =	vadd.f32 v6, v2;
	v6 =	vld [tilespmem:s9+$0x9A40];
	v1 =	vadd.f32 v7, v1  }
0x14e: {  	v7 =	vld [tilespmem:s9+$0x9A80]  }
0x14f: {  	v2 =	vadd.f32 v3, v2;
	v3 =	vld [tilespmem:s9+$0x9AC0];
	v1 =	vadd.f32 v8, v1  }
0x150: {  	v8 =	vld [tilespmem:s9+$0x9B00]  }
0x151: {  	v2 =	vadd.f32 v4, v2;
	v4 =	vld [tilespmem:s9+$0x9B40];
	v1 =	vadd.f32 v5, v1  }
0x152: {  	v5 =	vld [tilespmem:s9+$0x9B80]  }
0x153: {  	v2 =	vadd.f32 v6, v2;
	v6 =	vld [tilespmem:s9+$0x9BC0];
	v1 =	vadd.f32 v7, v1  }
0x154: {  	v7 =	vld [tilespmem:s9+$0x9C00]  }
0x155: {  	v2 =	vadd.f32 v3, v2;
	v1 =	vadd.f32 v8, v1;
	_ =	sdelay $0x1  }
0x156: {  	v2 =	vadd.f32 v4, v2;
	v1 =	vadd.f32 v5, v1  }
0x157: {  	v4 =	vld [tilespmem:s1+$0x12C40]  }
0x158: {  	v2 =	vadd.f32 v6, v2;
	v1 =	vadd.f32 v7, v1;
	_ =	sdelay $0x1  }
0x159: {  	v1 =	vadd.f32 v2, v1;
	_ =	sdelay $0x1  }
0x15a: {  	v3 =	vld [tilespmem:s1+$0x12C50];
	v4 =	vadd.f32 v1, v4  }
0x15b: {  	v2 =	vld [tilespmem:s1+$0x12C60]  }
0x15c: {  	v1 =	vld [tilespmem:s1+$0x12C70];
	[tilespmem:s1+$0x12C40] =	vst v4  }
0x15d: {  	v6 =	vld [tilespmem:s9+$0x9690]  }
0x15e: {  	v5 =	vld [tilespmem:s9+$0x9990]  }
0x15f: {  	v7 =	vld [tilespmem:s9+$0x96D0]  }
0x160: {  	v8 =	vld [tilespmem:s9+$0x9610]  }
0x161: {  	v9 =	vld [tilespmem:s9+$0x9710]  }
0x162: {  	v10 =	vld [tilespmem:s9+$0x9650]  }
0x163: {  	v11 =	vld [tilespmem:s9+$0x9750]  }
0x164: {  	v12 =	vld [tilespmem:s9+$0x9790]  }
0x165: {  	v13 =	vld [tilespmem:s9+$0x9810];
	v6 =	vadd.f32 v6, v8  }
0x166: {  	v8 =	vld [tilespmem:s9+$0x97D0]  }
0x167: {  	v7 =	vadd.f32 v7, v10;
	v14 =	vadd.f32 v9, v6;
	v6 =	vld [tilespmem:s9+$0x9850]  }
0x168: {  	v9 =	vld [tilespmem:s9+$0x9890]  }
0x169: {  	v10 =	vld [tilespmem:s9+$0x9910];
	v12 =	vadd.f32 v12, v14;
	v14 =	vadd.f32 v11, v7  }
0x16a: {  	v7 =	vld [tilespmem:s9+$0x98D0]  }
0x16b: {  	s11 =	simm.s32 $0x1900;
	v11 =	vadd.f32 v13, v12;
	v12 =	vadd.f32 v8, v14;
	v8 =	vld [tilespmem:s9+$0x9950]  }
.LBB2_7:
0x16c: {  	p1 =	sne.s32 s11, $0xAF00;
	s12 =	smov.u32 s11;
	s11 =	sadd.s32 $0x1900, s11  }
0x16d: {  	v9 =	vadd.f32 v9, v11;
	v6 =	vadd.f32 v6, v12;
	v11 =	vld [tilespmem:s9+$0x99D0]  }
0x16e: {  	v12 =	vld [tilespmem:s9+$0x9A10]  }
0x16f: {  	v9 =	vadd.f32 v10, v9;
	v6 =	vadd.f32 v7, v6;
	v7 =	vld [tilespmem:s9+$0x9A50]  }
0x170: {  	v10 =	vld [tilespmem:s9+$0x9A90]  }
0x171: {  	v5 =	vadd.f32 v5, v9;
	v6 =	vadd.f32 v8, v6;
	v8 =	vld [tilespmem:s9+$0x9AD0]  }
0x172: {  	v9 =	vld [tilespmem:s9+$0x9B10]  }
0x173: {  	v5 =	vadd.f32 v12, v5;
	v6 =	vadd.f32 v11, v6;
	v11 =	vld [tilespmem:s9+$0x9B50]  }
0x174: {  	v12 =	vld [tilespmem:s9+$0x9B90]  }
0x175: {  	s12 =	sshra.s32 s12, $0x2;
	v5 =	vadd.f32 v10, v5;
	v6 =	vadd.f32 v7, v6;
	v7 =	vld [tilespmem:s9+$0x9BD0]  }
0x176: {  	v10 =	vld [tilespmem:s9+$0x9C10]  }
0x177: {  	v5 =	vadd.f32 v9, v5;
	v6 =	vadd.f32 v8, v6;
	_ =	sdelay $0x1  }
0x178: {  	v5 =	vadd.f32 v12, v5;
	v6 =	vadd.f32 v11, v6;
	_ =	sdelay $0x1  }
0x179: {  	v5 =	vadd.f32 v10, v5;
	v6 =	vadd.f32 v7, v6;
	_ =	sdelay $0x1  }
0x17a: {  	v5 =	vadd.f32 v6, v5;
	_ =	sdelay $0x1  }
0x17b: {  	v3 =	vadd.f32 v5, v3;
	_ =	sdelay $0x1  }
0x17c: {  	[tilespmem:s1+$0x12C50] =	vst v3  }
0x17d: {  	v5 =	vld [tilespmem:s9+$0x96E0]  }
0x17e: {  	v6 =	vld [tilespmem:s9+$0x96A0]  }
0x17f: {  	v7 =	vld [tilespmem:s9+$0x9620]  }
0x180: {  	v8 =	vld [tilespmem:s9+$0x9660]  }
0x181: {  	v9 =	vld [tilespmem:s9+$0x9720]  }
0x182: {  	v10 =	vld [tilespmem:s9+$0x9760]  }
0x183: {  	v11 =	vld [tilespmem:s9+$0x97A0]  }
0x184: {  	v6 =	vadd.f32 v6, v7;
	v7 =	vld [tilespmem:s9+$0x97E0]  }
0x185: {  	v12 =	vld [tilespmem:s9+$0x9820];
	v5 =	vadd.f32 v5, v8  }
0x186: {  	v6 =	vadd.f32 v9, v6;
	v8 =	vld [tilespmem:s9+$0x9860]  }
0x187: {  	v9 =	vld [tilespmem:s9+$0x98A0];
	v5 =	vadd.f32 v10, v5  }
0x188: {  	v6 =	vadd.f32 v11, v6;
	v10 =	vld [tilespmem:s9+$0x98E0]  }
0x189: {  	v11 =	vld [tilespmem:s9+$0x9920];
	v5 =	vadd.f32 v7, v5  }
0x18a: {  	v6 =	vadd.f32 v12, v6;
	v7 =	vld [tilespmem:s9+$0x9960]  }
0x18b: {  	v12 =	vld [tilespmem:s9+$0x99A0];
	v5 =	vadd.f32 v8, v5  }
0x18c: {  	v6 =	vadd.f32 v9, v6;
	v8 =	vld [tilespmem:s9+$0x99E0]  }
0x18d: {  	v9 =	vld [tilespmem:s9+$0x9A20];
	v5 =	vadd.f32 v10, v5  }
0x18e: {  	v6 =	vadd.f32 v11, v6;
	v10 =	vld [tilespmem:s9+$0x9A60]  }
0x18f: {  	v11 =	vld [tilespmem:s9+$0x9AA0];
	v5 =	vadd.f32 v7, v5  }
0x190: {  	v6 =	vadd.f32 v12, v6;
	v7 =	vld [tilespmem:s9+$0x9AE0]  }
0x191: {  	v12 =	vld [tilespmem:s9+$0x9B20];
	v5 =	vadd.f32 v8, v5  }
0x192: {  	v6 =	vadd.f32 v9, v6;
	v8 =	vld [tilespmem:s9+$0x9B60]  }
0x193: {  	v9 =	vld [tilespmem:s9+$0x9BA0];
	v5 =	vadd.f32 v10, v5  }
0x194: {  	v6 =	vadd.f32 v11, v6;
	v10 =	vld [tilespmem:s9+$0x9BE0]  }
0x195: {  	v11 =	vld [tilespmem:s9+$0x9C20];
	v5 =	vadd.f32 v7, v5  }
0x196: {  	v6 =	vadd.f32 v12, v6  }
0x197: {  	v5 =	vadd.f32 v8, v5  }
0x198: {  	v6 =	vadd.f32 v9, v6;
	_ =	sdelay $0x1  }
0x199: {  	v5 =	vadd.f32 v10, v5;
	v6 =	vadd.f32 v11, v6;
	_ =	sdelay $0x1  }
0x19a: {  	v5 =	vadd.f32 v5, v6;
	_ =	sdelay $0x1  }
0x19b: {  	v2 =	vadd.f32 v5, v2;
	_ =	sdelay $0x1  }
0x19c: {  	[tilespmem:s1+$0x12C60] =	vst v2  }
0x19d: {  	v5 =	vld [tilespmem:s9+$0x9630]  }
0x19e: {  	v6 =	vld [tilespmem:s9+$0x96B0]  }
0x19f: {  	v7 =	vld [tilespmem:s9+$0x9730]  }
0x1a0: {  	v8 =	vld [tilespmem:s9+$0x96F0]  }
0x1a1: {  	v9 =	vld [tilespmem:s9+$0x9670]  }
0x1a2: {  	v10 =	vld [tilespmem:s9+$0x97B0]  }
0x1a3: {  	v5 =	vadd.f32 v6, v5;
	v6 =	vld [tilespmem:s9+$0x9770]  }
0x1a4: {  	v11 =	vld [tilespmem:s9+$0x9830]  }
0x1a5: {  	v5 =	vadd.f32 v7, v5;
	v7 =	vld [tilespmem:s9+$0x97F0]  }
0x1a6: {  	v12 =	vld [tilespmem:s9+$0x98B0];
	v8 =	vadd.f32 v8, v9  }
0x1a7: {  	v5 =	vadd.f32 v10, v5;
	v9 =	vld [tilespmem:s9+$0x9870]  }
0x1a8: {  	v10 =	vld [tilespmem:s9+$0x9930];
	v6 =	vadd.f32 v6, v8  }
0x1a9: {  	v5 =	vadd.f32 v11, v5;
	v8 =	vld [tilespmem:s9+$0x98F0]  }
0x1aa: {  	v11 =	vld [tilespmem:s9+$0x99B0];
	v6 =	vadd.f32 v7, v6  }
0x1ab: {  	v5 =	vadd.f32 v12, v5;
	v7 =	vld [tilespmem:s9+$0x9970]  }
0x1ac: {  	v12 =	vld [tilespmem:s9+$0x9A30];
	v6 =	vadd.f32 v9, v6  }
0x1ad: {  	v5 =	vadd.f32 v10, v5;
	v9 =	vld [tilespmem:s9+$0x99F0]  }
0x1ae: {  	v10 =	vld [tilespmem:s9+$0x9AB0];
	v6 =	vadd.f32 v8, v6  }
0x1af: {  	v5 =	vadd.f32 v11, v5;
	v8 =	vld [tilespmem:s9+$0x9A70]  }
0x1b0: {  	v11 =	vld [tilespmem:s9+$0x9B30];
	v6 =	vadd.f32 v7, v6  }
0x1b1: {  	v5 =	vadd.f32 v12, v5;
	v7 =	vld [tilespmem:s9+$0x9AF0]  }
0x1b2: {  	v12 =	vld [tilespmem:s9+$0x9BB0];
	v6 =	vadd.f32 v9, v6  }
0x1b3: {  	v5 =	vadd.f32 v10, v5;
	v9 =	vld [tilespmem:s9+$0x9B70]  }
0x1b4: {  	v10 =	vld [tilespmem:s9+$0x9C30];
	v6 =	vadd.f32 v8, v6  }
0x1b5: {  	v5 =	vadd.f32 v11, v5;
	v8 =	vld [tilespmem:s9+$0x9BF0];
	s9 =	smov.u32 s12  }
0x1b6: {  	v6 =	vadd.f32 v7, v6  }
0x1b7: {  	v5 =	vadd.f32 v12, v5  }
0x1b8: {  	v6 =	vadd.f32 v9, v6;
	_ =	sdelay $0x1  }
0x1b9: {  	v5 =	vadd.f32 v10, v5;
	v6 =	vadd.f32 v8, v6;
	_ =	sdelay $0x1  }
0x1ba: {  	v5 =	vadd.f32 v6, v5;
	_ =	sdelay $0x1  }
0x1bb: {  	v1 =	vadd.f32 v5, v1;
	_ =	sdelay $0x1  }
0x1bc: {  	[tilespmem:s1+$0x12C70] =	vst v1  }
0x1bd: {  	v5 =	vld [tilespmem:s9+$0x9680]  }
0x1be: {  	v6 =	vld [tilespmem:s9+$0x96C0]  }
0x1bf: {  	v7 =	vld [tilespmem:s9+$0x9600]  }
0x1c0: {  	v8 =	vld [tilespmem:s9+$0x9700]  }
0x1c1: {  	v9 =	vld [tilespmem:s9+$0x9640]  }
0x1c2: {  	v10 =	vld [tilespmem:s9+$0x9740]  }
0x1c3: {  	v11 =	vld [tilespmem:s9+$0x9780]  }
0x1c4: {  	v5 =	vadd.f32 v5, v7;
	v7 =	vld [tilespmem:s9+$0x97C0]  }
0x1c5: {  	v12 =	vld [tilespmem:s9+$0x9800]  }
0x1c6: {  	v5 =	vadd.f32 v8, v5;
	v6 =	vadd.f32 v6, v9;
	v8 =	vld [tilespmem:s9+$0x9840]  }
0x1c7: {  	v9 =	vld [tilespmem:s9+$0x9880]  }
0x1c8: {  	v5 =	vadd.f32 v11, v5;
	v6 =	vadd.f32 v10, v6;
	v10 =	vld [tilespmem:s9+$0x98C0]  }
0x1c9: {  	v11 =	vld [tilespmem:s9+$0x9900]  }
0x1ca: {  	v5 =	vadd.f32 v12, v5;
	v6 =	vadd.f32 v7, v6;
	v7 =	vld [tilespmem:s9+$0x9940]  }
0x1cb: {  	v12 =	vld [tilespmem:s9+$0x9980]  }
0x1cc: {  	v5 =	vadd.f32 v9, v5;
	v6 =	vadd.f32 v8, v6;
	v8 =	vld [tilespmem:s9+$0x99C0]  }
0x1cd: {  	v9 =	vld [tilespmem:s9+$0x9A00]  }
0x1ce: {  	v5 =	vadd.f32 v11, v5;
	v6 =	vadd.f32 v10, v6;
	v10 =	vld [tilespmem:s9+$0x9A40]  }
0x1cf: {  	v11 =	vld [tilespmem:s9+$0x9A80]  }
0x1d0: {  	v5 =	vadd.f32 v12, v5;
	v6 =	vadd.f32 v7, v6;
	v7 =	vld [tilespmem:s9+$0x9AC0]  }
0x1d1: {  	v12 =	vld [tilespmem:s9+$0x9B00]  }
0x1d2: {  	v5 =	vadd.f32 v9, v5;
	v6 =	vadd.f32 v8, v6;
	v8 =	vld [tilespmem:s9+$0x9B40]  }
0x1d3: {  	v9 =	vld [tilespmem:s9+$0x9B80]  }
0x1d4: {  	v5 =	vadd.f32 v11, v5;
	v6 =	vadd.f32 v10, v6;
	v10 =	vld [tilespmem:s9+$0x9BC0]  }
0x1d5: {  	v11 =	vld [tilespmem:s9+$0x9C00]  }
0x1d6: {  	v5 =	vadd.f32 v12, v5;
	v6 =	vadd.f32 v7, v6;
	_ =	sdelay $0x1  }
0x1d7: {  	v5 =	vadd.f32 v9, v5;
	v6 =	vadd.f32 v8, v6;
	_ =	sdelay $0x1  }
0x1d8: {  	v5 =	vadd.f32 v11, v5;
	v6 =	vadd.f32 v10, v6;
	_ =	sdelay $0x1  }
0x1d9: {  	v5 =	vadd.f32 v6, v5;
	_ =	sdelay $0x1  }
0x1da: {  	v4 =	vadd.f32 v5, v4;
	_ =	sdelay $0x1  }
0x1db: {  	[tilespmem:s1+$0x12C40] =	vst v4  }
0x1dc: {  	v6 =	vld [tilespmem:s9+$0x9690]  }
0x1dd: {  	v5 =	vld [tilespmem:s9+$0x9990]  }
0x1de: {  	v7 =	vld [tilespmem:s9+$0x96D0]  }
0x1df: {  	v8 =	vld [tilespmem:s9+$0x9610]  }
0x1e0: {  	v9 =	vld [tilespmem:s9+$0x9710]  }
0x1e1: {  	v10 =	vld [tilespmem:s9+$0x9650]  }
0x1e2: {  	v11 =	vld [tilespmem:s9+$0x9750]  }
0x1e3: {  	v12 =	vld [tilespmem:s9+$0x9790]  }
0x1e4: {  	v6 =	vadd.f32 v6, v8;
	v8 =	vld [tilespmem:s9+$0x97D0]  }
0x1e5: {  	v13 =	vld [tilespmem:s9+$0x9810]  }
.Ltmp4:
0x1e6: {  	v14 =	vadd.f32 v9, v6;
	v7 =	vadd.f32 v7, v10;
	v6 =	vld [tilespmem:s9+$0x9850];
	(pc) =	sbr.rel @p1 .LBB2_7-.Ltmp4, $4  }
0x1e7: {  	v9 =	vld [tilespmem:s9+$0x9890]  }
0x1e8: {  	v12 =	vadd.f32 v12, v14;
	v14 =	vadd.f32 v11, v7;
	v7 =	vld [tilespmem:s9+$0x98D0]  }
0x1e9: {  	v10 =	vld [tilespmem:s9+$0x9910]  }
0x1ea: {  	v11 =	vadd.f32 v13, v12;
	v12 =	vadd.f32 v8, v14;
	v8 =	vld [tilespmem:s9+$0x9950]  }
0x1eb: {  	_ = 	snop  }
0x1ec: {  	v4 =	vadd.f32 v9, v11;
	v6 =	vadd.f32 v6, v12;
	v9 =	vld [tilespmem:s9+$0x99D0]  }
0x1ed: {  	v11 =	vld [tilespmem:s9+$0x9A10]  }
0x1ee: {  	v4 =	vadd.f32 v10, v4;
	v6 =	vadd.f32 v7, v6;
	v7 =	vld [tilespmem:s9+$0x9A50]  }
0x1ef: {  	v10 =	vld [tilespmem:s9+$0x9A90]  }
0x1f0: {  	v4 =	vadd.f32 v5, v4;
	v5 =	vadd.f32 v8, v6;
	v6 =	vld [tilespmem:s9+$0x9AD0]  }
0x1f1: {  	v8 =	vld [tilespmem:s9+$0x9B10]  }
0x1f2: {  	v4 =	vadd.f32 v11, v4;
	v5 =	vadd.f32 v9, v5;
	v9 =	vld [tilespmem:s9+$0x9B50]  }
0x1f3: {  	v11 =	vld [tilespmem:s9+$0x9B90]  }
0x1f4: {  	v4 =	vadd.f32 v10, v4;
	v5 =	vadd.f32 v7, v5;
	v7 =	vld [tilespmem:s9+$0x9BD0]  }
0x1f5: {  	v10 =	vld [tilespmem:s9+$0x9C10]  }
0x1f6: {  	v4 =	vadd.f32 v8, v4;
	v5 =	vadd.f32 v6, v5;
	_ =	sdelay $0x1  }
0x1f7: {  	v4 =	vadd.f32 v11, v4;
	v5 =	vadd.f32 v9, v5;
	_ =	sdelay $0x1  }
0x1f8: {  	v4 =	vadd.f32 v10, v4;
	v5 =	vadd.f32 v7, v5;
	_ =	sdelay $0x1  }
0x1f9: {  	v4 =	vadd.f32 v5, v4;
	_ =	sdelay $0x1  }
0x1fa: {  	v3 =	vadd.f32 v4, v3;
	_ =	sdelay $0x1  }
0x1fb: {  	[tilespmem:s1+$0x12C50] =	vst v3  }
0x1fc: {  	v3 =	vld [tilespmem:s9+$0x96E0]  }
0x1fd: {  	v4 =	vld [tilespmem:s9+$0x96A0]  }
0x1fe: {  	v5 =	vld [tilespmem:s9+$0x9620]  }
0x1ff: {  	v6 =	vld [tilespmem:s9+$0x9660]  }
0x200: {  	v7 =	vld [tilespmem:s9+$0x9720]  }
0x201: {  	v8 =	vld [tilespmem:s9+$0x9760]  }
0x202: {  	v9 =	vld [tilespmem:s9+$0x97A0]  }
0x203: {  	v10 =	vld [tilespmem:s9+$0x9820];
	v4 =	vadd.f32 v4, v5  }
0x204: {  	v5 =	vld [tilespmem:s9+$0x97E0]  }
0x205: {  	v3 =	vadd.f32 v3, v6;
	v6 =	vld [tilespmem:s9+$0x9860];
	v4 =	vadd.f32 v7, v4  }
0x206: {  	v7 =	vld [tilespmem:s9+$0x98A0]  }
0x207: {  	v3 =	vadd.f32 v8, v3;
	v8 =	vld [tilespmem:s9+$0x98E0];
	v4 =	vadd.f32 v9, v4  }
0x208: {  	v9 =	vld [tilespmem:s9+$0x9920]  }
0x209: {  	v3 =	vadd.f32 v5, v3;
	v5 =	vld [tilespmem:s9+$0x9960];
	v4 =	vadd.f32 v10, v4  }
0x20a: {  	v10 =	vld [tilespmem:s9+$0x99A0]  }
0x20b: {  	v3 =	vadd.f32 v6, v3;
	v6 =	vld [tilespmem:s9+$0x99E0];
	v4 =	vadd.f32 v7, v4  }
0x20c: {  	v7 =	vld [tilespmem:s9+$0x9A20]  }
0x20d: {  	v3 =	vadd.f32 v8, v3;
	v8 =	vld [tilespmem:s9+$0x9A60];
	v4 =	vadd.f32 v9, v4  }
0x20e: {  	v9 =	vld [tilespmem:s9+$0x9AA0]  }
0x20f: {  	v3 =	vadd.f32 v5, v3;
	v5 =	vld [tilespmem:s9+$0x9AE0];
	v4 =	vadd.f32 v10, v4  }
0x210: {  	v10 =	vld [tilespmem:s9+$0x9B20]  }
0x211: {  	v3 =	vadd.f32 v6, v3;
	v6 =	vld [tilespmem:s9+$0x9B60];
	v4 =	vadd.f32 v7, v4  }
0x212: {  	v7 =	vld [tilespmem:s9+$0x9BA0]  }
0x213: {  	v3 =	vadd.f32 v8, v3;
	v8 =	vld [tilespmem:s9+$0x9BE0];
	v4 =	vadd.f32 v9, v4  }
0x214: {  	v9 =	vld [tilespmem:s9+$0x9C20]  }
0x215: {  	v3 =	vadd.f32 v5, v3;
	v4 =	vadd.f32 v10, v4;
	_ =	sdelay $0x1  }
0x216: {  	v3 =	vadd.f32 v6, v3;
	v4 =	vadd.f32 v7, v4;
	_ =	sdelay $0x1  }
0x217: {  	v3 =	vadd.f32 v8, v3;
	v4 =	vadd.f32 v9, v4;
	_ =	sdelay $0x1  }
0x218: {  	v3 =	vadd.f32 v3, v4;
	_ =	sdelay $0x1  }
0x219: {  	v2 =	vadd.f32 v3, v2;
	_ =	sdelay $0x1  }
0x21a: {  	[tilespmem:s1+$0x12C60] =	vst v2  }
0x21b: {  	v2 =	vld [tilespmem:s9+$0x9630]  }
0x21c: {  	v3 =	vld [tilespmem:s9+$0x96B0]  }
0x21d: {  	v4 =	vld [tilespmem:s9+$0x9730]  }
0x21e: {  	v5 =	vld [tilespmem:s9+$0x96F0]  }
0x21f: {  	v6 =	vld [tilespmem:s9+$0x9670]  }
0x220: {  	v7 =	vld [tilespmem:s9+$0x97B0]  }
0x221: {  	v8 =	vld [tilespmem:s9+$0x9770]  }
0x222: {  	v9 =	vld [tilespmem:s9+$0x97F0];
	v2 =	vadd.f32 v3, v2  }
0x223: {  	v3 =	vld [tilespmem:s9+$0x9830]  }
0x224: {  	v5 =	vadd.f32 v5, v6;
	v6 =	vld [tilespmem:s9+$0x9870];
	v2 =	vadd.f32 v4, v2  }
0x225: {  	v4 =	vld [tilespmem:s9+$0x98B0]  }
0x226: {  	v5 =	vadd.f32 v8, v5;
	v8 =	vld [tilespmem:s9+$0x98F0];
	v2 =	vadd.f32 v7, v2  }
0x227: {  	v7 =	vld [tilespmem:s9+$0x9930]  }
0x228: {  	v5 =	vadd.f32 v9, v5;
	v9 =	vld [tilespmem:s9+$0x9970];
	v2 =	vadd.f32 v3, v2  }
0x229: {  	v3 =	vld [tilespmem:s9+$0x99B0]  }
0x22a: {  	v5 =	vadd.f32 v6, v5;
	v6 =	vld [tilespmem:s9+$0x99F0];
	v2 =	vadd.f32 v4, v2  }
0x22b: {  	v4 =	vld [tilespmem:s9+$0x9A30]  }
0x22c: {  	v5 =	vadd.f32 v8, v5;
	v8 =	vld [tilespmem:s9+$0x9A70];
	v2 =	vadd.f32 v7, v2  }
0x22d: {  	v7 =	vld [tilespmem:s9+$0x9AB0]  }
0x22e: {  	v5 =	vadd.f32 v9, v5;
	v9 =	vld [tilespmem:s9+$0x9AF0];
	v2 =	vadd.f32 v3, v2  }
0x22f: {  	v3 =	vld [tilespmem:s9+$0x9B30]  }
0x230: {  	v5 =	vadd.f32 v6, v5;
	v6 =	vld [tilespmem:s9+$0x9B70];
	v2 =	vadd.f32 v4, v2  }
0x231: {  	v4 =	vld [tilespmem:s9+$0x9BB0]  }
0x232: {  	v5 =	vadd.f32 v8, v5;
	v8 =	vld [tilespmem:s9+$0x9BF0];
	v2 =	vadd.f32 v7, v2  }
0x233: {  	v7 =	vld [tilespmem:s9+$0x9C30]  }
0x234: {  	v2 =	vadd.f32 v3, v2;
	v3 =	vadd.f32 v9, v5;
	_ =	sdelay $0x1  }
0x235: {  	v2 =	vadd.f32 v4, v2;
	v3 =	vadd.f32 v6, v3;
	_ =	sdelay $0x1  }
0x236: {  	v2 =	vadd.f32 v7, v2;
	v3 =	vadd.f32 v8, v3;
	_ =	sdelay $0x1  }
0x237: {  	v2 =	vadd.f32 v3, v2;
	_ =	sdelay $0x1  }
0x238: {  	v1 =	vadd.f32 v2, v1;
	_ =	sdelay $0x1  }
0x239: {  	s11 =	simm.s32 @!p0 $0x78;
	s12 =	simm.s32 @!p0 $0x9600;
	s9 =	sadd.s32 @!p0 $0x3E8, s0;
	[tilespmem:s1+$0x12C70] =	vst v1  }
0x23a: {  	[tilespmem:s12], [sflag:$0x2] =	stream.indirect.gather @!p0 [hbm4b:s3+s11], $0x40, s9, s11, $0xb8;
	[tilespmem:$0x14C00] =	vst v63  }
0x23b: {  	s9 =	sadd.s32 @!p0 $0x460, s0;
	s11 =	simm.s32 @!p0 $0x50;
	s12 =	simm.s32 @!p0 $0xB400  }
0x23c: {  	[tilespmem:s12], [sflag:$0x2] =	stream.indirect.gather @!p0 [hbm4b:s3+s11], $0x40, s9, s11, $0xb8;
	[tilespmem:$0x14C00] =	vst v63  }
0x23d: {  	_ =	swait.ge [sflag:s26], $0x3200  }
0x23e: {  	[sflag:s26] =	ssyncset.done $0x0  }
0x23f: {  	s9 =	simm.s32 $0x0;
	[sflag:s26] =	ssyncadd.s32 $0xFFFFCE00  }
0x240: {  	v1 =	vld [tilespmem:s9+$0xC880]  }
0x241: {  	v2 =	vld [tilespmem:s9+$0xC8C0]  }
0x242: {  	v3 =	vld [tilespmem:s9+$0xC800]  }
0x243: {  	v4 =	vld [tilespmem:s9+$0xC900]  }
0x244: {  	v5 =	vld [tilespmem:s9+$0xC840]  }
0x245: {  	v6 =	vld [tilespmem:s9+$0xC940]  }
0x246: {  	v7 =	vld [tilespmem:s9+$0xC980]  }
0x247: {  	v8 =	vld [tilespmem:s9+$0xCA00];
	v1 =	vadd.f32 v1, v3  }
0x248: {  	v3 =	vld [tilespmem:s9+$0xC9C0]  }
0x249: {  	v2 =	vadd.f32 v2, v5;
	v5 =	vld [tilespmem:s9+$0xCA80];
	v1 =	vadd.f32 v4, v1  }
0x24a: {  	v4 =	vld [tilespmem:s9+$0xCA40]  }
0x24b: {  	v2 =	vadd.f32 v6, v2;
	v6 =	vld [tilespmem:s9+$0xCAC0];
	v1 =	vadd.f32 v7, v1  }
0x24c: {  	v7 =	vld [tilespmem:s9+$0xCB00]  }
0x24d: {  	v2 =	vadd.f32 v3, v2;
	v3 =	vld [tilespmem:s9+$0xCB40];
	v1 =	vadd.f32 v8, v1  }
0x24e: {  	v8 =	vld [tilespmem:s9+$0xCB80]  }
0x24f: {  	v2 =	vadd.f32 v4, v2;
	v4 =	vld [tilespmem:s9+$0xCBC0];
	v1 =	vadd.f32 v5, v1  }
0x250: {  	v5 =	vld [tilespmem:s9+$0xCC00]  }
0x251: {  	v2 =	vadd.f32 v6, v2;
	v6 =	vld [tilespmem:s9+$0xCC40];
	v1 =	vadd.f32 v7, v1  }
0x252: {  	v7 =	vld [tilespmem:s9+$0xCC80]  }
0x253: {  	v2 =	vadd.f32 v3, v2;
	v3 =	vld [tilespmem:s9+$0xCCC0];
	v1 =	vadd.f32 v8, v1  }
0x254: {  	v8 =	vld [tilespmem:s9+$0xCD00]  }
0x255: {  	v2 =	vadd.f32 v4, v2;
	v4 =	vld [tilespmem:s9+$0xCD40];
	v1 =	vadd.f32 v5, v1  }
0x256: {  	v5 =	vld [tilespmem:s9+$0xCD80]  }
0x257: {  	v2 =	vadd.f32 v6, v2;
	v6 =	vld [tilespmem:s9+$0xCDC0];
	v1 =	vadd.f32 v7, v1  }
0x258: {  	v7 =	vld [tilespmem:s9+$0xCE00]  }
0x259: {  	v2 =	vadd.f32 v3, v2;
	v1 =	vadd.f32 v8, v1;
	_ =	sdelay $0x1  }
0x25a: {  	v2 =	vadd.f32 v4, v2;
	v1 =	vadd.f32 v5, v1  }
0x25b: {  	v4 =	vld [tilespmem:s1+$0x12C80]  }
0x25c: {  	v2 =	vadd.f32 v6, v2;
	v1 =	vadd.f32 v7, v1;
	_ =	sdelay $0x1  }
0x25d: {  	v1 =	vadd.f32 v2, v1;
	_ =	sdelay $0x1  }
0x25e: {  	v3 =	vld [tilespmem:s1+$0x12C90];
	v4 =	vadd.f32 v1, v4  }
0x25f: {  	v2 =	vld [tilespmem:s1+$0x12CA0]  }
0x260: {  	v1 =	vld [tilespmem:s1+$0x12CB0];
	[tilespmem:s1+$0x12C80] =	vst v4  }
0x261: {  	v6 =	vld [tilespmem:s9+$0xC890]  }
0x262: {  	v5 =	vld [tilespmem:s9+$0xCB90]  }
0x263: {  	v7 =	vld [tilespmem:s9+$0xC8D0]  }
0x264: {  	v8 =	vld [tilespmem:s9+$0xC810]  }
0x265: {  	v9 =	vld [tilespmem:s9+$0xC910]  }
0x266: {  	v10 =	vld [tilespmem:s9+$0xC850]  }
0x267: {  	v11 =	vld [tilespmem:s9+$0xC950]  }
0x268: {  	v12 =	vld [tilespmem:s9+$0xC990]  }
0x269: {  	v13 =	vld [tilespmem:s9+$0xCA10];
	v6 =	vadd.f32 v6, v8  }
0x26a: {  	v8 =	vld [tilespmem:s9+$0xC9D0]  }
0x26b: {  	v7 =	vadd.f32 v7, v10;
	v14 =	vadd.f32 v9, v6;
	v6 =	vld [tilespmem:s9+$0xCA50]  }
0x26c: {  	v9 =	vld [tilespmem:s9+$0xCA90]  }
0x26d: {  	v10 =	vld [tilespmem:s9+$0xCB10];
	v12 =	vadd.f32 v12, v14;
	v14 =	vadd.f32 v11, v7  }
0x26e: {  	v7 =	vld [tilespmem:s9+$0xCAD0]  }
0x26f: {  	s11 =	simm.s32 $0x1900;
	v11 =	vadd.f32 v13, v12;
	v12 =	vadd.f32 v8, v14;
	v8 =	vld [tilespmem:s9+$0xCB50]  }
.LBB2_9:
0x270: {  	p1 =	sne.s32 s11, $0xAF00;
	s12 =	smov.u32 s11;
	s11 =	sadd.s32 $0x1900, s11  }
0x271: {  	v9 =	vadd.f32 v9, v11;
	v6 =	vadd.f32 v6, v12;
	v11 =	vld [tilespmem:s9+$0xCBD0]  }
0x272: {  	v12 =	vld [tilespmem:s9+$0xCC10]  }
0x273: {  	v9 =	vadd.f32 v10, v9;
	v6 =	vadd.f32 v7, v6;
	v7 =	vld [tilespmem:s9+$0xCC50]  }
0x274: {  	v10 =	vld [tilespmem:s9+$0xCC90]  }
0x275: {  	v5 =	vadd.f32 v5, v9;
	v6 =	vadd.f32 v8, v6;
	v8 =	vld [tilespmem:s9+$0xCCD0]  }
0x276: {  	v9 =	vld [tilespmem:s9+$0xCD10]  }
0x277: {  	v5 =	vadd.f32 v12, v5;
	v6 =	vadd.f32 v11, v6;
	v11 =	vld [tilespmem:s9+$0xCD50]  }
0x278: {  	v12 =	vld [tilespmem:s9+$0xCD90]  }
0x279: {  	s12 =	sshra.s32 s12, $0x2;
	v5 =	vadd.f32 v10, v5;
	v6 =	vadd.f32 v7, v6;
	v7 =	vld [tilespmem:s9+$0xCDD0]  }
0x27a: {  	v10 =	vld [tilespmem:s9+$0xCE10]  }
0x27b: {  	v5 =	vadd.f32 v9, v5;
	v6 =	vadd.f32 v8, v6;
	_ =	sdelay $0x1  }
0x27c: {  	v5 =	vadd.f32 v12, v5;
	v6 =	vadd.f32 v11, v6;
	_ =	sdelay $0x1  }
0x27d: {  	v5 =	vadd.f32 v10, v5;
	v6 =	vadd.f32 v7, v6;
	_ =	sdelay $0x1  }
0x27e: {  	v5 =	vadd.f32 v6, v5;
	_ =	sdelay $0x1  }
0x27f: {  	v3 =	vadd.f32 v5, v3;
	_ =	sdelay $0x1  }
0x280: {  	[tilespmem:s1+$0x12C90] =	vst v3  }
0x281: {  	v5 =	vld [tilespmem:s9+$0xC8E0]  }
0x282: {  	v6 =	vld [tilespmem:s9+$0xC8A0]  }
0x283: {  	v7 =	vld [tilespmem:s9+$0xC820]  }
0x284: {  	v8 =	vld [tilespmem:s9+$0xC860]  }
0x285: {  	v9 =	vld [tilespmem:s9+$0xC920]  }
0x286: {  	v10 =	vld [tilespmem:s9+$0xC960]  }
0x287: {  	v11 =	vld [tilespmem:s9+$0xC9A0]  }
0x288: {  	v6 =	vadd.f32 v6, v7;
	v7 =	vld [tilespmem:s9+$0xC9E0]  }
0x289: {  	v12 =	vld [tilespmem:s9+$0xCA20];
	v5 =	vadd.f32 v5, v8  }
0x28a: {  	v6 =	vadd.f32 v9, v6;
	v8 =	vld [tilespmem:s9+$0xCA60]  }
0x28b: {  	v9 =	vld [tilespmem:s9+$0xCAA0];
	v5 =	vadd.f32 v10, v5  }
0x28c: {  	v6 =	vadd.f32 v11, v6;
	v10 =	vld [tilespmem:s9+$0xCAE0]  }
0x28d: {  	v11 =	vld [tilespmem:s9+$0xCB20];
	v5 =	vadd.f32 v7, v5  }
0x28e: {  	v6 =	vadd.f32 v12, v6;
	v7 =	vld [tilespmem:s9+$0xCB60]  }
0x28f: {  	v12 =	vld [tilespmem:s9+$0xCBA0];
	v5 =	vadd.f32 v8, v5  }
0x290: {  	v6 =	vadd.f32 v9, v6;
	v8 =	vld [tilespmem:s9+$0xCBE0]  }
0x291: {  	v9 =	vld [tilespmem:s9+$0xCC20];
	v5 =	vadd.f32 v10, v5  }
0x292: {  	v6 =	vadd.f32 v11, v6;
	v10 =	vld [tilespmem:s9+$0xCC60]  }
0x293: {  	v11 =	vld [tilespmem:s9+$0xCCA0];
	v5 =	vadd.f32 v7, v5  }
0x294: {  	v6 =	vadd.f32 v12, v6;
	v7 =	vld [tilespmem:s9+$0xCCE0]  }
0x295: {  	v12 =	vld [tilespmem:s9+$0xCD20];
	v5 =	vadd.f32 v8, v5  }
0x296: {  	v6 =	vadd.f32 v9, v6;
	v8 =	vld [tilespmem:s9+$0xCD60]  }
0x297: {  	v9 =	vld [tilespmem:s9+$0xCDA0];
	v5 =	vadd.f32 v10, v5  }
0x298: {  	v6 =	vadd.f32 v11, v6;
	v10 =	vld [tilespmem:s9+$0xCDE0]  }
0x299: {  	v11 =	vld [tilespmem:s9+$0xCE20];
	v5 =	vadd.f32 v7, v5  }
0x29a: {  	v6 =	vadd.f32 v12, v6  }
0x29b: {  	v5 =	vadd.f32 v8, v5  }
0x29c: {  	v6 =	vadd.f32 v9, v6;
	_ =	sdelay $0x1  }
0x29d: {  	v5 =	vadd.f32 v10, v5;
	v6 =	vadd.f32 v11, v6;
	_ =	sdelay $0x1  }
0x29e: {  	v5 =	vadd.f32 v5, v6;
	_ =	sdelay $0x1  }
0x29f: {  	v2 =	vadd.f32 v5, v2;
	_ =	sdelay $0x1  }
0x2a0: {  	[tilespmem:s1+$0x12CA0] =	vst v2  }
0x2a1: {  	v5 =	vld [tilespmem:s9+$0xC830]  }
0x2a2: {  	v6 =	vld [tilespmem:s9+$0xC8B0]  }
0x2a3: {  	v7 =	vld [tilespmem:s9+$0xC930]  }
0x2a4: {  	v8 =	vld [tilespmem:s9+$0xC8F0]  }
0x2a5: {  	v9 =	vld [tilespmem:s9+$0xC870]  }
0x2a6: {  	v10 =	vld [tilespmem:s9+$0xC9B0]  }
0x2a7: {  	v5 =	vadd.f32 v6, v5;
	v6 =	vld [tilespmem:s9+$0xC970]  }
0x2a8: {  	v11 =	vld [tilespmem:s9+$0xCA30]  }
0x2a9: {  	v5 =	vadd.f32 v7, v5;
	v7 =	vld [tilespmem:s9+$0xC9F0]  }
0x2aa: {  	v12 =	vld [tilespmem:s9+$0xCAB0];
	v8 =	vadd.f32 v8, v9  }
0x2ab: {  	v5 =	vadd.f32 v10, v5;
	v9 =	vld [tilespmem:s9+$0xCA70]  }
0x2ac: {  	v10 =	vld [tilespmem:s9+$0xCB30];
	v6 =	vadd.f32 v6, v8  }
0x2ad: {  	v5 =	vadd.f32 v11, v5;
	v8 =	vld [tilespmem:s9+$0xCAF0]  }
0x2ae: {  	v11 =	vld [tilespmem:s9+$0xCBB0];
	v6 =	vadd.f32 v7, v6  }
0x2af: {  	v5 =	vadd.f32 v12, v5;
	v7 =	vld [tilespmem:s9+$0xCB70]  }
0x2b0: {  	v12 =	vld [tilespmem:s9+$0xCC30];
	v6 =	vadd.f32 v9, v6  }
0x2b1: {  	v5 =	vadd.f32 v10, v5;
	v9 =	vld [tilespmem:s9+$0xCBF0]  }
0x2b2: {  	v10 =	vld [tilespmem:s9+$0xCCB0];
	v6 =	vadd.f32 v8, v6  }
0x2b3: {  	v5 =	vadd.f32 v11, v5;
	v8 =	vld [tilespmem:s9+$0xCC70]  }
0x2b4: {  	v11 =	vld [tilespmem:s9+$0xCD30];
	v6 =	vadd.f32 v7, v6  }
0x2b5: {  	v5 =	vadd.f32 v12, v5;
	v7 =	vld [tilespmem:s9+$0xCCF0]  }
0x2b6: {  	v12 =	vld [tilespmem:s9+$0xCDB0];
	v6 =	vadd.f32 v9, v6  }
0x2b7: {  	v5 =	vadd.f32 v10, v5;
	v9 =	vld [tilespmem:s9+$0xCD70]  }
0x2b8: {  	v10 =	vld [tilespmem:s9+$0xCE30];
	v6 =	vadd.f32 v8, v6  }
0x2b9: {  	v5 =	vadd.f32 v11, v5;
	v8 =	vld [tilespmem:s9+$0xCDF0];
	s9 =	smov.u32 s12  }
0x2ba: {  	v6 =	vadd.f32 v7, v6  }
0x2bb: {  	v5 =	vadd.f32 v12, v5  }
0x2bc: {  	v6 =	vadd.f32 v9, v6;
	_ =	sdelay $0x1  }
0x2bd: {  	v5 =	vadd.f32 v10, v5;
	v6 =	vadd.f32 v8, v6;
	_ =	sdelay $0x1  }
0x2be: {  	v5 =	vadd.f32 v6, v5;
	_ =	sdelay $0x1  }
0x2bf: {  	v1 =	vadd.f32 v5, v1;
	_ =	sdelay $0x1  }
0x2c0: {  	[tilespmem:s1+$0x12CB0] =	vst v1  }
0x2c1: {  	v5 =	vld [tilespmem:s9+$0xC880]  }
0x2c2: {  	v6 =	vld [tilespmem:s9+$0xC8C0]  }
0x2c3: {  	v7 =	vld [tilespmem:s9+$0xC800]  }
0x2c4: {  	v8 =	vld [tilespmem:s9+$0xC900]  }
0x2c5: {  	v9 =	vld [tilespmem:s9+$0xC840]  }
0x2c6: {  	v10 =	vld [tilespmem:s9+$0xC940]  }
0x2c7: {  	v11 =	vld [tilespmem:s9+$0xC980]  }
0x2c8: {  	v5 =	vadd.f32 v5, v7;
	v7 =	vld [tilespmem:s9+$0xC9C0]  }
0x2c9: {  	v12 =	vld [tilespmem:s9+$0xCA00]  }
0x2ca: {  	v5 =	vadd.f32 v8, v5;
	v6 =	vadd.f32 v6, v9;
	v8 =	vld [tilespmem:s9+$0xCA40]  }
0x2cb: {  	v9 =	vld [tilespmem:s9+$0xCA80]  }
0x2cc: {  	v5 =	vadd.f32 v11, v5;
	v6 =	vadd.f32 v10, v6;
	v10 =	vld [tilespmem:s9+$0xCAC0]  }
0x2cd: {  	v11 =	vld [tilespmem:s9+$0xCB00]  }
0x2ce: {  	v5 =	vadd.f32 v12, v5;
	v6 =	vadd.f32 v7, v6;
	v7 =	vld [tilespmem:s9+$0xCB40]  }
0x2cf: {  	v12 =	vld [tilespmem:s9+$0xCB80]  }
0x2d0: {  	v5 =	vadd.f32 v9, v5;
	v6 =	vadd.f32 v8, v6;
	v8 =	vld [tilespmem:s9+$0xCBC0]  }
0x2d1: {  	v9 =	vld [tilespmem:s9+$0xCC00]  }
0x2d2: {  	v5 =	vadd.f32 v11, v5;
	v6 =	vadd.f32 v10, v6;
	v10 =	vld [tilespmem:s9+$0xCC40]  }
0x2d3: {  	v11 =	vld [tilespmem:s9+$0xCC80]  }
0x2d4: {  	v5 =	vadd.f32 v12, v5;
	v6 =	vadd.f32 v7, v6;
	v7 =	vld [tilespmem:s9+$0xCCC0]  }
0x2d5: {  	v12 =	vld [tilespmem:s9+$0xCD00]  }
0x2d6: {  	v5 =	vadd.f32 v9, v5;
	v6 =	vadd.f32 v8, v6;
	v8 =	vld [tilespmem:s9+$0xCD40]  }
0x2d7: {  	v9 =	vld [tilespmem:s9+$0xCD80]  }
0x2d8: {  	v5 =	vadd.f32 v11, v5;
	v6 =	vadd.f32 v10, v6;
	v10 =	vld [tilespmem:s9+$0xCDC0]  }
0x2d9: {  	v11 =	vld [tilespmem:s9+$0xCE00]  }
0x2da: {  	v5 =	vadd.f32 v12, v5;
	v6 =	vadd.f32 v7, v6;
	_ =	sdelay $0x1  }
0x2db: {  	v5 =	vadd.f32 v9, v5;
	v6 =	vadd.f32 v8, v6;
	_ =	sdelay $0x1  }
0x2dc: {  	v5 =	vadd.f32 v11, v5;
	v6 =	vadd.f32 v10, v6;
	_ =	sdelay $0x1  }
0x2dd: {  	v5 =	vadd.f32 v6, v5;
	_ =	sdelay $0x1  }
0x2de: {  	v4 =	vadd.f32 v5, v4;
	_ =	sdelay $0x1  }
0x2df: {  	[tilespmem:s1+$0x12C80] =	vst v4  }
0x2e0: {  	v6 =	vld [tilespmem:s9+$0xC890]  }
0x2e1: {  	v5 =	vld [tilespmem:s9+$0xCB90]  }
0x2e2: {  	v7 =	vld [tilespmem:s9+$0xC8D0]  }
0x2e3: {  	v8 =	vld [tilespmem:s9+$0xC810]  }
0x2e4: {  	v9 =	vld [tilespmem:s9+$0xC910]  }
0x2e5: {  	v10 =	vld [tilespmem:s9+$0xC850]  }
0x2e6: {  	v11 =	vld [tilespmem:s9+$0xC950]  }
0x2e7: {  	v12 =	vld [tilespmem:s9+$0xC990]  }
0x2e8: {  	v6 =	vadd.f32 v6, v8;
	v8 =	vld [tilespmem:s9+$0xC9D0]  }
0x2e9: {  	v13 =	vld [tilespmem:s9+$0xCA10]  }
.Ltmp5:
0x2ea: {  	v14 =	vadd.f32 v9, v6;
	v7 =	vadd.f32 v7, v10;
	v6 =	vld [tilespmem:s9+$0xCA50];
	(pc) =	sbr.rel @p1 .LBB2_9-.Ltmp5, $4  }
0x2eb: {  	v9 =	vld [tilespmem:s9+$0xCA90]  }
0x2ec: {  	v12 =	vadd.f32 v12, v14;
	v14 =	vadd.f32 v11, v7;
	v7 =	vld [tilespmem:s9+$0xCAD0]  }
0x2ed: {  	v10 =	vld [tilespmem:s9+$0xCB10]  }
0x2ee: {  	v11 =	vadd.f32 v13, v12;
	v12 =	vadd.f32 v8, v14;
	v8 =	vld [tilespmem:s9+$0xCB50]  }
0x2ef: {  	_ = 	snop  }
0x2f0: {  	v4 =	vadd.f32 v9, v11;
	v6 =	vadd.f32 v6, v12;
	v9 =	vld [tilespmem:s9+$0xCBD0]  }
0x2f1: {  	v11 =	vld [tilespmem:s9+$0xCC10]  }
0x2f2: {  	v4 =	vadd.f32 v10, v4;
	v6 =	vadd.f32 v7, v6;
	v7 =	vld [tilespmem:s9+$0xCC50]  }
0x2f3: {  	v10 =	vld [tilespmem:s9+$0xCC90]  }
0x2f4: {  	v4 =	vadd.f32 v5, v4;
	v5 =	vadd.f32 v8, v6;
	v6 =	vld [tilespmem:s9+$0xCCD0]  }
0x2f5: {  	v8 =	vld [tilespmem:s9+$0xCD10]  }
0x2f6: {  	v4 =	vadd.f32 v11, v4;
	v5 =	vadd.f32 v9, v5;
	v9 =	vld [tilespmem:s9+$0xCD50]  }
0x2f7: {  	v11 =	vld [tilespmem:s9+$0xCD90]  }
0x2f8: {  	v4 =	vadd.f32 v10, v4;
	v5 =	vadd.f32 v7, v5;
	v7 =	vld [tilespmem:s9+$0xCDD0]  }
0x2f9: {  	v10 =	vld [tilespmem:s9+$0xCE10]  }
0x2fa: {  	v4 =	vadd.f32 v8, v4;
	v5 =	vadd.f32 v6, v5;
	_ =	sdelay $0x1  }
0x2fb: {  	v4 =	vadd.f32 v11, v4;
	v5 =	vadd.f32 v9, v5;
	_ =	sdelay $0x1  }
0x2fc: {  	v4 =	vadd.f32 v10, v4;
	v5 =	vadd.f32 v7, v5;
	_ =	sdelay $0x1  }
0x2fd: {  	v4 =	vadd.f32 v5, v4;
	_ =	sdelay $0x1  }
0x2fe: {  	v3 =	vadd.f32 v4, v3;
	_ =	sdelay $0x1  }
0x2ff: {  	[tilespmem:s1+$0x12C90] =	vst v3  }
0x300: {  	v3 =	vld [tilespmem:s9+$0xC8E0]  }
0x301: {  	v4 =	vld [tilespmem:s9+$0xC8A0]  }
0x302: {  	v5 =	vld [tilespmem:s9+$0xC820]  }
0x303: {  	v6 =	vld [tilespmem:s9+$0xC860]  }
0x304: {  	v7 =	vld [tilespmem:s9+$0xC920]  }
0x305: {  	v8 =	vld [tilespmem:s9+$0xC960]  }
0x306: {  	v9 =	vld [tilespmem:s9+$0xC9A0]  }
0x307: {  	v10 =	vld [tilespmem:s9+$0xCA20];
	v4 =	vadd.f32 v4, v5  }
0x308: {  	v5 =	vld [tilespmem:s9+$0xC9E0]  }
0x309: {  	v3 =	vadd.f32 v3, v6;
	v6 =	vld [tilespmem:s9+$0xCA60];
	v4 =	vadd.f32 v7, v4  }
0x30a: {  	v7 =	vld [tilespmem:s9+$0xCAA0]  }
0x30b: {  	v3 =	vadd.f32 v8, v3;
	v8 =	vld [tilespmem:s9+$0xCAE0];
	v4 =	vadd.f32 v9, v4  }
0x30c: {  	v9 =	vld [tilespmem:s9+$0xCB20]  }
0x30d: {  	v3 =	vadd.f32 v5, v3;
	v5 =	vld [tilespmem:s9+$0xCB60];
	v4 =	vadd.f32 v10, v4  }
0x30e: {  	v10 =	vld [tilespmem:s9+$0xCBA0]  }
0x30f: {  	v3 =	vadd.f32 v6, v3;
	v6 =	vld [tilespmem:s9+$0xCBE0];
	v4 =	vadd.f32 v7, v4  }
0x310: {  	v7 =	vld [tilespmem:s9+$0xCC20]  }
0x311: {  	v3 =	vadd.f32 v8, v3;
	v8 =	vld [tilespmem:s9+$0xCC60];
	v4 =	vadd.f32 v9, v4  }
0x312: {  	v9 =	vld [tilespmem:s9+$0xCCA0]  }
0x313: {  	v3 =	vadd.f32 v5, v3;
	v5 =	vld [tilespmem:s9+$0xCCE0];
	v4 =	vadd.f32 v10, v4  }
0x314: {  	v10 =	vld [tilespmem:s9+$0xCD20]  }
0x315: {  	v3 =	vadd.f32 v6, v3;
	v6 =	vld [tilespmem:s9+$0xCD60];
	v4 =	vadd.f32 v7, v4  }
0x316: {  	v7 =	vld [tilespmem:s9+$0xCDA0]  }
0x317: {  	v3 =	vadd.f32 v8, v3;
	v8 =	vld [tilespmem:s9+$0xCDE0];
	v4 =	vadd.f32 v9, v4  }
0x318: {  	v9 =	vld [tilespmem:s9+$0xCE20]  }
0x319: {  	v3 =	vadd.f32 v5, v3;
	v4 =	vadd.f32 v10, v4;
	_ =	sdelay $0x1  }
0x31a: {  	v3 =	vadd.f32 v6, v3;
	v4 =	vadd.f32 v7, v4;
	_ =	sdelay $0x1  }
0x31b: {  	v3 =	vadd.f32 v8, v3;
	v4 =	vadd.f32 v9, v4;
	_ =	sdelay $0x1  }
0x31c: {  	v3 =	vadd.f32 v3, v4;
	_ =	sdelay $0x1  }
0x31d: {  	v2 =	vadd.f32 v3, v2;
	_ =	sdelay $0x1  }
0x31e: {  	[tilespmem:s1+$0x12CA0] =	vst v2  }
0x31f: {  	v2 =	vld [tilespmem:s9+$0xC830]  }
0x320: {  	v3 =	vld [tilespmem:s9+$0xC8B0]  }
0x321: {  	v4 =	vld [tilespmem:s9+$0xC930]  }
0x322: {  	v5 =	vld [tilespmem:s9+$0xC8F0]  }
0x323: {  	v6 =	vld [tilespmem:s9+$0xC870]  }
0x324: {  	v7 =	vld [tilespmem:s9+$0xC9B0]  }
0x325: {  	v8 =	vld [tilespmem:s9+$0xC970]  }
0x326: {  	v9 =	vld [tilespmem:s9+$0xC9F0];
	v2 =	vadd.f32 v3, v2  }
0x327: {  	v3 =	vld [tilespmem:s9+$0xCA30]  }
0x328: {  	v5 =	vadd.f32 v5, v6;
	v6 =	vld [tilespmem:s9+$0xCA70];
	v2 =	vadd.f32 v4, v2  }
0x329: {  	v4 =	vld [tilespmem:s9+$0xCAB0]  }
0x32a: {  	v5 =	vadd.f32 v8, v5;
	v8 =	vld [tilespmem:s9+$0xCAF0];
	v2 =	vadd.f32 v7, v2  }
0x32b: {  	v7 =	vld [tilespmem:s9+$0xCB30]  }
0x32c: {  	v5 =	vadd.f32 v9, v5;
	v9 =	vld [tilespmem:s9+$0xCB70];
	v2 =	vadd.f32 v3, v2  }
0x32d: {  	v3 =	vld [tilespmem:s9+$0xCBB0]  }
0x32e: {  	v5 =	vadd.f32 v6, v5;
	v6 =	vld [tilespmem:s9+$0xCBF0];
	v2 =	vadd.f32 v4, v2  }
0x32f: {  	v4 =	vld [tilespmem:s9+$0xCC30]  }
0x330: {  	v5 =	vadd.f32 v8, v5;
	v8 =	vld [tilespmem:s9+$0xCC70];
	v2 =	vadd.f32 v7, v2  }
0x331: {  	v7 =	vld [tilespmem:s9+$0xCCB0]  }
0x332: {  	v5 =	vadd.f32 v9, v5;
	v9 =	vld [tilespmem:s9+$0xCCF0];
	v2 =	vadd.f32 v3, v2  }
0x333: {  	v3 =	vld [tilespmem:s9+$0xCD30]  }
0x334: {  	v5 =	vadd.f32 v6, v5;
	v6 =	vld [tilespmem:s9+$0xCD70];
	v2 =	vadd.f32 v4, v2  }
0x335: {  	v4 =	vld [tilespmem:s9+$0xCDB0]  }
0x336: {  	v5 =	vadd.f32 v8, v5;
	v8 =	vld [tilespmem:s9+$0xCDF0];
	v2 =	vadd.f32 v7, v2  }
0x337: {  	v7 =	vld [tilespmem:s9+$0xCE30]  }
0x338: {  	v2 =	vadd.f32 v3, v2;
	v3 =	vadd.f32 v9, v5;
	_ =	sdelay $0x1  }
0x339: {  	v2 =	vadd.f32 v4, v2;
	v3 =	vadd.f32 v6, v3;
	_ =	sdelay $0x1  }
0x33a: {  	v2 =	vadd.f32 v7, v2;
	v3 =	vadd.f32 v8, v3;
	_ =	sdelay $0x1  }
0x33b: {  	v2 =	vadd.f32 v3, v2;
	_ =	sdelay $0x1  }
0x33c: {  	v1 =	vadd.f32 v2, v1;
	_ =	sdelay $0x1  }
0x33d: {  	s11 =	simm.s32 @!p0 $0x78;
	s12 =	simm.s32 @!p0 $0xC800;
	s9 =	sadd.s32 @!p0 $0x4B0, s0;
	[tilespmem:s1+$0x12CB0] =	vst v1  }
0x33e: {  	[tilespmem:s12], [sflag:$0x3] =	stream.indirect.gather @!p0 [hbm4b:s3+s11], $0x40, s9, s11, $0xb8;
	[tilespmem:$0x14C00] =	vst v63  }
0x33f: {  	s0 =	sadd.s32 @!p0 $0x528, s0;
	s9 =	simm.s32 @!p0 $0x50;
	s11 =	simm.s32 @!p0 $0xE600  }
0x340: {  	[tilespmem:s11], [sflag:$0x3] =	stream.indirect.gather @!p0 [hbm4b:s3+s9], $0x40, s0, s9, $0xb8;
	[tilespmem:$0x14C00] =	vst v63  }
0x341: {  	_ =	swait.ge [sflag:s28], $0x3200  }
0x342: {  	[sflag:s28] =	ssyncset.done $0x0  }
0x343: {  	s0 =	simm.s32 $0x0;
	[sflag:s28] =	ssyncadd.s32 $0xFFFFCE00  }
0x344: {  	v1 =	vld [tilespmem:s0+$0xFA80]  }
0x345: {  	v2 =	vld [tilespmem:s0+$0xFAC0]  }
0x346: {  	v3 =	vld [tilespmem:s0+$0xFA00]  }
0x347: {  	v4 =	vld [tilespmem:s0+$0xFB00]  }
0x348: {  	v5 =	vld [tilespmem:s0+$0xFA40]  }
0x349: {  	v6 =	vld [tilespmem:s0+$0xFB40]  }
0x34a: {  	v7 =	vld [tilespmem:s0+$0xFB80]  }
0x34b: {  	v8 =	vld [tilespmem:s0+$0xFC00];
	v1 =	vadd.f32 v1, v3  }
0x34c: {  	v3 =	vld [tilespmem:s0+$0xFBC0]  }
0x34d: {  	v2 =	vadd.f32 v2, v5;
	v5 =	vld [tilespmem:s0+$0xFC80];
	v1 =	vadd.f32 v4, v1  }
0x34e: {  	v4 =	vld [tilespmem:s0+$0xFC40]  }
0x34f: {  	v2 =	vadd.f32 v6, v2;
	v6 =	vld [tilespmem:s0+$0xFCC0];
	v1 =	vadd.f32 v7, v1  }
0x350: {  	v7 =	vld [tilespmem:s0+$0xFD00]  }
0x351: {  	v2 =	vadd.f32 v3, v2;
	v3 =	vld [tilespmem:s0+$0xFD40];
	v1 =	vadd.f32 v8, v1  }
0x352: {  	v8 =	vld [tilespmem:s0+$0xFD80]  }
0x353: {  	v2 =	vadd.f32 v4, v2;
	v4 =	vld [tilespmem:s0+$0xFDC0];
	v1 =	vadd.f32 v5, v1  }
0x354: {  	v5 =	vld [tilespmem:s0+$0xFE00]  }
0x355: {  	v2 =	vadd.f32 v6, v2;
	v6 =	vld [tilespmem:s0+$0xFE40];
	v1 =	vadd.f32 v7, v1  }
0x356: {  	v7 =	vld [tilespmem:s0+$0xFE80]  }
0x357: {  	v2 =	vadd.f32 v3, v2;
	v3 =	vld [tilespmem:s0+$0xFEC0];
	v1 =	vadd.f32 v8, v1  }
0x358: {  	v8 =	vld [tilespmem:s0+$0xFF00]  }
0x359: {  	v2 =	vadd.f32 v4, v2;
	v4 =	vld [tilespmem:s0+$0xFF40];
	v1 =	vadd.f32 v5, v1  }
0x35a: {  	v5 =	vld [tilespmem:s0+$0xFF80]  }
0x35b: {  	v2 =	vadd.f32 v6, v2;
	v6 =	vld [tilespmem:s0+$0xFFC0];
	v1 =	vadd.f32 v7, v1  }
0x35c: {  	v7 =	vld [tilespmem:s0+$0x10000]  }
0x35d: {  	v2 =	vadd.f32 v3, v2;
	v1 =	vadd.f32 v8, v1;
	_ =	sdelay $0x1  }
0x35e: {  	v2 =	vadd.f32 v4, v2;
	v1 =	vadd.f32 v5, v1  }
0x35f: {  	v4 =	vld [tilespmem:s1+$0x12CC0]  }
0x360: {  	v2 =	vadd.f32 v6, v2;
	v1 =	vadd.f32 v7, v1;
	_ =	sdelay $0x1  }
0x361: {  	v1 =	vadd.f32 v2, v1;
	_ =	sdelay $0x1  }
0x362: {  	v3 =	vld [tilespmem:s1+$0x12CD0];
	v4 =	vadd.f32 v1, v4  }
0x363: {  	v2 =	vld [tilespmem:s1+$0x12CE0]  }
0x364: {  	v1 =	vld [tilespmem:s1+$0x12CF0];
	[tilespmem:s1+$0x12CC0] =	vst v4  }
0x365: {  	v6 =	vld [tilespmem:s0+$0xFA90]  }
0x366: {  	v5 =	vld [tilespmem:s0+$0xFD90]  }
0x367: {  	v7 =	vld [tilespmem:s0+$0xFAD0]  }
0x368: {  	v8 =	vld [tilespmem:s0+$0xFA10]  }
0x369: {  	v9 =	vld [tilespmem:s0+$0xFB10]  }
0x36a: {  	v10 =	vld [tilespmem:s0+$0xFA50]  }
0x36b: {  	v11 =	vld [tilespmem:s0+$0xFB50]  }
0x36c: {  	v12 =	vld [tilespmem:s0+$0xFB90]  }
0x36d: {  	v13 =	vld [tilespmem:s0+$0xFC10];
	v6 =	vadd.f32 v6, v8  }
0x36e: {  	v8 =	vld [tilespmem:s0+$0xFBD0]  }
0x36f: {  	v7 =	vadd.f32 v7, v10;
	v14 =	vadd.f32 v9, v6;
	v6 =	vld [tilespmem:s0+$0xFC50]  }
0x370: {  	v9 =	vld [tilespmem:s0+$0xFC90]  }
0x371: {  	v10 =	vld [tilespmem:s0+$0xFD10];
	v12 =	vadd.f32 v12, v14;
	v14 =	vadd.f32 v11, v7  }
0x372: {  	v7 =	vld [tilespmem:s0+$0xFCD0]  }
0x373: {  	s9 =	simm.s32 $0x1900;
	v11 =	vadd.f32 v13, v12;
	v12 =	vadd.f32 v8, v14;
	v8 =	vld [tilespmem:s0+$0xFD50]  }
.LBB2_11:
0x374: {  	p1 =	sne.s32 s9, $0xAF00;
	s11 =	smov.u32 s9;
	s9 =	sadd.s32 $0x1900, s9  }
0x375: {  	v9 =	vadd.f32 v9, v11;
	v6 =	vadd.f32 v6, v12;
	v11 =	vld [tilespmem:s0+$0xFDD0]  }
0x376: {  	v12 =	vld [tilespmem:s0+$0xFE10]  }
0x377: {  	v9 =	vadd.f32 v10, v9;
	v6 =	vadd.f32 v7, v6;
	v7 =	vld [tilespmem:s0+$0xFE50]  }
0x378: {  	v10 =	vld [tilespmem:s0+$0xFE90]  }
0x379: {  	v5 =	vadd.f32 v5, v9;
	v6 =	vadd.f32 v8, v6;
	v8 =	vld [tilespmem:s0+$0xFED0]  }
0x37a: {  	v9 =	vld [tilespmem:s0+$0xFF10]  }
0x37b: {  	v5 =	vadd.f32 v12, v5;
	v6 =	vadd.f32 v11, v6;
	v11 =	vld [tilespmem:s0+$0xFF50]  }
0x37c: {  	v12 =	vld [tilespmem:s0+$0xFF90]  }
0x37d: {  	s11 =	sshra.s32 s11, $0x2;
	v5 =	vadd.f32 v10, v5;
	v6 =	vadd.f32 v7, v6;
	v7 =	vld [tilespmem:s0+$0xFFD0]  }
0x37e: {  	v10 =	vld [tilespmem:s0+$0x10010]  }
0x37f: {  	v5 =	vadd.f32 v9, v5;
	v6 =	vadd.f32 v8, v6;
	_ =	sdelay $0x1  }
0x380: {  	v5 =	vadd.f32 v12, v5;
	v6 =	vadd.f32 v11, v6;
	_ =	sdelay $0x1  }
0x381: {  	v5 =	vadd.f32 v10, v5;
	v6 =	vadd.f32 v7, v6;
	_ =	sdelay $0x1  }
0x382: {  	v5 =	vadd.f32 v6, v5;
	_ =	sdelay $0x1  }
0x383: {  	v3 =	vadd.f32 v5, v3;
	_ =	sdelay $0x1  }
0x384: {  	[tilespmem:s1+$0x12CD0] =	vst v3  }
0x385: {  	v5 =	vld [tilespmem:s0+$0xFAE0]  }
0x386: {  	v6 =	vld [tilespmem:s0+$0xFAA0]  }
0x387: {  	v7 =	vld [tilespmem:s0+$0xFA20]  }
0x388: {  	v8 =	vld [tilespmem:s0+$0xFA60]  }
0x389: {  	v9 =	vld [tilespmem:s0+$0xFB20]  }
0x38a: {  	v10 =	vld [tilespmem:s0+$0xFB60]  }
0x38b: {  	v11 =	vld [tilespmem:s0+$0xFBA0]  }
0x38c: {  	v6 =	vadd.f32 v6, v7;
	v7 =	vld [tilespmem:s0+$0xFBE0]  }
0x38d: {  	v12 =	vld [tilespmem:s0+$0xFC20];
	v5 =	vadd.f32 v5, v8  }
0x38e: {  	v6 =	vadd.f32 v9, v6;
	v8 =	vld [tilespmem:s0+$0xFC60]  }
0x38f: {  	v9 =	vld [tilespmem:s0+$0xFCA0];
	v5 =	vadd.f32 v10, v5  }
0x390: {  	v6 =	vadd.f32 v11, v6;
	v10 =	vld [tilespmem:s0+$0xFCE0]  }
0x391: {  	v11 =	vld [tilespmem:s0+$0xFD20];
	v5 =	vadd.f32 v7, v5  }
0x392: {  	v6 =	vadd.f32 v12, v6;
	v7 =	vld [tilespmem:s0+$0xFD60]  }
0x393: {  	v12 =	vld [tilespmem:s0+$0xFDA0];
	v5 =	vadd.f32 v8, v5  }
0x394: {  	v6 =	vadd.f32 v9, v6;
	v8 =	vld [tilespmem:s0+$0xFDE0]  }
0x395: {  	v9 =	vld [tilespmem:s0+$0xFE20];
	v5 =	vadd.f32 v10, v5  }
0x396: {  	v6 =	vadd.f32 v11, v6;
	v10 =	vld [tilespmem:s0+$0xFE60]  }
0x397: {  	v11 =	vld [tilespmem:s0+$0xFEA0];
	v5 =	vadd.f32 v7, v5  }
0x398: {  	v6 =	vadd.f32 v12, v6;
	v7 =	vld [tilespmem:s0+$0xFEE0]  }
0x399: {  	v12 =	vld [tilespmem:s0+$0xFF20];
	v5 =	vadd.f32 v8, v5  }
0x39a: {  	v6 =	vadd.f32 v9, v6;
	v8 =	vld [tilespmem:s0+$0xFF60]  }
0x39b: {  	v9 =	vld [tilespmem:s0+$0xFFA0];
	v5 =	vadd.f32 v10, v5  }
0x39c: {  	v6 =	vadd.f32 v11, v6;
	v10 =	vld [tilespmem:s0+$0xFFE0]  }
0x39d: {  	v11 =	vld [tilespmem:s0+$0x10020];
	v5 =	vadd.f32 v7, v5  }
0x39e: {  	v6 =	vadd.f32 v12, v6  }
0x39f: {  	v5 =	vadd.f32 v8, v5  }
0x3a0: {  	v6 =	vadd.f32 v9, v6;
	_ =	sdelay $0x1  }
0x3a1: {  	v5 =	vadd.f32 v10, v5;
	v6 =	vadd.f32 v11, v6;
	_ =	sdelay $0x1  }
0x3a2: {  	v5 =	vadd.f32 v5, v6;
	_ =	sdelay $0x1  }
0x3a3: {  	v2 =	vadd.f32 v5, v2;
	_ =	sdelay $0x1  }
0x3a4: {  	[tilespmem:s1+$0x12CE0] =	vst v2  }
0x3a5: {  	v5 =	vld [tilespmem:s0+$0xFA30]  }
0x3a6: {  	v6 =	vld [tilespmem:s0+$0xFAB0]  }
0x3a7: {  	v7 =	vld [tilespmem:s0+$0xFB30]  }
0x3a8: {  	v8 =	vld [tilespmem:s0+$0xFAF0]  }
0x3a9: {  	v9 =	vld [tilespmem:s0+$0xFA70]  }
0x3aa: {  	v10 =	vld [tilespmem:s0+$0xFBB0]  }
0x3ab: {  	v5 =	vadd.f32 v6, v5;
	v6 =	vld [tilespmem:s0+$0xFB70]  }
0x3ac: {  	v11 =	vld [tilespmem:s0+$0xFC30]  }
0x3ad: {  	v5 =	vadd.f32 v7, v5;
	v7 =	vld [tilespmem:s0+$0xFBF0]  }
0x3ae: {  	v12 =	vld [tilespmem:s0+$0xFCB0];
	v8 =	vadd.f32 v8, v9  }
0x3af: {  	v5 =	vadd.f32 v10, v5;
	v9 =	vld [tilespmem:s0+$0xFC70]  }
0x3b0: {  	v10 =	vld [tilespmem:s0+$0xFD30];
	v6 =	vadd.f32 v6, v8  }
0x3b1: {  	v5 =	vadd.f32 v11, v5;
	v8 =	vld [tilespmem:s0+$0xFCF0]  }
0x3b2: {  	v11 =	vld [tilespmem:s0+$0xFDB0];
	v6 =	vadd.f32 v7, v6  }
0x3b3: {  	v5 =	vadd.f32 v12, v5;
	v7 =	vld [tilespmem:s0+$0xFD70]  }
0x3b4: {  	v12 =	vld [tilespmem:s0+$0xFE30];
	v6 =	vadd.f32 v9, v6  }
0x3b5: {  	v5 =	vadd.f32 v10, v5;
	v9 =	vld [tilespmem:s0+$0xFDF0]  }
0x3b6: {  	v10 =	vld [tilespmem:s0+$0xFEB0];
	v6 =	vadd.f32 v8, v6  }
0x3b7: {  	v5 =	vadd.f32 v11, v5;
	v8 =	vld [tilespmem:s0+$0xFE70]  }
0x3b8: {  	v11 =	vld [tilespmem:s0+$0xFF30];
	v6 =	vadd.f32 v7, v6  }
0x3b9: {  	v5 =	vadd.f32 v12, v5;
	v7 =	vld [tilespmem:s0+$0xFEF0]  }
0x3ba: {  	v12 =	vld [tilespmem:s0+$0xFFB0];
	v6 =	vadd.f32 v9, v6  }
0x3bb: {  	v5 =	vadd.f32 v10, v5;
	v9 =	vld [tilespmem:s0+$0xFF70]  }
0x3bc: {  	v10 =	vld [tilespmem:s0+$0x10030];
	v6 =	vadd.f32 v8, v6  }
0x3bd: {  	v5 =	vadd.f32 v11, v5;
	v8 =	vld [tilespmem:s0+$0xFFF0];
	s0 =	smov.u32 s11  }
0x3be: {  	v6 =	vadd.f32 v7, v6  }
0x3bf: {  	v5 =	vadd.f32 v12, v5  }
0x3c0: {  	v6 =	vadd.f32 v9, v6;
	_ =	sdelay $0x1  }
0x3c1: {  	v5 =	vadd.f32 v10, v5;
	v6 =	vadd.f32 v8, v6;
	_ =	sdelay $0x1  }
0x3c2: {  	v5 =	vadd.f32 v6, v5;
	_ =	sdelay $0x1  }
0x3c3: {  	v1 =	vadd.f32 v5, v1;
	_ =	sdelay $0x1  }
0x3c4: {  	[tilespmem:s1+$0x12CF0] =	vst v1  }
0x3c5: {  	v5 =	vld [tilespmem:s0+$0xFA80]  }
0x3c6: {  	v6 =	vld [tilespmem:s0+$0xFAC0]  }
0x3c7: {  	v7 =	vld [tilespmem:s0+$0xFA00]  }
0x3c8: {  	v8 =	vld [tilespmem:s0+$0xFB00]  }
0x3c9: {  	v9 =	vld [tilespmem:s0+$0xFA40]  }
0x3ca: {  	v10 =	vld [tilespmem:s0+$0xFB40]  }
0x3cb: {  	v11 =	vld [tilespmem:s0+$0xFB80]  }
0x3cc: {  	v5 =	vadd.f32 v5, v7;
	v7 =	vld [tilespmem:s0+$0xFBC0]  }
0x3cd: {  	v12 =	vld [tilespmem:s0+$0xFC00]  }
0x3ce: {  	v5 =	vadd.f32 v8, v5;
	v6 =	vadd.f32 v6, v9;
	v8 =	vld [tilespmem:s0+$0xFC40]  }
0x3cf: {  	v9 =	vld [tilespmem:s0+$0xFC80]  }
0x3d0: {  	v5 =	vadd.f32 v11, v5;
	v6 =	vadd.f32 v10, v6;
	v10 =	vld [tilespmem:s0+$0xFCC0]  }
0x3d1: {  	v11 =	vld [tilespmem:s0+$0xFD00]  }
0x3d2: {  	v5 =	vadd.f32 v12, v5;
	v6 =	vadd.f32 v7, v6;
	v7 =	vld [tilespmem:s0+$0xFD40]  }
0x3d3: {  	v12 =	vld [tilespmem:s0+$0xFD80]  }
0x3d4: {  	v5 =	vadd.f32 v9, v5;
	v6 =	vadd.f32 v8, v6;
	v8 =	vld [tilespmem:s0+$0xFDC0]  }
0x3d5: {  	v9 =	vld [tilespmem:s0+$0xFE00]  }
0x3d6: {  	v5 =	vadd.f32 v11, v5;
	v6 =	vadd.f32 v10, v6;
	v10 =	vld [tilespmem:s0+$0xFE40]  }
0x3d7: {  	v11 =	vld [tilespmem:s0+$0xFE80]  }
0x3d8: {  	v5 =	vadd.f32 v12, v5;
	v6 =	vadd.f32 v7, v6;
	v7 =	vld [tilespmem:s0+$0xFEC0]  }
0x3d9: {  	v12 =	vld [tilespmem:s0+$0xFF00]  }
0x3da: {  	v5 =	vadd.f32 v9, v5;
	v6 =	vadd.f32 v8, v6;
	v8 =	vld [tilespmem:s0+$0xFF40]  }
0x3db: {  	v9 =	vld [tilespmem:s0+$0xFF80]  }
0x3dc: {  	v5 =	vadd.f32 v11, v5;
	v6 =	vadd.f32 v10, v6;
	v10 =	vld [tilespmem:s0+$0xFFC0]  }
0x3dd: {  	v11 =	vld [tilespmem:s0+$0x10000]  }
0x3de: {  	v5 =	vadd.f32 v12, v5;
	v6 =	vadd.f32 v7, v6;
	_ =	sdelay $0x1  }
0x3df: {  	v5 =	vadd.f32 v9, v5;
	v6 =	vadd.f32 v8, v6;
	_ =	sdelay $0x1  }
0x3e0: {  	v5 =	vadd.f32 v11, v5;
	v6 =	vadd.f32 v10, v6;
	_ =	sdelay $0x1  }
0x3e1: {  	v5 =	vadd.f32 v6, v5;
	_ =	sdelay $0x1  }
0x3e2: {  	v4 =	vadd.f32 v5, v4;
	_ =	sdelay $0x1  }
0x3e3: {  	[tilespmem:s1+$0x12CC0] =	vst v4  }
0x3e4: {  	v6 =	vld [tilespmem:s0+$0xFA90]  }
0x3e5: {  	v5 =	vld [tilespmem:s0+$0xFD90]  }
0x3e6: {  	v7 =	vld [tilespmem:s0+$0xFAD0]  }
0x3e7: {  	v8 =	vld [tilespmem:s0+$0xFA10]  }
0x3e8: {  	v9 =	vld [tilespmem:s0+$0xFB10]  }
0x3e9: {  	v10 =	vld [tilespmem:s0+$0xFA50]  }
0x3ea: {  	v11 =	vld [tilespmem:s0+$0xFB50]  }
0x3eb: {  	v12 =	vld [tilespmem:s0+$0xFB90]  }
0x3ec: {  	v6 =	vadd.f32 v6, v8;
	v8 =	vld [tilespmem:s0+$0xFBD0]  }
0x3ed: {  	v13 =	vld [tilespmem:s0+$0xFC10]  }
.Ltmp6:
0x3ee: {  	v14 =	vadd.f32 v9, v6;
	v7 =	vadd.f32 v7, v10;
	v6 =	vld [tilespmem:s0+$0xFC50];
	(pc) =	sbr.rel @p1 .LBB2_11-.Ltmp6, $4  }
0x3ef: {  	v9 =	vld [tilespmem:s0+$0xFC90]  }
0x3f0: {  	v12 =	vadd.f32 v12, v14;
	v14 =	vadd.f32 v11, v7;
	v7 =	vld [tilespmem:s0+$0xFCD0]  }
0x3f1: {  	v10 =	vld [tilespmem:s0+$0xFD10]  }
0x3f2: {  	v11 =	vadd.f32 v13, v12;
	v12 =	vadd.f32 v8, v14;
	v8 =	vld [tilespmem:s0+$0xFD50]  }
0x3f3: {  	_ = 	snop  }
0x3f4: {  	v61 =	vld [tilespmem:s0+$0xFDD0];
	v4 =	vadd.f32 v9, v11;
	v6 =	vadd.f32 v6, v12  }
0x3f5: {  	v62 =	vld [tilespmem:s0+$0xFE10]  }
0x3f6: {  	v63 =	vld [tilespmem:s0+$0xFE50];
	v4 =	vadd.f32 v10, v4;
	v6 =	vadd.f32 v7, v6  }
0x3f7: {  	v12 =	vld [tilespmem:s0+$0xFE90]  }
0x3f8: {  	v14 =	vld [tilespmem:s0+$0xFED0];
	v4 =	vadd.f32 v5, v4;
	v13 =	vadd.f32 v8, v6  }
0x3f9: {  	v15 =	vld [tilespmem:s0+$0xFF10]  }
0x3fa: {  	v16 =	vld [tilespmem:s0+$0xFF50];
	v4 =	vadd.f32 v62, v4;
	v5 =	vadd.f32 v61, v13  }
0x3fb: {  	v17 =	vld [tilespmem:s0+$0xFF90]  }
0x3fc: {  	v18 =	vld [tilespmem:s0+$0xFFD0];
	v4 =	vadd.f32 v12, v4;
	v5 =	vadd.f32 v63, v5  }
0x3fd: {  	v19 =	vld [tilespmem:s0+$0x10010]  }
0x3fe: {  	v4 =	vadd.f32 v15, v4;
	v5 =	vadd.f32 v14, v5;
	_ =	sdelay $0x1  }
0x3ff: {  	v4 =	vadd.f32 v17, v4;
	v5 =	vadd.f32 v16, v5;
	_ =	sdelay $0x1  }
0x400: {  	v4 =	vadd.f32 v19, v4;
	v5 =	vadd.f32 v18, v5;
	_ =	sdelay $0x1  }
0x401: {  	v4 =	vadd.f32 v5, v4;
	_ =	sdelay $0x1  }
0x402: {  	v3 =	vadd.f32 v4, v3;
	_ =	sdelay $0x1  }
0x403: {  	[tilespmem:s1+$0x12CD0] =	vst v3  }
0x404: {  	v3 =	vld [tilespmem:s0+$0xFAE0]  }
0x405: {  	v20 =	vld [tilespmem:s0+$0xFAA0]  }
0x406: {  	v21 =	vld [tilespmem:s0+$0xFA20]  }
0x407: {  	v22 =	vld [tilespmem:s0+$0xFA60]  }
0x408: {  	v23 =	vld [tilespmem:s0+$0xFB20]  }
0x409: {  	v24 =	vld [tilespmem:s0+$0xFB60]  }
0x40a: {  	v25 =	vld [tilespmem:s0+$0xFBA0]  }
0x40b: {  	v26 =	vld [tilespmem:s0+$0xFBE0];
	v4 =	vadd.f32 v20, v21  }
0x40c: {  	v27 =	vld [tilespmem:s0+$0xFC20]  }
0x40d: {  	v28 =	vld [tilespmem:s0+$0xFC60];
	v3 =	vadd.f32 v3, v22;
	v4 =	vadd.f32 v23, v4  }
0x40e: {  	v29 =	vld [tilespmem:s0+$0xFCA0]  }
0x40f: {  	v30 =	vld [tilespmem:s0+$0xFCE0];
	v3 =	vadd.f32 v24, v3;
	v4 =	vadd.f32 v25, v4  }
0x410: {  	v31 =	vld [tilespmem:s0+$0xFD20]  }
0x411: {  	v32 =	vld [tilespmem:s0+$0xFD60];
	v3 =	vadd.f32 v26, v3;
	v4 =	vadd.f32 v27, v4  }
0x412: {  	v33 =	vld [tilespmem:s0+$0xFDA0]  }
0x413: {  	v34 =	vld [tilespmem:s0+$0xFDE0];
	v3 =	vadd.f32 v28, v3;
	v4 =	vadd.f32 v29, v4  }
0x414: {  	v35 =	vld [tilespmem:s0+$0xFE20]  }
0x415: {  	v36 =	vld [tilespmem:s0+$0xFE60];
	v3 =	vadd.f32 v30, v3;
	v4 =	vadd.f32 v31, v4  }
0x416: {  	v37 =	vld [tilespmem:s0+$0xFEA0]  }
0x417: {  	v38 =	vld [tilespmem:s0+$0xFEE0];
	v3 =	vadd.f32 v32, v3;
	v4 =	vadd.f32 v33, v4  }
0x418: {  	v39 =	vld [tilespmem:s0+$0xFF20]  }
0x419: {  	v40 =	vld [tilespmem:s0+$0xFF60];
	v3 =	vadd.f32 v34, v3;
	v4 =	vadd.f32 v35, v4  }
0x41a: {  	v41 =	vld [tilespmem:s0+$0xFFA0]  }
0x41b: {  	v42 =	vld [tilespmem:s0+$0xFFE0];
	v3 =	vadd.f32 v36, v3;
	v4 =	vadd.f32 v37, v4  }
0x41c: {  	v43 =	vld [tilespmem:s0+$0x10020]  }
0x41d: {  	v3 =	vadd.f32 v38, v3;
	v4 =	vadd.f32 v39, v4;
	_ =	sdelay $0x1  }
0x41e: {  	v3 =	vadd.f32 v40, v3;
	v4 =	vadd.f32 v41, v4;
	_ =	sdelay $0x1  }
0x41f: {  	v3 =	vadd.f32 v42, v3;
	v4 =	vadd.f32 v43, v4;
	_ =	sdelay $0x1  }
0x420: {  	v3 =	vadd.f32 v3, v4;
	_ =	sdelay $0x1  }
0x421: {  	v2 =	vadd.f32 v3, v2;
	_ =	sdelay $0x1  }
0x422: {  	[tilespmem:s1+$0x12CE0] =	vst v2  }
0x423: {  	v2 =	vld [tilespmem:s0+$0xFA30]  }
0x424: {  	v3 =	vld [tilespmem:s0+$0xFAB0]  }
0x425: {  	v44 =	vld [tilespmem:s0+$0xFB30]  }
0x426: {  	v45 =	vld [tilespmem:s0+$0xFAF0]  }
0x427: {  	v46 =	vld [tilespmem:s0+$0xFA70]  }
0x428: {  	v47 =	vld [tilespmem:s0+$0xFBB0]  }
0x429: {  	v48 =	vld [tilespmem:s0+$0xFB70]  }
0x42a: {  	v49 =	vld [tilespmem:s0+$0xFBF0];
	v2 =	vadd.f32 v3, v2  }
0x42b: {  	v3 =	vld [tilespmem:s0+$0xFC30]  }
0x42c: {  	v50 =	vld [tilespmem:s0+$0xFCB0];
	v5 =	vadd.f32 v45, v46;
	v2 =	vadd.f32 v44, v2  }
0x42d: {  	v51 =	vld [tilespmem:s0+$0xFC70]  }
0x42e: {  	v52 =	vld [tilespmem:s0+$0xFD30];
	v5 =	vadd.f32 v48, v5;
	v2 =	vadd.f32 v47, v2  }
0x42f: {  	v53 =	vld [tilespmem:s0+$0xFCF0]  }
0x430: {  	v54 =	vld [tilespmem:s0+$0xFD70];
	v5 =	vadd.f32 v49, v5;
	v2 =	vadd.f32 v3, v2  }
0x431: {  	v3 =	vld [tilespmem:s0+$0xFDB0]  }
0x432: {  	v55 =	vld [tilespmem:s0+$0xFE30];
	v5 =	vadd.f32 v51, v5;
	v2 =	vadd.f32 v50, v2  }
0x433: {  	v56 =	vld [tilespmem:s0+$0xFDF0]  }
0x434: {  	v57 =	vld [tilespmem:s0+$0xFEB0];
	v5 =	vadd.f32 v53, v5;
	v2 =	vadd.f32 v52, v2  }
0x435: {  	v58 =	vld [tilespmem:s0+$0xFE70]  }
0x436: {  	v59 =	vld [tilespmem:s0+$0xFEF0];
	v5 =	vadd.f32 v54, v5;
	v2 =	vadd.f32 v3, v2  }
0x437: {  	v3 =	vld [tilespmem:s0+$0xFF30]  }
0x438: {  	v60 =	vld [tilespmem:s0+$0xFFB0];
	v5 =	vadd.f32 v56, v5;
	v2 =	vadd.f32 v55, v2  }
0x439: {  	v61 =	vld [tilespmem:s0+$0xFF70]  }
0x43a: {  	v62 =	vld [tilespmem:s0+$0x10030];
	v5 =	vadd.f32 v58, v5;
	v2 =	vadd.f32 v57, v2  }
0x43b: {  	v63 =	vld [tilespmem:s0+$0xFFF0]  }
0x43c: {  	v2 =	vadd.f32 v3, v2;
	v3 =	vadd.f32 v59, v5;
	_ =	sdelay $0x1  }
0x43d: {  	v2 =	vadd.f32 v60, v2;
	v3 =	vadd.f32 v61, v3;
	_ =	sdelay $0x1  }
0x43e: {  	v2 =	vadd.f32 v62, v2;
	v3 =	vadd.f32 v63, v3;
	_ =	sdelay $0x1  }
.Ltmp7:
0x43f: {  	v2 =	vadd.f32 v3, v2;
	(pc) =	sbr.rel @p0 .LBB2_14-.Ltmp7, $3  }
0x440: {  	_ = 	snop  }
0x441: {  	v1 =	vadd.f32 v2, v1;
	_ =	sdelay $0x1  }
0x442: {  	[tilespmem:s1+$0x12CF0] =	vst v1  }
0x443: {  	s0 =	smul.u32 $0xC80, s31;
	_ =	sdelay $0x1  }
.Ltmp8:
0x444: {  	s0 =	sshra.s32 s0, $0x2;
	(pc) =	sbr.rel .LBB2_4-.Ltmp8, $4  }
0x445: {  	s1 =	sadd.s32 $0x578, s0  }
0x446: {  	[tilespmem:s21], [sflag:$0x4] =	stream.indirect.gather [hbm4b:s3+s8], $0x40, s1, s8, $0xb8;
	[tilespmem:$0x14C00] =	vst v63  }
0x447: {  	s31 =	sadd.s32 $0x1, s31;
	s0 =	sadd.s32 $0x5F0, s0  }
0x448: {  	[tilespmem:s23], [sflag:$0x4] =	stream.indirect.gather [hbm4b:s3+s10], $0x40, s0, s10, $0xb8;
	[tilespmem:$0x14C00] =	vst v63  }
.LBB2_15:
0x449: {  	_ =	sfence.sel $0x180000  }
0x44a: {  	[bflag:$0x0] =	sbarrier.arrive $0xFFFF  }
0x44b: {  	_ =	strace $0x90000047  }
0x44c: {  	s0 =	stileid.u32;
	[bflag:$0x2] =	sbarrier.arrive $0xFFFF  }
0x44d: {  	p0 =	sne.s32 s0, $0x0;
	s0 =	rddreg [dreg:$0x2]  }
0x44e: {  	s0 =	sadd.s32 @!p0 $0x100000, s0  }
0x44f: {  	[sflag:s0] =	ssyncadd.tile.s32 @!p0 $0x1;
	_ =	shalt  }
.Lfunc_end2:
_tile_overlayer_lowered:
.L_overlay_start_2:
0x450: {  	(tag) =	ssettag $0x2  }
0x451: {  	s0 =	rddreg [dreg:$0x0];
	s2 =	stileid.u32  }
0x452: {  	s1 =	rddreg [dreg:$0x1];
	p0 =	sne.s32 s2, $0x0  }
0x453: {  	s3 =	rddreg [dreg:$0x2];
	[bflag:$0x3] =	sbarrier.arrive $0xFFFF;
	s2 =	simm.s32 @!p0 $0x1C05  }
0x454: {  	[timem:s3], [sflag:s2] =	dma.local @!p0 [hbm:s0], s1  }
0x455: {  	s0 =	simm.s32 @!p0 $0x5  }
0x456: {  	_ =	swait.ge @!p0 [sflag:s0], s1  }
0x457: {  	s1 =	ssub.s32 @!p0 $0x0, s1;
	[sflag:s0] =	ssyncset.done @!p0 $0x0  }
0x458: {  	[sflag:s0] =	ssyncadd.s32 @!p0 s1  }
0x459: {  	[bflag:$0x3] =	sbarrier.arrive $0xFFFF  }
0x45a: {  	_ =	shalt  }

</sc_bundles>
